<compile_context>
chip_gen: v7x
topology: tpu7x:2x2x1
jax: 0.10.2.dev20260603
libtpu: 0.0.44.dev20260713+nightly
codegen_flags: <defaults>
</compile_context>

<pallas_src>
import functools

import jax
import jax.numpy as jnp
from jax import lax
from jax.experimental import pallas as pl
from jax.experimental.pallas import tpu as pltpu
from jax.experimental.pallas import tpu_sc as plsc

B = 16384
H = 50
D = 64
NUM_KEYS = 1000000
NUM_KEYS_PAD = 1007616
NC = 2
NS = 16
NW = NC * NS
BPW = B // NW
CB = 2
IDXC = CB * H
NCH = BPW // CB
LANES = 16
DV = D // LANES

_mesh = plsc.VectorSubcoreMesh(core_axis_name="c", subcore_axis_name="s")

TK = 8192
TGRID = NUM_KEYS_PAD // TK
TSH = (TK // 2).bit_length() - 1


def _transpose_body(tt_ref, out_ref):
    w = jnp.concatenate([tt_ref[:, 0:TK // 2], tt_ref[:, TK // 2:TK]], axis=0)
    out_ref[...] = w.T


def _tc_transpose(table_t):
    return pl.pallas_call(
        _transpose_body,
        grid=(TGRID,),
        in_specs=[pl.BlockSpec((D, TK), lambda j: (0, j))],
        out_specs=pl.BlockSpec((TK // 2, 2 * D), lambda j: (j, 0)),
        out_shape=jax.ShapeDtypeStruct((NUM_KEYS_PAD // 2, 2 * D),
                                       jnp.float32),
    )(table_t)


@functools.partial(
    pl.kernel,
    mesh=_mesh,
    out_type=jax.ShapeDtypeStruct((B, D), jnp.float32),
    scratch_types=[
        pltpu.VMEM((NCH, IDXC), jnp.int32),
        pltpu.VMEM((IDXC, D), jnp.float32),
        pltpu.VMEM((IDXC, D), jnp.float32),
        pltpu.VMEM((BPW, D), jnp.float32),
        pltpu.SemaphoreType.DMA,
        pltpu.SemaphoreType.DMA,
    ],
    compiler_params=pltpu.CompilerParams(use_tc_tiling_on_sc=False),
)
def _sc_kernel(keys_hbm, table_hbm, out_hbm, idx_v, rows0, rows1, out_v,
               sem0, sem1):
    wid = lax.axis_index("s") * NC + lax.axis_index("c")

    pltpu.sync_copy(keys_hbm.at[wid], idx_v)

    rows = (rows0, rows1)
    sems = (sem0, sem1)

    pltpu.async_copy(table_hbm.at[idx_v.at[0]], rows0, sem0)
    pltpu.async_copy(table_hbm.at[idx_v.at[1]], rows1, sem1)

    def step(i, _):
        for b in range(2):
            jj = i * 2 + b
            rbuf, sem = rows[b], sems[b]
            pltpu.make_async_copy(table_hbm.at[idx_v.at[jj]], rbuf, sem).wait()
            for r in range(CB):
                for d in range(DV):
                    acc = jnp.zeros((LANES,), jnp.float32)
                    for l in range(H):
                        acc = jnp.maximum(
                            acc, rbuf[r * H + l, pl.ds(d * LANES, LANES)])
                    out_v[jj * CB + r, pl.ds(d * LANES, LANES)] = acc
            @pl.when(jj + 2 < NCH)
            def _():
                pltpu.async_copy(table_hbm.at[idx_v.at[jj + 2]], rbuf, sem)
        return ()

    lax.fori_loop(0, NCH // 2, step, (), unroll=False)

    pltpu.sync_copy(out_v, out_hbm.at[pl.ds(wid * BPW, BPW)])


def kernel(keys, table):
    table_rm = _tc_transpose(table.T).reshape(NUM_KEYS_PAD, D)
    kk = (keys & ~(TK - 1)) + 2 * (keys & (TK // 2 - 1)) + ((keys >> TSH) & 1)
    keys3 = kk.reshape(NW, NCH, IDXC)
    return _sc_kernel(keys3, table_rm)

# --- scband reference (transcript-rebuilt; emitter-appended) ---
"""Pipeline reference for scband-neural-keyboard-io-32512902431223 (READ-ONLY COPY).

The authoritative reference and input builder live on the scoring server;
editing this copy changes nothing except your own understanding.
"""

import jax, jax.numpy as jnp
import numpy as np

NUM_KEYS = 1000000
ACTION_DIM = 64
BATCH = 16384
HIST = 50


def setup_inputs(seed: int = 0) -> dict:
    key = jax.random.key(seed)
    k1, k2 = jax.random.split(key)
    keys = jax.random.randint(k1, (BATCH, HIST), 0, NUM_KEYS, dtype=jnp.int32)
    # learned parameter: key embedding table (nn.Embedding(num_keys, action_dim))
    table = jax.random.normal(k2, (NUM_KEYS, ACTION_DIM), dtype=jnp.float32) * 0.05
    return {"keys": keys, "table": table}


def reference(keys, table):
    # Faithful vectorized translation of process_input():
    #   actions = zeros(action_dim)
    #   for each buffered key: actions = maximum(actions, embedding(key))
    # => batched over BATCH independent buffers of length HIST:
    #   result[b] = max(0, max_over_l table[keys[b, l]])
    emb = jnp.take(table, keys, axis=0)          # [B, L, D] gather (embedding lookup)
    seq_max = jnp.max(emb, axis=1)               # running elementwise maximum over buffer
    actions = jnp.maximum(seq_max, 0.0)          # initial actions = zeros
    return actions

if __name__ == "__main__":
    import jax
    _d = setup_inputs()
    print(jax.jit(kernel)(*tuple(_d.values())))

</pallas_src>

<mosaic_0001>
#map = affine_map<(d0, d1) -> (0, 0, 0)>
#map1 = affine_map<(d0, d1) -> (0, 0)>
module attributes {stable_mosaic.version = 14 : i64} {
  func.func @_sc_kernel(%arg0: i32, %arg1: i32, %arg2: memref<32x256x100xi32, #tpu.memory_space<hbm>>, %arg3: memref<1007616x64xf32, #tpu.memory_space<hbm>>, %arg4: memref<16384x64xf32, #tpu.memory_space<hbm>>, %arg5: memref<256x100xi32, #tpu.memory_space<vmem>>, %arg6: memref<100x64xf32, #tpu.memory_space<vmem>>, %arg7: memref<100x64xf32, #tpu.memory_space<vmem>>, %arg8: memref<512x64xf32, #tpu.memory_space<vmem>>, %arg9: memref<!tpu.dma_semaphore, #tpu.memory_space<semaphore_mem>>, %arg10: memref<!tpu.dma_semaphore, #tpu.memory_space<semaphore_mem>>) attributes {dimension_semantics = [#tpu.dimension_semantics<core_parallel>, #tpu.dimension_semantics<subcore_parallel>], iteration_bounds = array<i64: 2, 16>, scalar_prefetch = 0 : i64, scratch_operands = 6 : i64, tpu.core_type = #tpu.core_type<sc_vector_subcore>, window_params = [{transform_indices = #map}, {transform_indices = #map1}, {transform_indices = #map1}]} {
    %mul3A = arith.constant 2 : i32
    %mul3A_0 = arith.muli %arg1, %mul3A : i32
    %add3A = arith.addi %mul3A_0, %arg0 : i32
    "tpu.region"() ({
      %run_scoped3A = tpu.sem_alloc : memref<!tpu.dma_semaphore, #tpu.memory_space<semaphore_mem>>
      %dma_start3A_20 = arith.constant 0 : i32
      %dma_start3A_21 = arith.constant 0 : i32
      %dma_start3A_22 = tpu.memref_slice %arg2[%add3A, %dma_start3A_20, %dma_start3A_21] : memref<32x256x100xi32, #tpu.memory_space<hbm>> -> memref<1x256x100xi32, #tpu.memory_space<hbm>>
      %dma_start3A_23 = tpu.memref_squeeze %dma_start3A_22 : memref<1x256x100xi32, #tpu.memory_space<hbm>> -> memref<256x100xi32, #tpu.memory_space<hbm>>
      %dma_start3A_24 = arith.constant 0 : i32
      %dma_start3A_25 = arith.constant 0 : i32
      %dma_start3A_26 = tpu.memref_slice %arg2[%add3A, %dma_start3A_24, %dma_start3A_25] : memref<32x256x100xi32, #tpu.memory_space<hbm>> -> memref<1x256x100xi32, #tpu.memory_space<hbm>>
      %dma_start3A_27 = tpu.memref_squeeze %dma_start3A_26 : memref<1x256x100xi32, #tpu.memory_space<hbm>> -> memref<256x100xi32, #tpu.memory_space<hbm>>
      tpu.enqueue_dma source(%dma_start3A_27 : memref<256x100xi32, #tpu.memory_space<hbm>>) target(%arg5 : memref<256x100xi32, #tpu.memory_space<vmem>>) target_semaphore(%run_scoped3A : memref<!tpu.dma_semaphore, #tpu.memory_space<semaphore_mem>>)
      %dma_wait3A = arith.constant 0 : i32
      %dma_wait3A_28 = arith.constant 0 : i32
      %dma_wait3A_29 = tpu.memref_slice %arg2[%add3A, %dma_wait3A, %dma_wait3A_28] : memref<32x256x100xi32, #tpu.memory_space<hbm>> -> memref<1x256x100xi32, #tpu.memory_space<hbm>>
      %dma_wait3A_30 = tpu.memref_squeeze %dma_wait3A_29 : memref<1x256x100xi32, #tpu.memory_space<hbm>> -> memref<256x100xi32, #tpu.memory_space<hbm>>
      %dma_wait3A_31 = arith.constant 0 : i32
      %dma_wait3A_32 = arith.constant 0 : i32
      %dma_wait3A_33 = tpu.memref_slice %arg2[%add3A, %dma_wait3A_31, %dma_wait3A_32] : memref<32x256x100xi32, #tpu.memory_space<hbm>> -> memref<1x256x100xi32, #tpu.memory_space<hbm>>
      %dma_wait3A_34 = tpu.memref_squeeze %dma_wait3A_33 : memref<1x256x100xi32, #tpu.memory_space<hbm>> -> memref<256x100xi32, #tpu.memory_space<hbm>>
      tpu.wait_dma2 semaphore(%run_scoped3A : memref<!tpu.dma_semaphore, #tpu.memory_space<semaphore_mem>>) src(%dma_wait3A_34 : memref<256x100xi32, #tpu.memory_space<hbm>>) dst(%arg5 : memref<256x100xi32, #tpu.memory_space<vmem>>)
      tpu.yield
    }) : () -> ()
    %dma_start3A = arith.constant 0 : i32
    %dma_start3A_1 = arith.constant 0 : i32
    %dma_start3A_2 = tpu.memref_slice %arg5[%dma_start3A, %dma_start3A_1] : memref<256x100xi32, #tpu.memory_space<vmem>> -> memref<1x100xi32, #tpu.memory_space<vmem>>
    %dma_start3A_3 = tpu.memref_squeeze %dma_start3A_2 : memref<1x100xi32, #tpu.memory_space<vmem>> -> memref<100xi32, #tpu.memory_space<vmem>>
    %dma_start3A_4 = arith.constant 0 : i32
    %dma_start3A_5 = arith.constant 0 : i32
    %dma_start3A_6 = tpu.memref_slice %arg3[%dma_start3A_4, %dma_start3A_5] : memref<1007616x64xf32, #tpu.memory_space<hbm>> -> memref<1007616x64xf32, #tpu.memory_space<hbm>>
    tpu.enqueue_indirect_dma source(%dma_start3A_6 : memref<1007616x64xf32, #tpu.memory_space<hbm>>) target(%arg6 : memref<100x64xf32, #tpu.memory_space<vmem>>) offsets(%dma_start3A_3 : memref<100xi32, #tpu.memory_space<vmem>>) semaphore(%arg9 : memref<!tpu.dma_semaphore, #tpu.memory_space<semaphore_mem>>)
    %dma_start3A_7 = arith.constant 1 : i32
    %dma_start3A_8 = arith.constant 0 : i32
    %dma_start3A_9 = tpu.memref_slice %arg5[%dma_start3A_7, %dma_start3A_8] : memref<256x100xi32, #tpu.memory_space<vmem>> -> memref<1x100xi32, #tpu.memory_space<vmem>>
    %dma_start3A_10 = tpu.memref_squeeze %dma_start3A_9 : memref<1x100xi32, #tpu.memory_space<vmem>> -> memref<100xi32, #tpu.memory_space<vmem>>
    %dma_start3A_11 = arith.constant 0 : i32
    %dma_start3A_12 = arith.constant 0 : i32
    %dma_start3A_13 = tpu.memref_slice %arg3[%dma_start3A_11, %dma_start3A_12] : memref<1007616x64xf32, #tpu.memory_space<hbm>> -> memref<1007616x64xf32, #tpu.memory_space<hbm>>
    tpu.enqueue_indirect_dma source(%dma_start3A_13 : memref<1007616x64xf32, #tpu.memory_space<hbm>>) target(%arg7 : memref<100x64xf32, #tpu.memory_space<vmem>>) offsets(%dma_start3A_10 : memref<100xi32, #tpu.memory_space<vmem>>) semaphore(%arg10 : memref<!tpu.dma_semaphore, #tpu.memory_space<semaphore_mem>>)
    %scan3A = arith.constant 0 : i32
    %scan3A_14 = arith.constant 128 : i32
    %scan3A_15 = arith.addi %scan3A, %scan3A_14 : i32
    %scan3A_16 = arith.constant 1 : i32
    scf.for %scan3A_20 = %scan3A to %scan3A_15 step %scan3A_16  : i32 {
      %mul3A_21 = arith.constant 2 : i32
      %mul3A_22 = arith.muli %scan3A_20, %mul3A_21 : i32
      %add3A_23 = arith.constant 0 : i32
      %add3A_24 = arith.addi %mul3A_22, %add3A_23 : i32
      %dma_wait3A = arith.constant 0 : i32
      %dma_wait3A_25 = tpu.memref_slice %arg5[%add3A_24, %dma_wait3A] : memref<256x100xi32, #tpu.memory_space<vmem>> -> memref<1x100xi32, #tpu.memory_space<vmem>>
      %dma_wait3A_26 = tpu.memref_squeeze %dma_wait3A_25 : memref<1x100xi32, #tpu.memory_space<vmem>> -> memref<100xi32, #tpu.memory_space<vmem>>
      %dma_wait3A_27 = arith.constant 0 : i32
      %dma_wait3A_28 = arith.constant 0 : i32
      %dma_wait3A_29 = tpu.memref_slice %arg3[%dma_wait3A_27, %dma_wait3A_28] : memref<1007616x64xf32, #tpu.memory_space<hbm>> -> memref<1007616x64xf32, #tpu.memory_space<hbm>>
      tpu.wait_indirect_dma semaphore(%arg9 : memref<!tpu.dma_semaphore, #tpu.memory_space<semaphore_mem>>) src(%dma_wait3A_29 : memref<1007616x64xf32, #tpu.memory_space<hbm>>) dst(%arg6 : memref<100x64xf32, #tpu.memory_space<vmem>>)
      %broadcast_in_dim3A = arith.constant 0.000000e+00 : f32
      %broadcast_in_dim3A_30 = vector.broadcast %broadcast_in_dim3A : f32 to vector<16xf32>
      %get3A = arith.constant 0 : i32
      %get3A_31 = arith.index_cast %get3A : i32 to index
      %get3A_32 = arith.constant 0 : index
      %get3A_33 = tpu.vector_load %arg6[%get3A_31, %get3A_32] {strides = array<i32>} : memref<100x64xf32, #tpu.memory_space<vmem>>, vector<1x16xf32>,
      %get3A_34 = vector.shape_cast %get3A_33 : vector<1x16xf32> to vector<16xf32>
      %max3A = arith.maximumf %broadcast_in_dim3A_30, %get3A_34 : vector<16xf32>
      %get3A_35 = arith.constant 1 : i32
      %get3A_36 = arith.index_cast %get3A_35 : i32 to index
      %get3A_37 = arith.constant 0 : index
      %get3A_38 = tpu.vector_load %arg6[%get3A_36, %get3A_37] {strides = array<i32>} : memref<100x64xf32, #tpu.memory_space<vmem>>, vector<1x16xf32>,
      %get3A_39 = vector.shape_cast %get3A_38 : vector<1x16xf32> to vector<16xf32>
      %max3A_40 = arith.maximumf %max3A, %get3A_39 : vector<16xf32>
      %get3A_41 = arith.constant 2 : i32
      %get3A_42 = arith.index_cast %get3A_41 : i32 to index
      %get3A_43 = arith.constant 0 : index
      %get3A_44 = tpu.vector_load %arg6[%get3A_42, %get3A_43] {strides = array<i32>} : memref<100x64xf32, #tpu.memory_space<vmem>>, vector<1x16xf32>,
      %get3A_45 = vector.shape_cast %get3A_44 : vector<1x16xf32> to vector<16xf32>
      %max3A_46 = arith.maximumf %max3A_40, %get3A_45 : vector<16xf32>
      %get3A_47 = arith.constant 3 : i32
      %get3A_48 = arith.index_cast %get3A_47 : i32 to index
      %get3A_49 = arith.constant 0 : index
      %get3A_50 = tpu.vector_load %arg6[%get3A_48, %get3A_49] {strides = array<i32>} : memref<100x64xf32, #tpu.memory_space<vmem>>, vector<1x16xf32>,
      %get3A_51 = vector.shape_cast %get3A_50 : vector<1x16xf32> to vector<16xf32>
      %max3A_52 = arith.maximumf %max3A_46, %get3A_51 : vector<16xf32>
      %get3A_53 = arith.constant 4 : i32
      %get3A_54 = arith.index_cast %get3A_53 : i32 to index
      %get3A_55 = arith.constant 0 : index
      %get3A_56 = tpu.vector_load %arg6[%get3A_54, %get3A_55] {strides = array<i32>} : memref<100x64xf32, #tpu.memory_space<vmem>>, vector<1x16xf32>,
      %get3A_57 = vector.shape_cast %get3A_56 : vector<1x16xf32> to vector<16xf32>
      %max3A_58 = arith.maximumf %max3A_52, %get3A_57 : vector<16xf32>
      %get3A_59 = arith.constant 5 : i32
      %get3A_60 = arith.index_cast %get3A_59 : i32 to index
      %get3A_61 = arith.constant 0 : index
      %get3A_62 = tpu.vector_load %arg6[%get3A_60, %get3A_61] {strides = array<i32>} : memref<100x64xf32, #tpu.memory_space<vmem>>, vector<1x16xf32>,
      %get3A_63 = vector.shape_cast %get3A_62 : vector<1x16xf32> to vector<16xf32>
      %max3A_64 = arith.maximumf %max3A_58, %get3A_63 : vector<16xf32>
      %get3A_65 = arith.constant 6 : i32
      %get3A_66 = arith.index_cast %get3A_65 : i32 to index
      %get3A_67 = arith.constant 0 : index
      %get3A_68 = tpu.vector_load %arg6[%get3A_66, %get3A_67] {strides = array<i32>} : memref<100x64xf32, #tpu.memory_space<vmem>>, vector<1x16xf32>,
      %get3A_69 = vector.shape_cast %get3A_68 : vector<1x16xf32> to vector<16xf32>
      %max3A_70 = arith.maximumf %max3A_64, %get3A_69 : vector<16xf32>
      %get3A_71 = arith.constant 7 : i32
      %get3A_72 = arith.index_cast %get3A_71 : i32 to index
      %get3A_73 = arith.constant 0 : index
      %get3A_74 = tpu.vector_load %arg6[%get3A_72, %get3A_73] {strides = array<i32>} : memref<100x64xf32, #tpu.memory_space<vmem>>, vector<1x16xf32>,
      %get3A_75 = vector.shape_cast %get3A_74 : vector<1x16xf32> to vector<16xf32>
      %max3A_76 = arith.maximumf %max3A_70, %get3A_75 : vector<16xf32>
      %get3A_77 = arith.constant 8 : i32
      %get3A_78 = arith.index_cast %get3A_77 : i32 to index
      %get3A_79 = arith.constant 0 : index
      %get3A_80 = tpu.vector_load %arg6[%get3A_78, %get3A_79] {strides = array<i32>} : memref<100x64xf32, #tpu.memory_space<vmem>>, vector<1x16xf32>,
      %get3A_81 = vector.shape_cast %get3A_80 : vector<1x16xf32> to vector<16xf32>
      %max3A_82 = arith.maximumf %max3A_76, %get3A_81 : vector<16xf32>
      %get3A_83 = arith.constant 9 : i32
      %get3A_84 = arith.index_cast %get3A_83 : i32 to index
      %get3A_85 = arith.constant 0 : index
      %get3A_86 = tpu.vector_load %arg6[%get3A_84, %get3A_85] {strides = array<i32>} : memref<100x64xf32, #tpu.memory_space<vmem>>, vector<1x16xf32>,
      %get3A_87 = vector.shape_cast %get3A_86 : vector<1x16xf32> to vector<16xf32>
      %max3A_88 = arith.maximumf %max3A_82, %get3A_87 : vector<16xf32>
      %get3A_89 = arith.constant 10 : i32
      %get3A_90 = arith.index_cast %get3A_89 : i32 to index
      %get3A_91 = arith.constant 0 : index
      %get3A_92 = tpu.vector_load %arg6[%get3A_90, %get3A_91] {strides = array<i32>} : memref<100x64xf32, #tpu.memory_space<vmem>>, vector<1x16xf32>,
      %get3A_93 = vector.shape_cast %get3A_92 : vector<1x16xf32> to vector<16xf32>
      %max3A_94 = arith.maximumf %max3A_88, %get3A_93 : vector<16xf32>
      %get3A_95 = arith.constant 11 : i32
      %get3A_96 = arith.index_cast %get3A_95 : i32 to index
      %get3A_97 = arith.constant 0 : index
      %get3A_98 = tpu.vector_load %arg6[%get3A_96, %get3A_97] {strides = array<i32>} : memref<100x64xf32, #tpu.memory_space<vmem>>, vector<1x16xf32>,
      %get3A_99 = vector.shape_cast %get3A_98 : vector<1x16xf32> to vector<16xf32>
      %max3A_100 = arith.maximumf %max3A_94, %get3A_99 : vector<16xf32>
      %get3A_101 = arith.constant 12 : i32
      %get3A_102 = arith.index_cast %get3A_101 : i32 to index
      %get3A_103 = arith.constant 0 : index
      %get3A_104 = tpu.vector_load %arg6[%get3A_102, %get3A_103] {strides = array<i32>} : memref<100x64xf32, #tpu.memory_space<vmem>>, vector<1x16xf32>,
      %get3A_105 = vector.shape_cast %get3A_104 : vector<1x16xf32> to vector<16xf32>
      %max3A_106 = arith.maximumf %max3A_100, %get3A_105 : vector<16xf32>
      %get3A_107 = arith.constant 13 : i32
      %get3A_108 = arith.index_cast %get3A_107 : i32 to index
      %get3A_109 = arith.constant 0 : index
      %get3A_110 = tpu.vector_load %arg6[%get3A_108, %get3A_109] {strides = array<i32>} : memref<100x64xf32, #tpu.memory_space<vmem>>, vector<1x16xf32>,
      %get3A_111 = vector.shape_cast %get3A_110 : vector<1x16xf32> to vector<16xf32>
      %max3A_112 = arith.maximumf %max3A_106, %get3A_111 : vector<16xf32>
      %get3A_113 = arith.constant 14 : i32
      %get3A_114 = arith.index_cast %get3A_113 : i32 to index
      %get3A_115 = arith.constant 0 : index
      %get3A_116 = tpu.vector_load %arg6[%get3A_114, %get3A_115] {strides = array<i32>} : memref<100x64xf32, #tpu.memory_space<vmem>>, vector<1x16xf32>,
      %get3A_117 = vector.shape_cast %get3A_116 : vector<1x16xf32> to vector<16xf32>
      %max3A_118 = arith.maximumf %max3A_112, %get3A_117 : vector<16xf32>
      %get3A_119 = arith.constant 15 : i32
      %get3A_120 = arith.index_cast %get3A_119 : i32 to index
      %get3A_121 = arith.constant 0 : index
      %get3A_122 = tpu.vector_load %arg6[%get3A_120, %get3A_121] {strides = array<i32>} : memref<100x64xf32, #tpu.memory_space<vmem>>, vector<1x16xf32>,
      %get3A_123 = vector.shape_cast %get3A_122 : vector<1x16xf32> to vector<16xf32>
      %max3A_124 = arith.maximumf %max3A_118, %get3A_123 : vector<16xf32>
      %get3A_125 = arith.constant 16 : i32
      %get3A_126 = arith.index_cast %get3A_125 : i32 to index
      %get3A_127 = arith.constant 0 : index
      %get3A_128 = tpu.vector_load %arg6[%get3A_126, %get3A_127] {strides = array<i32>} : memref<100x64xf32, #tpu.memory_space<vmem>>, vector<1x16xf32>,
      %get3A_129 = vector.shape_cast %get3A_128 : vector<1x16xf32> to vector<16xf32>
      %max3A_130 = arith.maximumf %max3A_124, %get3A_129 : vector<16xf32>
      %get3A_131 = arith.constant 17 : i32
      %get3A_132 = arith.index_cast %get3A_131 : i32 to index
      %get3A_133 = arith.constant 0 : index
      %get3A_134 = tpu.vector_load %arg6[%get3A_132, %get3A_133] {strides = array<i32>} : memref<100x64xf32, #tpu.memory_space<vmem>>, vector<1x16xf32>,
      %get3A_135 = vector.shape_cast %get3A_134 : vector<1x16xf32> to vector<16xf32>
      %max3A_136 = arith.maximumf %max3A_130, %get3A_135 : vector<16xf32>
      %get3A_137 = arith.constant 18 : i32
      %get3A_138 = arith.index_cast %get3A_137 : i32 to index
      %get3A_139 = arith.constant 0 : index
      %get3A_140 = tpu.vector_load %arg6[%get3A_138, %get3A_139] {strides = array<i32>} : memref<100x64xf32, #tpu.memory_space<vmem>>, vector<1x16xf32>,
      %get3A_141 = vector.shape_cast %get3A_140 : vector<1x16xf32> to vector<16xf32>
      %max3A_142 = arith.maximumf %max3A_136, %get3A_141 : vector<16xf32>
      %get3A_143 = arith.constant 19 : i32
      %get3A_144 = arith.index_cast %get3A_143 : i32 to index
      %get3A_145 = arith.constant 0 : index
      %get3A_146 = tpu.vector_load %arg6[%get3A_144, %get3A_145] {strides = array<i32>} : memref<100x64xf32, #tpu.memory_space<vmem>>, vector<1x16xf32>,
      %get3A_147 = vector.shape_cast %get3A_146 : vector<1x16xf32> to vector<16xf32>
      %max3A_148 = arith.maximumf %max3A_142, %get3A_147 : vector<16xf32>
      %get3A_149 = arith.constant 20 : i32
      %get3A_150 = arith.index_cast %get3A_149 : i32 to index
      %get3A_151 = arith.constant 0 : index
      %get3A_152 = tpu.vector_load %arg6[%get3A_150, %get3A_151] {strides = array<i32>} : memref<100x64xf32, #tpu.memory_space<vmem>>, vector<1x16xf32>,
      %get3A_153 = vector.shape_cast %get3A_152 : vector<1x16xf32> to vector<16xf32>
      %max3A_154 = arith.maximumf %max3A_148, %get3A_153 : vector<16xf32>
      %get3A_155 = arith.constant 21 : i32
      %get3A_156 = arith.index_cast %get3A_155 : i32 to index
      %get3A_157 = arith.constant 0 : index
      %get3A_158 = tpu.vector_load %arg6[%get3A_156, %get3A_157] {strides = array<i32>} : memref<100x64xf32, #tpu.memory_space<vmem>>, vector<1x16xf32>,
      %get3A_159 = vector.shape_cast %get3A_158 : vector<1x16xf32> to vector<16xf32>
      %max3A_160 = arith.maximumf %max3A_154, %get3A_159 : vector<16xf32>
      %get3A_161 = arith.constant 22 : i32
      %get3A_162 = arith.index_cast %get3A_161 : i32 to index
      %get3A_163 = arith.constant 0 : index
      %get3A_164 = tpu.vector_load %arg6[%get3A_162, %get3A_163] {strides = array<i32>} : memref<100x64xf32, #tpu.memory_space<vmem>>, vector<1x16xf32>,
      %get3A_165 = vector.shape_cast %get3A_164 : vector<1x16xf32> to vector<16xf32>
      %max3A_166 = arith.maximumf %max3A_160, %get3A_165 : vector<16xf32>
      %get3A_167 = arith.constant 23 : i32
      %get3A_168 = arith.index_cast %get3A_167 : i32 to index
      %get3A_169 = arith.constant 0 : index
      %get3A_170 = tpu.vector_load %arg6[%get3A_168, %get3A_169] {strides = array<i32>} : memref<100x64xf32, #tpu.memory_space<vmem>>, vector<1x16xf32>,
      %get3A_171 = vector.shape_cast %get3A_170 : vector<1x16xf32> to vector<16xf32>
      %max3A_172 = arith.maximumf %max3A_166, %get3A_171 : vector<16xf32>
      %get3A_173 = arith.constant 24 : i32
      %get3A_174 = arith.index_cast %get3A_173 : i32 to index
      %get3A_175 = arith.constant 0 : index
      %get3A_176 = tpu.vector_load %arg6[%get3A_174, %get3A_175] {strides = array<i32>} : memref<100x64xf32, #tpu.memory_space<vmem>>, vector<1x16xf32>,
      %get3A_177 = vector.shape_cast %get3A_176 : vector<1x16xf32> to vector<16xf32>
      %max3A_178 = arith.maximumf %max3A_172, %get3A_177 : vector<16xf32>
      %get3A_179 = arith.constant 25 : i32
      %get3A_180 = arith.index_cast %get3A_179 : i32 to index
      %get3A_181 = arith.constant 0 : index
      %get3A_182 = tpu.vector_load %arg6[%get3A_180, %get3A_181] {strides = array<i32>} : memref<100x64xf32, #tpu.memory_space<vmem>>, vector<1x16xf32>,
      %get3A_183 = vector.shape_cast %get3A_182 : vector<1x16xf32> to vector<16xf32>
      %max3A_184 = arith.maximumf %max3A_178, %get3A_183 : vector<16xf32>
      %get3A_185 = arith.constant 26 : i32
      %get3A_186 = arith.index_cast %get3A_185 : i32 to index
      %get3A_187 = arith.constant 0 : index
      %get3A_188 = tpu.vector_load %arg6[%get3A_186, %get3A_187] {strides = array<i32>} : memref<100x64xf32, #tpu.memory_space<vmem>>, vector<1x16xf32>,
      %get3A_189 = vector.shape_cast %get3A_188 : vector<1x16xf32> to vector<16xf32>
      %max3A_190 = arith.maximumf %max3A_184, %get3A_189 : vector<16xf32>
      %get3A_191 = arith.constant 27 : i32
      %get3A_192 = arith.index_cast %get3A_191 : i32 to index
      %get3A_193 = arith.constant 0 : index
      %get3A_194 = tpu.vector_load %arg6[%get3A_192, %get3A_193] {strides = array<i32>} : memref<100x64xf32, #tpu.memory_space<vmem>>, vector<1x16xf32>,
      %get3A_195 = vector.shape_cast %get3A_194 : vector<1x16xf32> to vector<16xf32>
      %max3A_196 = arith.maximumf %max3A_190, %get3A_195 : vector<16xf32>
      %get3A_197 = arith.constant 28 : i32
      %get3A_198 = arith.index_cast %get3A_197 : i32 to index
      %get3A_199 = arith.constant 0 : index
      %get3A_200 = tpu.vector_load %arg6[%get3A_198, %get3A_199] {strides = array<i32>} : memref<100x64xf32, #tpu.memory_space<vmem>>, vector<1x16xf32>,
      %get3A_201 = vector.shape_cast %get3A_200 : vector<1x16xf32> to vector<16xf32>
      %max3A_202 = arith.maximumf %max3A_196, %get3A_201 : vector<16xf32>
      %get3A_203 = arith.constant 29 : i32
      %get3A_204 = arith.index_cast %get3A_203 : i32 to index
      %get3A_205 = arith.constant 0 : index
      %get3A_206 = tpu.vector_load %arg6[%get3A_204, %get3A_205] {strides = array<i32>} : memref<100x64xf32, #tpu.memory_space<vmem>>, vector<1x16xf32>,
      %get3A_207 = vector.shape_cast %get3A_206 : vector<1x16xf32> to vector<16xf32>
      %max3A_208 = arith.maximumf %max3A_202, %get3A_207 : vector<16xf32>
      %get3A_209 = arith.constant 30 : i32
      %get3A_210 = arith.index_cast %get3A_209 : i32 to index
      %get3A_211 = arith.constant 0 : index
      %get3A_212 = tpu.vector_load %arg6[%get3A_210, %get3A_211] {strides = array<i32>} : memref<100x64xf32, #tpu.memory_space<vmem>>, vector<1x16xf32>,
      %get3A_213 = vector.shape_cast %get3A_212 : vector<1x16xf32> to vector<16xf32>
      %max3A_214 = arith.maximumf %max3A_208, %get3A_213 : vector<16xf32>
      %get3A_215 = arith.constant 31 : i32
      %get3A_216 = arith.index_cast %get3A_215 : i32 to index
      %get3A_217 = arith.constant 0 : index
      %get3A_218 = tpu.vector_load %arg6[%get3A_216, %get3A_217] {strides = array<i32>} : memref<100x64xf32, #tpu.memory_space<vmem>>, vector<1x16xf32>,
      %get3A_219 = vector.shape_cast %get3A_218 : vector<1x16xf32> to vector<16xf32>
      %max3A_220 = arith.maximumf %max3A_214, %get3A_219 : vector<16xf32>
      %get3A_221 = arith.constant 32 : i32
      %get3A_222 = arith.index_cast %get3A_221 : i32 to index
      %get3A_223 = arith.constant 0 : index
      %get3A_224 = tpu.vector_load %arg6[%get3A_222, %get3A_223] {strides = array<i32>} : memref<100x64xf32, #tpu.memory_space<vmem>>, vector<1x16xf32>,
      %get3A_225 = vector.shape_cast %get3A_224 : vector<1x16xf32> to vector<16xf32>
      %max3A_226 = arith.maximumf %max3A_220, %get3A_225 : vector<16xf32>
      %get3A_227 = arith.constant 33 : i32
      %get3A_228 = arith.index_cast %get3A_227 : i32 to index
      %get3A_229 = arith.constant 0 : index
      %get3A_230 = tpu.vector_load %arg6[%get3A_228, %get3A_229] {strides = array<i32>} : memref<100x64xf32, #tpu.memory_space<vmem>>, vector<1x16xf32>,
      %get3A_231 = vector.shape_cast %get3A_230 : vector<1x16xf32> to vector<16xf32>
      %max3A_232 = arith.maximumf %max3A_226, %get3A_231 : vector<16xf32>
      %get3A_233 = arith.constant 34 : i32
      %get3A_234 = arith.index_cast %get3A_233 : i32 to index
      %get3A_235 = arith.constant 0 : index
      %get3A_236 = tpu.vector_load %arg6[%get3A_234, %get3A_235] {strides = array<i32>} : memref<100x64xf32, #tpu.memory_space<vmem>>, vector<1x16xf32>,
      %get3A_237 = vector.shape_cast %get3A_236 : vector<1x16xf32> to vector<16xf32>
      %max3A_238 = arith.maximumf %max3A_232, %get3A_237 : vector<16xf32>
      %get3A_239 = arith.constant 35 : i32
      %get3A_240 = arith.index_cast %get3A_239 : i32 to index
      %get3A_241 = arith.constant 0 : index
      %get3A_242 = tpu.vector_load %arg6[%get3A_240, %get3A_241] {strides = array<i32>} : memref<100x64xf32, #tpu.memory_space<vmem>>, vector<1x16xf32>,
      %get3A_243 = vector.shape_cast %get3A_242 : vector<1x16xf32> to vector<16xf32>
      %max3A_244 = arith.maximumf %max3A_238, %get3A_243 : vector<16xf32>
      %get3A_245 = arith.constant 36 : i32
      %get3A_246 = arith.index_cast %get3A_245 : i32 to index
      %get3A_247 = arith.constant 0 : index
      %get3A_248 = tpu.vector_load %arg6[%get3A_246, %get3A_247] {strides = array<i32>} : memref<100x64xf32, #tpu.memory_space<vmem>>, vector<1x16xf32>,
      %get3A_249 = vector.shape_cast %get3A_248 : vector<1x16xf32> to vector<16xf32>
      %max3A_250 = arith.maximumf %max3A_244, %get3A_249 : vector<16xf32>
      %get3A_251 = arith.constant 37 : i32
      %get3A_252 = arith.index_cast %get3A_251 : i32 to index
      %get3A_253 = arith.constant 0 : index
      %get3A_254 = tpu.vector_load %arg6[%get3A_252, %get3A_253] {strides = array<i32>} : memref<100x64xf32, #tpu.memory_space<vmem>>, vector<1x16xf32>,
      %get3A_255 = vector.shape_cast %get3A_254 : vector<1x16xf32> to vector<16xf32>
      %max3A_256 = arith.maximumf %max3A_250, %get3A_255 : vector<16xf32>
      %get3A_257 = arith.constant 38 : i32
      %get3A_258 = arith.index_cast %get3A_257 : i32 to index
      %get3A_259 = arith.constant 0 : index
      %get3A_260 = tpu.vector_load %arg6[%get3A_258, %get3A_259] {strides = array<i32>} : memref<100x64xf32, #tpu.memory_space<vmem>>, vector<1x16xf32>,
      %get3A_261 = vector.shape_cast %get3A_260 : vector<1x16xf32> to vector<16xf32>
      %max3A_262 = arith.maximumf %max3A_256, %get3A_261 : vector<16xf32>
      %get3A_263 = arith.constant 39 : i32
      %get3A_264 = arith.index_cast %get3A_263 : i32 to index
      %get3A_265 = arith.constant 0 : index
      %get3A_266 = tpu.vector_load %arg6[%get3A_264, %get3A_265] {strides = array<i32>} : memref<100x64xf32, #tpu.memory_space<vmem>>, vector<1x16xf32>,
      %get3A_267 = vector.shape_cast %get3A_266 : vector<1x16xf32> to vector<16xf32>
      %max3A_268 = arith.maximumf %max3A_262, %get3A_267 : vector<16xf32>
      %get3A_269 = arith.constant 40 : i32
      %get3A_270 = arith.index_cast %get3A_269 : i32 to index
      %get3A_271 = arith.constant 0 : index
      %get3A_272 = tpu.vector_load %arg6[%get3A_270, %get3A_271] {strides = array<i32>} : memref<100x64xf32, #tpu.memory_space<vmem>>, vector<1x16xf32>,
      %get3A_273 = vector.shape_cast %get3A_272 : vector<1x16xf32> to vector<16xf32>
      %max3A_274 = arith.maximumf %max3A_268, %get3A_273 : vector<16xf32>
      %get3A_275 = arith.constant 41 : i32
      %get3A_276 = arith.index_cast %get3A_275 : i32 to index
      %get3A_277 = arith.constant 0 : index
      %get3A_278 = tpu.vector_load %arg6[%get3A_276, %get3A_277] {strides = array<i32>} : memref<100x64xf32, #tpu.memory_space<vmem>>, vector<1x16xf32>,
      %get3A_279 = vector.shape_cast %get3A_278 : vector<1x16xf32> to vector<16xf32>
      %max3A_280 = arith.maximumf %max3A_274, %get3A_279 : vector<16xf32>
      %get3A_281 = arith.constant 42 : i32
      %get3A_282 = arith.index_cast %get3A_281 : i32 to index
      %get3A_283 = arith.constant 0 : index
      %get3A_284 = tpu.vector_load %arg6[%get3A_282, %get3A_283] {strides = array<i32>} : memref<100x64xf32, #tpu.memory_space<vmem>>, vector<1x16xf32>,
      %get3A_285 = vector.shape_cast %get3A_284 : vector<1x16xf32> to vector<16xf32>
      %max3A_286 = arith.maximumf %max3A_280, %get3A_285 : vector<16xf32>
      %get3A_287 = arith.constant 43 : i32
      %get3A_288 = arith.index_cast %get3A_287 : i32 to index
      %get3A_289 = arith.constant 0 : index
      %get3A_290 = tpu.vector_load %arg6[%get3A_288, %get3A_289] {strides = array<i32>} : memref<100x64xf32, #tpu.memory_space<vmem>>, vector<1x16xf32>,
      %get3A_291 = vector.shape_cast %get3A_290 : vector<1x16xf32> to vector<16xf32>
      %max3A_292 = arith.maximumf %max3A_286, %get3A_291 : vector<16xf32>
      %get3A_293 = arith.constant 44 : i32
      %get3A_294 = arith.index_cast %get3A_293 : i32 to index
      %get3A_295 = arith.constant 0 : index
      %get3A_296 = tpu.vector_load %arg6[%get3A_294, %get3A_295] {strides = array<i32>} : memref<100x64xf32, #tpu.memory_space<vmem>>, vector<1x16xf32>,
      %get3A_297 = vector.shape_cast %get3A_296 : vector<1x16xf32> to vector<16xf32>
      %max3A_298 = arith.maximumf %max3A_292, %get3A_297 : vector<16xf32>
      %get3A_299 = arith.constant 45 : i32
      %get3A_300 = arith.index_cast %get3A_299 : i32 to index
      %get3A_301 = arith.constant 0 : index
      %get3A_302 = tpu.vector_load %arg6[%get3A_300, %get3A_301] {strides = array<i32>} : memref<100x64xf32, #tpu.memory_space<vmem>>, vector<1x16xf32>,
      %get3A_303 = vector.shape_cast %get3A_302 : vector<1x16xf32> to vector<16xf32>
      %max3A_304 = arith.maximumf %max3A_298, %get3A_303 : vector<16xf32>
      %get3A_305 = arith.constant 46 : i32
      %get3A_306 = arith.index_cast %get3A_305 : i32 to index
      %get3A_307 = arith.constant 0 : index
      %get3A_308 = tpu.vector_load %arg6[%get3A_306, %get3A_307] {strides = array<i32>} : memref<100x64xf32, #tpu.memory_space<vmem>>, vector<1x16xf32>,
      %get3A_309 = vector.shape_cast %get3A_308 : vector<1x16xf32> to vector<16xf32>
      %max3A_310 = arith.maximumf %max3A_304, %get3A_309 : vector<16xf32>
      %get3A_311 = arith.constant 47 : i32
      %get3A_312 = arith.index_cast %get3A_311 : i32 to index
      %get3A_313 = arith.constant 0 : index
      %get3A_314 = tpu.vector_load %arg6[%get3A_312, %get3A_313] {strides = array<i32>} : memref<100x64xf32, #tpu.memory_space<vmem>>, vector<1x16xf32>,
      %get3A_315 = vector.shape_cast %get3A_314 : vector<1x16xf32> to vector<16xf32>
      %max3A_316 = arith.maximumf %max3A_310, %get3A_315 : vector<16xf32>
      %get3A_317 = arith.constant 48 : i32
      %get3A_318 = arith.index_cast %get3A_317 : i32 to index
      %get3A_319 = arith.constant 0 : index
      %get3A_320 = tpu.vector_load %arg6[%get3A_318, %get3A_319] {strides = array<i32>} : memref<100x64xf32, #tpu.memory_space<vmem>>, vector<1x16xf32>,
      %get3A_321 = vector.shape_cast %get3A_320 : vector<1x16xf32> to vector<16xf32>
      %max3A_322 = arith.maximumf %max3A_316, %get3A_321 : vector<16xf32>
      %get3A_323 = arith.constant 49 : i32
      %get3A_324 = arith.index_cast %get3A_323 : i32 to index
      %get3A_325 = arith.constant 0 : index
      %get3A_326 = tpu.vector_load %arg6[%get3A_324, %get3A_325] {strides = array<i32>} : memref<100x64xf32, #tpu.memory_space<vmem>>, vector<1x16xf32>,
      %get3A_327 = vector.shape_cast %get3A_326 : vector<1x16xf32> to vector<16xf32>
      %max3A_328 = arith.maximumf %max3A_322, %get3A_327 : vector<16xf32>
      %mul3A_329 = arith.constant 2 : i32
      %mul3A_330 = arith.muli %add3A_24, %mul3A_329 : i32
      %add3A_331 = arith.constant 0 : i32
      %add3A_332 = arith.addi %mul3A_330, %add3A_331 : i32
      %swap3A = arith.index_cast %add3A_332 : i32 to index
      %swap3A_333 = arith.constant 0 : index
      %swap3A_334 = tpu.vector_load %arg8[%swap3A, %swap3A_333] {strides = array<i32>} : memref<512x64xf32, #tpu.memory_space<vmem>>, vector<1x16xf32>,
      %swap3A_335 = vector.shape_cast %swap3A_334 : vector<1x16xf32> to vector<16xf32>
      %swap3A_336 = vector.shape_cast %max3A_328 : vector<16xf32> to vector<1x16xf32>
      tpu.vector_store %arg8[%swap3A, %swap3A_333], %swap3A_336 {strides = array<i32>} : memref<512x64xf32, #tpu.memory_space<vmem>>, vector<1x16xf32>,
      %broadcast_in_dim3A_337 = arith.constant 0.000000e+00 : f32
      %broadcast_in_dim3A_338 = vector.broadcast %broadcast_in_dim3A_337 : f32 to vector<16xf32>
      %get3A_339 = arith.constant 0 : i32
      %get3A_340 = arith.index_cast %get3A_339 : i32 to index
      %get3A_341 = arith.constant 16 : index
      %get3A_342 = tpu.vector_load %arg6[%get3A_340, %get3A_341] {strides = array<i32>} : memref<100x64xf32, #tpu.memory_space<vmem>>, vector<1x16xf32>,
      %get3A_343 = vector.shape_cast %get3A_342 : vector<1x16xf32> to vector<16xf32>
      %max3A_344 = arith.maximumf %broadcast_in_dim3A_338, %get3A_343 : vector<16xf32>
      %get3A_345 = arith.constant 1 : i32
      %get3A_346 = arith.index_cast %get3A_345 : i32 to index
      %get3A_347 = arith.constant 16 : index
      %get3A_348 = tpu.vector_load %arg6[%get3A_346, %get3A_347] {strides = array<i32>} : memref<100x64xf32, #tpu.memory_space<vmem>>, vector<1x16xf32>,
      %get3A_349 = vector.shape_cast %get3A_348 : vector<1x16xf32> to vector<16xf32>
      %max3A_350 = arith.maximumf %max3A_344, %get3A_349 : vector<16xf32>
      %get3A_351 = arith.constant 2 : i32
      %get3A_352 = arith.index_cast %get3A_351 : i32 to index
      %get3A_353 = arith.constant 16 : index
      %get3A_354 = tpu.vector_load %arg6[%get3A_352, %get3A_353] {strides = array<i32>} : memref<100x64xf32, #tpu.memory_space<vmem>>, vector<1x16xf32>,
      %get3A_355 = vector.shape_cast %get3A_354 : vector<1x16xf32> to vector<16xf32>
      %max3A_356 = arith.maximumf %max3A_350, %get3A_355 : vector<16xf32>
      %get3A_357 = arith.constant 3 : i32
      %get3A_358 = arith.index_cast %get3A_357 : i32 to index
      %get3A_359 = arith.constant 16 : index
      %get3A_360 = tpu.vector_load %arg6[%get3A_358, %get3A_359] {strides = array<i32>} : memref<100x64xf32, #tpu.memory_space<vmem>>, vector<1x16xf32>,
      %get3A_361 = vector.shape_cast %get3A_360 : vector<1x16xf32> to vector<16xf32>
      %max3A_362 = arith.maximumf %max3A_356, %get3A_361 : vector<16xf32>
      %get3A_363 = arith.constant 4 : i32
      %get3A_364 = arith.index_cast %get3A_363 : i32 to index
      %get3A_365 = arith.constant 16 : index
      %get3A_366 = tpu.vector_load %arg6[%get3A_364, %get3A_365] {strides = array<i32>} : memref<100x64xf32, #tpu.memory_space<vmem>>, vector<1x16xf32>,
      %get3A_367 = vector.shape_cast %get3A_366 : vector<1x16xf32> to vector<16xf32>
      %max3A_368 = arith.maximumf %max3A_362, %get3A_367 : vector<16xf32>
      %get3A_369 = arith.constant 5 : i32
      %get3A_370 = arith.index_cast %get3A_369 : i32 to index
      %get3A_371 = arith.constant 16 : index
      %get3A_372 = tpu.vector_load %arg6[%get3A_370, %get3A_371] {strides = array<i32>} : memref<100x64xf32, #tpu.memory_space<vmem>>, vector<1x16xf32>,
      %get3A_373 = vector.shape_cast %get3A_372 : vector<1x16xf32> to vector<16xf32>
      %max3A_374 = arith.maximumf %max3A_368, %get3A_373 : vector<16xf32>
      %get3A_375 = arith.constant 6 : i32
      %get3A_376 = arith.index_cast %get3A_375 : i32 to index
      %get3A_377 = arith.constant 16 : index
      %get3A_378 = tpu.vector_load %arg6[%get3A_376, %get3A_377] {strides = array<i32>} : memref<100x64xf32, #tpu.memory_space<vmem>>, vector<1x16xf32>,
      %get3A_379 = vector.shape_cast %get3A_378 : vector<1x16xf32> to vector<16xf32>
      %max3A_380 = arith.maximumf %max3A_374, %get3A_379 : vector<16xf32>
      %get3A_381 = arith.constant 7 : i32
      %get3A_382 = arith.index_cast %get3A_381 : i32 to index
      %get3A_383 = arith.constant 16 : index
      %get3A_384 = tpu.vector_load %arg6[%get3A_382, %get3A_383] {strides = array<i32>} : memref<100x64xf32, #tpu.memory_space<vmem>>, vector<1x16xf32>,
      %get3A_385 = vector.shape_cast %get3A_384 : vector<1x16xf32> to vector<16xf32>
      %max3A_386 = arith.maximumf %max3A_380, %get3A_385 : vector<16xf32>
      %get3A_387 = arith.constant 8 : i32
      %get3A_388 = arith.index_cast %get3A_387 : i32 to index
      %get3A_389 = arith.constant 16 : index
      %get3A_390 = tpu.vector_load %arg6[%get3A_388, %get3A_389] {strides = array<i32>} : memref<100x64xf32, #tpu.memory_space<vmem>>, vector<1x16xf32>,
      %get3A_391 = vector.shape_cast %get3A_390 : vector<1x16xf32> to vector<16xf32>
      %max3A_392 = arith.maximumf %max3A_386, %get3A_391 : vector<16xf32>
      %get3A_393 = arith.constant 9 : i32
      %get3A_394 = arith.index_cast %get3A_393 : i32 to index
      %get3A_395 = arith.constant 16 : index
      %get3A_396 = tpu.vector_load %arg6[%get3A_394, %get3A_395] {strides = array<i32>} : memref<100x64xf32, #tpu.memory_space<vmem>>, vector<1x16xf32>,
      %get3A_397 = vector.shape_cast %get3A_396 : vector<1x16xf32> to vector<16xf32>
      %max3A_398 = arith.maximumf %max3A_392, %get3A_397 : vector<16xf32>
      %get3A_399 = arith.constant 10 : i32
      %get3A_400 = arith.index_cast %get3A_399 : i32 to index
      %get3A_401 = arith.constant 16 : index
      %get3A_402 = tpu.vector_load %arg6[%get3A_400, %get3A_401] {strides = array<i32>} : memref<100x64xf32, #tpu.memory_space<vmem>>, vector<1x16xf32>,
      %get3A_403 = vector.shape_cast %get3A_402 : vector<1x16xf32> to vector<16xf32>
      %max3A_404 = arith.maximumf %max3A_398, %get3A_403 : vector<16xf32>
      %get3A_405 = arith.constant 11 : i32
      %get3A_406 = arith.index_cast %get3A_405 : i32 to index
      %get3A_407 = arith.constant 16 : index
      %get3A_408 = tpu.vector_load %arg6[%get3A_406, %get3A_407] {strides = array<i32>} : memref<100x64xf32, #tpu.memory_space<vmem>>, vector<1x16xf32>,
      %get3A_409 = vector.shape_cast %get3A_408 : vector<1x16xf32> to vector<16xf32>
      %max3A_410 = arith.maximumf %max3A_404, %get3A_409 : vector<16xf32>
      %get3A_411 = arith.constant 12 : i32
      %get3A_412 = arith.index_cast %get3A_411 : i32 to index
      %get3A_413 = arith.constant 16 : index
      %get3A_414 = tpu.vector_load %arg6[%get3A_412, %get3A_413] {strides = array<i32>} : memref<100x64xf32, #tpu.memory_space<vmem>>, vector<1x16xf32>,
      %get3A_415 = vector.shape_cast %get3A_414 : vector<1x16xf32> to vector<16xf32>
      %max3A_416 = arith.maximumf %max3A_410, %get3A_415 : vector<16xf32>
      %get3A_417 = arith.constant 13 : i32
      %get3A_418 = arith.index_cast %get3A_417 : i32 to index
      %get3A_419 = arith.constant 16 : index
      %get3A_420 = tpu.vector_load %arg6[%get3A_418, %get3A_419] {strides = array<i32>} : memref<100x64xf32, #tpu.memory_space<vmem>>, vector<1x16xf32>,
      %get3A_421 = vector.shape_cast %get3A_420 : vector<1x16xf32> to vector<16xf32>
      %max3A_422 = arith.maximumf %max3A_416, %get3A_421 : vector<16xf32>
      %get3A_423 = arith.constant 14 : i32
      %get3A_424 = arith.index_cast %get3A_423 : i32 to index
      %get3A_425 = arith.constant 16 : index
      %get3A_426 = tpu.vector_load %arg6[%get3A_424, %get3A_425] {strides = array<i32>} : memref<100x64xf32, #tpu.memory_space<vmem>>, vector<1x16xf32>,
      %get3A_427 = vector.shape_cast %get3A_426 : vector<1x16xf32> to vector<16xf32>
      %max3A_428 = arith.maximumf %max3A_422, %get3A_427 : vector<16xf32>
      %get3A_429 = arith.constant 15 : i32
      %get3A_430 = arith.index_cast %get3A_429 : i32 to index
      %get3A_431 = arith.constant 16 : index
      %get3A_432 = tpu.vector_load %arg6[%get3A_430, %get3A_431] {strides = array<i32>} : memref<100x64xf32, #tpu.memory_space<vmem>>, vector<1x16xf32>,
      %get3A_433 = vector.shape_cast %get3A_432 : vector<1x16xf32> to vector<16xf32>
      %max3A_434 = arith.maximumf %max3A_428, %get3A_433 : vector<16xf32>
      %get3A_435 = arith.constant 16 : i32
      %get3A_436 = arith.index_cast %get3A_435 : i32 to index
      %get3A_437 = arith.constant 16 : index
      %get3A_438 = tpu.vector_load %arg6[%get3A_436, %get3A_437] {strides = array<i32>} : memref<100x64xf32, #tpu.memory_space<vmem>>, vector<1x16xf32>,
      %get3A_439 = vector.shape_cast %get3A_438 : vector<1x16xf32> to vector<16xf32>
      %max3A_440 = arith.maximumf %max3A_434, %get3A_439 : vector<16xf32>
      %get3A_441 = arith.constant 17 : i32
      %get3A_442 = arith.index_cast %get3A_441 : i32 to index
      %get3A_443 = arith.constant 16 : index
      %get3A_444 = tpu.vector_load %arg6[%get3A_442, %get3A_443] {strides = array<i32>} : memref<100x64xf32, #tpu.memory_space<vmem>>, vector<1x16xf32>,
      %get3A_445 = vector.shape_cast %get3A_444 : vector<1x16xf32> to vector<16xf32>
      %max3A_446 = arith.maximumf %max3A_440, %get3A_445 : vector<16xf32>
      %get3A_447 = arith.constant 18 : i32
      %get3A_448 = arith.index_cast %get3A_447 : i32 to index
      %get3A_449 = arith.constant 16 : index
      %get3A_450 = tpu.vector_load %arg6[%get3A_448, %get3A_449] {strides = array<i32>} : memref<100x64xf32, #tpu.memory_space<vmem>>, vector<1x16xf32>,
      %get3A_451 = vector.shape_cast %get3A_450 : vector<1x16xf32> to vector<16xf32>
      %max3A_452 = arith.maximumf %max3A_446, %get3A_451 : vector<16xf32>
      %get3A_453 = arith.constant 19 : i32
      %get3A_454 = arith.index_cast %get3A_453 : i32 to index
      %get3A_455 = arith.constant 16 : index
      %get3A_456 = tpu.vector_load %arg6[%get3A_454, %get3A_455] {strides = array<i32>} : memref<100x64xf32, #tpu.memory_space<vmem>>, vector<1x16xf32>,
      %get3A_457 = vector.shape_cast %get3A_456 : vector<1x16xf32> to vector<16xf32>
      %max3A_458 = arith.maximumf %max3A_452, %get3A_457 : vector<16xf32>
      %get3A_459 = arith.constant 20 : i32
      %get3A_460 = arith.index_cast %get3A_459 : i32 to index
      %get3A_461 = arith.constant 16 : index
      %get3A_462 = tpu.vector_load %arg6[%get3A_460, %get3A_461] {strides = array<i32>} : memref<100x64xf32, #tpu.memory_space<vmem>>, vector<1x16xf32>,
      %get3A_463 = vector.shape_cast %get3A_462 : vector<1x16xf32> to vector<16xf32>
      %max3A_464 = arith.maximumf %max3A_458, %get3A_463 : vector<16xf32>
      %get3A_465 = arith.constant 21 : i32
      %get3A_466 = arith.index_cast %get3A_465 : i32 to index
      %get3A_467 = arith.constant 16 : index
      %get3A_468 = tpu.vector_load %arg6[%get3A_466, %get3A_467] {strides = array<i32>} : memref<100x64xf32, #tpu.memory_space<vmem>>, vector<1x16xf32>,
      %get3A_469 = vector.shape_cast %get3A_468 : vector<1x16xf32> to vector<16xf32>
      %max3A_470 = arith.maximumf %max3A_464, %get3A_469 : vector<16xf32>
      %get3A_471 = arith.constant 22 : i32
      %get3A_472 = arith.index_cast %get3A_471 : i32 to index
      %get3A_473 = arith.constant 16 : index
      %get3A_474 = tpu.vector_load %arg6[%get3A_472, %get3A_473] {strides = array<i32>} : memref<100x64xf32, #tpu.memory_space<vmem>>, vector<1x16xf32>,
      %get3A_475 = vector.shape_cast %get3A_474 : vector<1x16xf32> to vector<16xf32>
      %max3A_476 = arith.maximumf %max3A_470, %get3A_475 : vector<16xf32>
      %get3A_477 = arith.constant 23 : i32
      %get3A_478 = arith.index_cast %get3A_477 : i32 to index
      %get3A_479 = arith.constant 16 : index
      %get3A_480 = tpu.vector_load %arg6[%get3A_478, %get3A_479] {strides = array<i32>} : memref<100x64xf32, #tpu.memory_space<vmem>>, vector<1x16xf32>,
      %get3A_481 = vector.shape_cast %get3A_480 : vector<1x16xf32> to vector<16xf32>
      %max3A_482 = arith.maximumf %max3A_476, %get3A_481 : vector<16xf32>
      %get3A_483 = arith.constant 24 : i32
      %get3A_484 = arith.index_cast %get3A_483 : i32 to index
      %get3A_485 = arith.constant 16 : index
      %get3A_486 = tpu.vector_load %arg6[%get3A_484, %get3A_485] {strides = array<i32>} : memref<100x64xf32, #tpu.memory_space<vmem>>, vector<1x16xf32>,
      %get3A_487 = vector.shape_cast %get3A_486 : vector<1x16xf32> to vector<16xf32>
      %max3A_488 = arith.maximumf %max3A_482, %get3A_487 : vector<16xf32>
      %get3A_489 = arith.constant 25 : i32
      %get3A_490 = arith.index_cast %get3A_489 : i32 to index
      %get3A_491 = arith.constant 16 : index
      %get3A_492 = tpu.vector_load %arg6[%get3A_490, %get3A_491] {strides = array<i32>} : memref<100x64xf32, #tpu.memory_space<vmem>>, vector<1x16xf32>,
      %get3A_493 = vector.shape_cast %get3A_492 : vector<1x16xf32> to vector<16xf32>
      %max3A_494 = arith.maximumf %max3A_488, %get3A_493 : vector<16xf32>
      %get3A_495 = arith.constant 26 : i32
      %get3A_496 = arith.index_cast %get3A_495 : i32 to index
      %get3A_497 = arith.constant 16 : index
      %get3A_498 = tpu.vector_load %arg6[%get3A_496, %get3A_497] {strides = array<i32>} : memref<100x64xf32, #tpu.memory_space<vmem>>, vector<1x16xf32>,
      %get3A_499 = vector.shape_cast %get3A_498 : vector<1x16xf32> to vector<16xf32>
      %max3A_500 = arith.maximumf %max3A_494, %get3A_499 : vector<16xf32>
      %get3A_501 = arith.constant 27 : i32
      %get3A_502 = arith.index_cast %get3A_501 : i32 to index
      %get3A_503 = arith.constant 16 : index
      %get3A_504 = tpu.vector_load %arg6[%get3A_502, %get3A_503] {strides = array<i32>} : memref<100x64xf32, #tpu.memory_space<vmem>>, vector<1x16xf32>,
      %get3A_505 = vector.shape_cast %get3A_504 : vector<1x16xf32> to vector<16xf32>
      %max3A_506 = arith.maximumf %max3A_500, %get3A_505 : vector<16xf32>
      %get3A_507 = arith.constant 28 : i32
      %get3A_508 = arith.index_cast %get3A_507 : i32 to index
      %get3A_509 = arith.constant 16 : index
      %get3A_510 = tpu.vector_load %arg6[%get3A_508, %get3A_509] {strides = array<i32>} : memref<100x64xf32, #tpu.memory_space<vmem>>, vector<1x16xf32>,
      %get3A_511 = vector.shape_cast %get3A_510 : vector<1x16xf32> to vector<16xf32>
      %max3A_512 = arith.maximumf %max3A_506, %get3A_511 : vector<16xf32>
      %get3A_513 = arith.constant 29 : i32
      %get3A_514 = arith.index_cast %get3A_513 : i32 to index
      %get3A_515 = arith.constant 16 : index
      %get3A_516 = tpu.vector_load %arg6[%get3A_514, %get3A_515] {strides = array<i32>} : memref<100x64xf32, #tpu.memory_space<vmem>>, vector<1x16xf32>,
      %get3A_517 = vector.shape_cast %get3A_516 : vector<1x16xf32> to vector<16xf32>
      %max3A_518 = arith.maximumf %max3A_512, %get3A_517 : vector<16xf32>
      %get3A_519 = arith.constant 30 : i32
      %get3A_520 = arith.index_cast %get3A_519 : i32 to index
      %get3A_521 = arith.constant 16 : index
      %get3A_522 = tpu.vector_load %arg6[%get3A_520, %get3A_521] {strides = array<i32>} : memref<100x64xf32, #tpu.memory_space<vmem>>, vector<1x16xf32>,
      %get3A_523 = vector.shape_cast %get3A_522 : vector<1x16xf32> to vector<16xf32>
      %max3A_524 = arith.maximumf %max3A_518, %get3A_523 : vector<16xf32>
      %get3A_525 = arith.constant 31 : i32
      %get3A_526 = arith.index_cast %get3A_525 : i32 to index
      %get3A_527 = arith.constant 16 : index
      %get3A_528 = tpu.vector_load %arg6[%get3A_526, %get3A_527] {strides = array<i32>} : memref<100x64xf32, #tpu.memory_space<vmem>>, vector<1x16xf32>,
      %get3A_529 = vector.shape_cast %get3A_528 : vector<1x16xf32> to vector<16xf32>
      %max3A_530 = arith.maximumf %max3A_524, %get3A_529 : vector<16xf32>
      %get3A_531 = arith.constant 32 : i32
      %get3A_532 = arith.index_cast %get3A_531 : i32 to index
      %get3A_533 = arith.constant 16 : index
      %get3A_534 = tpu.vector_load %arg6[%get3A_532, %get3A_533] {strides = array<i32>} : memref<100x64xf32, #tpu.memory_space<vmem>>, vector<1x16xf32>,
      %get3A_535 = vector.shape_cast %get3A_534 : vector<1x16xf32> to vector<16xf32>
      %max3A_536 = arith.maximumf %max3A_530, %get3A_535 : vector<16xf32>
      %get3A_537 = arith.constant 33 : i32
      %get3A_538 = arith.index_cast %get3A_537 : i32 to index
      %get3A_539 = arith.constant 16 : index
      %get3A_540 = tpu.vector_load %arg6[%get3A_538, %get3A_539] {strides = array<i32>} : memref<100x64xf32, #tpu.memory_space<vmem>>, vector<1x16xf32>,
      %get3A_541 = vector.shape_cast %get3A_540 : vector<1x16xf32> to vector<16xf32>
      %max3A_542 = arith.maximumf %max3A_536, %get3A_541 : vector<16xf32>
      %get3A_543 = arith.constant 34 : i32
      %get3A_544 = arith.index_cast %get3A_543 : i32 to index
      %get3A_545 = arith.constant 16 : index
      %get3A_546 = tpu.vector_load %arg6[%get3A_544, %get3A_545] {strides = array<i32>} : memref<100x64xf32, #tpu.memory_space<vmem>>, vector<1x16xf32>,
      %get3A_547 = vector.shape_cast %get3A_546 : vector<1x16xf32> to vector<16xf32>
      %max3A_548 = arith.maximumf %max3A_542, %get3A_547 : vector<16xf32>
      %get3A_549 = arith.constant 35 : i32
      %get3A_550 = arith.index_cast %get3A_549 : i32 to index
      %get3A_551 = arith.constant 16 : index
      %get3A_552 = tpu.vector_load %arg6[%get3A_550, %get3A_551] {strides = array<i32>} : memref<100x64xf32, #tpu.memory_space<vmem>>, vector<1x16xf32>,
      %get3A_553 = vector.shape_cast %get3A_552 : vector<1x16xf32> to vector<16xf32>
      %max3A_554 = arith.maximumf %max3A_548, %get3A_553 : vector<16xf32>
      %get3A_555 = arith.constant 36 : i32
      %get3A_556 = arith.index_cast %get3A_555 : i32 to index
      %get3A_557 = arith.constant 16 : index
      %get3A_558 = tpu.vector_load %arg6[%get3A_556, %get3A_557] {strides = array<i32>} : memref<100x64xf32, #tpu.memory_space<vmem>>, vector<1x16xf32>,
      %get3A_559 = vector.shape_cast %get3A_558 : vector<1x16xf32> to vector<16xf32>
      %max3A_560 = arith.maximumf %max3A_554, %get3A_559 : vector<16xf32>
      %get3A_561 = arith.constant 37 : i32
      %get3A_562 = arith.index_cast %get3A_561 : i32 to index
      %get3A_563 = arith.constant 16 : index
      %get3A_564 = tpu.vector_load %arg6[%get3A_562, %get3A_563] {strides = array<i32>} : memref<100x64xf32, #tpu.memory_space<vmem>>, vector<1x16xf32>,
      %get3A_565 = vector.shape_cast %get3A_564 : vector<1x16xf32> to vector<16xf32>
      %max3A_566 = arith.maximumf %max3A_560, %get3A_565 : vector<16xf32>
      %get3A_567 = arith.constant 38 : i32
      %get3A_568 = arith.index_cast %get3A_567 : i32 to index
      %get3A_569 = arith.constant 16 : index
      %get3A_570 = tpu.vector_load %arg6[%get3A_568, %get3A_569] {strides = array<i32>} : memref<100x64xf32, #tpu.memory_space<vmem>>, vector<1x16xf32>,
      %get3A_571 = vector.shape_cast %get3A_570 : vector<1x16xf32> to vector<16xf32>
      %max3A_572 = arith.maximumf %max3A_566, %get3A_571 : vector<16xf32>
      %get3A_573 = arith.constant 39 : i32
      %get3A_574 = arith.index_cast %get3A_573 : i32 to index
      %get3A_575 = arith.constant 16 : index
      %get3A_576 = tpu.vector_load %arg6[%get3A_574, %get3A_575] {strides = array<i32>} : memref<100x64xf32, #tpu.memory_space<vmem>>, vector<1x16xf32>,
      %get3A_577 = vector.shape_cast %get3A_576 : vector<1x16xf32> to vector<16xf32>
      %max3A_578 = arith.maximumf %max3A_572, %get3A_577 : vector<16xf32>
      %get3A_579 = arith.constant 40 : i32
      %get3A_580 = arith.index_cast %get3A_579 : i32 to index
      %get3A_581 = arith.constant 16 : index
      %get3A_582 = tpu.vector_load %arg6[%get3A_580, %get3A_581] {strides = array<i32>} : memref<100x64xf32, #tpu.memory_space<vmem>>, vector<1x16xf32>,
      %get3A_583 = vector.shape_cast %get3A_582 : vector<1x16xf32> to vector<16xf32>
      %max3A_584 = arith.maximumf %max3A_578, %get3A_583 : vector<16xf32>
      %get3A_585 = arith.constant 41 : i32
      %get3A_586 = arith.index_cast %get3A_585 : i32 to index
      %get3A_587 = arith.constant 16 : index
      %get3A_588 = tpu.vector_load %arg6[%get3A_586, %get3A_587] {strides = array<i32>} : memref<100x64xf32, #tpu.memory_space<vmem>>, vector<1x16xf32>,
      %get3A_589 = vector.shape_cast %get3A_588 : vector<1x16xf32> to vector<16xf32>
      %max3A_590 = arith.maximumf %max3A_584, %get3A_589 : vector<16xf32>
      %get3A_591 = arith.constant 42 : i32
      %get3A_592 = arith.index_cast %get3A_591 : i32 to index
      %get3A_593 = arith.constant 16 : index
      %get3A_594 = tpu.vector_load %arg6[%get3A_592, %get3A_593] {strides = array<i32>} : memref<100x64xf32, #tpu.memory_space<vmem>>, vector<1x16xf32>,
      %get3A_595 = vector.shape_cast %get3A_594 : vector<1x16xf32> to vector<16xf32>
      %max3A_596 = arith.maximumf %max3A_590, %get3A_595 : vector<16xf32>
      %get3A_597 = arith.constant 43 : i32
      %get3A_598 = arith.index_cast %get3A_597 : i32 to index
      %get3A_599 = arith.constant 16 : index
      %get3A_600 = tpu.vector_load %arg6[%get3A_598, %get3A_599] {strides = array<i32>} : memref<100x64xf32, #tpu.memory_space<vmem>>, vector<1x16xf32>,
      %get3A_601 = vector.shape_cast %get3A_600 : vector<1x16xf32> to vector<16xf32>
      %max3A_602 = arith.maximumf %max3A_596, %get3A_601 : vector<16xf32>
      %get3A_603 = arith.constant 44 : i32
      %get3A_604 = arith.index_cast %get3A_603 : i32 to index
      %get3A_605 = arith.constant 16 : index
      %get3A_606 = tpu.vector_load %arg6[%get3A_604, %get3A_605] {strides = array<i32>} : memref<100x64xf32, #tpu.memory_space<vmem>>, vector<1x16xf32>,
      %get3A_607 = vector.shape_cast %get3A_606 : vector<1x16xf32> to vector<16xf32>
      %max3A_608 = arith.maximumf %max3A_602, %get3A_607 : vector<16xf32>
      %get3A_609 = arith.constant 45 : i32
      %get3A_610 = arith.index_cast %get3A_609 : i32 to index
      %get3A_611 = arith.constant 16 : index
      %get3A_612 = tpu.vector_load %arg6[%get3A_610, %get3A_611] {strides = array<i32>} : memref<100x64xf32, #tpu.memory_space<vmem>>, vector<1x16xf32>,
      %get3A_613 = vector.shape_cast %get3A_612 : vector<1x16xf32> to vector<16xf32>
      %max3A_614 = arith.maximumf %max3A_608, %get3A_613 : vector<16xf32>
      %get3A_615 = arith.constant 46 : i32
      %get3A_616 = arith.index_cast %get3A_615 : i32 to index
      %get3A_617 = arith.constant 16 : index
      %get3A_618 = tpu.vector_load %arg6[%get3A_616, %get3A_617] {strides = array<i32>} : memref<100x64xf32, #tpu.memory_space<vmem>>, vector<1x16xf32>,
      %get3A_619 = vector.shape_cast %get3A_618 : vector<1x16xf32> to vector<16xf32>
      %max3A_620 = arith.maximumf %max3A_614, %get3A_619 : vector<16xf32>
      %get3A_621 = arith.constant 47 : i32
      %get3A_622 = arith.index_cast %get3A_621 : i32 to index
      %get3A_623 = arith.constant 16 : index
      %get3A_624 = tpu.vector_load %arg6[%get3A_622, %get3A_623] {strides = array<i32>} : memref<100x64xf32, #tpu.memory_space<vmem>>, vector<1x16xf32>,
      %get3A_625 = vector.shape_cast %get3A_624 : vector<1x16xf32> to vector<16xf32>
      %max3A_626 = arith.maximumf %max3A_620, %get3A_625 : vector<16xf32>
      %get3A_627 = arith.constant 48 : i32
      %get3A_628 = arith.index_cast %get3A_627 : i32 to index
      %get3A_629 = arith.constant 16 : index
      %get3A_630 = tpu.vector_load %arg6[%get3A_628, %get3A_629] {strides = array<i32>} : memref<100x64xf32, #tpu.memory_space<vmem>>, vector<1x16xf32>,
      %get3A_631 = vector.shape_cast %get3A_630 : vector<1x16xf32> to vector<16xf32>
      %max3A_632 = arith.maximumf %max3A_626, %get3A_631 : vector<16xf32>
      %get3A_633 = arith.constant 49 : i32
      %get3A_634 = arith.index_cast %get3A_633 : i32 to index
      %get3A_635 = arith.constant 16 : index
      %get3A_636 = tpu.vector_load %arg6[%get3A_634, %get3A_635] {strides = array<i32>} : memref<100x64xf32, #tpu.memory_space<vmem>>, vector<1x16xf32>,
      %get3A_637 = vector.shape_cast %get3A_636 : vector<1x16xf32> to vector<16xf32>
      %max3A_638 = arith.maximumf %max3A_632, %get3A_637 : vector<16xf32>
      %mul3A_639 = arith.constant 2 : i32
      %mul3A_640 = arith.muli %add3A_24, %mul3A_639 : i32
      %add3A_641 = arith.constant 0 : i32
      %add3A_642 = arith.addi %mul3A_640, %add3A_641 : i32
      %swap3A_643 = arith.index_cast %add3A_642 : i32 to index
      %swap3A_644 = arith.constant 16 : index
      %swap3A_645 = tpu.vector_load %arg8[%swap3A_643, %swap3A_644] {strides = array<i32>} : memref<512x64xf32, #tpu.memory_space<vmem>>, vector<1x16xf32>,
      %swap3A_646 = vector.shape_cast %swap3A_645 : vector<1x16xf32> to vector<16xf32>
      %swap3A_647 = vector.shape_cast %max3A_638 : vector<16xf32> to vector<1x16xf32>
      tpu.vector_store %arg8[%swap3A_643, %swap3A_644], %swap3A_647 {strides = array<i32>} : memref<512x64xf32, #tpu.memory_space<vmem>>, vector<1x16xf32>,
      %broadcast_in_dim3A_648 = arith.constant 0.000000e+00 : f32
      %broadcast_in_dim3A_649 = vector.broadcast %broadcast_in_dim3A_648 : f32 to vector<16xf32>
      %get3A_650 = arith.constant 0 : i32
      %get3A_651 = arith.index_cast %get3A_650 : i32 to index
      %get3A_652 = arith.constant 32 : index
      %get3A_653 = tpu.vector_load %arg6[%get3A_651, %get3A_652] {strides = array<i32>} : memref<100x64xf32, #tpu.memory_space<vmem>>, vector<1x16xf32>,
      %get3A_654 = vector.shape_cast %get3A_653 : vector<1x16xf32> to vector<16xf32>
      %max3A_655 = arith.maximumf %broadcast_in_dim3A_649, %get3A_654 : vector<16xf32>
      %get3A_656 = arith.constant 1 : i32
      %get3A_657 = arith.index_cast %get3A_656 : i32 to index
      %get3A_658 = arith.constant 32 : index
      %get3A_659 = tpu.vector_load %arg6[%get3A_657, %get3A_658] {strides = array<i32>} : memref<100x64xf32, #tpu.memory_space<vmem>>, vector<1x16xf32>,
      %get3A_660 = vector.shape_cast %get3A_659 : vector<1x16xf32> to vector<16xf32>
      %max3A_661 = arith.maximumf %max3A_655, %get3A_660 : vector<16xf32>
      %get3A_662 = arith.constant 2 : i32
      %get3A_663 = arith.index_cast %get3A_662 : i32 to index
      %get3A_664 = arith.constant 32 : index
      %get3A_665 = tpu.vector_load %arg6[%get3A_663, %get3A_664] {strides = array<i32>} : memref<100x64xf32, #tpu.memory_space<vmem>>, vector<1x16xf32>,
      %get3A_666 = vector.shape_cast %get3A_665 : vector<1x16xf32> to vector<16xf32>
      %max3A_667 = arith.maximumf %max3A_661, %get3A_666 : vector<16xf32>
      %get3A_668 = arith.constant 3 : i32
      %get3A_669 = arith.index_cast %get3A_668 : i32 to index
      %get3A_670 = arith.constant 32 : index
      %get3A_671 = tpu.vector_load %arg6[%get3A_669, %get3A_670] {strides = array<i32>} : memref<100x64xf32, #tpu.memory_space<vmem>>, vector<1x16xf32>,
      %get3A_672 = vector.shape_cast %get3A_671 : vector<1x16xf32> to vector<16xf32>
      %max3A_673 = arith.maximumf %max3A_667, %get3A_672 : vector<16xf32>
      %get3A_674 = arith.constant 4 : i32
      %get3A_675 = arith.index_cast %get3A_674 : i32 to index
      %get3A_676 = arith.constant 32 : index
      %get3A_677 = tpu.vector_load %arg6[%get3A_675, %get3A_676] {strides = array<i32>} : memref<100x64xf32, #tpu.memory_space<vmem>>, vector<1x16xf32>,
      %get3A_678 = vector.shape_cast %get3A_677 : vector<1x16xf32> to vector<16xf32>
      %max3A_679 = arith.maximumf %max3A_673, %get3A_678 : vector<16xf32>
      %get3A_680 = arith.constant 5 : i32
      %get3A_681 = arith.index_cast %get3A_680 : i32 to index
      %get3A_682 = arith.constant 32 : index
      %get3A_683 = tpu.vector_load %arg6[%get3A_681, %get3A_682] {strides = array<i32>} : memref<100x64xf32, #tpu.memory_space<vmem>>, vector<1x16xf32>,
      %get3A_684 = vector.shape_cast %get3A_683 : vector<1x16xf32> to vector<16xf32>
      %max3A_685 = arith.maximumf %max3A_679, %get3A_684 : vector<16xf32>
      %get3A_686 = arith.constant 6 : i32
      %get3A_687 = arith.index_cast %get3A_686 : i32 to index
      %get3A_688 = arith.constant 32 : index
      %get3A_689 = tpu.vector_load %arg6[%get3A_687, %get3A_688] {strides = array<i32>} : memref<100x64xf32, #tpu.memory_space<vmem>>, vector<1x16xf32>,
      %get3A_690 = vector.shape_cast %get3A_689 : vector<1x16xf32> to vector<16xf32>
      %max3A_691 = arith.maximumf %max3A_685, %get3A_690 : vector<16xf32>
      %get3A_692 = arith.constant 7 : i32
      %get3A_693 = arith.index_cast %get3A_692 : i32 to index
      %get3A_694 = arith.constant 32 : index
      %get3A_695 = tpu.vector_load %arg6[%get3A_693, %get3A_694] {strides = array<i32>} : memref<100x64xf32, #tpu.memory_space<vmem>>, vector<1x16xf32>,
      %get3A_696 = vector.shape_cast %get3A_695 : vector<1x16xf32> to vector<16xf32>
      %max3A_697 = arith.maximumf %max3A_691, %get3A_696 : vector<16xf32>
      %get3A_698 = arith.constant 8 : i32
      %get3A_699 = arith.index_cast %get3A_698 : i32 to index
      %get3A_700 = arith.constant 32 : index
      %get3A_701 = tpu.vector_load %arg6[%get3A_699, %get3A_700] {strides = array<i32>} : memref<100x64xf32, #tpu.memory_space<vmem>>, vector<1x16xf32>,
      %get3A_702 = vector.shape_cast %get3A_701 : vector<1x16xf32> to vector<16xf32>
      %max3A_703 = arith.maximumf %max3A_697, %get3A_702 : vector<16xf32>
      %get3A_704 = arith.constant 9 : i32
      %get3A_705 = arith.index_cast %get3A_704 : i32 to index
      %get3A_706 = arith.constant 32 : index
      %get3A_707 = tpu.vector_load %arg6[%get3A_705, %get3A_706] {strides = array<i32>} : memref<100x64xf32, #tpu.memory_space<vmem>>, vector<1x16xf32>,
      %get3A_708 = vector.shape_cast %get3A_707 : vector<1x16xf32> to vector<16xf32>
      %max3A_709 = arith.maximumf %max3A_703, %get3A_708 : vector<16xf32>
      %get3A_710 = arith.constant 10 : i32
      %get3A_711 = arith.index_cast %get3A_710 : i32 to index
      %get3A_712 = arith.constant 32 : index
      %get3A_713 = tpu.vector_load %arg6[%get3A_711, %get3A_712] {strides = array<i32>} : memref<100x64xf32, #tpu.memory_space<vmem>>, vector<1x16xf32>,
      %get3A_714 = vector.shape_cast %get3A_713 : vector<1x16xf32> to vector<16xf32>
      %max3A_715 = arith.maximumf %max3A_709, %get3A_714 : vector<16xf32>
      %get3A_716 = arith.constant 11 : i32
      %get3A_717 = arith.index_cast %get3A_716 : i32 to index
      %get3A_718 = arith.constant 32 : index
      %get3A_719 = tpu.vector_load %arg6[%get3A_717, %get3A_718] {strides = array<i32>} : memref<100x64xf32, #tpu.memory_space<vmem>>, vector<1x16xf32>,
      %get3A_720 = vector.shape_cast %get3A_719 : vector<1x16xf32> to vector<16xf32>
      %max3A_721 = arith.maximumf %max3A_715, %get3A_720 : vector<16xf32>
      %get3A_722 = arith.constant 12 : i32
      %get3A_723 = arith.index_cast %get3A_722 : i32 to index
      %get3A_724 = arith.constant 32 : index
      %get3A_725 = tpu.vector_load %arg6[%get3A_723, %get3A_724] {strides = array<i32>} : memref<100x64xf32, #tpu.memory_space<vmem>>, vector<1x16xf32>,
      %get3A_726 = vector.shape_cast %get3A_725 : vector<1x16xf32> to vector<16xf32>
      %max3A_727 = arith.maximumf %max3A_721, %get3A_726 : vector<16xf32>
      %get3A_728 = arith.constant 13 : i32
      %get3A_729 = arith.index_cast %get3A_728 : i32 to index
      %get3A_730 = arith.constant 32 : index
      %get3A_731 = tpu.vector_load %arg6[%get3A_729, %get3A_730] {strides = array<i32>} : memref<100x64xf32, #tpu.memory_space<vmem>>, vector<1x16xf32>,
      %get3A_732 = vector.shape_cast %get3A_731 : vector<1x16xf32> to vector<16xf32>
      %max3A_733 = arith.maximumf %max3A_727, %get3A_732 : vector<16xf32>
      %get3A_734 = arith.constant 14 : i32
      %get3A_735 = arith.index_cast %get3A_734 : i32 to index
      %get3A_736 = arith.constant 32 : index
      %get3A_737 = tpu.vector_load %arg6[%get3A_735, %get3A_736] {strides = array<i32>} : memref<100x64xf32, #tpu.memory_space<vmem>>, vector<1x16xf32>,
      %get3A_738 = vector.shape_cast %get3A_737 : vector<1x16xf32> to vector<16xf32>
      %max3A_739 = arith.maximumf %max3A_733, %get3A_738 : vector<16xf32>
      %get3A_740 = arith.constant 15 : i32
      %get3A_741 = arith.index_cast %get3A_740 : i32 to index
      %get3A_742 = arith.constant 32 : index
      %get3A_743 = tpu.vector_load %arg6[%get3A_741, %get3A_742] {strides = array<i32>} : memref<100x64xf32, #tpu.memory_space<vmem>>, vector<1x16xf32>,
      %get3A_744 = vector.shape_cast %get3A_743 : vector<1x16xf32> to vector<16xf32>
      %max3A_745 = arith.maximumf %max3A_739, %get3A_744 : vector<16xf32>
      %get3A_746 = arith.constant 16 : i32
      %get3A_747 = arith.index_cast %get3A_746 : i32 to index
      %get3A_748 = arith.constant 32 : index
      %get3A_749 = tpu.vector_load %arg6[%get3A_747, %get3A_748] {strides = array<i32>} : memref<100x64xf32, #tpu.memory_space<vmem>>, vector<1x16xf32>,
      %get3A_750 = vector.shape_cast %get3A_749 : vector<1x16xf32> to vector<16xf32>
      %max3A_751 = arith.maximumf %max3A_745, %get3A_750 : vector<16xf32>
      %get3A_752 = arith.constant 17 : i32
      %get3A_753 = arith.index_cast %get3A_752 : i32 to index
      %get3A_754 = arith.constant 32 : index
      %get3A_755 = tpu.vector_load %arg6[%get3A_753, %get3A_754] {strides = array<i32>} : memref<100x64xf32, #tpu.memory_space<vmem>>, vector<1x16xf32>,
      %get3A_756 = vector.shape_cast %get3A_755 : vector<1x16xf32> to vector<16xf32>
      %max3A_757 = arith.maximumf %max3A_751, %get3A_756 : vector<16xf32>
      %get3A_758 = arith.constant 18 : i32
      %get3A_759 = arith.index_cast %get3A_758 : i32 to index
      %get3A_760 = arith.constant 32 : index
      %get3A_761 = tpu.vector_load %arg6[%get3A_759, %get3A_760] {strides = array<i32>} : memref<100x64xf32, #tpu.memory_space<vmem>>, vector<1x16xf32>,
      %get3A_762 = vector.shape_cast %get3A_761 : vector<1x16xf32> to vector<16xf32>
      %max3A_763 = arith.maximumf %max3A_757, %get3A_762 : vector<16xf32>
      %get3A_764 = arith.constant 19 : i32
      %get3A_765 = arith.index_cast %get3A_764 : i32 to index
      %get3A_766 = arith.constant 32 : index
      %get3A_767 = tpu.vector_load %arg6[%get3A_765, %get3A_766] {strides = array<i32>} : memref<100x64xf32, #tpu.memory_space<vmem>>, vector<1x16xf32>,
      %get3A_768 = vector.shape_cast %get3A_767 : vector<1x16xf32> to vector<16xf32>
      %max3A_769 = arith.maximumf %max3A_763, %get3A_768 : vector<16xf32>
      %get3A_770 = arith.constant 20 : i32
      %get3A_771 = arith.index_cast %get3A_770 : i32 to index
      %get3A_772 = arith.constant 32 : index
      %get3A_773 = tpu.vector_load %arg6[%get3A_771, %get3A_772] {strides = array<i32>} : memref<100x64xf32, #tpu.memory_space<vmem>>, vector<1x16xf32>,
      %get3A_774 = vector.shape_cast %get3A_773 : vector<1x16xf32> to vector<16xf32>
      %max3A_775 = arith.maximumf %max3A_769, %get3A_774 : vector<16xf32>
      %get3A_776 = arith.constant 21 : i32
      %get3A_777 = arith.index_cast %get3A_776 : i32 to index
      %get3A_778 = arith.constant 32 : index
      %get3A_779 = tpu.vector_load %arg6[%get3A_777, %get3A_778] {strides = array<i32>} : memref<100x64xf32, #tpu.memory_space<vmem>>, vector<1x16xf32>,
      %get3A_780 = vector.shape_cast %get3A_779 : vector<1x16xf32> to vector<16xf32>
      %max3A_781 = arith.maximumf %max3A_775, %get3A_780 : vector<16xf32>
      %get3A_782 = arith.constant 22 : i32
      %get3A_783 = arith.index_cast %get3A_782 : i32 to index
      %get3A_784 = arith.constant 32 : index
      %get3A_785 = tpu.vector_load %arg6[%get3A_783, %get3A_784] {strides = array<i32>} : memref<100x64xf32, #tpu.memory_space<vmem>>, vector<1x16xf32>,
      %get3A_786 = vector.shape_cast %get3A_785 : vector<1x16xf32> to vector<16xf32>
      %max3A_787 = arith.maximumf %max3A_781, %get3A_786 : vector<16xf32>
      %get3A_788 = arith.constant 23 : i32
      %get3A_789 = arith.index_cast %get3A_788 : i32 to index
      %get3A_790 = arith.constant 32 : index
      %get3A_791 = tpu.vector_load %arg6[%get3A_789, %get3A_790] {strides = array<i32>} : memref<100x64xf32, #tpu.memory_space<vmem>>, vector<1x16xf32>,
      %get3A_792 = vector.shape_cast %get3A_791 : vector<1x16xf32> to vector<16xf32>
      %max3A_793 = arith.maximumf %max3A_787, %get3A_792 : vector<16xf32>
      %get3A_794 = arith.constant 24 : i32
      %get3A_795 = arith.index_cast %get3A_794 : i32 to index
      %get3A_796 = arith.constant 32 : index
      %get3A_797 = tpu.vector_load %arg6[%get3A_795, %get3A_796] {strides = array<i32>} : memref<100x64xf32, #tpu.memory_space<vmem>>, vector<1x16xf32>,
      %get3A_798 = vector.shape_cast %get3A_797 : vector<1x16xf32> to vector<16xf32>
      %max3A_799 = arith.maximumf %max3A_793, %get3A_798 : vector<16xf32>
      %get3A_800 = arith.constant 25 : i32
      %get3A_801 = arith.index_cast %get3A_800 : i32 to index
      %get3A_802 = arith.constant 32 : index
      %get3A_803 = tpu.vector_load %arg6[%get3A_801, %get3A_802] {strides = array<i32>} : memref<100x64xf32, #tpu.memory_space<vmem>>, vector<1x16xf32>,
      %get3A_804 = vector.shape_cast %get3A_803 : vector<1x16xf32> to vector<16xf32>
      %max3A_805 = arith.maximumf %max3A_799, %get3A_804 : vector<16xf32>
      %get3A_806 = arith.constant 26 : i32
      %get3A_807 = arith.index_cast %get3A_806 : i32 to index
      %get3A_808 = arith.constant 32 : index
      %get3A_809 = tpu.vector_load %arg6[%get3A_807, %get3A_808] {strides = array<i32>} : memref<100x64xf32, #tpu.memory_space<vmem>>, vector<1x16xf32>,
      %get3A_810 = vector.shape_cast %get3A_809 : vector<1x16xf32> to vector<16xf32>
      %max3A_811 = arith.maximumf %max3A_805, %get3A_810 : vector<16xf32>
      %get3A_812 = arith.constant 27 : i32
      %get3A_813 = arith.index_cast %get3A_812 : i32 to index
      %get3A_814 = arith.constant 32 : index
      %get3A_815 = tpu.vector_load %arg6[%get3A_813, %get3A_814] {strides = array<i32>} : memref<100x64xf32, #tpu.memory_space<vmem>>, vector<1x16xf32>,
      %get3A_816 = vector.shape_cast %get3A_815 : vector<1x16xf32> to vector<16xf32>
      %max3A_817 = arith.maximumf %max3A_811, %get3A_816 : vector<16xf32>
      %get3A_818 = arith.constant 28 : i32
      %get3A_819 = arith.index_cast %get3A_818 : i32 to index
      %get3A_820 = arith.constant 32 : index
      %get3A_821 = tpu.vector_load %arg6[%get3A_819, %get3A_820] {strides = array<i32>} : memref<100x64xf32, #tpu.memory_space<vmem>>, vector<1x16xf32>,
      %get3A_822 = vector.shape_cast %get3A_821 : vector<1x16xf32> to vector<16xf32>
      %max3A_823 = arith.maximumf %max3A_817, %get3A_822 : vector<16xf32>
      %get3A_824 = arith.constant 29 : i32
      %get3A_825 = arith.index_cast %get3A_824 : i32 to index
      %get3A_826 = arith.constant 32 : index
      %get3A_827 = tpu.vector_load %arg6[%get3A_825, %get3A_826] {strides = array<i32>} : memref<100x64xf32, #tpu.memory_space<vmem>>, vector<1x16xf32>,
      %get3A_828 = vector.shape_cast %get3A_827 : vector<1x16xf32> to vector<16xf32>
      %max3A_829 = arith.maximumf %max3A_823, %get3A_828 : vector<16xf32>
      %get3A_830 = arith.constant 30 : i32
      %get3A_831 = arith.index_cast %get3A_830 : i32 to index
      %get3A_832 = arith.constant 32 : index
      %get3A_833 = tpu.vector_load %arg6[%get3A_831, %get3A_832] {strides = array<i32>} : memref<100x64xf32, #tpu.memory_space<vmem>>, vector<1x16xf32>,
      %get3A_834 = vector.shape_cast %get3A_833 : vector<1x16xf32> to vector<16xf32>
      %max3A_835 = arith.maximumf %max3A_829, %get3A_834 : vector<16xf32>
      %get3A_836 = arith.constant 31 : i32
      %get3A_837 = arith.index_cast %get3A_836 : i32 to index
      %get3A_838 = arith.constant 32 : index
      %get3A_839 = tpu.vector_load %arg6[%get3A_837, %get3A_838] {strides = array<i32>} : memref<100x64xf32, #tpu.memory_space<vmem>>, vector<1x16xf32>,
      %get3A_840 = vector.shape_cast %get3A_839 : vector<1x16xf32> to vector<16xf32>
      %max3A_841 = arith.maximumf %max3A_835, %get3A_840 : vector<16xf32>
      %get3A_842 = arith.constant 32 : i32
      %get3A_843 = arith.index_cast %get3A_842 : i32 to index
      %get3A_844 = arith.constant 32 : index
      %get3A_845 = tpu.vector_load %arg6[%get3A_843, %get3A_844] {strides = array<i32>} : memref<100x64xf32, #tpu.memory_space<vmem>>, vector<1x16xf32>,
      %get3A_846 = vector.shape_cast %get3A_845 : vector<1x16xf32> to vector<16xf32>
      %max3A_847 = arith.maximumf %max3A_841, %get3A_846 : vector<16xf32>
      %get3A_848 = arith.constant 33 : i32
      %get3A_849 = arith.index_cast %get3A_848 : i32 to index
      %get3A_850 = arith.constant 32 : index
      %get3A_851 = tpu.vector_load %arg6[%get3A_849, %get3A_850] {strides = array<i32>} : memref<100x64xf32, #tpu.memory_space<vmem>>, vector<1x16xf32>,
      %get3A_852 = vector.shape_cast %get3A_851 : vector<1x16xf32> to vector<16xf32>
      %max3A_853 = arith.maximumf %max3A_847, %get3A_852 : vector<16xf32>
      %get3A_854 = arith.constant 34 : i32
      %get3A_855 = arith.index_cast %get3A_854 : i32 to index
      %get3A_856 = arith.constant 32 : index
      %get3A_857 = tpu.vector_load %arg6[%get3A_855, %get3A_856] {strides = array<i32>} : memref<100x64xf32, #tpu.memory_space<vmem>>, vector<1x16xf32>,
      %get3A_858 = vector.shape_cast %get3A_857 : vector<1x16xf32> to vector<16xf32>
      %max3A_859 = arith.maximumf %max3A_853, %get3A_858 : vector<16xf32>
      %get3A_860 = arith.constant 35 : i32
      %get3A_861 = arith.index_cast %get3A_860 : i32 to index
      %get3A_862 = arith.constant 32 : index
      %get3A_863 = tpu.vector_load %arg6[%get3A_861, %get3A_862] {strides = array<i32>} : memref<100x64xf32, #tpu.memory_space<vmem>>, vector<1x16xf32>,
      %get3A_864 = vector.shape_cast %get3A_863 : vector<1x16xf32> to vector<16xf32>
      %max3A_865 = arith.maximumf %max3A_859, %get3A_864 : vector<16xf32>
      %get3A_866 = arith.constant 36 : i32
      %get3A_867 = arith.index_cast %get3A_866 : i32 to index
      %get3A_868 = arith.constant 32 : index
      %get3A_869 = tpu.vector_load %arg6[%get3A_867, %get3A_868] {strides = array<i32>} : memref<100x64xf32, #tpu.memory_space<vmem>>, vector<1x16xf32>,
      %get3A_870 = vector.shape_cast %get3A_869 : vector<1x16xf32> to vector<16xf32>
      %max3A_871 = arith.maximumf %max3A_865, %get3A_870 : vector<16xf32>
      %get3A_872 = arith.constant 37 : i32
      %get3A_873 = arith.index_cast %get3A_872 : i32 to index
      %get3A_874 = arith.constant 32 : index
      %get3A_875 = tpu.vector_load %arg6[%get3A_873, %get3A_874] {strides = array<i32>} : memref<100x64xf32, #tpu.memory_space<vmem>>, vector<1x16xf32>,
      %get3A_876 = vector.shape_cast %get3A_875 : vector<1x16xf32> to vector<16xf32>
      %max3A_877 = arith.maximumf %max3A_871, %get3A_876 : vector<16xf32>
      %get3A_878 = arith.constant 38 : i32
      %get3A_879 = arith.index_cast %get3A_878 : i32 to index
      %get3A_880 = arith.constant 32 : index
      %get3A_881 = tpu.vector_load %arg6[%get3A_879, %get3A_880] {strides = array<i32>} : memref<100x64xf32, #tpu.memory_space<vmem>>, vector<1x16xf32>,
      %get3A_882 = vector.shape_cast %get3A_881 : vector<1x16xf32> to vector<16xf32>
      %max3A_883 = arith.maximumf %max3A_877, %get3A_882 : vector<16xf32>
      %get3A_884 = arith.constant 39 : i32
      %get3A_885 = arith.index_cast %get3A_884 : i32 to index
      %get3A_886 = arith.constant 32 : index
      %get3A_887 = tpu.vector_load %arg6[%get3A_885, %get3A_886] {strides = array<i32>} : memref<100x64xf32, #tpu.memory_space<vmem>>, vector<1x16xf32>,
      %get3A_888 = vector.shape_cast %get3A_887 : vector<1x16xf32> to vector<16xf32>
      %max3A_889 = arith.maximumf %max3A_883, %get3A_888 : vector<16xf32>
      %get3A_890 = arith.constant 40 : i32
      %get3A_891 = arith.index_cast %get3A_890 : i32 to index
      %get3A_892 = arith.constant 32 : index
      %get3A_893 = tpu.vector_load %arg6[%get3A_891, %get3A_892] {strides = array<i32>} : memref<100x64xf32, #tpu.memory_space<vmem>>, vector<1x16xf32>,
      %get3A_894 = vector.shape_cast %get3A_893 : vector<1x16xf32> to vector<16xf32>
      %max3A_895 = arith.maximumf %max3A_889, %get3A_894 : vector<16xf32>
      %get3A_896 = arith.constant 41 : i32
      %get3A_897 = arith.index_cast %get3A_896 : i32 to index
      %get3A_898 = arith.constant 32 : index
      %get3A_899 = tpu.vector_load %arg6[%get3A_897, %get3A_898] {strides = array<i32>} : memref<100x64xf32, #tpu.memory_space<vmem>>, vector<1x16xf32>,
      %get3A_900 = vector.shape_cast %get3A_899 : vector<1x16xf32> to vector<16xf32>
      %max3A_901 = arith.maximumf %max3A_895, %get3A_900 : vector<16xf32>
      %get3A_902 = arith.constant 42 : i32
      %get3A_903 = arith.index_cast %get3A_902 : i32 to index
      %get3A_904 = arith.constant 32 : index
      %get3A_905 = tpu.vector_load %arg6[%get3A_903, %get3A_904] {strides = array<i32>} : memref<100x64xf32, #tpu.memory_space<vmem>>, vector<1x16xf32>,
      %get3A_906 = vector.shape_cast %get3A_905 : vector<1x16xf32> to vector<16xf32>
      %max3A_907 = arith.maximumf %max3A_901, %get3A_906 : vector<16xf32>
      %get3A_908 = arith.constant 43 : i32
      %get3A_909 = arith.index_cast %get3A_908 : i32 to index
      %get3A_910 = arith.constant 32 : index
      %get3A_911 = tpu.vector_load %arg6[%get3A_909, %get3A_910] {strides = array<i32>} : memref<100x64xf32, #tpu.memory_space<vmem>>, vector<1x16xf32>,
      %get3A_912 = vector.shape_cast %get3A_911 : vector<1x16xf32> to vector<16xf32>
      %max3A_913 = arith.maximumf %max3A_907, %get3A_912 : vector<16xf32>
      %get3A_914 = arith.constant 44 : i32
      %get3A_915 = arith.index_cast %get3A_914 : i32 to index
      %get3A_916 = arith.constant 32 : index
      %get3A_917 = tpu.vector_load %arg6[%get3A_915, %get3A_916] {strides = array<i32>} : memref<100x64xf32, #tpu.memory_space<vmem>>, vector<1x16xf32>,
      %get3A_918 = vector.shape_cast %get3A_917 : vector<1x16xf32> to vector<16xf32>
      %max3A_919 = arith.maximumf %max3A_913, %get3A_918 : vector<16xf32>
      %get3A_920 = arith.constant 45 : i32
      %get3A_921 = arith.index_cast %get3A_920 : i32 to index
      %get3A_922 = arith.constant 32 : index
      %get3A_923 = tpu.vector_load %arg6[%get3A_921, %get3A_922] {strides = array<i32>} : memref<100x64xf32, #tpu.memory_space<vmem>>, vector<1x16xf32>,
      %get3A_924 = vector.shape_cast %get3A_923 : vector<1x16xf32> to vector<16xf32>
      %max3A_925 = arith.maximumf %max3A_919, %get3A_924 : vector<16xf32>
      %get3A_926 = arith.constant 46 : i32
      %get3A_927 = arith.index_cast %get3A_926 : i32 to index
      %get3A_928 = arith.constant 32 : index
      %get3A_929 = tpu.vector_load %arg6[%get3A_927, %get3A_928] {strides = array<i32>} : memref<100x64xf32, #tpu.memory_space<vmem>>, vector<1x16xf32>,
      %get3A_930 = vector.shape_cast %get3A_929 : vector<1x16xf32> to vector<16xf32>
      %max3A_931 = arith.maximumf %max3A_925, %get3A_930 : vector<16xf32>
      %get3A_932 = arith.constant 47 : i32
      %get3A_933 = arith.index_cast %get3A_932 : i32 to index
      %get3A_934 = arith.constant 32 : index
      %get3A_935 = tpu.vector_load %arg6[%get3A_933, %get3A_934] {strides = array<i32>} : memref<100x64xf32, #tpu.memory_space<vmem>>, vector<1x16xf32>,
      %get3A_936 = vector.shape_cast %get3A_935 : vector<1x16xf32> to vector<16xf32>
      %max3A_937 = arith.maximumf %max3A_931, %get3A_936 : vector<16xf32>
      %get3A_938 = arith.constant 48 : i32
      %get3A_939 = arith.index_cast %get3A_938 : i32 to index
      %get3A_940 = arith.constant 32 : index
      %get3A_941 = tpu.vector_load %arg6[%get3A_939, %get3A_940] {strides = array<i32>} : memref<100x64xf32, #tpu.memory_space<vmem>>, vector<1x16xf32>,
      %get3A_942 = vector.shape_cast %get3A_941 : vector<1x16xf32> to vector<16xf32>
      %max3A_943 = arith.maximumf %max3A_937, %get3A_942 : vector<16xf32>
      %get3A_944 = arith.constant 49 : i32
      %get3A_945 = arith.index_cast %get3A_944 : i32 to index
      %get3A_946 = arith.constant 32 : index
      %get3A_947 = tpu.vector_load %arg6[%get3A_945, %get3A_946] {strides = array<i32>} : memref<100x64xf32, #tpu.memory_space<vmem>>, vector<1x16xf32>,
      %get3A_948 = vector.shape_cast %get3A_947 : vector<1x16xf32> to vector<16xf32>
      %max3A_949 = arith.maximumf %max3A_943, %get3A_948 : vector<16xf32>
      %mul3A_950 = arith.constant 2 : i32
      %mul3A_951 = arith.muli %add3A_24, %mul3A_950 : i32
      %add3A_952 = arith.constant 0 : i32
      %add3A_953 = arith.addi %mul3A_951, %add3A_952 : i32
      %swap3A_954 = arith.index_cast %add3A_953 : i32 to index
      %swap3A_955 = arith.constant 32 : index
      %swap3A_956 = tpu.vector_load %arg8[%swap3A_954, %swap3A_955] {strides = array<i32>} : memref<512x64xf32, #tpu.memory_space<vmem>>, vector<1x16xf32>,
      %swap3A_957 = vector.shape_cast %swap3A_956 : vector<1x16xf32> to vector<16xf32>
      %swap3A_958 = vector.shape_cast %max3A_949 : vector<16xf32> to vector<1x16xf32>
      tpu.vector_store %arg8[%swap3A_954, %swap3A_955], %swap3A_958 {strides = array<i32>} : memref<512x64xf32, #tpu.memory_space<vmem>>, vector<1x16xf32>,
      %broadcast_in_dim3A_959 = arith.constant 0.000000e+00 : f32
      %broadcast_in_dim3A_960 = vector.broadcast %broadcast_in_dim3A_959 : f32 to vector<16xf32>
      %get3A_961 = arith.constant 0 : i32
      %get3A_962 = arith.index_cast %get3A_961 : i32 to index
      %get3A_963 = arith.constant 48 : index
      %get3A_964 = tpu.vector_load %arg6[%get3A_962, %get3A_963] {strides = array<i32>} : memref<100x64xf32, #tpu.memory_space<vmem>>, vector<1x16xf32>,
      %get3A_965 = vector.shape_cast %get3A_964 : vector<1x16xf32> to vector<16xf32>
      %max3A_966 = arith.maximumf %broadcast_in_dim3A_960, %get3A_965 : vector<16xf32>
      %get3A_967 = arith.constant 1 : i32
      %get3A_968 = arith.index_cast %get3A_967 : i32 to index
      %get3A_969 = arith.constant 48 : index
      %get3A_970 = tpu.vector_load %arg6[%get3A_968, %get3A_969] {strides = array<i32>} : memref<100x64xf32, #tpu.memory_space<vmem>>, vector<1x16xf32>,
      %get3A_971 = vector.shape_cast %get3A_970 : vector<1x16xf32> to vector<16xf32>
      %max3A_972 = arith.maximumf %max3A_966, %get3A_971 : vector<16xf32>
      %get3A_973 = arith.constant 2 : i32
      %get3A_974 = arith.index_cast %get3A_973 : i32 to index
      %get3A_975 = arith.constant 48 : index
      %get3A_976 = tpu.vector_load %arg6[%get3A_974, %get3A_975] {strides = array<i32>} : memref<100x64xf32, #tpu.memory_space<vmem>>, vector<1x16xf32>,
      %get3A_977 = vector.shape_cast %get3A_976 : vector<1x16xf32> to vector<16xf32>
      %max3A_978 = arith.maximumf %max3A_972, %get3A_977 : vector<16xf32>
      %get3A_979 = arith.constant 3 : i32
      %get3A_980 = arith.index_cast %get3A_979 : i32 to index
      %get3A_981 = arith.constant 48 : index
      %get3A_982 = tpu.vector_load %arg6[%get3A_980, %get3A_981] {strides = array<i32>} : memref<100x64xf32, #tpu.memory_space<vmem>>, vector<1x16xf32>,
      %get3A_983 = vector.shape_cast %get3A_982 : vector<1x16xf32> to vector<16xf32>
      %max3A_984 = arith.maximumf %max3A_978, %get3A_983 : vector<16xf32>
      %get3A_985 = arith.constant 4 : i32
      %get3A_986 = arith.index_cast %get3A_985 : i32 to index
      %get3A_987 = arith.constant 48 : index
      %get3A_988 = tpu.vector_load %arg6[%get3A_986, %get3A_987] {strides = array<i32>} : memref<100x64xf32, #tpu.memory_space<vmem>>, vector<1x16xf32>,
      %get3A_989 = vector.shape_cast %get3A_988 : vector<1x16xf32> to vector<16xf32>
      %max3A_990 = arith.maximumf %max3A_984, %get3A_989 : vector<16xf32>
      %get3A_991 = arith.constant 5 : i32
      %get3A_992 = arith.index_cast %get3A_991 : i32 to index
      %get3A_993 = arith.constant 48 : index
      %get3A_994 = tpu.vector_load %arg6[%get3A_992, %get3A_993] {strides = array<i32>} : memref<100x64xf32, #tpu.memory_space<vmem>>, vector<1x16xf32>,
      %get3A_995 = vector.shape_cast %get3A_994 : vector<1x16xf32> to vector<16xf32>
      %max3A_996 = arith.maximumf %max3A_990, %get3A_995 : vector<16xf32>
      %get3A_997 = arith.constant 6 : i32
      %get3A_998 = arith.index_cast %get3A_997 : i32 to index
      %get3A_999 = arith.constant 48 : index
      %get3A_1000 = tpu.vector_load %arg6[%get3A_998, %get3A_999] {strides = array<i32>} : memref<100x64xf32, #tpu.memory_space<vmem>>, vector<1x16xf32>,
      %get3A_1001 = vector.shape_cast %get3A_1000 : vector<1x16xf32> to vector<16xf32>
      %max3A_1002 = arith.maximumf %max3A_996, %get3A_1001 : vector<16xf32>
      %get3A_1003 = arith.constant 7 : i32
      %get3A_1004 = arith.index_cast %get3A_1003 : i32 to index
      %get3A_1005 = arith.constant 48 : index
      %get3A_1006 = tpu.vector_load %arg6[%get3A_1004, %get3A_1005] {strides = array<i32>} : memref<100x64xf32, #tpu.memory_space<vmem>>, vector<1x16xf32>,
      %get3A_1007 = vector.shape_cast %get3A_1006 : vector<1x16xf32> to vector<16xf32>
      %max3A_1008 = arith.maximumf %max3A_1002, %get3A_1007 : vector<16xf32>
      %get3A_1009 = arith.constant 8 : i32
      %get3A_1010 = arith.index_cast %get3A_1009 : i32 to index
      %get3A_1011 = arith.constant 48 : index
      %get3A_1012 = tpu.vector_load %arg6[%get3A_1010, %get3A_1011] {strides = array<i32>} : memref<100x64xf32, #tpu.memory_space<vmem>>, vector<1x16xf32>,
      %get3A_1013 = vector.shape_cast %get3A_1012 : vector<1x16xf32> to vector<16xf32>
      %max3A_1014 = arith.maximumf %max3A_1008, %get3A_1013 : vector<16xf32>
      %get3A_1015 = arith.constant 9 : i32
      %get3A_1016 = arith.index_cast %get3A_1015 : i32 to index
      %get3A_1017 = arith.constant 48 : index
      %get3A_1018 = tpu.vector_load %arg6[%get3A_1016, %get3A_1017] {strides = array<i32>} : memref<100x64xf32, #tpu.memory_space<vmem>>, vector<1x16xf32>,
      %get3A_1019 = vector.shape_cast %get3A_1018 : vector<1x16xf32> to vector<16xf32>
      %max3A_1020 = arith.maximumf %max3A_1014, %get3A_1019 : vector<16xf32>
      %get3A_1021 = arith.constant 10 : i32
      %get3A_1022 = arith.index_cast %get3A_1021 : i32 to index
      %get3A_1023 = arith.constant 48 : index
      %get3A_1024 = tpu.vector_load %arg6[%get3A_1022, %get3A_1023] {strides = array<i32>} : memref<100x64xf32, #tpu.memory_space<vmem>>, vector<1x16xf32>,
      %get3A_1025 = vector.shape_cast %get3A_1024 : vector<1x16xf32> to vector<16xf32>
      %max3A_1026 = arith.maximumf %max3A_1020, %get3A_1025 : vector<16xf32>
      %get3A_1027 = arith.constant 11 : i32
      %get3A_1028 = arith.index_cast %get3A_1027 : i32 to index
      %get3A_1029 = arith.constant 48 : index
      %get3A_1030 = tpu.vector_load %arg6[%get3A_1028, %get3A_1029] {strides = array<i32>} : memref<100x64xf32, #tpu.memory_space<vmem>>, vector<1x16xf32>,
      %get3A_1031 = vector.shape_cast %get3A_1030 : vector<1x16xf32> to vector<16xf32>
      %max3A_1032 = arith.maximumf %max3A_1026, %get3A_1031 : vector<16xf32>
      %get3A_1033 = arith.constant 12 : i32
      %get3A_1034 = arith.index_cast %get3A_1033 : i32 to index
      %get3A_1035 = arith.constant 48 : index
      %get3A_1036 = tpu.vector_load %arg6[%get3A_1034, %get3A_1035] {strides = array<i32>} : memref<100x64xf32, #tpu.memory_space<vmem>>, vector<1x16xf32>,
      %get3A_1037 = vector.shape_cast %get3A_1036 : vector<1x16xf32> to vector<16xf32>
      %max3A_1038 = arith.maximumf %max3A_1032, %get3A_1037 : vector<16xf32>
      %get3A_1039 = arith.constant 13 : i32
      %get3A_1040 = arith.index_cast %get3A_1039 : i32 to index
      %get3A_1041 = arith.constant 48 : index
      %get3A_1042 = tpu.vector_load %arg6[%get3A_1040, %get3A_1041] {strides = array<i32>} : memref<100x64xf32, #tpu.memory_space<vmem>>, vector<1x16xf32>,
      %get3A_1043 = vector.shape_cast %get3A_1042 : vector<1x16xf32> to vector<16xf32>
      %max3A_1044 = arith.maximumf %max3A_1038, %get3A_1043 : vector<16xf32>
      %get3A_1045 = arith.constant 14 : i32
      %get3A_1046 = arith.index_cast %get3A_1045 : i32 to index
      %get3A_1047 = arith.constant 48 : index
      %get3A_1048 = tpu.vector_load %arg6[%get3A_1046, %get3A_1047] {strides = array<i32>} : memref<100x64xf32, #tpu.memory_space<vmem>>, vector<1x16xf32>,
      %get3A_1049 = vector.shape_cast %get3A_1048 : vector<1x16xf32> to vector<16xf32>
      %max3A_1050 = arith.maximumf %max3A_1044, %get3A_1049 : vector<16xf32>
      %get3A_1051 = arith.constant 15 : i32
      %get3A_1052 = arith.index_cast %get3A_1051 : i32 to index
      %get3A_1053 = arith.constant 48 : index
      %get3A_1054 = tpu.vector_load %arg6[%get3A_1052, %get3A_1053] {strides = array<i32>} : memref<100x64xf32, #tpu.memory_space<vmem>>, vector<1x16xf32>,
      %get3A_1055 = vector.shape_cast %get3A_1054 : vector<1x16xf32> to vector<16xf32>
      %max3A_1056 = arith.maximumf %max3A_1050, %get3A_1055 : vector<16xf32>
      %get3A_1057 = arith.constant 16 : i32
      %get3A_1058 = arith.index_cast %get3A_1057 : i32 to index
      %get3A_1059 = arith.constant 48 : index
      %get3A_1060 = tpu.vector_load %arg6[%get3A_1058, %get3A_1059] {strides = array<i32>} : memref<100x64xf32, #tpu.memory_space<vmem>>, vector<1x16xf32>,
      %get3A_1061 = vector.shape_cast %get3A_1060 : vector<1x16xf32> to vector<16xf32>
      %max3A_1062 = arith.maximumf %max3A_1056, %get3A_1061 : vector<16xf32>
      %get3A_1063 = arith.constant 17 : i32
      %get3A_1064 = arith.index_cast %get3A_1063 : i32 to index
      %get3A_1065 = arith.constant 48 : index
      %get3A_1066 = tpu.vector_load %arg6[%get3A_1064, %get3A_1065] {strides = array<i32>} : memref<100x64xf32, #tpu.memory_space<vmem>>, vector<1x16xf32>,
      %get3A_1067 = vector.shape_cast %get3A_1066 : vector<1x16xf32> to vector<16xf32>
      %max3A_1068 = arith.maximumf %max3A_1062, %get3A_1067 : vector<16xf32>
      %get3A_1069 = arith.constant 18 : i32
      %get3A_1070 = arith.index_cast %get3A_1069 : i32 to index
      %get3A_1071 = arith.constant 48 : index
      %get3A_1072 = tpu.vector_load %arg6[%get3A_1070, %get3A_1071] {strides = array<i32>} : memref<100x64xf32, #tpu.memory_space<vmem>>, vector<1x16xf32>,
      %get3A_1073 = vector.shape_cast %get3A_1072 : vector<1x16xf32> to vector<16xf32>
      %max3A_1074 = arith.maximumf %max3A_1068, %get3A_1073 : vector<16xf32>
      %get3A_1075 = arith.constant 19 : i32
      %get3A_1076 = arith.index_cast %get3A_1075 : i32 to index
      %get3A_1077 = arith.constant 48 : index
      %get3A_1078 = tpu.vector_load %arg6[%get3A_1076, %get3A_1077] {strides = array<i32>} : memref<100x64xf32, #tpu.memory_space<vmem>>, vector<1x16xf32>,
      %get3A_1079 = vector.shape_cast %get3A_1078 : vector<1x16xf32> to vector<16xf32>
      %max3A_1080 = arith.maximumf %max3A_1074, %get3A_1079 : vector<16xf32>
      %get3A_1081 = arith.constant 20 : i32
      %get3A_1082 = arith.index_cast %get3A_1081 : i32 to index
      %get3A_1083 = arith.constant 48 : index
      %get3A_1084 = tpu.vector_load %arg6[%get3A_1082, %get3A_1083] {strides = array<i32>} : memref<100x64xf32, #tpu.memory_space<vmem>>, vector<1x16xf32>,
      %get3A_1085 = vector.shape_cast %get3A_1084 : vector<1x16xf32> to vector<16xf32>
      %max3A_1086 = arith.maximumf %max3A_1080, %get3A_1085 : vector<16xf32>
      %get3A_1087 = arith.constant 21 : i32
      %get3A_1088 = arith.index_cast %get3A_1087 : i32 to index
      %get3A_1089 = arith.constant 48 : index
      %get3A_1090 = tpu.vector_load %arg6[%get3A_1088, %get3A_1089] {strides = array<i32>} : memref<100x64xf32, #tpu.memory_space<vmem>>, vector<1x16xf32>,
      %get3A_1091 = vector.shape_cast %get3A_1090 : vector<1x16xf32> to vector<16xf32>
      %max3A_1092 = arith.maximumf %max3A_1086, %get3A_1091 : vector<16xf32>
      %get3A_1093 = arith.constant 22 : i32
      %get3A_1094 = arith.index_cast %get3A_1093 : i32 to index
      %get3A_1095 = arith.constant 48 : index
      %get3A_1096 = tpu.vector_load %arg6[%get3A_1094, %get3A_1095] {strides = array<i32>} : memref<100x64xf32, #tpu.memory_space<vmem>>, vector<1x16xf32>,
      %get3A_1097 = vector.shape_cast %get3A_1096 : vector<1x16xf32> to vector<16xf32>
      %max3A_1098 = arith.maximumf %max3A_1092, %get3A_1097 : vector<16xf32>
      %get3A_1099 = arith.constant 23 : i32
      %get3A_1100 = arith.index_cast %get3A_1099 : i32 to index
      %get3A_1101 = arith.constant 48 : index
      %get3A_1102 = tpu.vector_load %arg6[%get3A_1100, %get3A_1101] {strides = array<i32>} : memref<100x64xf32, #tpu.memory_space<vmem>>, vector<1x16xf32>,
      %get3A_1103 = vector.shape_cast %get3A_1102 : vector<1x16xf32> to vector<16xf32>
      %max3A_1104 = arith.maximumf %max3A_1098, %get3A_1103 : vector<16xf32>
      %get3A_1105 = arith.constant 24 : i32
      %get3A_1106 = arith.index_cast %get3A_1105 : i32 to index
      %get3A_1107 = arith.constant 48 : index
      %get3A_1108 = tpu.vector_load %arg6[%get3A_1106, %get3A_1107] {strides = array<i32>} : memref<100x64xf32, #tpu.memory_space<vmem>>, vector<1x16xf32>,
      %get3A_1109 = vector.shape_cast %get3A_1108 : vector<1x16xf32> to vector<16xf32>
      %max3A_1110 = arith.maximumf %max3A_1104, %get3A_1109 : vector<16xf32>
      %get3A_1111 = arith.constant 25 : i32
      %get3A_1112 = arith.index_cast %get3A_1111 : i32 to index
      %get3A_1113 = arith.constant 48 : index
      %get3A_1114 = tpu.vector_load %arg6[%get3A_1112, %get3A_1113] {strides = array<i32>} : memref<100x64xf32, #tpu.memory_space<vmem>>, vector<1x16xf32>,
      %get3A_1115 = vector.shape_cast %get3A_1114 : vector<1x16xf32> to vector<16xf32>
      %max3A_1116 = arith.maximumf %max3A_1110, %get3A_1115 : vector<16xf32>
      %get3A_1117 = arith.constant 26 : i32
      %get3A_1118 = arith.index_cast %get3A_1117 : i32 to index
      %get3A_1119 = arith.constant 48 : index
      %get3A_1120 = tpu.vector_load %arg6[%get3A_1118, %get3A_1119] {strides = array<i32>} : memref<100x64xf32, #tpu.memory_space<vmem>>, vector<1x16xf32>,
      %get3A_1121 = vector.shape_cast %get3A_1120 : vector<1x16xf32> to vector<16xf32>
      %max3A_1122 = arith.maximumf %max3A_1116, %get3A_1121 : vector<16xf32>
      %get3A_1123 = arith.constant 27 : i32
      %get3A_1124 = arith.index_cast %get3A_1123 : i32 to index
      %get3A_1125 = arith.constant 48 : index
      %get3A_1126 = tpu.vector_load %arg6[%get3A_1124, %get3A_1125] {strides = array<i32>} : memref<100x64xf32, #tpu.memory_space<vmem>>, vector<1x16xf32>,
      %get3A_1127 = vector.shape_cast %get3A_1126 : vector<1x16xf32> to vector<16xf32>
      %max3A_1128 = arith.maximumf %max3A_1122, %get3A_1127 : vector<16xf32>
      %get3A_1129 = arith.constant 28 : i32
      %get3A_1130 = arith.index_cast %get3A_1129 : i32 to index
      %get3A_1131 = arith.constant 48 : index
      %get3A_1132 = tpu.vector_load %arg6[%get3A_1130, %get3A_1131] {strides = array<i32>} : memref<100x64xf32, #tpu.memory_space<vmem>>, vector<1x16xf32>,
      %get3A_1133 = vector.shape_cast %get3A_1132 : vector<1x16xf32> to vector<16xf32>
      %max3A_1134 = arith.maximumf %max3A_1128, %get3A_1133 : vector<16xf32>
      %get3A_1135 = arith.constant 29 : i32
      %get3A_1136 = arith.index_cast %get3A_1135 : i32 to index
      %get3A_1137 = arith.constant 48 : index
      %get3A_1138 = tpu.vector_load %arg6[%get3A_1136, %get3A_1137] {strides = array<i32>} : memref<100x64xf32, #tpu.memory_space<vmem>>, vector<1x16xf32>,
      %get3A_1139 = vector.shape_cast %get3A_1138 : vector<1x16xf32> to vector<16xf32>
      %max3A_1140 = arith.maximumf %max3A_1134, %get3A_1139 : vector<16xf32>
      %get3A_1141 = arith.constant 30 : i32
      %get3A_1142 = arith.index_cast %get3A_1141 : i32 to index
      %get3A_1143 = arith.constant 48 : index
      %get3A_1144 = tpu.vector_load %arg6[%get3A_1142, %get3A_1143] {strides = array<i32>} : memref<100x64xf32, #tpu.memory_space<vmem>>, vector<1x16xf32>,
      %get3A_1145 = vector.shape_cast %get3A_1144 : vector<1x16xf32> to vector<16xf32>
      %max3A_1146 = arith.maximumf %max3A_1140, %get3A_1145 : vector<16xf32>
      %get3A_1147 = arith.constant 31 : i32
      %get3A_1148 = arith.index_cast %get3A_1147 : i32 to index
      %get3A_1149 = arith.constant 48 : index
      %get3A_1150 = tpu.vector_load %arg6[%get3A_1148, %get3A_1149] {strides = array<i32>} : memref<100x64xf32, #tpu.memory_space<vmem>>, vector<1x16xf32>,
      %get3A_1151 = vector.shape_cast %get3A_1150 : vector<1x16xf32> to vector<16xf32>
      %max3A_1152 = arith.maximumf %max3A_1146, %get3A_1151 : vector<16xf32>
      %get3A_1153 = arith.constant 32 : i32
      %get3A_1154 = arith.index_cast %get3A_1153 : i32 to index
      %get3A_1155 = arith.constant 48 : index
      %get3A_1156 = tpu.vector_load %arg6[%get3A_1154, %get3A_1155] {strides = array<i32>} : memref<100x64xf32, #tpu.memory_space<vmem>>, vector<1x16xf32>,
      %get3A_1157 = vector.shape_cast %get3A_1156 : vector<1x16xf32> to vector<16xf32>
      %max3A_1158 = arith.maximumf %max3A_1152, %get3A_1157 : vector<16xf32>
      %get3A_1159 = arith.constant 33 : i32
      %get3A_1160 = arith.index_cast %get3A_1159 : i32 to index
      %get3A_1161 = arith.constant 48 : index
      %get3A_1162 = tpu.vector_load %arg6[%get3A_1160, %get3A_1161] {strides = array<i32>} : memref<100x64xf32, #tpu.memory_space<vmem>>, vector<1x16xf32>,
      %get3A_1163 = vector.shape_cast %get3A_1162 : vector<1x16xf32> to vector<16xf32>
      %max3A_1164 = arith.maximumf %max3A_1158, %get3A_1163 : vector<16xf32>
      %get3A_1165 = arith.constant 34 : i32
      %get3A_1166 = arith.index_cast %get3A_1165 : i32 to index
      %get3A_1167 = arith.constant 48 : index
      %get3A_1168 = tpu.vector_load %arg6[%get3A_1166, %get3A_1167] {strides = array<i32>} : memref<100x64xf32, #tpu.memory_space<vmem>>, vector<1x16xf32>,
      %get3A_1169 = vector.shape_cast %get3A_1168 : vector<1x16xf32> to vector<16xf32>
      %max3A_1170 = arith.maximumf %max3A_1164, %get3A_1169 : vector<16xf32>
      %get3A_1171 = arith.constant 35 : i32
      %get3A_1172 = arith.index_cast %get3A_1171 : i32 to index
      %get3A_1173 = arith.constant 48 : index
      %get3A_1174 = tpu.vector_load %arg6[%get3A_1172, %get3A_1173] {strides = array<i32>} : memref<100x64xf32, #tpu.memory_space<vmem>>, vector<1x16xf32>,
      %get3A_1175 = vector.shape_cast %get3A_1174 : vector<1x16xf32> to vector<16xf32>
      %max3A_1176 = arith.maximumf %max3A_1170, %get3A_1175 : vector<16xf32>
      %get3A_1177 = arith.constant 36 : i32
      %get3A_1178 = arith.index_cast %get3A_1177 : i32 to index
      %get3A_1179 = arith.constant 48 : index
      %get3A_1180 = tpu.vector_load %arg6[%get3A_1178, %get3A_1179] {strides = array<i32>} : memref<100x64xf32, #tpu.memory_space<vmem>>, vector<1x16xf32>,
      %get3A_1181 = vector.shape_cast %get3A_1180 : vector<1x16xf32> to vector<16xf32>
      %max3A_1182 = arith.maximumf %max3A_1176, %get3A_1181 : vector<16xf32>
      %get3A_1183 = arith.constant 37 : i32
      %get3A_1184 = arith.index_cast %get3A_1183 : i32 to index
      %get3A_1185 = arith.constant 48 : index
      %get3A_1186 = tpu.vector_load %arg6[%get3A_1184, %get3A_1185] {strides = array<i32>} : memref<100x64xf32, #tpu.memory_space<vmem>>, vector<1x16xf32>,
      %get3A_1187 = vector.shape_cast %get3A_1186 : vector<1x16xf32> to vector<16xf32>
      %max3A_1188 = arith.maximumf %max3A_1182, %get3A_1187 : vector<16xf32>
      %get3A_1189 = arith.constant 38 : i32
      %get3A_1190 = arith.index_cast %get3A_1189 : i32 to index
      %get3A_1191 = arith.constant 48 : index
      %get3A_1192 = tpu.vector_load %arg6[%get3A_1190, %get3A_1191] {strides = array<i32>} : memref<100x64xf32, #tpu.memory_space<vmem>>, vector<1x16xf32>,
      %get3A_1193 = vector.shape_cast %get3A_1192 : vector<1x16xf32> to vector<16xf32>
      %max3A_1194 = arith.maximumf %max3A_1188, %get3A_1193 : vector<16xf32>
      %get3A_1195 = arith.constant 39 : i32
      %get3A_1196 = arith.index_cast %get3A_1195 : i32 to index
      %get3A_1197 = arith.constant 48 : index
      %get3A_1198 = tpu.vector_load %arg6[%get3A_1196, %get3A_1197] {strides = array<i32>} : memref<100x64xf32, #tpu.memory_space<vmem>>, vector<1x16xf32>,
      %get3A_1199 = vector.shape_cast %get3A_1198 : vector<1x16xf32> to vector<16xf32>
      %max3A_1200 = arith.maximumf %max3A_1194, %get3A_1199 : vector<16xf32>
      %get3A_1201 = arith.constant 40 : i32
      %get3A_1202 = arith.index_cast %get3A_1201 : i32 to index
      %get3A_1203 = arith.constant 48 : index
      %get3A_1204 = tpu.vector_load %arg6[%get3A_1202, %get3A_1203] {strides = array<i32>} : memref<100x64xf32, #tpu.memory_space<vmem>>, vector<1x16xf32>,
      %get3A_1205 = vector.shape_cast %get3A_1204 : vector<1x16xf32> to vector<16xf32>
      %max3A_1206 = arith.maximumf %max3A_1200, %get3A_1205 : vector<16xf32>
      %get3A_1207 = arith.constant 41 : i32
      %get3A_1208 = arith.index_cast %get3A_1207 : i32 to index
      %get3A_1209 = arith.constant 48 : index
      %get3A_1210 = tpu.vector_load %arg6[%get3A_1208, %get3A_1209] {strides = array<i32>} : memref<100x64xf32, #tpu.memory_space<vmem>>, vector<1x16xf32>,
      %get3A_1211 = vector.shape_cast %get3A_1210 : vector<1x16xf32> to vector<16xf32>
      %max3A_1212 = arith.maximumf %max3A_1206, %get3A_1211 : vector<16xf32>
      %get3A_1213 = arith.constant 42 : i32
      %get3A_1214 = arith.index_cast %get3A_1213 : i32 to index
      %get3A_1215 = arith.constant 48 : index
      %get3A_1216 = tpu.vector_load %arg6[%get3A_1214, %get3A_1215] {strides = array<i32>} : memref<100x64xf32, #tpu.memory_space<vmem>>, vector<1x16xf32>,
      %get3A_1217 = vector.shape_cast %get3A_1216 : vector<1x16xf32> to vector<16xf32>
      %max3A_1218 = arith.maximumf %max3A_1212, %get3A_1217 : vector<16xf32>
      %get3A_1219 = arith.constant 43 : i32
      %get3A_1220 = arith.index_cast %get3A_1219 : i32 to index
      %get3A_1221 = arith.constant 48 : index
      %get3A_1222 = tpu.vector_load %arg6[%get3A_1220, %get3A_1221] {strides = array<i32>} : memref<100x64xf32, #tpu.memory_space<vmem>>, vector<1x16xf32>,
      %get3A_1223 = vector.shape_cast %get3A_1222 : vector<1x16xf32> to vector<16xf32>
      %max3A_1224 = arith.maximumf %max3A_1218, %get3A_1223 : vector<16xf32>
      %get3A_1225 = arith.constant 44 : i32
      %get3A_1226 = arith.index_cast %get3A_1225 : i32 to index
      %get3A_1227 = arith.constant 48 : index
      %get3A_1228 = tpu.vector_load %arg6[%get3A_1226, %get3A_1227] {strides = array<i32>} : memref<100x64xf32, #tpu.memory_space<vmem>>, vector<1x16xf32>,
      %get3A_1229 = vector.shape_cast %get3A_1228 : vector<1x16xf32> to vector<16xf32>
      %max3A_1230 = arith.maximumf %max3A_1224, %get3A_1229 : vector<16xf32>
      %get3A_1231 = arith.constant 45 : i32
      %get3A_1232 = arith.index_cast %get3A_1231 : i32 to index
      %get3A_1233 = arith.constant 48 : index
      %get3A_1234 = tpu.vector_load %arg6[%get3A_1232, %get3A_1233] {strides = array<i32>} : memref<100x64xf32, #tpu.memory_space<vmem>>, vector<1x16xf32>,
      %get3A_1235 = vector.shape_cast %get3A_1234 : vector<1x16xf32> to vector<16xf32>
      %max3A_1236 = arith.maximumf %max3A_1230, %get3A_1235 : vector<16xf32>
      %get3A_1237 = arith.constant 46 : i32
      %get3A_1238 = arith.index_cast %get3A_1237 : i32 to index
      %get3A_1239 = arith.constant 48 : index
      %get3A_1240 = tpu.vector_load %arg6[%get3A_1238, %get3A_1239] {strides = array<i32>} : memref<100x64xf32, #tpu.memory_space<vmem>>, vector<1x16xf32>,
      %get3A_1241 = vector.shape_cast %get3A_1240 : vector<1x16xf32> to vector<16xf32>
      %max3A_1242 = arith.maximumf %max3A_1236, %get3A_1241 : vector<16xf32>
      %get3A_1243 = arith.constant 47 : i32
      %get3A_1244 = arith.index_cast %get3A_1243 : i32 to index
      %get3A_1245 = arith.constant 48 : index
      %get3A_1246 = tpu.vector_load %arg6[%get3A_1244, %get3A_1245] {strides = array<i32>} : memref<100x64xf32, #tpu.memory_space<vmem>>, vector<1x16xf32>,
      %get3A_1247 = vector.shape_cast %get3A_1246 : vector<1x16xf32> to vector<16xf32>
      %max3A_1248 = arith.maximumf %max3A_1242, %get3A_1247 : vector<16xf32>
      %get3A_1249 = arith.constant 48 : i32
      %get3A_1250 = arith.index_cast %get3A_1249 : i32 to index
      %get3A_1251 = arith.constant 48 : index
      %get3A_1252 = tpu.vector_load %arg6[%get3A_1250, %get3A_1251] {strides = array<i32>} : memref<100x64xf32, #tpu.memory_space<vmem>>, vector<1x16xf32>,
      %get3A_1253 = vector.shape_cast %get3A_1252 : vector<1x16xf32> to vector<16xf32>
      %max3A_1254 = arith.maximumf %max3A_1248, %get3A_1253 : vector<16xf32>
      %get3A_1255 = arith.constant 49 : i32
      %get3A_1256 = arith.index_cast %get3A_1255 : i32 to index
      %get3A_1257 = arith.constant 48 : index
      %get3A_1258 = tpu.vector_load %arg6[%get3A_1256, %get3A_1257] {strides = array<i32>} : memref<100x64xf32, #tpu.memory_space<vmem>>, vector<1x16xf32>,
      %get3A_1259 = vector.shape_cast %get3A_1258 : vector<1x16xf32> to vector<16xf32>
      %max3A_1260 = arith.maximumf %max3A_1254, %get3A_1259 : vector<16xf32>
      %mul3A_1261 = arith.constant 2 : i32
      %mul3A_1262 = arith.muli %add3A_24, %mul3A_1261 : i32
      %add3A_1263 = arith.constant 0 : i32
      %add3A_1264 = arith.addi %mul3A_1262, %add3A_1263 : i32
      %swap3A_1265 = arith.index_cast %add3A_1264 : i32 to index
      %swap3A_1266 = arith.constant 48 : index
      %swap3A_1267 = tpu.vector_load %arg8[%swap3A_1265, %swap3A_1266] {strides = array<i32>} : memref<512x64xf32, #tpu.memory_space<vmem>>, vector<1x16xf32>,
      %swap3A_1268 = vector.shape_cast %swap3A_1267 : vector<1x16xf32> to vector<16xf32>
      %swap3A_1269 = vector.shape_cast %max3A_1260 : vector<16xf32> to vector<1x16xf32>
      tpu.vector_store %arg8[%swap3A_1265, %swap3A_1266], %swap3A_1269 {strides = array<i32>} : memref<512x64xf32, #tpu.memory_space<vmem>>, vector<1x16xf32>,
      %broadcast_in_dim3A_1270 = arith.constant 0.000000e+00 : f32
      %broadcast_in_dim3A_1271 = vector.broadcast %broadcast_in_dim3A_1270 : f32 to vector<16xf32>
      %get3A_1272 = arith.constant 50 : i32
      %get3A_1273 = arith.index_cast %get3A_1272 : i32 to index
      %get3A_1274 = arith.constant 0 : index
      %get3A_1275 = tpu.vector_load %arg6[%get3A_1273, %get3A_1274] {strides = array<i32>} : memref<100x64xf32, #tpu.memory_space<vmem>>, vector<1x16xf32>,
      %get3A_1276 = vector.shape_cast %get3A_1275 : vector<1x16xf32> to vector<16xf32>
      %max3A_1277 = arith.maximumf %broadcast_in_dim3A_1271, %get3A_1276 : vector<16xf32>
      %get3A_1278 = arith.constant 51 : i32
      %get3A_1279 = arith.index_cast %get3A_1278 : i32 to index
      %get3A_1280 = arith.constant 0 : index
      %get3A_1281 = tpu.vector_load %arg6[%get3A_1279, %get3A_1280] {strides = array<i32>} : memref<100x64xf32, #tpu.memory_space<vmem>>, vector<1x16xf32>,
      %get3A_1282 = vector.shape_cast %get3A_1281 : vector<1x16xf32> to vector<16xf32>
      %max3A_1283 = arith.maximumf %max3A_1277, %get3A_1282 : vector<16xf32>
      %get3A_1284 = arith.constant 52 : i32
      %get3A_1285 = arith.index_cast %get3A_1284 : i32 to index
      %get3A_1286 = arith.constant 0 : index
      %get3A_1287 = tpu.vector_load %arg6[%get3A_1285, %get3A_1286] {strides = array<i32>} : memref<100x64xf32, #tpu.memory_space<vmem>>, vector<1x16xf32>,
      %get3A_1288 = vector.shape_cast %get3A_1287 : vector<1x16xf32> to vector<16xf32>
      %max3A_1289 = arith.maximumf %max3A_1283, %get3A_1288 : vector<16xf32>
      %get3A_1290 = arith.constant 53 : i32
      %get3A_1291 = arith.index_cast %get3A_1290 : i32 to index
      %get3A_1292 = arith.constant 0 : index
      %get3A_1293 = tpu.vector_load %arg6[%get3A_1291, %get3A_1292] {strides = array<i32>} : memref<100x64xf32, #tpu.memory_space<vmem>>, vector<1x16xf32>,
      %get3A_1294 = vector.shape_cast %get3A_1293 : vector<1x16xf32> to vector<16xf32>
      %max3A_1295 = arith.maximumf %max3A_1289, %get3A_1294 : vector<16xf32>
      %get3A_1296 = arith.constant 54 : i32
      %get3A_1297 = arith.index_cast %get3A_1296 : i32 to index
      %get3A_1298 = arith.constant 0 : index
      %get3A_1299 = tpu.vector_load %arg6[%get3A_1297, %get3A_1298] {strides = array<i32>} : memref<100x64xf32, #tpu.memory_space<vmem>>, vector<1x16xf32>,
      %get3A_1300 = vector.shape_cast %get3A_1299 : vector<1x16xf32> to vector<16xf32>
      %max3A_1301 = arith.maximumf %max3A_1295, %get3A_1300 : vector<16xf32>
      %get3A_1302 = arith.constant 55 : i32
      %get3A_1303 = arith.index_cast %get3A_1302 : i32 to index
      %get3A_1304 = arith.constant 0 : index
      %get3A_1305 = tpu.vector_load %arg6[%get3A_1303, %get3A_1304] {strides = array<i32>} : memref<100x64xf32, #tpu.memory_space<vmem>>, vector<1x16xf32>,
      %get3A_1306 = vector.shape_cast %get3A_1305 : vector<1x16xf32> to vector<16xf32>
      %max3A_1307 = arith.maximumf %max3A_1301, %get3A_1306 : vector<16xf32>
      %get3A_1308 = arith.constant 56 : i32
      %get3A_1309 = arith.index_cast %get3A_1308 : i32 to index
      %get3A_1310 = arith.constant 0 : index
      %get3A_1311 = tpu.vector_load %arg6[%get3A_1309, %get3A_1310] {strides = array<i32>} : memref<100x64xf32, #tpu.memory_space<vmem>>, vector<1x16xf32>,
      %get3A_1312 = vector.shape_cast %get3A_1311 : vector<1x16xf32> to vector<16xf32>
      %max3A_1313 = arith.maximumf %max3A_1307, %get3A_1312 : vector<16xf32>
      %get3A_1314 = arith.constant 57 : i32
      %get3A_1315 = arith.index_cast %get3A_1314 : i32 to index
      %get3A_1316 = arith.constant 0 : index
      %get3A_1317 = tpu.vector_load %arg6[%get3A_1315, %get3A_1316] {strides = array<i32>} : memref<100x64xf32, #tpu.memory_space<vmem>>, vector<1x16xf32>,
      %get3A_1318 = vector.shape_cast %get3A_1317 : vector<1x16xf32> to vector<16xf32>
      %max3A_1319 = arith.maximumf %max3A_1313, %get3A_1318 : vector<16xf32>
      %get3A_1320 = arith.constant 58 : i32
      %get3A_1321 = arith.index_cast %get3A_1320 : i32 to index
      %get3A_1322 = arith.constant 0 : index
      %get3A_1323 = tpu.vector_load %arg6[%get3A_1321, %get3A_1322] {strides = array<i32>} : memref<100x64xf32, #tpu.memory_space<vmem>>, vector<1x16xf32>,
      %get3A_1324 = vector.shape_cast %get3A_1323 : vector<1x16xf32> to vector<16xf32>
      %max3A_1325 = arith.maximumf %max3A_1319, %get3A_1324 : vector<16xf32>
      %get3A_1326 = arith.constant 59 : i32
      %get3A_1327 = arith.index_cast %get3A_1326 : i32 to index
      %get3A_1328 = arith.constant 0 : index
      %get3A_1329 = tpu.vector_load %arg6[%get3A_1327, %get3A_1328] {strides = array<i32>} : memref<100x64xf32, #tpu.memory_space<vmem>>, vector<1x16xf32>,
      %get3A_1330 = vector.shape_cast %get3A_1329 : vector<1x16xf32> to vector<16xf32>
      %max3A_1331 = arith.maximumf %max3A_1325, %get3A_1330 : vector<16xf32>
      %get3A_1332 = arith.constant 60 : i32
      %get3A_1333 = arith.index_cast %get3A_1332 : i32 to index
      %get3A_1334 = arith.constant 0 : index
      %get3A_1335 = tpu.vector_load %arg6[%get3A_1333, %get3A_1334] {strides = array<i32>} : memref<100x64xf32, #tpu.memory_space<vmem>>, vector<1x16xf32>,
      %get3A_1336 = vector.shape_cast %get3A_1335 : vector<1x16xf32> to vector<16xf32>
      %max3A_1337 = arith.maximumf %max3A_1331, %get3A_1336 : vector<16xf32>
      %get3A_1338 = arith.constant 61 : i32
      %get3A_1339 = arith.index_cast %get3A_1338 : i32 to index
      %get3A_1340 = arith.constant 0 : index
      %get3A_1341 = tpu.vector_load %arg6[%get3A_1339, %get3A_1340] {strides = array<i32>} : memref<100x64xf32, #tpu.memory_space<vmem>>, vector<1x16xf32>,
      %get3A_1342 = vector.shape_cast %get3A_1341 : vector<1x16xf32> to vector<16xf32>
      %max3A_1343 = arith.maximumf %max3A_1337, %get3A_1342 : vector<16xf32>
      %get3A_1344 = arith.constant 62 : i32
      %get3A_1345 = arith.index_cast %get3A_1344 : i32 to index
      %get3A_1346 = arith.constant 0 : index
      %get3A_1347 = tpu.vector_load %arg6[%get3A_1345, %get3A_1346] {strides = array<i32>} : memref<100x64xf32, #tpu.memory_space<vmem>>, vector<1x16xf32>,
      %get3A_1348 = vector.shape_cast %get3A_1347 : vector<1x16xf32> to vector<16xf32>
      %max3A_1349 = arith.maximumf %max3A_1343, %get3A_1348 : vector<16xf32>
      %get3A_1350 = arith.constant 63 : i32
      %get3A_1351 = arith.index_cast %get3A_1350 : i32 to index
      %get3A_1352 = arith.constant 0 : index
      %get3A_1353 = tpu.vector_load %arg6[%get3A_1351, %get3A_1352] {strides = array<i32>} : memref<100x64xf32, #tpu.memory_space<vmem>>, vector<1x16xf32>,
      %get3A_1354 = vector.shape_cast %get3A_1353 : vector<1x16xf32> to vector<16xf32>
      %max3A_1355 = arith.maximumf %max3A_1349, %get3A_1354 : vector<16xf32>
      %get3A_1356 = arith.constant 64 : i32
      %get3A_1357 = arith.index_cast %get3A_1356 : i32 to index
      %get3A_1358 = arith.constant 0 : index
      %get3A_1359 = tpu.vector_load %arg6[%get3A_1357, %get3A_1358] {strides = array<i32>} : memref<100x64xf32, #tpu.memory_space<vmem>>, vector<1x16xf32>,
      %get3A_1360 = vector.shape_cast %get3A_1359 : vector<1x16xf32> to vector<16xf32>
      %max3A_1361 = arith.maximumf %max3A_1355, %get3A_1360 : vector<16xf32>
      %get3A_1362 = arith.constant 65 : i32
      %get3A_1363 = arith.index_cast %get3A_1362 : i32 to index
      %get3A_1364 = arith.constant 0 : index
      %get3A_1365 = tpu.vector_load %arg6[%get3A_1363, %get3A_1364] {strides = array<i32>} : memref<100x64xf32, #tpu.memory_space<vmem>>, vector<1x16xf32>,
      %get3A_1366 = vector.shape_cast %get3A_1365 : vector<1x16xf32> to vector<16xf32>
      %max3A_1367 = arith.maximumf %max3A_1361, %get3A_1366 : vector<16xf32>
      %get3A_1368 = arith.constant 66 : i32
      %get3A_1369 = arith.index_cast %get3A_1368 : i32 to index
      %get3A_1370 = arith.constant 0 : index
      %get3A_1371 = tpu.vector_load %arg6[%get3A_1369, %get3A_1370] {strides = array<i32>} : memref<100x64xf32, #tpu.memory_space<vmem>>, vector<1x16xf32>,
      %get3A_1372 = vector.shape_cast %get3A_1371 : vector<1x16xf32> to vector<16xf32>
      %max3A_1373 = arith.maximumf %max3A_1367, %get3A_1372 : vector<16xf32>
      %get3A_1374 = arith.constant 67 : i32
      %get3A_1375 = arith.index_cast %get3A_1374 : i32 to index
      %get3A_1376 = arith.constant 0 : index
      %get3A_1377 = tpu.vector_load %arg6[%get3A_1375, %get3A_1376] {strides = array<i32>} : memref<100x64xf32, #tpu.memory_space<vmem>>, vector<1x16xf32>,
      %get3A_1378 = vector.shape_cast %get3A_1377 : vector<1x16xf32> to vector<16xf32>
      %max3A_1379 = arith.maximumf %max3A_1373, %get3A_1378 : vector<16xf32>
      %get3A_1380 = arith.constant 68 : i32
      %get3A_1381 = arith.index_cast %get3A_1380 : i32 to index
      %get3A_1382 = arith.constant 0 : index
      %get3A_1383 = tpu.vector_load %arg6[%get3A_1381, %get3A_1382] {strides = array<i32>} : memref<100x64xf32, #tpu.memory_space<vmem>>, vector<1x16xf32>,
      %get3A_1384 = vector.shape_cast %get3A_1383 : vector<1x16xf32> to vector<16xf32>
      %max3A_1385 = arith.maximumf %max3A_1379, %get3A_1384 : vector<16xf32>
      %get3A_1386 = arith.constant 69 : i32
      %get3A_1387 = arith.index_cast %get3A_1386 : i32 to index
      %get3A_1388 = arith.constant 0 : index
      %get3A_1389 = tpu.vector_load %arg6[%get3A_1387, %get3A_1388] {strides = array<i32>} : memref<100x64xf32, #tpu.memory_space<vmem>>, vector<1x16xf32>,
      %get3A_1390 = vector.shape_cast %get3A_1389 : vector<1x16xf32> to vector<16xf32>
      %max3A_1391 = arith.maximumf %max3A_1385, %get3A_1390 : vector<16xf32>
      %get3A_1392 = arith.constant 70 : i32
      %get3A_1393 = arith.index_cast %get3A_1392 : i32 to index
      %get3A_1394 = arith.constant 0 : index
      %get3A_1395 = tpu.vector_load %arg6[%get3A_1393, %get3A_1394] {strides = array<i32>} : memref<100x64xf32, #tpu.memory_space<vmem>>, vector<1x16xf32>,
      %get3A_1396 = vector.shape_cast %get3A_1395 : vector<1x16xf32> to vector<16xf32>
      %max3A_1397 = arith.maximumf %max3A_1391, %get3A_1396 : vector<16xf32>
      %get3A_1398 = arith.constant 71 : i32
      %get3A_1399 = arith.index_cast %get3A_1398 : i32 to index
      %get3A_1400 = arith.constant 0 : index
      %get3A_1401 = tpu.vector_load %arg6[%get3A_1399, %get3A_1400] {strides = array<i32>} : memref<100x64xf32, #tpu.memory_space<vmem>>, vector<1x16xf32>,
      %get3A_1402 = vector.shape_cast %get3A_1401 : vector<1x16xf32> to vector<16xf32>
      %max3A_1403 = arith.maximumf %max3A_1397, %get3A_1402 : vector<16xf32>
      %get3A_1404 = arith.constant 72 : i32
      %get3A_1405 = arith.index_cast %get3A_1404 : i32 to index
      %get3A_1406 = arith.constant 0 : index
      %get3A_1407 = tpu.vector_load %arg6[%get3A_1405, %get3A_1406] {strides = array<i32>} : memref<100x64xf32, #tpu.memory_space<vmem>>, vector<1x16xf32>,
      %get3A_1408 = vector.shape_cast %get3A_1407 : vector<1x16xf32> to vector<16xf32>
      %max3A_1409 = arith.maximumf %max3A_1403, %get3A_1408 : vector<16xf32>
      %get3A_1410 = arith.constant 73 : i32
      %get3A_1411 = arith.index_cast %get3A_1410 : i32 to index
      %get3A_1412 = arith.constant 0 : index
      %get3A_1413 = tpu.vector_load %arg6[%get3A_1411, %get3A_1412] {strides = array<i32>} : memref<100x64xf32, #tpu.memory_space<vmem>>, vector<1x16xf32>,
      %get3A_1414 = vector.shape_cast %get3A_1413 : vector<1x16xf32> to vector<16xf32>
      %max3A_1415 = arith.maximumf %max3A_1409, %get3A_1414 : vector<16xf32>
      %get3A_1416 = arith.constant 74 : i32
      %get3A_1417 = arith.index_cast %get3A_1416 : i32 to index
      %get3A_1418 = arith.constant 0 : index
      %get3A_1419 = tpu.vector_load %arg6[%get3A_1417, %get3A_1418] {strides = array<i32>} : memref<100x64xf32, #tpu.memory_space<vmem>>, vector<1x16xf32>,
      %get3A_1420 = vector.shape_cast %get3A_1419 : vector<1x16xf32> to vector<16xf32>
      %max3A_1421 = arith.maximumf %max3A_1415, %get3A_1420 : vector<16xf32>
      %get3A_1422 = arith.constant 75 : i32
      %get3A_1423 = arith.index_cast %get3A_1422 : i32 to index
      %get3A_1424 = arith.constant 0 : index
      %get3A_1425 = tpu.vector_load %arg6[%get3A_1423, %get3A_1424] {strides = array<i32>} : memref<100x64xf32, #tpu.memory_space<vmem>>, vector<1x16xf32>,
      %get3A_1426 = vector.shape_cast %get3A_1425 : vector<1x16xf32> to vector<16xf32>
      %max3A_1427 = arith.maximumf %max3A_1421, %get3A_1426 : vector<16xf32>
      %get3A_1428 = arith.constant 76 : i32
      %get3A_1429 = arith.index_cast %get3A_1428 : i32 to index
      %get3A_1430 = arith.constant 0 : index
      %get3A_1431 = tpu.vector_load %arg6[%get3A_1429, %get3A_1430] {strides = array<i32>} : memref<100x64xf32, #tpu.memory_space<vmem>>, vector<1x16xf32>,
      %get3A_1432 = vector.shape_cast %get3A_1431 : vector<1x16xf32> to vector<16xf32>
      %max3A_1433 = arith.maximumf %max3A_1427, %get3A_1432 : vector<16xf32>
      %get3A_1434 = arith.constant 77 : i32
      %get3A_1435 = arith.index_cast %get3A_1434 : i32 to index
      %get3A_1436 = arith.constant 0 : index
      %get3A_1437 = tpu.vector_load %arg6[%get3A_1435, %get3A_1436] {strides = array<i32>} : memref<100x64xf32, #tpu.memory_space<vmem>>, vector<1x16xf32>,
      %get3A_1438 = vector.shape_cast %get3A_1437 : vector<1x16xf32> to vector<16xf32>
      %max3A_1439 = arith.maximumf %max3A_1433, %get3A_1438 : vector<16xf32>
      %get3A_1440 = arith.constant 78 : i32
      %get3A_1441 = arith.index_cast %get3A_1440 : i32 to index
      %get3A_1442 = arith.constant 0 : index
      %get3A_1443 = tpu.vector_load %arg6[%get3A_1441, %get3A_1442] {strides = array<i32>} : memref<100x64xf32, #tpu.memory_space<vmem>>, vector<1x16xf32>,
      %get3A_1444 = vector.shape_cast %get3A_1443 : vector<1x16xf32> to vector<16xf32>
      %max3A_1445 = arith.maximumf %max3A_1439, %get3A_1444 : vector<16xf32>
      %get3A_1446 = arith.constant 79 : i32
      %get3A_1447 = arith.index_cast %get3A_1446 : i32 to index
      %get3A_1448 = arith.constant 0 : index
      %get3A_1449 = tpu.vector_load %arg6[%get3A_1447, %get3A_1448] {strides = array<i32>} : memref<100x64xf32, #tpu.memory_space<vmem>>, vector<1x16xf32>,
      %get3A_1450 = vector.shape_cast %get3A_1449 : vector<1x16xf32> to vector<16xf32>
      %max3A_1451 = arith.maximumf %max3A_1445, %get3A_1450 : vector<16xf32>
      %get3A_1452 = arith.constant 80 : i32
      %get3A_1453 = arith.index_cast %get3A_1452 : i32 to index
      %get3A_1454 = arith.constant 0 : index
      %get3A_1455 = tpu.vector_load %arg6[%get3A_1453, %get3A_1454] {strides = array<i32>} : memref<100x64xf32, #tpu.memory_space<vmem>>, vector<1x16xf32>,
      %get3A_1456 = vector.shape_cast %get3A_1455 : vector<1x16xf32> to vector<16xf32>
      %max3A_1457 = arith.maximumf %max3A_1451, %get3A_1456 : vector<16xf32>
      %get3A_1458 = arith.constant 81 : i32
      %get3A_1459 = arith.index_cast %get3A_1458 : i32 to index
      %get3A_1460 = arith.constant 0 : index
      %get3A_1461 = tpu.vector_load %arg6[%get3A_1459, %get3A_1460] {strides = array<i32>} : memref<100x64xf32, #tpu.memory_space<vmem>>, vector<1x16xf32>,
      %get3A_1462 = vector.shape_cast %get3A_1461 : vector<1x16xf32> to vector<16xf32>
      %max3A_1463 = arith.maximumf %max3A_1457, %get3A_1462 : vector<16xf32>
      %get3A_1464 = arith.constant 82 : i32
      %get3A_1465 = arith.index_cast %get3A_1464 : i32 to index
      %get3A_1466 = arith.constant 0 : index
      %get3A_1467 = tpu.vector_load %arg6[%get3A_1465, %get3A_1466] {strides = array<i32>} : memref<100x64xf32, #tpu.memory_space<vmem>>, vector<1x16xf32>,
      %get3A_1468 = vector.shape_cast %get3A_1467 : vector<1x16xf32> to vector<16xf32>
      %max3A_1469 = arith.maximumf %max3A_1463, %get3A_1468 : vector<16xf32>
      %get3A_1470 = arith.constant 83 : i32
      %get3A_1471 = arith.index_cast %get3A_1470 : i32 to index
      %get3A_1472 = arith.constant 0 : index
      %get3A_1473 = tpu.vector_load %arg6[%get3A_1471, %get3A_1472] {strides = array<i32>} : memref<100x64xf32, #tpu.memory_space<vmem>>, vector<1x16xf32>,
      %get3A_1474 = vector.shape_cast %get3A_1473 : vector<1x16xf32> to vector<16xf32>
      %max3A_1475 = arith.maximumf %max3A_1469, %get3A_1474 : vector<16xf32>
      %get3A_1476 = arith.constant 84 : i32
      %get3A_1477 = arith.index_cast %get3A_1476 : i32 to index
      %get3A_1478 = arith.constant 0 : index
      %get3A_1479 = tpu.vector_load %arg6[%get3A_1477, %get3A_1478] {strides = array<i32>} : memref<100x64xf32, #tpu.memory_space<vmem>>, vector<1x16xf32>,
      %get3A_1480 = vector.shape_cast %get3A_1479 : vector<1x16xf32> to vector<16xf32>
      %max3A_1481 = arith.maximumf %max3A_1475, %get3A_1480 : vector<16xf32>
      %get3A_1482 = arith.constant 85 : i32
      %get3A_1483 = arith.index_cast %get3A_1482 : i32 to index
      %get3A_1484 = arith.constant 0 : index
      %get3A_1485 = tpu.vector_load %arg6[%get3A_1483, %get3A_1484] {strides = array<i32>} : memref<100x64xf32, #tpu.memory_space<vmem>>, vector<1x16xf32>,
      %get3A_1486 = vector.shape_cast %get3A_1485 : vector<1x16xf32> to vector<16xf32>
      %max3A_1487 = arith.maximumf %max3A_1481, %get3A_1486 : vector<16xf32>
      %get3A_1488 = arith.constant 86 : i32
      %get3A_1489 = arith.index_cast %get3A_1488 : i32 to index
      %get3A_1490 = arith.constant 0 : index
      %get3A_1491 = tpu.vector_load %arg6[%get3A_1489, %get3A_1490] {strides = array<i32>} : memref<100x64xf32, #tpu.memory_space<vmem>>, vector<1x16xf32>,
      %get3A_1492 = vector.shape_cast %get3A_1491 : vector<1x16xf32> to vector<16xf32>
      %max3A_1493 = arith.maximumf %max3A_1487, %get3A_1492 : vector<16xf32>
      %get3A_1494 = arith.constant 87 : i32
      %get3A_1495 = arith.index_cast %get3A_1494 : i32 to index
      %get3A_1496 = arith.constant 0 : index
      %get3A_1497 = tpu.vector_load %arg6[%get3A_1495, %get3A_1496] {strides = array<i32>} : memref<100x64xf32, #tpu.memory_space<vmem>>, vector<1x16xf32>,
      %get3A_1498 = vector.shape_cast %get3A_1497 : vector<1x16xf32> to vector<16xf32>
      %max3A_1499 = arith.maximumf %max3A_1493, %get3A_1498 : vector<16xf32>
      %get3A_1500 = arith.constant 88 : i32
      %get3A_1501 = arith.index_cast %get3A_1500 : i32 to index
      %get3A_1502 = arith.constant 0 : index
      %get3A_1503 = tpu.vector_load %arg6[%get3A_1501, %get3A_1502] {strides = array<i32>} : memref<100x64xf32, #tpu.memory_space<vmem>>, vector<1x16xf32>,
      %get3A_1504 = vector.shape_cast %get3A_1503 : vector<1x16xf32> to vector<16xf32>
      %max3A_1505 = arith.maximumf %max3A_1499, %get3A_1504 : vector<16xf32>
      %get3A_1506 = arith.constant 89 : i32
      %get3A_1507 = arith.index_cast %get3A_1506 : i32 to index
      %get3A_1508 = arith.constant 0 : index
      %get3A_1509 = tpu.vector_load %arg6[%get3A_1507, %get3A_1508] {strides = array<i32>} : memref<100x64xf32, #tpu.memory_space<vmem>>, vector<1x16xf32>,
      %get3A_1510 = vector.shape_cast %get3A_1509 : vector<1x16xf32> to vector<16xf32>
      %max3A_1511 = arith.maximumf %max3A_1505, %get3A_1510 : vector<16xf32>
      %get3A_1512 = arith.constant 90 : i32
      %get3A_1513 = arith.index_cast %get3A_1512 : i32 to index
      %get3A_1514 = arith.constant 0 : index
      %get3A_1515 = tpu.vector_load %arg6[%get3A_1513, %get3A_1514] {strides = array<i32>} : memref<100x64xf32, #tpu.memory_space<vmem>>, vector<1x16xf32>,
      %get3A_1516 = vector.shape_cast %get3A_1515 : vector<1x16xf32> to vector<16xf32>
      %max3A_1517 = arith.maximumf %max3A_1511, %get3A_1516 : vector<16xf32>
      %get3A_1518 = arith.constant 91 : i32
      %get3A_1519 = arith.index_cast %get3A_1518 : i32 to index
      %get3A_1520 = arith.constant 0 : index
      %get3A_1521 = tpu.vector_load %arg6[%get3A_1519, %get3A_1520] {strides = array<i32>} : memref<100x64xf32, #tpu.memory_space<vmem>>, vector<1x16xf32>,
      %get3A_1522 = vector.shape_cast %get3A_1521 : vector<1x16xf32> to vector<16xf32>
      %max3A_1523 = arith.maximumf %max3A_1517, %get3A_1522 : vector<16xf32>
      %get3A_1524 = arith.constant 92 : i32
      %get3A_1525 = arith.index_cast %get3A_1524 : i32 to index
      %get3A_1526 = arith.constant 0 : index
      %get3A_1527 = tpu.vector_load %arg6[%get3A_1525, %get3A_1526] {strides = array<i32>} : memref<100x64xf32, #tpu.memory_space<vmem>>, vector<1x16xf32>,
      %get3A_1528 = vector.shape_cast %get3A_1527 : vector<1x16xf32> to vector<16xf32>
      %max3A_1529 = arith.maximumf %max3A_1523, %get3A_1528 : vector<16xf32>
      %get3A_1530 = arith.constant 93 : i32
      %get3A_1531 = arith.index_cast %get3A_1530 : i32 to index
      %get3A_1532 = arith.constant 0 : index
      %get3A_1533 = tpu.vector_load %arg6[%get3A_1531, %get3A_1532] {strides = array<i32>} : memref<100x64xf32, #tpu.memory_space<vmem>>, vector<1x16xf32>,
      %get3A_1534 = vector.shape_cast %get3A_1533 : vector<1x16xf32> to vector<16xf32>
      %max3A_1535 = arith.maximumf %max3A_1529, %get3A_1534 : vector<16xf32>
      %get3A_1536 = arith.constant 94 : i32
      %get3A_1537 = arith.index_cast %get3A_1536 : i32 to index
      %get3A_1538 = arith.constant 0 : index
      %get3A_1539 = tpu.vector_load %arg6[%get3A_1537, %get3A_1538] {strides = array<i32>} : memref<100x64xf32, #tpu.memory_space<vmem>>, vector<1x16xf32>,
      %get3A_1540 = vector.shape_cast %get3A_1539 : vector<1x16xf32> to vector<16xf32>
      %max3A_1541 = arith.maximumf %max3A_1535, %get3A_1540 : vector<16xf32>
      %get3A_1542 = arith.constant 95 : i32
      %get3A_1543 = arith.index_cast %get3A_1542 : i32 to index
      %get3A_1544 = arith.constant 0 : index
      %get3A_1545 = tpu.vector_load %arg6[%get3A_1543, %get3A_1544] {strides = array<i32>} : memref<100x64xf32, #tpu.memory_space<vmem>>, vector<1x16xf32>,
      %get3A_1546 = vector.shape_cast %get3A_1545 : vector<1x16xf32> to vector<16xf32>
      %max3A_1547 = arith.maximumf %max3A_1541, %get3A_1546 : vector<16xf32>
      %get3A_1548 = arith.constant 96 : i32
      %get3A_1549 = arith.index_cast %get3A_1548 : i32 to index
      %get3A_1550 = arith.constant 0 : index
      %get3A_1551 = tpu.vector_load %arg6[%get3A_1549, %get3A_1550] {strides = array<i32>} : memref<100x64xf32, #tpu.memory_space<vmem>>, vector<1x16xf32>,
      %get3A_1552 = vector.shape_cast %get3A_1551 : vector<1x16xf32> to vector<16xf32>
      %max3A_1553 = arith.maximumf %max3A_1547, %get3A_1552 : vector<16xf32>
      %get3A_1554 = arith.constant 97 : i32
      %get3A_1555 = arith.index_cast %get3A_1554 : i32 to index
      %get3A_1556 = arith.constant 0 : index
      %get3A_1557 = tpu.vector_load %arg6[%get3A_1555, %get3A_1556] {strides = array<i32>} : memref<100x64xf32, #tpu.memory_space<vmem>>, vector<1x16xf32>,
      %get3A_1558 = vector.shape_cast %get3A_1557 : vector<1x16xf32> to vector<16xf32>
      %max3A_1559 = arith.maximumf %max3A_1553, %get3A_1558 : vector<16xf32>
      %get3A_1560 = arith.constant 98 : i32
      %get3A_1561 = arith.index_cast %get3A_1560 : i32 to index
      %get3A_1562 = arith.constant 0 : index
      %get3A_1563 = tpu.vector_load %arg6[%get3A_1561, %get3A_1562] {strides = array<i32>} : memref<100x64xf32, #tpu.memory_space<vmem>>, vector<1x16xf32>,
      %get3A_1564 = vector.shape_cast %get3A_1563 : vector<1x16xf32> to vector<16xf32>
      %max3A_1565 = arith.maximumf %max3A_1559, %get3A_1564 : vector<16xf32>
      %get3A_1566 = arith.constant 99 : i32
      %get3A_1567 = arith.index_cast %get3A_1566 : i32 to index
      %get3A_1568 = arith.constant 0 : index
      %get3A_1569 = tpu.vector_load %arg6[%get3A_1567, %get3A_1568] {strides = array<i32>} : memref<100x64xf32, #tpu.memory_space<vmem>>, vector<1x16xf32>,
      %get3A_1570 = vector.shape_cast %get3A_1569 : vector<1x16xf32> to vector<16xf32>
      %max3A_1571 = arith.maximumf %max3A_1565, %get3A_1570 : vector<16xf32>
      %mul3A_1572 = arith.constant 2 : i32
      %mul3A_1573 = arith.muli %add3A_24, %mul3A_1572 : i32
      %add3A_1574 = arith.constant 1 : i32
      %add3A_1575 = arith.addi %mul3A_1573, %add3A_1574 : i32
      %swap3A_1576 = arith.index_cast %add3A_1575 : i32 to index
      %swap3A_1577 = arith.constant 0 : index
      %swap3A_1578 = tpu.vector_load %arg8[%swap3A_1576, %swap3A_1577] {strides = array<i32>} : memref<512x64xf32, #tpu.memory_space<vmem>>, vector<1x16xf32>,
      %swap3A_1579 = vector.shape_cast %swap3A_1578 : vector<1x16xf32> to vector<16xf32>
      %swap3A_1580 = vector.shape_cast %max3A_1571 : vector<16xf32> to vector<1x16xf32>
      tpu.vector_store %arg8[%swap3A_1576, %swap3A_1577], %swap3A_1580 {strides = array<i32>} : memref<512x64xf32, #tpu.memory_space<vmem>>, vector<1x16xf32>,
      %broadcast_in_dim3A_1581 = arith.constant 0.000000e+00 : f32
      %broadcast_in_dim3A_1582 = vector.broadcast %broadcast_in_dim3A_1581 : f32 to vector<16xf32>
      %get3A_1583 = arith.constant 50 : i32
      %get3A_1584 = arith.index_cast %get3A_1583 : i32 to index
      %get3A_1585 = arith.constant 16 : index
      %get3A_1586 = tpu.vector_load %arg6[%get3A_1584, %get3A_1585] {strides = array<i32>} : memref<100x64xf32, #tpu.memory_space<vmem>>, vector<1x16xf32>,
      %get3A_1587 = vector.shape_cast %get3A_1586 : vector<1x16xf32> to vector<16xf32>
      %max3A_1588 = arith.maximumf %broadcast_in_dim3A_1582, %get3A_1587 : vector<16xf32>
      %get3A_1589 = arith.constant 51 : i32
      %get3A_1590 = arith.index_cast %get3A_1589 : i32 to index
      %get3A_1591 = arith.constant 16 : index
      %get3A_1592 = tpu.vector_load %arg6[%get3A_1590, %get3A_1591] {strides = array<i32>} : memref<100x64xf32, #tpu.memory_space<vmem>>, vector<1x16xf32>,
      %get3A_1593 = vector.shape_cast %get3A_1592 : vector<1x16xf32> to vector<16xf32>
      %max3A_1594 = arith.maximumf %max3A_1588, %get3A_1593 : vector<16xf32>
      %get3A_1595 = arith.constant 52 : i32
      %get3A_1596 = arith.index_cast %get3A_1595 : i32 to index
      %get3A_1597 = arith.constant 16 : index
      %get3A_1598 = tpu.vector_load %arg6[%get3A_1596, %get3A_1597] {strides = array<i32>} : memref<100x64xf32, #tpu.memory_space<vmem>>, vector<1x16xf32>,
      %get3A_1599 = vector.shape_cast %get3A_1598 : vector<1x16xf32> to vector<16xf32>
      %max3A_1600 = arith.maximumf %max3A_1594, %get3A_1599 : vector<16xf32>
      %get3A_1601 = arith.constant 53 : i32
      %get3A_1602 = arith.index_cast %get3A_1601 : i32 to index
      %get3A_1603 = arith.constant 16 : index
      %get3A_1604 = tpu.vector_load %arg6[%get3A_1602, %get3A_1603] {strides = array<i32>} : memref<100x64xf32, #tpu.memory_space<vmem>>, vector<1x16xf32>,
      %get3A_1605 = vector.shape_cast %get3A_1604 : vector<1x16xf32> to vector<16xf32>
      %max3A_1606 = arith.maximumf %max3A_1600, %get3A_1605 : vector<16xf32>
      %get3A_1607 = arith.constant 54 : i32
      %get3A_1608 = arith.index_cast %get3A_1607 : i32 to index
      %get3A_1609 = arith.constant 16 : index
      %get3A_1610 = tpu.vector_load %arg6[%get3A_1608, %get3A_1609] {strides = array<i32>} : memref<100x64xf32, #tpu.memory_space<vmem>>, vector<1x16xf32>,
      %get3A_1611 = vector.shape_cast %get3A_1610 : vector<1x16xf32> to vector<16xf32>
      %max3A_1612 = arith.maximumf %max3A_1606, %get3A_1611 : vector<16xf32>
      %get3A_1613 = arith.constant 55 : i32
      %get3A_1614 = arith.index_cast %get3A_1613 : i32 to index
      %get3A_1615 = arith.constant 16 : index
      %get3A_1616 = tpu.vector_load %arg6[%get3A_1614, %get3A_1615] {strides = array<i32>} : memref<100x64xf32, #tpu.memory_space<vmem>>, vector<1x16xf32>,
      %get3A_1617 = vector.shape_cast %get3A_1616 : vector<1x16xf32> to vector<16xf32>
      %max3A_1618 = arith.maximumf %max3A_1612, %get3A_1617 : vector<16xf32>
      %get3A_1619 = arith.constant 56 : i32
      %get3A_1620 = arith.index_cast %get3A_1619 : i32 to index
      %get3A_1621 = arith.constant 16 : index
      %get3A_1622 = tpu.vector_load %arg6[%get3A_1620, %get3A_1621] {strides = array<i32>} : memref<100x64xf32, #tpu.memory_space<vmem>>, vector<1x16xf32>,
      %get3A_1623 = vector.shape_cast %get3A_1622 : vector<1x16xf32> to vector<16xf32>
      %max3A_1624 = arith.maximumf %max3A_1618, %get3A_1623 : vector<16xf32>
      %get3A_1625 = arith.constant 57 : i32
      %get3A_1626 = arith.index_cast %get3A_1625 : i32 to index
      %get3A_1627 = arith.constant 16 : index
      %get3A_1628 = tpu.vector_load %arg6[%get3A_1626, %get3A_1627] {strides = array<i32>} : memref<100x64xf32, #tpu.memory_space<vmem>>, vector<1x16xf32>,
      %get3A_1629 = vector.shape_cast %get3A_1628 : vector<1x16xf32> to vector<16xf32>
      %max3A_1630 = arith.maximumf %max3A_1624, %get3A_1629 : vector<16xf32>
      %get3A_1631 = arith.constant 58 : i32
      %get3A_1632 = arith.index_cast %get3A_1631 : i32 to index
      %get3A_1633 = arith.constant 16 : index
      %get3A_1634 = tpu.vector_load %arg6[%get3A_1632, %get3A_1633] {strides = array<i32>} : memref<100x64xf32, #tpu.memory_space<vmem>>, vector<1x16xf32>,
      %get3A_1635 = vector.shape_cast %get3A_1634 : vector<1x16xf32> to vector<16xf32>
      %max3A_1636 = arith.maximumf %max3A_1630, %get3A_1635 : vector<16xf32>
      %get3A_1637 = arith.constant 59 : i32
      %get3A_1638 = arith.index_cast %get3A_1637 : i32 to index
      %get3A_1639 = arith.constant 16 : index
      %get3A_1640 = tpu.vector_load %arg6[%get3A_1638, %get3A_1639] {strides = array<i32>} : memref<100x64xf32, #tpu.memory_space<vmem>>, vector<1x16xf32>,
      %get3A_1641 = vector.shape_cast %get3A_1640 : vector<1x16xf32> to vector<16xf32>
      %max3A_1642 = arith.maximumf %max3A_1636, %get3A_1641 : vector<16xf32>
      %get3A_1643 = arith.constant 60 : i32
      %get3A_1644 = arith.index_cast %get3A_1643 : i32 to index
      %get3A_1645 = arith.constant 16 : index
      %get3A_1646 = tpu.vector_load %arg6[%get3A_1644, %get3A_1645] {strides = array<i32>} : memref<100x64xf32, #tpu.memory_space<vmem>>, vector<1x16xf32>,
      %get3A_1647 = vector.shape_cast %get3A_1646 : vector<1x16xf32> to vector<16xf32>
      %max3A_1648 = arith.maximumf %max3A_1642, %get3A_1647 : vector<16xf32>
      %get3A_1649 = arith.constant 61 : i32
      %get3A_1650 = arith.index_cast %get3A_1649 : i32 to index
      %get3A_1651 = arith.constant 16 : index
      %get3A_1652 = tpu.vector_load %arg6[%get3A_1650, %get3A_1651] {strides = array<i32>} : memref<100x64xf32, #tpu.memory_space<vmem>>, vector<1x16xf32>,
      %get3A_1653 = vector.shape_cast %get3A_1652 : vector<1x16xf32> to vector<16xf32>
      %max3A_1654 = arith.maximumf %max3A_1648, %get3A_1653 : vector<16xf32>
      %get3A_1655 = arith.constant 62 : i32
      %get3A_1656 = arith.index_cast %get3A_1655 : i32 to index
      %get3A_1657 = arith.constant 16 : index
      %get3A_1658 = tpu.vector_load %arg6[%get3A_1656, %get3A_1657] {strides = array<i32>} : memref<100x64xf32, #tpu.memory_space<vmem>>, vector<1x16xf32>,
      %get3A_1659 = vector.shape_cast %get3A_1658 : vector<1x16xf32> to vector<16xf32>
      %max3A_1660 = arith.maximumf %max3A_1654, %get3A_1659 : vector<16xf32>
      %get3A_1661 = arith.constant 63 : i32
      %get3A_1662 = arith.index_cast %get3A_1661 : i32 to index
      %get3A_1663 = arith.constant 16 : index
      %get3A_1664 = tpu.vector_load %arg6[%get3A_1662, %get3A_1663] {strides = array<i32>} : memref<100x64xf32, #tpu.memory_space<vmem>>, vector<1x16xf32>,
      %get3A_1665 = vector.shape_cast %get3A_1664 : vector<1x16xf32> to vector<16xf32>
      %max3A_1666 = arith.maximumf %max3A_1660, %get3A_1665 : vector<16xf32>
      %get3A_1667 = arith.constant 64 : i32
      %get3A_1668 = arith.index_cast %get3A_1667 : i32 to index
      %get3A_1669 = arith.constant 16 : index
      %get3A_1670 = tpu.vector_load %arg6[%get3A_1668, %get3A_1669] {strides = array<i32>} : memref<100x64xf32, #tpu.memory_space<vmem>>, vector<1x16xf32>,
      %get3A_1671 = vector.shape_cast %get3A_1670 : vector<1x16xf32> to vector<16xf32>
      %max3A_1672 = arith.maximumf %max3A_1666, %get3A_1671 : vector<16xf32>
      %get3A_1673 = arith.constant 65 : i32
      %get3A_1674 = arith.index_cast %get3A_1673 : i32 to index
      %get3A_1675 = arith.constant 16 : index
      %get3A_1676 = tpu.vector_load %arg6[%get3A_1674, %get3A_1675] {strides = array<i32>} : memref<100x64xf32, #tpu.memory_space<vmem>>, vector<1x16xf32>,
      %get3A_1677 = vector.shape_cast %get3A_1676 : vector<1x16xf32> to vector<16xf32>
      %max3A_1678 = arith.maximumf %max3A_1672, %get3A_1677 : vector<16xf32>
      %get3A_1679 = arith.constant 66 : i32
      %get3A_1680 = arith.index_cast %get3A_1679 : i32 to index
      %get3A_1681 = arith.constant 16 : index
      %get3A_1682 = tpu.vector_load %arg6[%get3A_1680, %get3A_1681] {strides = array<i32>} : memref<100x64xf32, #tpu.memory_space<vmem>>, vector<1x16xf32>,
      %get3A_1683 = vector.shape_cast %get3A_1682 : vector<1x16xf32> to vector<16xf32>
      %max3A_1684 = arith.maximumf %max3A_1678, %get3A_1683 : vector<16xf32>
      %get3A_1685 = arith.constant 67 : i32
      %get3A_1686 = arith.index_cast %get3A_1685 : i32 to index
      %get3A_1687 = arith.constant 16 : index
      %get3A_1688 = tpu.vector_load %arg6[%get3A_1686, %get3A_1687] {strides = array<i32>} : memref<100x64xf32, #tpu.memory_space<vmem>>, vector<1x16xf32>,
      %get3A_1689 = vector.shape_cast %get3A_1688 : vector<1x16xf32> to vector<16xf32>
      %max3A_1690 = arith.maximumf %max3A_1684, %get3A_1689 : vector<16xf32>
      %get3A_1691 = arith.constant 68 : i32
      %get3A_1692 = arith.index_cast %get3A_1691 : i32 to index
      %get3A_1693 = arith.constant 16 : index
      %get3A_1694 = tpu.vector_load %arg6[%get3A_1692, %get3A_1693] {strides = array<i32>} : memref<100x64xf32, #tpu.memory_space<vmem>>, vector<1x16xf32>,
      %get3A_1695 = vector.shape_cast %get3A_1694 : vector<1x16xf32> to vector<16xf32>
      %max3A_1696 = arith.maximumf %max3A_1690, %get3A_1695 : vector<16xf32>
      %get3A_1697 = arith.constant 69 : i32
      %get3A_1698 = arith.index_cast %get3A_1697 : i32 to index
      %get3A_1699 = arith.constant 16 : index
      %get3A_1700 = tpu.vector_load %arg6[%get3A_1698, %get3A_1699] {strides = array<i32>} : memref<100x64xf32, #tpu.memory_space<vmem>>, vector<1x16xf32>,
      %get3A_1701 = vector.shape_cast %get3A_1700 : vector<1x16xf32> to vector<16xf32>
      %max3A_1702 = arith.maximumf %max3A_1696, %get3A_1701 : vector<16xf32>
      %get3A_1703 = arith.constant 70 : i32
      %get3A_1704 = arith.index_cast %get3A_1703 : i32 to index
      %get3A_1705 = arith.constant 16 : index
      %get3A_1706 = tpu.vector_load %arg6[%get3A_1704, %get3A_1705] {strides = array<i32>} : memref<100x64xf32, #tpu.memory_space<vmem>>, vector<1x16xf32>,
      %get3A_1707 = vector.shape_cast %get3A_1706 : vector<1x16xf32> to vector<16xf32>
      %max3A_1708 = arith.maximumf %max3A_1702, %get3A_1707 : vector<16xf32>
      %get3A_1709 = arith.constant 71 : i32
      %get3A_1710 = arith.index_cast %get3A_1709 : i32 to index
      %get3A_1711 = arith.constant 16 : index
      %get3A_1712 = tpu.vector_load %arg6[%get3A_1710, %get3A_1711] {strides = array<i32>} : memref<100x64xf32, #tpu.memory_space<vmem>>, vector<1x16xf32>,
      %get3A_1713 = vector.shape_cast %get3A_1712 : vector<1x16xf32> to vector<16xf32>
      %max3A_1714 = arith.maximumf %max3A_1708, %get3A_1713 : vector<16xf32>
      %get3A_1715 = arith.constant 72 : i32
      %get3A_1716 = arith.index_cast %get3A_1715 : i32 to index
      %get3A_1717 = arith.constant 16 : index
      %get3A_1718 = tpu.vector_load %arg6[%get3A_1716, %get3A_1717] {strides = array<i32>} : memref<100x64xf32, #tpu.memory_space<vmem>>, vector<1x16xf32>,
      %get3A_1719 = vector.shape_cast %get3A_1718 : vector<1x16xf32> to vector<16xf32>
      %max3A_1720 = arith.maximumf %max3A_1714, %get3A_1719 : vector<16xf32>
      %get3A_1721 = arith.constant 73 : i32
      %get3A_1722 = arith.index_cast %get3A_1721 : i32 to index
      %get3A_1723 = arith.constant 16 : index
      %get3A_1724 = tpu.vector_load %arg6[%get3A_1722, %get3A_1723] {strides = array<i32>} : memref<100x64xf32, #tpu.memory_space<vmem>>, vector<1x16xf32>,
      %get3A_1725 = vector.shape_cast %get3A_1724 : vector<1x16xf32> to vector<16xf32>
      %max3A_1726 = arith.maximumf %max3A_1720, %get3A_1725 : vector<16xf32>
      %get3A_1727 = arith.constant 74 : i32
      %get3A_1728 = arith.index_cast %get3A_1727 : i32 to index
      %get3A_1729 = arith.constant 16 : index
      %get3A_1730 = tpu.vector_load %arg6[%get3A_1728, %get3A_1729] {strides = array<i32>} : memref<100x64xf32, #tpu.memory_space<vmem>>, vector<1x16xf32>,
      %get3A_1731 = vector.shape_cast %get3A_1730 : vector<1x16xf32> to vector<16xf32>
      %max3A_1732 = arith.maximumf %max3A_1726, %get3A_1731 : vector<16xf32>
      %get3A_1733 = arith.constant 75 : i32
      %get3A_1734 = arith.index_cast %get3A_1733 : i32 to index
      %get3A_1735 = arith.constant 16 : index
      %get3A_1736 = tpu.vector_load %arg6[%get3A_1734, %get3A_1735] {strides = array<i32>} : memref<100x64xf32, #tpu.memory_space<vmem>>, vector<1x16xf32>,
      %get3A_1737 = vector.shape_cast %get3A_1736 : vector<1x16xf32> to vector<16xf32>
      %max3A_1738 = arith.maximumf %max3A_1732, %get3A_1737 : vector<16xf32>
      %get3A_1739 = arith.constant 76 : i32
      %get3A_1740 = arith.index_cast %get3A_1739 : i32 to index
      %get3A_1741 = arith.constant 16 : index
      %get3A_1742 = tpu.vector_load %arg6[%get3A_1740, %get3A_1741] {strides = array<i32>} : memref<100x64xf32, #tpu.memory_space<vmem>>, vector<1x16xf32>,
      %get3A_1743 = vector.shape_cast %get3A_1742 : vector<1x16xf32> to vector<16xf32>
      %max3A_1744 = arith.maximumf %max3A_1738, %get3A_1743 : vector<16xf32>
      %get3A_1745 = arith.constant 77 : i32
      %get3A_1746 = arith.index_cast %get3A_1745 : i32 to index
      %get3A_1747 = arith.constant 16 : index
      %get3A_1748 = tpu.vector_load %arg6[%get3A_1746, %get3A_1747] {strides = array<i32>} : memref<100x64xf32, #tpu.memory_space<vmem>>, vector<1x16xf32>,
      %get3A_1749 = vector.shape_cast %get3A_1748 : vector<1x16xf32> to vector<16xf32>
      %max3A_1750 = arith.maximumf %max3A_1744, %get3A_1749 : vector<16xf32>
      %get3A_1751 = arith.constant 78 : i32
      %get3A_1752 = arith.index_cast %get3A_1751 : i32 to index
      %get3A_1753 = arith.constant 16 : index
      %get3A_1754 = tpu.vector_load %arg6[%get3A_1752, %get3A_1753] {strides = array<i32>} : memref<100x64xf32, #tpu.memory_space<vmem>>, vector<1x16xf32>,
      %get3A_1755 = vector.shape_cast %get3A_1754 : vector<1x16xf32> to vector<16xf32>
      %max3A_1756 = arith.maximumf %max3A_1750, %get3A_1755 : vector<16xf32>
      %get3A_1757 = arith.constant 79 : i32
      %get3A_1758 = arith.index_cast %get3A_1757 : i32 to index
      %get3A_1759 = arith.constant 16 : index
      %get3A_1760 = tpu.vector_load %arg6[%get3A_1758, %get3A_1759] {strides = array<i32>} : memref<100x64xf32, #tpu.memory_space<vmem>>, vector<1x16xf32>,
      %get3A_1761 = vector.shape_cast %get3A_1760 : vector<1x16xf32> to vector<16xf32>
      %max3A_1762 = arith.maximumf %max3A_1756, %get3A_1761 : vector<16xf32>
      %get3A_1763 = arith.constant 80 : i32
      %get3A_1764 = arith.index_cast %get3A_1763 : i32 to index
      %get3A_1765 = arith.constant 16 : index
      %get3A_1766 = tpu.vector_load %arg6[%get3A_1764, %get3A_1765] {strides = array<i32>} : memref<100x64xf32, #tpu.memory_space<vmem>>, vector<1x16xf32>,
      %get3A_1767 = vector.shape_cast %get3A_1766 : vector<1x16xf32> to vector<16xf32>
      %max3A_1768 = arith.maximumf %max3A_1762, %get3A_1767 : vector<16xf32>
      %get3A_1769 = arith.constant 81 : i32
      %get3A_1770 = arith.index_cast %get3A_1769 : i32 to index
      %get3A_1771 = arith.constant 16 : index
      %get3A_1772 = tpu.vector_load %arg6[%get3A_1770, %get3A_1771] {strides = array<i32>} : memref<100x64xf32, #tpu.memory_space<vmem>>, vector<1x16xf32>,
      %get3A_1773 = vector.shape_cast %get3A_1772 : vector<1x16xf32> to vector<16xf32>
      %max3A_1774 = arith.maximumf %max3A_1768, %get3A_1773 : vector<16xf32>
      %get3A_1775 = arith.constant 82 : i32
      %get3A_1776 = arith.index_cast %get3A_1775 : i32 to index
      %get3A_1777 = arith.constant 16 : index
      %get3A_1778 = tpu.vector_load %arg6[%get3A_1776, %get3A_1777] {strides = array<i32>} : memref<100x64xf32, #tpu.memory_space<vmem>>, vector<1x16xf32>,
      %get3A_1779 = vector.shape_cast %get3A_1778 : vector<1x16xf32> to vector<16xf32>
      %max3A_1780 = arith.maximumf %max3A_1774, %get3A_1779 : vector<16xf32>
      %get3A_1781 = arith.constant 83 : i32
      %get3A_1782 = arith.index_cast %get3A_1781 : i32 to index
      %get3A_1783 = arith.constant 16 : index
      %get3A_1784 = tpu.vector_load %arg6[%get3A_1782, %get3A_1783] {strides = array<i32>} : memref<100x64xf32, #tpu.memory_space<vmem>>, vector<1x16xf32>,
      %get3A_1785 = vector.shape_cast %get3A_1784 : vector<1x16xf32> to vector<16xf32>
      %max3A_1786 = arith.maximumf %max3A_1780, %get3A_1785 : vector<16xf32>
      %get3A_1787 = arith.constant 84 : i32
      %get3A_1788 = arith.index_cast %get3A_1787 : i32 to index
      %get3A_1789 = arith.constant 16 : index
      %get3A_1790 = tpu.vector_load %arg6[%get3A_1788, %get3A_1789] {strides = array<i32>} : memref<100x64xf32, #tpu.memory_space<vmem>>, vector<1x16xf32>,
      %get3A_1791 = vector.shape_cast %get3A_1790 : vector<1x16xf32> to vector<16xf32>
      %max3A_1792 = arith.maximumf %max3A_1786, %get3A_1791 : vector<16xf32>
      %get3A_1793 = arith.constant 85 : i32
      %get3A_1794 = arith.index_cast %get3A_1793 : i32 to index
      %get3A_1795 = arith.constant 16 : index
      %get3A_1796 = tpu.vector_load %arg6[%get3A_1794, %get3A_1795] {strides = array<i32>} : memref<100x64xf32, #tpu.memory_space<vmem>>, vector<1x16xf32>,
      %get3A_1797 = vector.shape_cast %get3A_1796 : vector<1x16xf32> to vector<16xf32>
      %max3A_1798 = arith.maximumf %max3A_1792, %get3A_1797 : vector<16xf32>
      %get3A_1799 = arith.constant 86 : i32
      %get3A_1800 = arith.index_cast %get3A_1799 : i32 to index
      %get3A_1801 = arith.constant 16 : index
      %get3A_1802 = tpu.vector_load %arg6[%get3A_1800, %get3A_1801] {strides = array<i32>} : memref<100x64xf32, #tpu.memory_space<vmem>>, vector<1x16xf32>,
      %get3A_1803 = vector.shape_cast %get3A_1802 : vector<1x16xf32> to vector<16xf32>
      %max3A_1804 = arith.maximumf %max3A_1798, %get3A_1803 : vector<16xf32>
      %get3A_1805 = arith.constant 87 : i32
      %get3A_1806 = arith.index_cast %get3A_1805 : i32 to index
      %get3A_1807 = arith.constant 16 : index
      %get3A_1808 = tpu.vector_load %arg6[%get3A_1806, %get3A_1807] {strides = array<i32>} : memref<100x64xf32, #tpu.memory_space<vmem>>, vector<1x16xf32>,
      %get3A_1809 = vector.shape_cast %get3A_1808 : vector<1x16xf32> to vector<16xf32>
      %max3A_1810 = arith.maximumf %max3A_1804, %get3A_1809 : vector<16xf32>
      %get3A_1811 = arith.constant 88 : i32
      %get3A_1812 = arith.index_cast %get3A_1811 : i32 to index
      %get3A_1813 = arith.constant 16 : index
      %get3A_1814 = tpu.vector_load %arg6[%get3A_1812, %get3A_1813] {strides = array<i32>} : memref<100x64xf32, #tpu.memory_space<vmem>>, vector<1x16xf32>,
      %get3A_1815 = vector.shape_cast %get3A_1814 : vector<1x16xf32> to vector<16xf32>
      %max3A_1816 = arith.maximumf %max3A_1810, %get3A_1815 : vector<16xf32>
      %get3A_1817 = arith.constant 89 : i32
      %get3A_1818 = arith.index_cast %get3A_1817 : i32 to index
      %get3A_1819 = arith.constant 16 : index
      %get3A_1820 = tpu.vector_load %arg6[%get3A_1818, %get3A_1819] {strides = array<i32>} : memref<100x64xf32, #tpu.memory_space<vmem>>, vector<1x16xf32>,
      %get3A_1821 = vector.shape_cast %get3A_1820 : vector<1x16xf32> to vector<16xf32>
      %max3A_1822 = arith.maximumf %max3A_1816, %get3A_1821 : vector<16xf32>
      %get3A_1823 = arith.constant 90 : i32
      %get3A_1824 = arith.index_cast %get3A_1823 : i32 to index
      %get3A_1825 = arith.constant 16 : index
      %get3A_1826 = tpu.vector_load %arg6[%get3A_1824, %get3A_1825] {strides = array<i32>} : memref<100x64xf32, #tpu.memory_space<vmem>>, vector<1x16xf32>,
      %get3A_1827 = vector.shape_cast %get3A_1826 : vector<1x16xf32> to vector<16xf32>
      %max3A_1828 = arith.maximumf %max3A_1822, %get3A_1827 : vector<16xf32>
      %get3A_1829 = arith.constant 91 : i32
      %get3A_1830 = arith.index_cast %get3A_1829 : i32 to index
      %get3A_1831 = arith.constant 16 : index
      %get3A_1832 = tpu.vector_load %arg6[%get3A_1830, %get3A_1831] {strides = array<i32>} : memref<100x64xf32, #tpu.memory_space<vmem>>, vector<1x16xf32>,
      %get3A_1833 = vector.shape_cast %get3A_1832 : vector<1x16xf32> to vector<16xf32>
      %max3A_1834 = arith.maximumf %max3A_1828, %get3A_1833 : vector<16xf32>
      %get3A_1835 = arith.constant 92 : i32
      %get3A_1836 = arith.index_cast %get3A_1835 : i32 to index
      %get3A_1837 = arith.constant 16 : index
      %get3A_1838 = tpu.vector_load %arg6[%get3A_1836, %get3A_1837] {strides = array<i32>} : memref<100x64xf32, #tpu.memory_space<vmem>>, vector<1x16xf32>,
      %get3A_1839 = vector.shape_cast %get3A_1838 : vector<1x16xf32> to vector<16xf32>
      %max3A_1840 = arith.maximumf %max3A_1834, %get3A_1839 : vector<16xf32>
      %get3A_1841 = arith.constant 93 : i32
      %get3A_1842 = arith.index_cast %get3A_1841 : i32 to index
      %get3A_1843 = arith.constant 16 : index
      %get3A_1844 = tpu.vector_load %arg6[%get3A_1842, %get3A_1843] {strides = array<i32>} : memref<100x64xf32, #tpu.memory_space<vmem>>, vector<1x16xf32>,
      %get3A_1845 = vector.shape_cast %get3A_1844 : vector<1x16xf32> to vector<16xf32>
      %max3A_1846 = arith.maximumf %max3A_1840, %get3A_1845 : vector<16xf32>
      %get3A_1847 = arith.constant 94 : i32
      %get3A_1848 = arith.index_cast %get3A_1847 : i32 to index
      %get3A_1849 = arith.constant 16 : index
      %get3A_1850 = tpu.vector_load %arg6[%get3A_1848, %get3A_1849] {strides = array<i32>} : memref<100x64xf32, #tpu.memory_space<vmem>>, vector<1x16xf32>,
      %get3A_1851 = vector.shape_cast %get3A_1850 : vector<1x16xf32> to vector<16xf32>
      %max3A_1852 = arith.maximumf %max3A_1846, %get3A_1851 : vector<16xf32>
      %get3A_1853 = arith.constant 95 : i32
      %get3A_1854 = arith.index_cast %get3A_1853 : i32 to index
      %get3A_1855 = arith.constant 16 : index
      %get3A_1856 = tpu.vector_load %arg6[%get3A_1854, %get3A_1855] {strides = array<i32>} : memref<100x64xf32, #tpu.memory_space<vmem>>, vector<1x16xf32>,
      %get3A_1857 = vector.shape_cast %get3A_1856 : vector<1x16xf32> to vector<16xf32>
      %max3A_1858 = arith.maximumf %max3A_1852, %get3A_1857 : vector<16xf32>
      %get3A_1859 = arith.constant 96 : i32
      %get3A_1860 = arith.index_cast %get3A_1859 : i32 to index
      %get3A_1861 = arith.constant 16 : index
      %get3A_1862 = tpu.vector_load %arg6[%get3A_1860, %get3A_1861] {strides = array<i32>} : memref<100x64xf32, #tpu.memory_space<vmem>>, vector<1x16xf32>,
      %get3A_1863 = vector.shape_cast %get3A_1862 : vector<1x16xf32> to vector<16xf32>
      %max3A_1864 = arith.maximumf %max3A_1858, %get3A_1863 : vector<16xf32>
      %get3A_1865 = arith.constant 97 : i32
      %get3A_1866 = arith.index_cast %get3A_1865 : i32 to index
      %get3A_1867 = arith.constant 16 : index
      %get3A_1868 = tpu.vector_load %arg6[%get3A_1866, %get3A_1867] {strides = array<i32>} : memref<100x64xf32, #tpu.memory_space<vmem>>, vector<1x16xf32>,
      %get3A_1869 = vector.shape_cast %get3A_1868 : vector<1x16xf32> to vector<16xf32>
      %max3A_1870 = arith.maximumf %max3A_1864, %get3A_1869 : vector<16xf32>
      %get3A_1871 = arith.constant 98 : i32
      %get3A_1872 = arith.index_cast %get3A_1871 : i32 to index
      %get3A_1873 = arith.constant 16 : index
      %get3A_1874 = tpu.vector_load %arg6[%get3A_1872, %get3A_1873] {strides = array<i32>} : memref<100x64xf32, #tpu.memory_space<vmem>>, vector<1x16xf32>,
      %get3A_1875 = vector.shape_cast %get3A_1874 : vector<1x16xf32> to vector<16xf32>
      %max3A_1876 = arith.maximumf %max3A_1870, %get3A_1875 : vector<16xf32>
      %get3A_1877 = arith.constant 99 : i32
      %get3A_1878 = arith.index_cast %get3A_1877 : i32 to index
      %get3A_1879 = arith.constant 16 : index
      %get3A_1880 = tpu.vector_load %arg6[%get3A_1878, %get3A_1879] {strides = array<i32>} : memref<100x64xf32, #tpu.memory_space<vmem>>, vector<1x16xf32>,
      %get3A_1881 = vector.shape_cast %get3A_1880 : vector<1x16xf32> to vector<16xf32>
      %max3A_1882 = arith.maximumf %max3A_1876, %get3A_1881 : vector<16xf32>
      %mul3A_1883 = arith.constant 2 : i32
      %mul3A_1884 = arith.muli %add3A_24, %mul3A_1883 : i32
      %add3A_1885 = arith.constant 1 : i32
      %add3A_1886 = arith.addi %mul3A_1884, %add3A_1885 : i32
      %swap3A_1887 = arith.index_cast %add3A_1886 : i32 to index
      %swap3A_1888 = arith.constant 16 : index
      %swap3A_1889 = tpu.vector_load %arg8[%swap3A_1887, %swap3A_1888] {strides = array<i32>} : memref<512x64xf32, #tpu.memory_space<vmem>>, vector<1x16xf32>,
      %swap3A_1890 = vector.shape_cast %swap3A_1889 : vector<1x16xf32> to vector<16xf32>
      %swap3A_1891 = vector.shape_cast %max3A_1882 : vector<16xf32> to vector<1x16xf32>
      tpu.vector_store %arg8[%swap3A_1887, %swap3A_1888], %swap3A_1891 {strides = array<i32>} : memref<512x64xf32, #tpu.memory_space<vmem>>, vector<1x16xf32>,
      %broadcast_in_dim3A_1892 = arith.constant 0.000000e+00 : f32
      %broadcast_in_dim3A_1893 = vector.broadcast %broadcast_in_dim3A_1892 : f32 to vector<16xf32>
      %get3A_1894 = arith.constant 50 : i32
      %get3A_1895 = arith.index_cast %get3A_1894 : i32 to index
      %get3A_1896 = arith.constant 32 : index
      %get3A_1897 = tpu.vector_load %arg6[%get3A_1895, %get3A_1896] {strides = array<i32>} : memref<100x64xf32, #tpu.memory_space<vmem>>, vector<1x16xf32>,
      %get3A_1898 = vector.shape_cast %get3A_1897 : vector<1x16xf32> to vector<16xf32>
      %max3A_1899 = arith.maximumf %broadcast_in_dim3A_1893, %get3A_1898 : vector<16xf32>
      %get3A_1900 = arith.constant 51 : i32
      %get3A_1901 = arith.index_cast %get3A_1900 : i32 to index
      %get3A_1902 = arith.constant 32 : index
      %get3A_1903 = tpu.vector_load %arg6[%get3A_1901, %get3A_1902] {strides = array<i32>} : memref<100x64xf32, #tpu.memory_space<vmem>>, vector<1x16xf32>,
      %get3A_1904 = vector.shape_cast %get3A_1903 : vector<1x16xf32> to vector<16xf32>
      %max3A_1905 = arith.maximumf %max3A_1899, %get3A_1904 : vector<16xf32>
      %get3A_1906 = arith.constant 52 : i32
      %get3A_1907 = arith.index_cast %get3A_1906 : i32 to index
      %get3A_1908 = arith.constant 32 : index
      %get3A_1909 = tpu.vector_load %arg6[%get3A_1907, %get3A_1908] {strides = array<i32>} : memref<100x64xf32, #tpu.memory_space<vmem>>, vector<1x16xf32>,
      %get3A_1910 = vector.shape_cast %get3A_1909 : vector<1x16xf32> to vector<16xf32>
      %max3A_1911 = arith.maximumf %max3A_1905, %get3A_1910 : vector<16xf32>
      %get3A_1912 = arith.constant 53 : i32
      %get3A_1913 = arith.index_cast %get3A_1912 : i32 to index
      %get3A_1914 = arith.constant 32 : index
      %get3A_1915 = tpu.vector_load %arg6[%get3A_1913, %get3A_1914] {strides = array<i32>} : memref<100x64xf32, #tpu.memory_space<vmem>>, vector<1x16xf32>,
      %get3A_1916 = vector.shape_cast %get3A_1915 : vector<1x16xf32> to vector<16xf32>
      %max3A_1917 = arith.maximumf %max3A_1911, %get3A_1916 : vector<16xf32>
      %get3A_1918 = arith.constant 54 : i32
      %get3A_1919 = arith.index_cast %get3A_1918 : i32 to index
      %get3A_1920 = arith.constant 32 : index
      %get3A_1921 = tpu.vector_load %arg6[%get3A_1919, %get3A_1920] {strides = array<i32>} : memref<100x64xf32, #tpu.memory_space<vmem>>, vector<1x16xf32>,
      %get3A_1922 = vector.shape_cast %get3A_1921 : vector<1x16xf32> to vector<16xf32>
      %max3A_1923 = arith.maximumf %max3A_1917, %get3A_1922 : vector<16xf32>
      %get3A_1924 = arith.constant 55 : i32
      %get3A_1925 = arith.index_cast %get3A_1924 : i32 to index
      %get3A_1926 = arith.constant 32 : index
      %get3A_1927 = tpu.vector_load %arg6[%get3A_1925, %get3A_1926] {strides = array<i32>} : memref<100x64xf32, #tpu.memory_space<vmem>>, vector<1x16xf32>,
      %get3A_1928 = vector.shape_cast %get3A_1927 : vector<1x16xf32> to vector<16xf32>
      %max3A_1929 = arith.maximumf %max3A_1923, %get3A_1928 : vector<16xf32>
      %get3A_1930 = arith.constant 56 : i32
      %get3A_1931 = arith.index_cast %get3A_1930 : i32 to index
      %get3A_1932 = arith.constant 32 : index
      %get3A_1933 = tpu.vector_load %arg6[%get3A_1931, %get3A_1932] {strides = array<i32>} : memref<100x64xf32, #tpu.memory_space<vmem>>, vector<1x16xf32>,
      %get3A_1934 = vector.shape_cast %get3A_1933 : vector<1x16xf32> to vector<16xf32>
      %max3A_1935 = arith.maximumf %max3A_1929, %get3A_1934 : vector<16xf32>
      %get3A_1936 = arith.constant 57 : i32
      %get3A_1937 = arith.index_cast %get3A_1936 : i32 to index
      %get3A_1938 = arith.constant 32 : index
      %get3A_1939 = tpu.vector_load %arg6[%get3A_1937, %get3A_1938] {strides = array<i32>} : memref<100x64xf32, #tpu.memory_space<vmem>>, vector<1x16xf32>,
      %get3A_1940 = vector.shape_cast %get3A_1939 : vector<1x16xf32> to vector<16xf32>
      %max3A_1941 = arith.maximumf %max3A_1935, %get3A_1940 : vector<16xf32>
      %get3A_1942 = arith.constant 58 : i32
      %get3A_1943 = arith.index_cast %get3A_1942 : i32 to index
      %get3A_1944 = arith.constant 32 : index
      %get3A_1945 = tpu.vector_load %arg6[%get3A_1943, %get3A_1944] {strides = array<i32>} : memref<100x64xf32, #tpu.memory_space<vmem>>, vector<1x16xf32>,
      %get3A_1946 = vector.shape_cast %get3A_1945 : vector<1x16xf32> to vector<16xf32>
      %max3A_1947 = arith.maximumf %max3A_1941, %get3A_1946 : vector<16xf32>
      %get3A_1948 = arith.constant 59 : i32
      %get3A_1949 = arith.index_cast %get3A_1948 : i32 to index
      %get3A_1950 = arith.constant 32 : index
      %get3A_1951 = tpu.vector_load %arg6[%get3A_1949, %get3A_1950] {strides = array<i32>} : memref<100x64xf32, #tpu.memory_space<vmem>>, vector<1x16xf32>,
      %get3A_1952 = vector.shape_cast %get3A_1951 : vector<1x16xf32> to vector<16xf32>
      %max3A_1953 = arith.maximumf %max3A_1947, %get3A_1952 : vector<16xf32>
      %get3A_1954 = arith.constant 60 : i32
      %get3A_1955 = arith.index_cast %get3A_1954 : i32 to index
      %get3A_1956 = arith.constant 32 : index
      %get3A_1957 = tpu.vector_load %arg6[%get3A_1955, %get3A_1956] {strides = array<i32>} : memref<100x64xf32, #tpu.memory_space<vmem>>, vector<1x16xf32>,
      %get3A_1958 = vector.shape_cast %get3A_1957 : vector<1x16xf32> to vector<16xf32>
      %max3A_1959 = arith.maximumf %max3A_1953, %get3A_1958 : vector<16xf32>
      %get3A_1960 = arith.constant 61 : i32
      %get3A_1961 = arith.index_cast %get3A_1960 : i32 to index
      %get3A_1962 = arith.constant 32 : index
      %get3A_1963 = tpu.vector_load %arg6[%get3A_1961, %get3A_1962] {strides = array<i32>} : memref<100x64xf32, #tpu.memory_space<vmem>>, vector<1x16xf32>,
      %get3A_1964 = vector.shape_cast %get3A_1963 : vector<1x16xf32> to vector<16xf32>
      %max3A_1965 = arith.maximumf %max3A_1959, %get3A_1964 : vector<16xf32>
      %get3A_1966 = arith.constant 62 : i32
      %get3A_1967 = arith.index_cast %get3A_1966 : i32 to index
      %get3A_1968 = arith.constant 32 : index
      %get3A_1969 = tpu.vector_load %arg6[%get3A_1967, %get3A_1968] {strides = array<i32>} : memref<100x64xf32, #tpu.memory_space<vmem>>, vector<1x16xf32>,
      %get3A_1970 = vector.shape_cast %get3A_1969 : vector<1x16xf32> to vector<16xf32>
      %max3A_1971 = arith.maximumf %max3A_1965, %get3A_1970 : vector<16xf32>
      %get3A_1972 = arith.constant 63 : i32
      %get3A_1973 = arith.index_cast %get3A_1972 : i32 to index
      %get3A_1974 = arith.constant 32 : index
      %get3A_1975 = tpu.vector_load %arg6[%get3A_1973, %get3A_1974] {strides = array<i32>} : memref<100x64xf32, #tpu.memory_space<vmem>>, vector<1x16xf32>,
      %get3A_1976 = vector.shape_cast %get3A_1975 : vector<1x16xf32> to vector<16xf32>
      %max3A_1977 = arith.maximumf %max3A_1971, %get3A_1976 : vector<16xf32>
      %get3A_1978 = arith.constant 64 : i32
      %get3A_1979 = arith.index_cast %get3A_1978 : i32 to index
      %get3A_1980 = arith.constant 32 : index
      %get3A_1981 = tpu.vector_load %arg6[%get3A_1979, %get3A_1980] {strides = array<i32>} : memref<100x64xf32, #tpu.memory_space<vmem>>, vector<1x16xf32>,
      %get3A_1982 = vector.shape_cast %get3A_1981 : vector<1x16xf32> to vector<16xf32>
      %max3A_1983 = arith.maximumf %max3A_1977, %get3A_1982 : vector<16xf32>
      %get3A_1984 = arith.constant 65 : i32
      %get3A_1985 = arith.index_cast %get3A_1984 : i32 to index
      %get3A_1986 = arith.constant 32 : index
      %get3A_1987 = tpu.vector_load %arg6[%get3A_1985, %get3A_1986] {strides = array<i32>} : memref<100x64xf32, #tpu.memory_space<vmem>>, vector<1x16xf32>,
      %get3A_1988 = vector.shape_cast %get3A_1987 : vector<1x16xf32> to vector<16xf32>
      %max3A_1989 = arith.maximumf %max3A_1983, %get3A_1988 : vector<16xf32>
      %get3A_1990 = arith.constant 66 : i32
      %get3A_1991 = arith.index_cast %get3A_1990 : i32 to index
      %get3A_1992 = arith.constant 32 : index
      %get3A_1993 = tpu.vector_load %arg6[%get3A_1991, %get3A_1992] {strides = array<i32>} : memref<100x64xf32, #tpu.memory_space<vmem>>, vector<1x16xf32>,
      %get3A_1994 = vector.shape_cast %get3A_1993 : vector<1x16xf32> to vector<16xf32>
      %max3A_1995 = arith.maximumf %max3A_1989, %get3A_1994 : vector<16xf32>
      %get3A_1996 = arith.constant 67 : i32
      %get3A_1997 = arith.index_cast %get3A_1996 : i32 to index
      %get3A_1998 = arith.constant 32 : index
      %get3A_1999 = tpu.vector_load %arg6[%get3A_1997, %get3A_1998] {strides = array<i32>} : memref<100x64xf32, #tpu.memory_space<vmem>>, vector<1x16xf32>,
      %get3A_2000 = vector.shape_cast %get3A_1999 : vector<1x16xf32> to vector<16xf32>
      %max3A_2001 = arith.maximumf %max3A_1995, %get3A_2000 : vector<16xf32>
      %get3A_2002 = arith.constant 68 : i32
      %get3A_2003 = arith.index_cast %get3A_2002 : i32 to index
      %get3A_2004 = arith.constant 32 : index
      %get3A_2005 = tpu.vector_load %arg6[%get3A_2003, %get3A_2004] {strides = array<i32>} : memref<100x64xf32, #tpu.memory_space<vmem>>, vector<1x16xf32>,
      %get3A_2006 = vector.shape_cast %get3A_2005 : vector<1x16xf32> to vector<16xf32>
      %max3A_2007 = arith.maximumf %max3A_2001, %get3A_2006 : vector<16xf32>
      %get3A_2008 = arith.constant 69 : i32
      %get3A_2009 = arith.index_cast %get3A_2008 : i32 to index
      %get3A_2010 = arith.constant 32 : index
      %get3A_2011 = tpu.vector_load %arg6[%get3A_2009, %get3A_2010] {strides = array<i32>} : memref<100x64xf32, #tpu.memory_space<vmem>>, vector<1x16xf32>,
      %get3A_2012 = vector.shape_cast %get3A_2011 : vector<1x16xf32> to vector<16xf32>
      %max3A_2013 = arith.maximumf %max3A_2007, %get3A_2012 : vector<16xf32>
      %get3A_2014 = arith.constant 70 : i32
      %get3A_2015 = arith.index_cast %get3A_2014 : i32 to index
      %get3A_2016 = arith.constant 32 : index
      %get3A_2017 = tpu.vector_load %arg6[%get3A_2015, %get3A_2016] {strides = array<i32>} : memref<100x64xf32, #tpu.memory_space<vmem>>, vector<1x16xf32>,
      %get3A_2018 = vector.shape_cast %get3A_2017 : vector<1x16xf32> to vector<16xf32>
      %max3A_2019 = arith.maximumf %max3A_2013, %get3A_2018 : vector<16xf32>
      %get3A_2020 = arith.constant 71 : i32
      %get3A_2021 = arith.index_cast %get3A_2020 : i32 to index
      %get3A_2022 = arith.constant 32 : index
      %get3A_2023 = tpu.vector_load %arg6[%get3A_2021, %get3A_2022] {strides = array<i32>} : memref<100x64xf32, #tpu.memory_space<vmem>>, vector<1x16xf32>,
      %get3A_2024 = vector.shape_cast %get3A_2023 : vector<1x16xf32> to vector<16xf32>
      %max3A_2025 = arith.maximumf %max3A_2019, %get3A_2024 : vector<16xf32>
      %get3A_2026 = arith.constant 72 : i32
      %get3A_2027 = arith.index_cast %get3A_2026 : i32 to index
      %get3A_2028 = arith.constant 32 : index
      %get3A_2029 = tpu.vector_load %arg6[%get3A_2027, %get3A_2028] {strides = array<i32>} : memref<100x64xf32, #tpu.memory_space<vmem>>, vector<1x16xf32>,
      %get3A_2030 = vector.shape_cast %get3A_2029 : vector<1x16xf32> to vector<16xf32>
      %max3A_2031 = arith.maximumf %max3A_2025, %get3A_2030 : vector<16xf32>
      %get3A_2032 = arith.constant 73 : i32
      %get3A_2033 = arith.index_cast %get3A_2032 : i32 to index
      %get3A_2034 = arith.constant 32 : index
      %get3A_2035 = tpu.vector_load %arg6[%get3A_2033, %get3A_2034] {strides = array<i32>} : memref<100x64xf32, #tpu.memory_space<vmem>>, vector<1x16xf32>,
      %get3A_2036 = vector.shape_cast %get3A_2035 : vector<1x16xf32> to vector<16xf32>
      %max3A_2037 = arith.maximumf %max3A_2031, %get3A_2036 : vector<16xf32>
      %get3A_2038 = arith.constant 74 : i32
      %get3A_2039 = arith.index_cast %get3A_2038 : i32 to index
      %get3A_2040 = arith.constant 32 : index
      %get3A_2041 = tpu.vector_load %arg6[%get3A_2039, %get3A_2040] {strides = array<i32>} : memref<100x64xf32, #tpu.memory_space<vmem>>, vector<1x16xf32>,
      %get3A_2042 = vector.shape_cast %get3A_2041 : vector<1x16xf32> to vector<16xf32>
      %max3A_2043 = arith.maximumf %max3A_2037, %get3A_2042 : vector<16xf32>
      %get3A_2044 = arith.constant 75 : i32
      %get3A_2045 = arith.index_cast %get3A_2044 : i32 to index
      %get3A_2046 = arith.constant 32 : index
      %get3A_2047 = tpu.vector_load %arg6[%get3A_2045, %get3A_2046] {strides = array<i32>} : memref<100x64xf32, #tpu.memory_space<vmem>>, vector<1x16xf32>,
      %get3A_2048 = vector.shape_cast %get3A_2047 : vector<1x16xf32> to vector<16xf32>
      %max3A_2049 = arith.maximumf %max3A_2043, %get3A_2048 : vector<16xf32>
      %get3A_2050 = arith.constant 76 : i32
      %get3A_2051 = arith.index_cast %get3A_2050 : i32 to index
      %get3A_2052 = arith.constant 32 : index
      %get3A_2053 = tpu.vector_load %arg6[%get3A_2051, %get3A_2052] {strides = array<i32>} : memref<100x64xf32, #tpu.memory_space<vmem>>, vector<1x16xf32>,
      %get3A_2054 = vector.shape_cast %get3A_2053 : vector<1x16xf32> to vector<16xf32>
      %max3A_2055 = arith.maximumf %max3A_2049, %get3A_2054 : vector<16xf32>
      %get3A_2056 = arith.constant 77 : i32
      %get3A_2057 = arith.index_cast %get3A_2056 : i32 to index
      %get3A_2058 = arith.constant 32 : index
      %get3A_2059 = tpu.vector_load %arg6[%get3A_2057, %get3A_2058] {strides = array<i32>} : memref<100x64xf32, #tpu.memory_space<vmem>>, vector<1x16xf32>,
      %get3A_2060 = vector.shape_cast %get3A_2059 : vector<1x16xf32> to vector<16xf32>
      %max3A_2061 = arith.maximumf %max3A_2055, %get3A_2060 : vector<16xf32>
      %get3A_2062 = arith.constant 78 : i32
      %get3A_2063 = arith.index_cast %get3A_2062 : i32 to index
      %get3A_2064 = arith.constant 32 : index
      %get3A_2065 = tpu.vector_load %arg6[%get3A_2063, %get3A_2064] {strides = array<i32>} : memref<100x64xf32, #tpu.memory_space<vmem>>, vector<1x16xf32>,
      %get3A_2066 = vector.shape_cast %get3A_2065 : vector<1x16xf32> to vector<16xf32>
      %max3A_2067 = arith.maximumf %max3A_2061, %get3A_2066 : vector<16xf32>
      %get3A_2068 = arith.constant 79 : i32
      %get3A_2069 = arith.index_cast %get3A_2068 : i32 to index
      %get3A_2070 = arith.constant 32 : index
      %get3A_2071 = tpu.vector_load %arg6[%get3A_2069, %get3A_2070] {strides = array<i32>} : memref<100x64xf32, #tpu.memory_space<vmem>>, vector<1x16xf32>,
      %get3A_2072 = vector.shape_cast %get3A_2071 : vector<1x16xf32> to vector<16xf32>
      %max3A_2073 = arith.maximumf %max3A_2067, %get3A_2072 : vector<16xf32>
      %get3A_2074 = arith.constant 80 : i32
      %get3A_2075 = arith.index_cast %get3A_2074 : i32 to index
      %get3A_2076 = arith.constant 32 : index
      %get3A_2077 = tpu.vector_load %arg6[%get3A_2075, %get3A_2076] {strides = array<i32>} : memref<100x64xf32, #tpu.memory_space<vmem>>, vector<1x16xf32>,
      %get3A_2078 = vector.shape_cast %get3A_2077 : vector<1x16xf32> to vector<16xf32>
      %max3A_2079 = arith.maximumf %max3A_2073, %get3A_2078 : vector<16xf32>
      %get3A_2080 = arith.constant 81 : i32
      %get3A_2081 = arith.index_cast %get3A_2080 : i32 to index
      %get3A_2082 = arith.constant 32 : index
      %get3A_2083 = tpu.vector_load %arg6[%get3A_2081, %get3A_2082] {strides = array<i32>} : memref<100x64xf32, #tpu.memory_space<vmem>>, vector<1x16xf32>,
      %get3A_2084 = vector.shape_cast %get3A_2083 : vector<1x16xf32> to vector<16xf32>
      %max3A_2085 = arith.maximumf %max3A_2079, %get3A_2084 : vector<16xf32>
      %get3A_2086 = arith.constant 82 : i32
      %get3A_2087 = arith.index_cast %get3A_2086 : i32 to index
      %get3A_2088 = arith.constant 32 : index
      %get3A_2089 = tpu.vector_load %arg6[%get3A_2087, %get3A_2088] {strides = array<i32>} : memref<100x64xf32, #tpu.memory_space<vmem>>, vector<1x16xf32>,
      %get3A_2090 = vector.shape_cast %get3A_2089 : vector<1x16xf32> to vector<16xf32>
      %max3A_2091 = arith.maximumf %max3A_2085, %get3A_2090 : vector<16xf32>
      %get3A_2092 = arith.constant 83 : i32
      %get3A_2093 = arith.index_cast %get3A_2092 : i32 to index
      %get3A_2094 = arith.constant 32 : index
      %get3A_2095 = tpu.vector_load %arg6[%get3A_2093, %get3A_2094] {strides = array<i32>} : memref<100x64xf32, #tpu.memory_space<vmem>>, vector<1x16xf32>,
      %get3A_2096 = vector.shape_cast %get3A_2095 : vector<1x16xf32> to vector<16xf32>
      %max3A_2097 = arith.maximumf %max3A_2091, %get3A_2096 : vector<16xf32>
      %get3A_2098 = arith.constant 84 : i32
      %get3A_2099 = arith.index_cast %get3A_2098 : i32 to index
      %get3A_2100 = arith.constant 32 : index
      %get3A_2101 = tpu.vector_load %arg6[%get3A_2099, %get3A_2100] {strides = array<i32>} : memref<100x64xf32, #tpu.memory_space<vmem>>, vector<1x16xf32>,
      %get3A_2102 = vector.shape_cast %get3A_2101 : vector<1x16xf32> to vector<16xf32>
      %max3A_2103 = arith.maximumf %max3A_2097, %get3A_2102 : vector<16xf32>
      %get3A_2104 = arith.constant 85 : i32
      %get3A_2105 = arith.index_cast %get3A_2104 : i32 to index
      %get3A_2106 = arith.constant 32 : index
      %get3A_2107 = tpu.vector_load %arg6[%get3A_2105, %get3A_2106] {strides = array<i32>} : memref<100x64xf32, #tpu.memory_space<vmem>>, vector<1x16xf32>,
      %get3A_2108 = vector.shape_cast %get3A_2107 : vector<1x16xf32> to vector<16xf32>
      %max3A_2109 = arith.maximumf %max3A_2103, %get3A_2108 : vector<16xf32>
      %get3A_2110 = arith.constant 86 : i32
      %get3A_2111 = arith.index_cast %get3A_2110 : i32 to index
      %get3A_2112 = arith.constant 32 : index
      %get3A_2113 = tpu.vector_load %arg6[%get3A_2111, %get3A_2112] {strides = array<i32>} : memref<100x64xf32, #tpu.memory_space<vmem>>, vector<1x16xf32>,
      %get3A_2114 = vector.shape_cast %get3A_2113 : vector<1x16xf32> to vector<16xf32>
      %max3A_2115 = arith.maximumf %max3A_2109, %get3A_2114 : vector<16xf32>
      %get3A_2116 = arith.constant 87 : i32
      %get3A_2117 = arith.index_cast %get3A_2116 : i32 to index
      %get3A_2118 = arith.constant 32 : index
      %get3A_2119 = tpu.vector_load %arg6[%get3A_2117, %get3A_2118] {strides = array<i32>} : memref<100x64xf32, #tpu.memory_space<vmem>>, vector<1x16xf32>,
      %get3A_2120 = vector.shape_cast %get3A_2119 : vector<1x16xf32> to vector<16xf32>
      %max3A_2121 = arith.maximumf %max3A_2115, %get3A_2120 : vector<16xf32>
      %get3A_2122 = arith.constant 88 : i32
      %get3A_2123 = arith.index_cast %get3A_2122 : i32 to index
      %get3A_2124 = arith.constant 32 : index
      %get3A_2125 = tpu.vector_load %arg6[%get3A_2123, %get3A_2124] {strides = array<i32>} : memref<100x64xf32, #tpu.memory_space<vmem>>, vector<1x16xf32>,
      %get3A_2126 = vector.shape_cast %get3A_2125 : vector<1x16xf32> to vector<16xf32>
      %max3A_2127 = arith.maximumf %max3A_2121, %get3A_2126 : vector<16xf32>
      %get3A_2128 = arith.constant 89 : i32
      %get3A_2129 = arith.index_cast %get3A_2128 : i32 to index
      %get3A_2130 = arith.constant 32 : index
      %get3A_2131 = tpu.vector_load %arg6[%get3A_2129, %get3A_2130] {strides = array<i32>} : memref<100x64xf32, #tpu.memory_space<vmem>>, vector<1x16xf32>,
      %get3A_2132 = vector.shape_cast %get3A_2131 : vector<1x16xf32> to vector<16xf32>
      %max3A_2133 = arith.maximumf %max3A_2127, %get3A_2132 : vector<16xf32>
      %get3A_2134 = arith.constant 90 : i32
      %get3A_2135 = arith.index_cast %get3A_2134 : i32 to index
      %get3A_2136 = arith.constant 32 : index
      %get3A_2137 = tpu.vector_load %arg6[%get3A_2135, %get3A_2136] {strides = array<i32>} : memref<100x64xf32, #tpu.memory_space<vmem>>, vector<1x16xf32>,
      %get3A_2138 = vector.shape_cast %get3A_2137 : vector<1x16xf32> to vector<16xf32>
      %max3A_2139 = arith.maximumf %max3A_2133, %get3A_2138 : vector<16xf32>
      %get3A_2140 = arith.constant 91 : i32
      %get3A_2141 = arith.index_cast %get3A_2140 : i32 to index
      %get3A_2142 = arith.constant 32 : index
      %get3A_2143 = tpu.vector_load %arg6[%get3A_2141, %get3A_2142] {strides = array<i32>} : memref<100x64xf32, #tpu.memory_space<vmem>>, vector<1x16xf32>,
      %get3A_2144 = vector.shape_cast %get3A_2143 : vector<1x16xf32> to vector<16xf32>
      %max3A_2145 = arith.maximumf %max3A_2139, %get3A_2144 : vector<16xf32>
      %get3A_2146 = arith.constant 92 : i32
      %get3A_2147 = arith.index_cast %get3A_2146 : i32 to index
      %get3A_2148 = arith.constant 32 : index
      %get3A_2149 = tpu.vector_load %arg6[%get3A_2147, %get3A_2148] {strides = array<i32>} : memref<100x64xf32, #tpu.memory_space<vmem>>, vector<1x16xf32>,
      %get3A_2150 = vector.shape_cast %get3A_2149 : vector<1x16xf32> to vector<16xf32>
      %max3A_2151 = arith.maximumf %max3A_2145, %get3A_2150 : vector<16xf32>
      %get3A_2152 = arith.constant 93 : i32
      %get3A_2153 = arith.index_cast %get3A_2152 : i32 to index
      %get3A_2154 = arith.constant 32 : index
      %get3A_2155 = tpu.vector_load %arg6[%get3A_2153, %get3A_2154] {strides = array<i32>} : memref<100x64xf32, #tpu.memory_space<vmem>>, vector<1x16xf32>,
      %get3A_2156 = vector.shape_cast %get3A_2155 : vector<1x16xf32> to vector<16xf32>
      %max3A_2157 = arith.maximumf %max3A_2151, %get3A_2156 : vector<16xf32>
      %get3A_2158 = arith.constant 94 : i32
      %get3A_2159 = arith.index_cast %get3A_2158 : i32 to index
      %get3A_2160 = arith.constant 32 : index
      %get3A_2161 = tpu.vector_load %arg6[%get3A_2159, %get3A_2160] {strides = array<i32>} : memref<100x64xf32, #tpu.memory_space<vmem>>, vector<1x16xf32>,
      %get3A_2162 = vector.shape_cast %get3A_2161 : vector<1x16xf32> to vector<16xf32>
      %max3A_2163 = arith.maximumf %max3A_2157, %get3A_2162 : vector<16xf32>
      %get3A_2164 = arith.constant 95 : i32
      %get3A_2165 = arith.index_cast %get3A_2164 : i32 to index
      %get3A_2166 = arith.constant 32 : index
      %get3A_2167 = tpu.vector_load %arg6[%get3A_2165, %get3A_2166] {strides = array<i32>} : memref<100x64xf32, #tpu.memory_space<vmem>>, vector<1x16xf32>,
      %get3A_2168 = vector.shape_cast %get3A_2167 : vector<1x16xf32> to vector<16xf32>
      %max3A_2169 = arith.maximumf %max3A_2163, %get3A_2168 : vector<16xf32>
      %get3A_2170 = arith.constant 96 : i32
      %get3A_2171 = arith.index_cast %get3A_2170 : i32 to index
      %get3A_2172 = arith.constant 32 : index
      %get3A_2173 = tpu.vector_load %arg6[%get3A_2171, %get3A_2172] {strides = array<i32>} : memref<100x64xf32, #tpu.memory_space<vmem>>, vector<1x16xf32>,
      %get3A_2174 = vector.shape_cast %get3A_2173 : vector<1x16xf32> to vector<16xf32>
      %max3A_2175 = arith.maximumf %max3A_2169, %get3A_2174 : vector<16xf32>
      %get3A_2176 = arith.constant 97 : i32
      %get3A_2177 = arith.index_cast %get3A_2176 : i32 to index
      %get3A_2178 = arith.constant 32 : index
      %get3A_2179 = tpu.vector_load %arg6[%get3A_2177, %get3A_2178] {strides = array<i32>} : memref<100x64xf32, #tpu.memory_space<vmem>>, vector<1x16xf32>,
      %get3A_2180 = vector.shape_cast %get3A_2179 : vector<1x16xf32> to vector<16xf32>
      %max3A_2181 = arith.maximumf %max3A_2175, %get3A_2180 : vector<16xf32>
      %get3A_2182 = arith.constant 98 : i32
      %get3A_2183 = arith.index_cast %get3A_2182 : i32 to index
      %get3A_2184 = arith.constant 32 : index
      %get3A_2185 = tpu.vector_load %arg6[%get3A_2183, %get3A_2184] {strides = array<i32>} : memref<100x64xf32, #tpu.memory_space<vmem>>, vector<1x16xf32>,
      %get3A_2186 = vector.shape_cast %get3A_2185 : vector<1x16xf32> to vector<16xf32>
      %max3A_2187 = arith.maximumf %max3A_2181, %get3A_2186 : vector<16xf32>
      %get3A_2188 = arith.constant 99 : i32
      %get3A_2189 = arith.index_cast %get3A_2188 : i32 to index
      %get3A_2190 = arith.constant 32 : index
      %get3A_2191 = tpu.vector_load %arg6[%get3A_2189, %get3A_2190] {strides = array<i32>} : memref<100x64xf32, #tpu.memory_space<vmem>>, vector<1x16xf32>,
      %get3A_2192 = vector.shape_cast %get3A_2191 : vector<1x16xf32> to vector<16xf32>
      %max3A_2193 = arith.maximumf %max3A_2187, %get3A_2192 : vector<16xf32>
      %mul3A_2194 = arith.constant 2 : i32
      %mul3A_2195 = arith.muli %add3A_24, %mul3A_2194 : i32
      %add3A_2196 = arith.constant 1 : i32
      %add3A_2197 = arith.addi %mul3A_2195, %add3A_2196 : i32
      %swap3A_2198 = arith.index_cast %add3A_2197 : i32 to index
      %swap3A_2199 = arith.constant 32 : index
      %swap3A_2200 = tpu.vector_load %arg8[%swap3A_2198, %swap3A_2199] {strides = array<i32>} : memref<512x64xf32, #tpu.memory_space<vmem>>, vector<1x16xf32>,
      %swap3A_2201 = vector.shape_cast %swap3A_2200 : vector<1x16xf32> to vector<16xf32>
      %swap3A_2202 = vector.shape_cast %max3A_2193 : vector<16xf32> to vector<1x16xf32>
      tpu.vector_store %arg8[%swap3A_2198, %swap3A_2199], %swap3A_2202 {strides = array<i32>} : memref<512x64xf32, #tpu.memory_space<vmem>>, vector<1x16xf32>,
      %broadcast_in_dim3A_2203 = arith.constant 0.000000e+00 : f32
      %broadcast_in_dim3A_2204 = vector.broadcast %broadcast_in_dim3A_2203 : f32 to vector<16xf32>
      %get3A_2205 = arith.constant 50 : i32
      %get3A_2206 = arith.index_cast %get3A_2205 : i32 to index
      %get3A_2207 = arith.constant 48 : index
      %get3A_2208 = tpu.vector_load %arg6[%get3A_2206, %get3A_2207] {strides = array<i32>} : memref<100x64xf32, #tpu.memory_space<vmem>>, vector<1x16xf32>,
      %get3A_2209 = vector.shape_cast %get3A_2208 : vector<1x16xf32> to vector<16xf32>
      %max3A_2210 = arith.maximumf %broadcast_in_dim3A_2204, %get3A_2209 : vector<16xf32>
      %get3A_2211 = arith.constant 51 : i32
      %get3A_2212 = arith.index_cast %get3A_2211 : i32 to index
      %get3A_2213 = arith.constant 48 : index
      %get3A_2214 = tpu.vector_load %arg6[%get3A_2212, %get3A_2213] {strides = array<i32>} : memref<100x64xf32, #tpu.memory_space<vmem>>, vector<1x16xf32>,
      %get3A_2215 = vector.shape_cast %get3A_2214 : vector<1x16xf32> to vector<16xf32>
      %max3A_2216 = arith.maximumf %max3A_2210, %get3A_2215 : vector<16xf32>
      %get3A_2217 = arith.constant 52 : i32
      %get3A_2218 = arith.index_cast %get3A_2217 : i32 to index
      %get3A_2219 = arith.constant 48 : index
      %get3A_2220 = tpu.vector_load %arg6[%get3A_2218, %get3A_2219] {strides = array<i32>} : memref<100x64xf32, #tpu.memory_space<vmem>>, vector<1x16xf32>,
      %get3A_2221 = vector.shape_cast %get3A_2220 : vector<1x16xf32> to vector<16xf32>
      %max3A_2222 = arith.maximumf %max3A_2216, %get3A_2221 : vector<16xf32>
      %get3A_2223 = arith.constant 53 : i32
      %get3A_2224 = arith.index_cast %get3A_2223 : i32 to index
      %get3A_2225 = arith.constant 48 : index
      %get3A_2226 = tpu.vector_load %arg6[%get3A_2224, %get3A_2225] {strides = array<i32>} : memref<100x64xf32, #tpu.memory_space<vmem>>, vector<1x16xf32>,
      %get3A_2227 = vector.shape_cast %get3A_2226 : vector<1x16xf32> to vector<16xf32>
      %max3A_2228 = arith.maximumf %max3A_2222, %get3A_2227 : vector<16xf32>
      %get3A_2229 = arith.constant 54 : i32
      %get3A_2230 = arith.index_cast %get3A_2229 : i32 to index
      %get3A_2231 = arith.constant 48 : index
      %get3A_2232 = tpu.vector_load %arg6[%get3A_2230, %get3A_2231] {strides = array<i32>} : memref<100x64xf32, #tpu.memory_space<vmem>>, vector<1x16xf32>,
      %get3A_2233 = vector.shape_cast %get3A_2232 : vector<1x16xf32> to vector<16xf32>
      %max3A_2234 = arith.maximumf %max3A_2228, %get3A_2233 : vector<16xf32>
      %get3A_2235 = arith.constant 55 : i32
      %get3A_2236 = arith.index_cast %get3A_2235 : i32 to index
      %get3A_2237 = arith.constant 48 : index
      %get3A_2238 = tpu.vector_load %arg6[%get3A_2236, %get3A_2237] {strides = array<i32>} : memref<100x64xf32, #tpu.memory_space<vmem>>, vector<1x16xf32>,
      %get3A_2239 = vector.shape_cast %get3A_2238 : vector<1x16xf32> to vector<16xf32>
      %max3A_2240 = arith.maximumf %max3A_2234, %get3A_2239 : vector<16xf32>
      %get3A_2241 = arith.constant 56 : i32
      %get3A_2242 = arith.index_cast %get3A_2241 : i32 to index
      %get3A_2243 = arith.constant 48 : index
      %get3A_2244 = tpu.vector_load %arg6[%get3A_2242, %get3A_2243] {strides = array<i32>} : memref<100x64xf32, #tpu.memory_space<vmem>>, vector<1x16xf32>,
      %get3A_2245 = vector.shape_cast %get3A_2244 : vector<1x16xf32> to vector<16xf32>
      %max3A_2246 = arith.maximumf %max3A_2240, %get3A_2245 : vector<16xf32>
      %get3A_2247 = arith.constant 57 : i32
      %get3A_2248 = arith.index_cast %get3A_2247 : i32 to index
      %get3A_2249 = arith.constant 48 : index
      %get3A_2250 = tpu.vector_load %arg6[%get3A_2248, %get3A_2249] {strides = array<i32>} : memref<100x64xf32, #tpu.memory_space<vmem>>, vector<1x16xf32>,
      %get3A_2251 = vector.shape_cast %get3A_2250 : vector<1x16xf32> to vector<16xf32>
      %max3A_2252 = arith.maximumf %max3A_2246, %get3A_2251 : vector<16xf32>
      %get3A_2253 = arith.constant 58 : i32
      %get3A_2254 = arith.index_cast %get3A_2253 : i32 to index
      %get3A_2255 = arith.constant 48 : index
      %get3A_2256 = tpu.vector_load %arg6[%get3A_2254, %get3A_2255] {strides = array<i32>} : memref<100x64xf32, #tpu.memory_space<vmem>>, vector<1x16xf32>,
      %get3A_2257 = vector.shape_cast %get3A_2256 : vector<1x16xf32> to vector<16xf32>
      %max3A_2258 = arith.maximumf %max3A_2252, %get3A_2257 : vector<16xf32>
      %get3A_2259 = arith.constant 59 : i32
      %get3A_2260 = arith.index_cast %get3A_2259 : i32 to index
      %get3A_2261 = arith.constant 48 : index
      %get3A_2262 = tpu.vector_load %arg6[%get3A_2260, %get3A_2261] {strides = array<i32>} : memref<100x64xf32, #tpu.memory_space<vmem>>, vector<1x16xf32>,
      %get3A_2263 = vector.shape_cast %get3A_2262 : vector<1x16xf32> to vector<16xf32>
      %max3A_2264 = arith.maximumf %max3A_2258, %get3A_2263 : vector<16xf32>
      %get3A_2265 = arith.constant 60 : i32
      %get3A_2266 = arith.index_cast %get3A_2265 : i32 to index
      %get3A_2267 = arith.constant 48 : index
      %get3A_2268 = tpu.vector_load %arg6[%get3A_2266, %get3A_2267] {strides = array<i32>} : memref<100x64xf32, #tpu.memory_space<vmem>>, vector<1x16xf32>,
      %get3A_2269 = vector.shape_cast %get3A_2268 : vector<1x16xf32> to vector<16xf32>
      %max3A_2270 = arith.maximumf %max3A_2264, %get3A_2269 : vector<16xf32>
      %get3A_2271 = arith.constant 61 : i32
      %get3A_2272 = arith.index_cast %get3A_2271 : i32 to index
      %get3A_2273 = arith.constant 48 : index
      %get3A_2274 = tpu.vector_load %arg6[%get3A_2272, %get3A_2273] {strides = array<i32>} : memref<100x64xf32, #tpu.memory_space<vmem>>, vector<1x16xf32>,
      %get3A_2275 = vector.shape_cast %get3A_2274 : vector<1x16xf32> to vector<16xf32>
      %max3A_2276 = arith.maximumf %max3A_2270, %get3A_2275 : vector<16xf32>
      %get3A_2277 = arith.constant 62 : i32
      %get3A_2278 = arith.index_cast %get3A_2277 : i32 to index
      %get3A_2279 = arith.constant 48 : index
      %get3A_2280 = tpu.vector_load %arg6[%get3A_2278, %get3A_2279] {strides = array<i32>} : memref<100x64xf32, #tpu.memory_space<vmem>>, vector<1x16xf32>,
      %get3A_2281 = vector.shape_cast %get3A_2280 : vector<1x16xf32> to vector<16xf32>
      %max3A_2282 = arith.maximumf %max3A_2276, %get3A_2281 : vector<16xf32>
      %get3A_2283 = arith.constant 63 : i32
      %get3A_2284 = arith.index_cast %get3A_2283 : i32 to index
      %get3A_2285 = arith.constant 48 : index
      %get3A_2286 = tpu.vector_load %arg6[%get3A_2284, %get3A_2285] {strides = array<i32>} : memref<100x64xf32, #tpu.memory_space<vmem>>, vector<1x16xf32>,
      %get3A_2287 = vector.shape_cast %get3A_2286 : vector<1x16xf32> to vector<16xf32>
      %max3A_2288 = arith.maximumf %max3A_2282, %get3A_2287 : vector<16xf32>
      %get3A_2289 = arith.constant 64 : i32
      %get3A_2290 = arith.index_cast %get3A_2289 : i32 to index
      %get3A_2291 = arith.constant 48 : index
      %get3A_2292 = tpu.vector_load %arg6[%get3A_2290, %get3A_2291] {strides = array<i32>} : memref<100x64xf32, #tpu.memory_space<vmem>>, vector<1x16xf32>,
      %get3A_2293 = vector.shape_cast %get3A_2292 : vector<1x16xf32> to vector<16xf32>
      %max3A_2294 = arith.maximumf %max3A_2288, %get3A_2293 : vector<16xf32>
      %get3A_2295 = arith.constant 65 : i32
      %get3A_2296 = arith.index_cast %get3A_2295 : i32 to index
      %get3A_2297 = arith.constant 48 : index
      %get3A_2298 = tpu.vector_load %arg6[%get3A_2296, %get3A_2297] {strides = array<i32>} : memref<100x64xf32, #tpu.memory_space<vmem>>, vector<1x16xf32>,
      %get3A_2299 = vector.shape_cast %get3A_2298 : vector<1x16xf32> to vector<16xf32>
      %max3A_2300 = arith.maximumf %max3A_2294, %get3A_2299 : vector<16xf32>
      %get3A_2301 = arith.constant 66 : i32
      %get3A_2302 = arith.index_cast %get3A_2301 : i32 to index
      %get3A_2303 = arith.constant 48 : index
      %get3A_2304 = tpu.vector_load %arg6[%get3A_2302, %get3A_2303] {strides = array<i32>} : memref<100x64xf32, #tpu.memory_space<vmem>>, vector<1x16xf32>,
      %get3A_2305 = vector.shape_cast %get3A_2304 : vector<1x16xf32> to vector<16xf32>
      %max3A_2306 = arith.maximumf %max3A_2300, %get3A_2305 : vector<16xf32>
      %get3A_2307 = arith.constant 67 : i32
      %get3A_2308 = arith.index_cast %get3A_2307 : i32 to index
      %get3A_2309 = arith.constant 48 : index
      %get3A_2310 = tpu.vector_load %arg6[%get3A_2308, %get3A_2309] {strides = array<i32>} : memref<100x64xf32, #tpu.memory_space<vmem>>, vector<1x16xf32>,
      %get3A_2311 = vector.shape_cast %get3A_2310 : vector<1x16xf32> to vector<16xf32>
      %max3A_2312 = arith.maximumf %max3A_2306, %get3A_2311 : vector<16xf32>
      %get3A_2313 = arith.constant 68 : i32
      %get3A_2314 = arith.index_cast %get3A_2313 : i32 to index
      %get3A_2315 = arith.constant 48 : index
      %get3A_2316 = tpu.vector_load %arg6[%get3A_2314, %get3A_2315] {strides = array<i32>} : memref<100x64xf32, #tpu.memory_space<vmem>>, vector<1x16xf32>,
      %get3A_2317 = vector.shape_cast %get3A_2316 : vector<1x16xf32> to vector<16xf32>
      %max3A_2318 = arith.maximumf %max3A_2312, %get3A_2317 : vector<16xf32>
      %get3A_2319 = arith.constant 69 : i32
      %get3A_2320 = arith.index_cast %get3A_2319 : i32 to index
      %get3A_2321 = arith.constant 48 : index
      %get3A_2322 = tpu.vector_load %arg6[%get3A_2320, %get3A_2321] {strides = array<i32>} : memref<100x64xf32, #tpu.memory_space<vmem>>, vector<1x16xf32>,
      %get3A_2323 = vector.shape_cast %get3A_2322 : vector<1x16xf32> to vector<16xf32>
      %max3A_2324 = arith.maximumf %max3A_2318, %get3A_2323 : vector<16xf32>
      %get3A_2325 = arith.constant 70 : i32
      %get3A_2326 = arith.index_cast %get3A_2325 : i32 to index
      %get3A_2327 = arith.constant 48 : index
      %get3A_2328 = tpu.vector_load %arg6[%get3A_2326, %get3A_2327] {strides = array<i32>} : memref<100x64xf32, #tpu.memory_space<vmem>>, vector<1x16xf32>,
      %get3A_2329 = vector.shape_cast %get3A_2328 : vector<1x16xf32> to vector<16xf32>
      %max3A_2330 = arith.maximumf %max3A_2324, %get3A_2329 : vector<16xf32>
      %get3A_2331 = arith.constant 71 : i32
      %get3A_2332 = arith.index_cast %get3A_2331 : i32 to index
      %get3A_2333 = arith.constant 48 : index
      %get3A_2334 = tpu.vector_load %arg6[%get3A_2332, %get3A_2333] {strides = array<i32>} : memref<100x64xf32, #tpu.memory_space<vmem>>, vector<1x16xf32>,
      %get3A_2335 = vector.shape_cast %get3A_2334 : vector<1x16xf32> to vector<16xf32>
      %max3A_2336 = arith.maximumf %max3A_2330, %get3A_2335 : vector<16xf32>
      %get3A_2337 = arith.constant 72 : i32
      %get3A_2338 = arith.index_cast %get3A_2337 : i32 to index
      %get3A_2339 = arith.constant 48 : index
      %get3A_2340 = tpu.vector_load %arg6[%get3A_2338, %get3A_2339] {strides = array<i32>} : memref<100x64xf32, #tpu.memory_space<vmem>>, vector<1x16xf32>,
      %get3A_2341 = vector.shape_cast %get3A_2340 : vector<1x16xf32> to vector<16xf32>
      %max3A_2342 = arith.maximumf %max3A_2336, %get3A_2341 : vector<16xf32>
      %get3A_2343 = arith.constant 73 : i32
      %get3A_2344 = arith.index_cast %get3A_2343 : i32 to index
      %get3A_2345 = arith.constant 48 : index
      %get3A_2346 = tpu.vector_load %arg6[%get3A_2344, %get3A_2345] {strides = array<i32>} : memref<100x64xf32, #tpu.memory_space<vmem>>, vector<1x16xf32>,
      %get3A_2347 = vector.shape_cast %get3A_2346 : vector<1x16xf32> to vector<16xf32>
      %max3A_2348 = arith.maximumf %max3A_2342, %get3A_2347 : vector<16xf32>
      %get3A_2349 = arith.constant 74 : i32
      %get3A_2350 = arith.index_cast %get3A_2349 : i32 to index
      %get3A_2351 = arith.constant 48 : index
      %get3A_2352 = tpu.vector_load %arg6[%get3A_2350, %get3A_2351] {strides = array<i32>} : memref<100x64xf32, #tpu.memory_space<vmem>>, vector<1x16xf32>,
      %get3A_2353 = vector.shape_cast %get3A_2352 : vector<1x16xf32> to vector<16xf32>
      %max3A_2354 = arith.maximumf %max3A_2348, %get3A_2353 : vector<16xf32>
      %get3A_2355 = arith.constant 75 : i32
      %get3A_2356 = arith.index_cast %get3A_2355 : i32 to index
      %get3A_2357 = arith.constant 48 : index
      %get3A_2358 = tpu.vector_load %arg6[%get3A_2356, %get3A_2357] {strides = array<i32>} : memref<100x64xf32, #tpu.memory_space<vmem>>, vector<1x16xf32>,
      %get3A_2359 = vector.shape_cast %get3A_2358 : vector<1x16xf32> to vector<16xf32>
      %max3A_2360 = arith.maximumf %max3A_2354, %get3A_2359 : vector<16xf32>
      %get3A_2361 = arith.constant 76 : i32
      %get3A_2362 = arith.index_cast %get3A_2361 : i32 to index
      %get3A_2363 = arith.constant 48 : index
      %get3A_2364 = tpu.vector_load %arg6[%get3A_2362, %get3A_2363] {strides = array<i32>} : memref<100x64xf32, #tpu.memory_space<vmem>>, vector<1x16xf32>,
      %get3A_2365 = vector.shape_cast %get3A_2364 : vector<1x16xf32> to vector<16xf32>
      %max3A_2366 = arith.maximumf %max3A_2360, %get3A_2365 : vector<16xf32>
      %get3A_2367 = arith.constant 77 : i32
      %get3A_2368 = arith.index_cast %get3A_2367 : i32 to index
      %get3A_2369 = arith.constant 48 : index
      %get3A_2370 = tpu.vector_load %arg6[%get3A_2368, %get3A_2369] {strides = array<i32>} : memref<100x64xf32, #tpu.memory_space<vmem>>, vector<1x16xf32>,
      %get3A_2371 = vector.shape_cast %get3A_2370 : vector<1x16xf32> to vector<16xf32>
      %max3A_2372 = arith.maximumf %max3A_2366, %get3A_2371 : vector<16xf32>
      %get3A_2373 = arith.constant 78 : i32
      %get3A_2374 = arith.index_cast %get3A_2373 : i32 to index
      %get3A_2375 = arith.constant 48 : index
      %get3A_2376 = tpu.vector_load %arg6[%get3A_2374, %get3A_2375] {strides = array<i32>} : memref<100x64xf32, #tpu.memory_space<vmem>>, vector<1x16xf32>,
      %get3A_2377 = vector.shape_cast %get3A_2376 : vector<1x16xf32> to vector<16xf32>
      %max3A_2378 = arith.maximumf %max3A_2372, %get3A_2377 : vector<16xf32>
      %get3A_2379 = arith.constant 79 : i32
      %get3A_2380 = arith.index_cast %get3A_2379 : i32 to index
      %get3A_2381 = arith.constant 48 : index
      %get3A_2382 = tpu.vector_load %arg6[%get3A_2380, %get3A_2381] {strides = array<i32>} : memref<100x64xf32, #tpu.memory_space<vmem>>, vector<1x16xf32>,
      %get3A_2383 = vector.shape_cast %get3A_2382 : vector<1x16xf32> to vector<16xf32>
      %max3A_2384 = arith.maximumf %max3A_2378, %get3A_2383 : vector<16xf32>
      %get3A_2385 = arith.constant 80 : i32
      %get3A_2386 = arith.index_cast %get3A_2385 : i32 to index
      %get3A_2387 = arith.constant 48 : index
      %get3A_2388 = tpu.vector_load %arg6[%get3A_2386, %get3A_2387] {strides = array<i32>} : memref<100x64xf32, #tpu.memory_space<vmem>>, vector<1x16xf32>,
      %get3A_2389 = vector.shape_cast %get3A_2388 : vector<1x16xf32> to vector<16xf32>
      %max3A_2390 = arith.maximumf %max3A_2384, %get3A_2389 : vector<16xf32>
      %get3A_2391 = arith.constant 81 : i32
      %get3A_2392 = arith.index_cast %get3A_2391 : i32 to index
      %get3A_2393 = arith.constant 48 : index
      %get3A_2394 = tpu.vector_load %arg6[%get3A_2392, %get3A_2393] {strides = array<i32>} : memref<100x64xf32, #tpu.memory_space<vmem>>, vector<1x16xf32>,
      %get3A_2395 = vector.shape_cast %get3A_2394 : vector<1x16xf32> to vector<16xf32>
      %max3A_2396 = arith.maximumf %max3A_2390, %get3A_2395 : vector<16xf32>
      %get3A_2397 = arith.constant 82 : i32
      %get3A_2398 = arith.index_cast %get3A_2397 : i32 to index
      %get3A_2399 = arith.constant 48 : index
      %get3A_2400 = tpu.vector_load %arg6[%get3A_2398, %get3A_2399] {strides = array<i32>} : memref<100x64xf32, #tpu.memory_space<vmem>>, vector<1x16xf32>,
      %get3A_2401 = vector.shape_cast %get3A_2400 : vector<1x16xf32> to vector<16xf32>
      %max3A_2402 = arith.maximumf %max3A_2396, %get3A_2401 : vector<16xf32>
      %get3A_2403 = arith.constant 83 : i32
      %get3A_2404 = arith.index_cast %get3A_2403 : i32 to index
      %get3A_2405 = arith.constant 48 : index
      %get3A_2406 = tpu.vector_load %arg6[%get3A_2404, %get3A_2405] {strides = array<i32>} : memref<100x64xf32, #tpu.memory_space<vmem>>, vector<1x16xf32>,
      %get3A_2407 = vector.shape_cast %get3A_2406 : vector<1x16xf32> to vector<16xf32>
      %max3A_2408 = arith.maximumf %max3A_2402, %get3A_2407 : vector<16xf32>
      %get3A_2409 = arith.constant 84 : i32
      %get3A_2410 = arith.index_cast %get3A_2409 : i32 to index
      %get3A_2411 = arith.constant 48 : index
      %get3A_2412 = tpu.vector_load %arg6[%get3A_2410, %get3A_2411] {strides = array<i32>} : memref<100x64xf32, #tpu.memory_space<vmem>>, vector<1x16xf32>,
      %get3A_2413 = vector.shape_cast %get3A_2412 : vector<1x16xf32> to vector<16xf32>
      %max3A_2414 = arith.maximumf %max3A_2408, %get3A_2413 : vector<16xf32>
      %get3A_2415 = arith.constant 85 : i32
      %get3A_2416 = arith.index_cast %get3A_2415 : i32 to index
      %get3A_2417 = arith.constant 48 : index
      %get3A_2418 = tpu.vector_load %arg6[%get3A_2416, %get3A_2417] {strides = array<i32>} : memref<100x64xf32, #tpu.memory_space<vmem>>, vector<1x16xf32>,
      %get3A_2419 = vector.shape_cast %get3A_2418 : vector<1x16xf32> to vector<16xf32>
      %max3A_2420 = arith.maximumf %max3A_2414, %get3A_2419 : vector<16xf32>
      %get3A_2421 = arith.constant 86 : i32
      %get3A_2422 = arith.index_cast %get3A_2421 : i32 to index
      %get3A_2423 = arith.constant 48 : index
      %get3A_2424 = tpu.vector_load %arg6[%get3A_2422, %get3A_2423] {strides = array<i32>} : memref<100x64xf32, #tpu.memory_space<vmem>>, vector<1x16xf32>,
      %get3A_2425 = vector.shape_cast %get3A_2424 : vector<1x16xf32> to vector<16xf32>
      %max3A_2426 = arith.maximumf %max3A_2420, %get3A_2425 : vector<16xf32>
      %get3A_2427 = arith.constant 87 : i32
      %get3A_2428 = arith.index_cast %get3A_2427 : i32 to index
      %get3A_2429 = arith.constant 48 : index
      %get3A_2430 = tpu.vector_load %arg6[%get3A_2428, %get3A_2429] {strides = array<i32>} : memref<100x64xf32, #tpu.memory_space<vmem>>, vector<1x16xf32>,
      %get3A_2431 = vector.shape_cast %get3A_2430 : vector<1x16xf32> to vector<16xf32>
      %max3A_2432 = arith.maximumf %max3A_2426, %get3A_2431 : vector<16xf32>
      %get3A_2433 = arith.constant 88 : i32
      %get3A_2434 = arith.index_cast %get3A_2433 : i32 to index
      %get3A_2435 = arith.constant 48 : index
      %get3A_2436 = tpu.vector_load %arg6[%get3A_2434, %get3A_2435] {strides = array<i32>} : memref<100x64xf32, #tpu.memory_space<vmem>>, vector<1x16xf32>,
      %get3A_2437 = vector.shape_cast %get3A_2436 : vector<1x16xf32> to vector<16xf32>
      %max3A_2438 = arith.maximumf %max3A_2432, %get3A_2437 : vector<16xf32>
      %get3A_2439 = arith.constant 89 : i32
      %get3A_2440 = arith.index_cast %get3A_2439 : i32 to index
      %get3A_2441 = arith.constant 48 : index
      %get3A_2442 = tpu.vector_load %arg6[%get3A_2440, %get3A_2441] {strides = array<i32>} : memref<100x64xf32, #tpu.memory_space<vmem>>, vector<1x16xf32>,
      %get3A_2443 = vector.shape_cast %get3A_2442 : vector<1x16xf32> to vector<16xf32>
      %max3A_2444 = arith.maximumf %max3A_2438, %get3A_2443 : vector<16xf32>
      %get3A_2445 = arith.constant 90 : i32
      %get3A_2446 = arith.index_cast %get3A_2445 : i32 to index
      %get3A_2447 = arith.constant 48 : index
      %get3A_2448 = tpu.vector_load %arg6[%get3A_2446, %get3A_2447] {strides = array<i32>} : memref<100x64xf32, #tpu.memory_space<vmem>>, vector<1x16xf32>,
      %get3A_2449 = vector.shape_cast %get3A_2448 : vector<1x16xf32> to vector<16xf32>
      %max3A_2450 = arith.maximumf %max3A_2444, %get3A_2449 : vector<16xf32>
      %get3A_2451 = arith.constant 91 : i32
      %get3A_2452 = arith.index_cast %get3A_2451 : i32 to index
      %get3A_2453 = arith.constant 48 : index
      %get3A_2454 = tpu.vector_load %arg6[%get3A_2452, %get3A_2453] {strides = array<i32>} : memref<100x64xf32, #tpu.memory_space<vmem>>, vector<1x16xf32>,
      %get3A_2455 = vector.shape_cast %get3A_2454 : vector<1x16xf32> to vector<16xf32>
      %max3A_2456 = arith.maximumf %max3A_2450, %get3A_2455 : vector<16xf32>
      %get3A_2457 = arith.constant 92 : i32
      %get3A_2458 = arith.index_cast %get3A_2457 : i32 to index
      %get3A_2459 = arith.constant 48 : index
      %get3A_2460 = tpu.vector_load %arg6[%get3A_2458, %get3A_2459] {strides = array<i32>} : memref<100x64xf32, #tpu.memory_space<vmem>>, vector<1x16xf32>,
      %get3A_2461 = vector.shape_cast %get3A_2460 : vector<1x16xf32> to vector<16xf32>
      %max3A_2462 = arith.maximumf %max3A_2456, %get3A_2461 : vector<16xf32>
      %get3A_2463 = arith.constant 93 : i32
      %get3A_2464 = arith.index_cast %get3A_2463 : i32 to index
      %get3A_2465 = arith.constant 48 : index
      %get3A_2466 = tpu.vector_load %arg6[%get3A_2464, %get3A_2465] {strides = array<i32>} : memref<100x64xf32, #tpu.memory_space<vmem>>, vector<1x16xf32>,
      %get3A_2467 = vector.shape_cast %get3A_2466 : vector<1x16xf32> to vector<16xf32>
      %max3A_2468 = arith.maximumf %max3A_2462, %get3A_2467 : vector<16xf32>
      %get3A_2469 = arith.constant 94 : i32
      %get3A_2470 = arith.index_cast %get3A_2469 : i32 to index
      %get3A_2471 = arith.constant 48 : index
      %get3A_2472 = tpu.vector_load %arg6[%get3A_2470, %get3A_2471] {strides = array<i32>} : memref<100x64xf32, #tpu.memory_space<vmem>>, vector<1x16xf32>,
      %get3A_2473 = vector.shape_cast %get3A_2472 : vector<1x16xf32> to vector<16xf32>
      %max3A_2474 = arith.maximumf %max3A_2468, %get3A_2473 : vector<16xf32>
      %get3A_2475 = arith.constant 95 : i32
      %get3A_2476 = arith.index_cast %get3A_2475 : i32 to index
      %get3A_2477 = arith.constant 48 : index
      %get3A_2478 = tpu.vector_load %arg6[%get3A_2476, %get3A_2477] {strides = array<i32>} : memref<100x64xf32, #tpu.memory_space<vmem>>, vector<1x16xf32>,
      %get3A_2479 = vector.shape_cast %get3A_2478 : vector<1x16xf32> to vector<16xf32>
      %max3A_2480 = arith.maximumf %max3A_2474, %get3A_2479 : vector<16xf32>
      %get3A_2481 = arith.constant 96 : i32
      %get3A_2482 = arith.index_cast %get3A_2481 : i32 to index
      %get3A_2483 = arith.constant 48 : index
      %get3A_2484 = tpu.vector_load %arg6[%get3A_2482, %get3A_2483] {strides = array<i32>} : memref<100x64xf32, #tpu.memory_space<vmem>>, vector<1x16xf32>,
      %get3A_2485 = vector.shape_cast %get3A_2484 : vector<1x16xf32> to vector<16xf32>
      %max3A_2486 = arith.maximumf %max3A_2480, %get3A_2485 : vector<16xf32>
      %get3A_2487 = arith.constant 97 : i32
      %get3A_2488 = arith.index_cast %get3A_2487 : i32 to index
      %get3A_2489 = arith.constant 48 : index
      %get3A_2490 = tpu.vector_load %arg6[%get3A_2488, %get3A_2489] {strides = array<i32>} : memref<100x64xf32, #tpu.memory_space<vmem>>, vector<1x16xf32>,
      %get3A_2491 = vector.shape_cast %get3A_2490 : vector<1x16xf32> to vector<16xf32>
      %max3A_2492 = arith.maximumf %max3A_2486, %get3A_2491 : vector<16xf32>
      %get3A_2493 = arith.constant 98 : i32
      %get3A_2494 = arith.index_cast %get3A_2493 : i32 to index
      %get3A_2495 = arith.constant 48 : index
      %get3A_2496 = tpu.vector_load %arg6[%get3A_2494, %get3A_2495] {strides = array<i32>} : memref<100x64xf32, #tpu.memory_space<vmem>>, vector<1x16xf32>,
      %get3A_2497 = vector.shape_cast %get3A_2496 : vector<1x16xf32> to vector<16xf32>
      %max3A_2498 = arith.maximumf %max3A_2492, %get3A_2497 : vector<16xf32>
      %get3A_2499 = arith.constant 99 : i32
      %get3A_2500 = arith.index_cast %get3A_2499 : i32 to index
      %get3A_2501 = arith.constant 48 : index
      %get3A_2502 = tpu.vector_load %arg6[%get3A_2500, %get3A_2501] {strides = array<i32>} : memref<100x64xf32, #tpu.memory_space<vmem>>, vector<1x16xf32>,
      %get3A_2503 = vector.shape_cast %get3A_2502 : vector<1x16xf32> to vector<16xf32>
      %max3A_2504 = arith.maximumf %max3A_2498, %get3A_2503 : vector<16xf32>
      %mul3A_2505 = arith.constant 2 : i32
      %mul3A_2506 = arith.muli %add3A_24, %mul3A_2505 : i32
      %add3A_2507 = arith.constant 1 : i32
      %add3A_2508 = arith.addi %mul3A_2506, %add3A_2507 : i32
      %swap3A_2509 = arith.index_cast %add3A_2508 : i32 to index
      %swap3A_2510 = arith.constant 48 : index
      %swap3A_2511 = tpu.vector_load %arg8[%swap3A_2509, %swap3A_2510] {strides = array<i32>} : memref<512x64xf32, #tpu.memory_space<vmem>>, vector<1x16xf32>,
      %swap3A_2512 = vector.shape_cast %swap3A_2511 : vector<1x16xf32> to vector<16xf32>
      %swap3A_2513 = vector.shape_cast %max3A_2504 : vector<16xf32> to vector<1x16xf32>
      tpu.vector_store %arg8[%swap3A_2509, %swap3A_2510], %swap3A_2513 {strides = array<i32>} : memref<512x64xf32, #tpu.memory_space<vmem>>, vector<1x16xf32>,
      %add3A_2514 = arith.constant 2 : i32
      %add3A_2515 = arith.addi %add3A_24, %add3A_2514 : i32
      %lt3A = arith.constant 256 : i32
      %lt3A_2516 = arith.cmpi slt, %add3A_2515, %lt3A : i32
      %convert_element_type3A = arith.extui %lt3A_2516 : i1 to i32
      %cond3A = arith.constant 0 : i32
      %cond3A_2517 = arith.cmpi ne, %convert_element_type3A, %cond3A : i32
      scf.if %cond3A_2517 {
        %add3A_5023 = arith.constant 2 : i32
        %add3A_5024 = arith.addi %add3A_24, %add3A_5023 : i32
        %dma_start3A_5025 = arith.constant 0 : i32
        %dma_start3A_5026 = tpu.memref_slice %arg5[%add3A_5024, %dma_start3A_5025] : memref<256x100xi32, #tpu.memory_space<vmem>> -> memref<1x100xi32, #tpu.memory_space<vmem>>
        %dma_start3A_5027 = tpu.memref_squeeze %dma_start3A_5026 : memref<1x100xi32, #tpu.memory_space<vmem>> -> memref<100xi32, #tpu.memory_space<vmem>>
        %dma_start3A_5028 = arith.constant 0 : i32
        %dma_start3A_5029 = arith.constant 0 : i32
        %dma_start3A_5030 = tpu.memref_slice %arg3[%dma_start3A_5028, %dma_start3A_5029] : memref<1007616x64xf32, #tpu.memory_space<hbm>> -> memref<1007616x64xf32, #tpu.memory_space<hbm>>
        tpu.enqueue_indirect_dma source(%dma_start3A_5030 : memref<1007616x64xf32, #tpu.memory_space<hbm>>) target(%arg6 : memref<100x64xf32, #tpu.memory_space<vmem>>) offsets(%dma_start3A_5027 : memref<100xi32, #tpu.memory_space<vmem>>) semaphore(%arg9 : memref<!tpu.dma_semaphore, #tpu.memory_space<semaphore_mem>>)
      } else {
      }
      %mul3A_2518 = arith.constant 2 : i32
      %mul3A_2519 = arith.muli %scan3A_20, %mul3A_2518 : i32
      %add3A_2520 = arith.constant 1 : i32
      %add3A_2521 = arith.addi %mul3A_2519, %add3A_2520 : i32
      %dma_wait3A_2522 = arith.constant 0 : i32
      %dma_wait3A_2523 = tpu.memref_slice %arg5[%add3A_2521, %dma_wait3A_2522] : memref<256x100xi32, #tpu.memory_space<vmem>> -> memref<1x100xi32, #tpu.memory_space<vmem>>
      %dma_wait3A_2524 = tpu.memref_squeeze %dma_wait3A_2523 : memref<1x100xi32, #tpu.memory_space<vmem>> -> memref<100xi32, #tpu.memory_space<vmem>>
      %dma_wait3A_2525 = arith.constant 0 : i32
      %dma_wait3A_2526 = arith.constant 0 : i32
      %dma_wait3A_2527 = tpu.memref_slice %arg3[%dma_wait3A_2525, %dma_wait3A_2526] : memref<1007616x64xf32, #tpu.memory_space<hbm>> -> memref<1007616x64xf32, #tpu.memory_space<hbm>>
      tpu.wait_indirect_dma semaphore(%arg10 : memref<!tpu.dma_semaphore, #tpu.memory_space<semaphore_mem>>) src(%dma_wait3A_2527 : memref<1007616x64xf32, #tpu.memory_space<hbm>>) dst(%arg7 : memref<100x64xf32, #tpu.memory_space<vmem>>)
      %broadcast_in_dim3A_2528 = arith.constant 0.000000e+00 : f32
      %broadcast_in_dim3A_2529 = vector.broadcast %broadcast_in_dim3A_2528 : f32 to vector<16xf32>
      %get3A_2530 = arith.constant 0 : i32
      %get3A_2531 = arith.index_cast %get3A_2530 : i32 to index
      %get3A_2532 = arith.constant 0 : index
      %get3A_2533 = tpu.vector_load %arg7[%get3A_2531, %get3A_2532] {strides = array<i32>} : memref<100x64xf32, #tpu.memory_space<vmem>>, vector<1x16xf32>,
      %get3A_2534 = vector.shape_cast %get3A_2533 : vector<1x16xf32> to vector<16xf32>
      %max3A_2535 = arith.maximumf %broadcast_in_dim3A_2529, %get3A_2534 : vector<16xf32>
      %get3A_2536 = arith.constant 1 : i32
      %get3A_2537 = arith.index_cast %get3A_2536 : i32 to index
      %get3A_2538 = arith.constant 0 : index
      %get3A_2539 = tpu.vector_load %arg7[%get3A_2537, %get3A_2538] {strides = array<i32>} : memref<100x64xf32, #tpu.memory_space<vmem>>, vector<1x16xf32>,
      %get3A_2540 = vector.shape_cast %get3A_2539 : vector<1x16xf32> to vector<16xf32>
      %max3A_2541 = arith.maximumf %max3A_2535, %get3A_2540 : vector<16xf32>
      %get3A_2542 = arith.constant 2 : i32
      %get3A_2543 = arith.index_cast %get3A_2542 : i32 to index
      %get3A_2544 = arith.constant 0 : index
      %get3A_2545 = tpu.vector_load %arg7[%get3A_2543, %get3A_2544] {strides = array<i32>} : memref<100x64xf32, #tpu.memory_space<vmem>>, vector<1x16xf32>,
      %get3A_2546 = vector.shape_cast %get3A_2545 : vector<1x16xf32> to vector<16xf32>
      %max3A_2547 = arith.maximumf %max3A_2541, %get3A_2546 : vector<16xf32>
      %get3A_2548 = arith.constant 3 : i32
      %get3A_2549 = arith.index_cast %get3A_2548 : i32 to index
      %get3A_2550 = arith.constant 0 : index
      %get3A_2551 = tpu.vector_load %arg7[%get3A_2549, %get3A_2550] {strides = array<i32>} : memref<100x64xf32, #tpu.memory_space<vmem>>, vector<1x16xf32>,
      %get3A_2552 = vector.shape_cast %get3A_2551 : vector<1x16xf32> to vector<16xf32>
      %max3A_2553 = arith.maximumf %max3A_2547, %get3A_2552 : vector<16xf32>
      %get3A_2554 = arith.constant 4 : i32
      %get3A_2555 = arith.index_cast %get3A_2554 : i32 to index
      %get3A_2556 = arith.constant 0 : index
      %get3A_2557 = tpu.vector_load %arg7[%get3A_2555, %get3A_2556] {strides = array<i32>} : memref<100x64xf32, #tpu.memory_space<vmem>>, vector<1x16xf32>,
      %get3A_2558 = vector.shape_cast %get3A_2557 : vector<1x16xf32> to vector<16xf32>
      %max3A_2559 = arith.maximumf %max3A_2553, %get3A_2558 : vector<16xf32>
      %get3A_2560 = arith.constant 5 : i32
      %get3A_2561 = arith.index_cast %get3A_2560 : i32 to index
      %get3A_2562 = arith.constant 0 : index
      %get3A_2563 = tpu.vector_load %arg7[%get3A_2561, %get3A_2562] {strides = array<i32>} : memref<100x64xf32, #tpu.memory_space<vmem>>, vector<1x16xf32>,
      %get3A_2564 = vector.shape_cast %get3A_2563 : vector<1x16xf32> to vector<16xf32>
      %max3A_2565 = arith.maximumf %max3A_2559, %get3A_2564 : vector<16xf32>
      %get3A_2566 = arith.constant 6 : i32
      %get3A_2567 = arith.index_cast %get3A_2566 : i32 to index
      %get3A_2568 = arith.constant 0 : index
      %get3A_2569 = tpu.vector_load %arg7[%get3A_2567, %get3A_2568] {strides = array<i32>} : memref<100x64xf32, #tpu.memory_space<vmem>>, vector<1x16xf32>,
      %get3A_2570 = vector.shape_cast %get3A_2569 : vector<1x16xf32> to vector<16xf32>
      %max3A_2571 = arith.maximumf %max3A_2565, %get3A_2570 : vector<16xf32>
      %get3A_2572 = arith.constant 7 : i32
      %get3A_2573 = arith.index_cast %get3A_2572 : i32 to index
      %get3A_2574 = arith.constant 0 : index
      %get3A_2575 = tpu.vector_load %arg7[%get3A_2573, %get3A_2574] {strides = array<i32>} : memref<100x64xf32, #tpu.memory_space<vmem>>, vector<1x16xf32>,
      %get3A_2576 = vector.shape_cast %get3A_2575 : vector<1x16xf32> to vector<16xf32>
      %max3A_2577 = arith.maximumf %max3A_2571, %get3A_2576 : vector<16xf32>
      %get3A_2578 = arith.constant 8 : i32
      %get3A_2579 = arith.index_cast %get3A_2578 : i32 to index
      %get3A_2580 = arith.constant 0 : index
      %get3A_2581 = tpu.vector_load %arg7[%get3A_2579, %get3A_2580] {strides = array<i32>} : memref<100x64xf32, #tpu.memory_space<vmem>>, vector<1x16xf32>,
      %get3A_2582 = vector.shape_cast %get3A_2581 : vector<1x16xf32> to vector<16xf32>
      %max3A_2583 = arith.maximumf %max3A_2577, %get3A_2582 : vector<16xf32>
      %get3A_2584 = arith.constant 9 : i32
      %get3A_2585 = arith.index_cast %get3A_2584 : i32 to index
      %get3A_2586 = arith.constant 0 : index
      %get3A_2587 = tpu.vector_load %arg7[%get3A_2585, %get3A_2586] {strides = array<i32>} : memref<100x64xf32, #tpu.memory_space<vmem>>, vector<1x16xf32>,
      %get3A_2588 = vector.shape_cast %get3A_2587 : vector<1x16xf32> to vector<16xf32>
      %max3A_2589 = arith.maximumf %max3A_2583, %get3A_2588 : vector<16xf32>
      %get3A_2590 = arith.constant 10 : i32
      %get3A_2591 = arith.index_cast %get3A_2590 : i32 to index
      %get3A_2592 = arith.constant 0 : index
      %get3A_2593 = tpu.vector_load %arg7[%get3A_2591, %get3A_2592] {strides = array<i32>} : memref<100x64xf32, #tpu.memory_space<vmem>>, vector<1x16xf32>,
      %get3A_2594 = vector.shape_cast %get3A_2593 : vector<1x16xf32> to vector<16xf32>
      %max3A_2595 = arith.maximumf %max3A_2589, %get3A_2594 : vector<16xf32>
      %get3A_2596 = arith.constant 11 : i32
      %get3A_2597 = arith.index_cast %get3A_2596 : i32 to index
      %get3A_2598 = arith.constant 0 : index
      %get3A_2599 = tpu.vector_load %arg7[%get3A_2597, %get3A_2598] {strides = array<i32>} : memref<100x64xf32, #tpu.memory_space<vmem>>, vector<1x16xf32>,
      %get3A_2600 = vector.shape_cast %get3A_2599 : vector<1x16xf32> to vector<16xf32>
      %max3A_2601 = arith.maximumf %max3A_2595, %get3A_2600 : vector<16xf32>
      %get3A_2602 = arith.constant 12 : i32
      %get3A_2603 = arith.index_cast %get3A_2602 : i32 to index
      %get3A_2604 = arith.constant 0 : index
      %get3A_2605 = tpu.vector_load %arg7[%get3A_2603, %get3A_2604] {strides = array<i32>} : memref<100x64xf32, #tpu.memory_space<vmem>>, vector<1x16xf32>,
      %get3A_2606 = vector.shape_cast %get3A_2605 : vector<1x16xf32> to vector<16xf32>
      %max3A_2607 = arith.maximumf %max3A_2601, %get3A_2606 : vector<16xf32>
      %get3A_2608 = arith.constant 13 : i32
      %get3A_2609 = arith.index_cast %get3A_2608 : i32 to index
      %get3A_2610 = arith.constant 0 : index
      %get3A_2611 = tpu.vector_load %arg7[%get3A_2609, %get3A_2610] {strides = array<i32>} : memref<100x64xf32, #tpu.memory_space<vmem>>, vector<1x16xf32>,
      %get3A_2612 = vector.shape_cast %get3A_2611 : vector<1x16xf32> to vector<16xf32>
      %max3A_2613 = arith.maximumf %max3A_2607, %get3A_2612 : vector<16xf32>
      %get3A_2614 = arith.constant 14 : i32
      %get3A_2615 = arith.index_cast %get3A_2614 : i32 to index
      %get3A_2616 = arith.constant 0 : index
      %get3A_2617 = tpu.vector_load %arg7[%get3A_2615, %get3A_2616] {strides = array<i32>} : memref<100x64xf32, #tpu.memory_space<vmem>>, vector<1x16xf32>,
      %get3A_2618 = vector.shape_cast %get3A_2617 : vector<1x16xf32> to vector<16xf32>
      %max3A_2619 = arith.maximumf %max3A_2613, %get3A_2618 : vector<16xf32>
      %get3A_2620 = arith.constant 15 : i32
      %get3A_2621 = arith.index_cast %get3A_2620 : i32 to index
      %get3A_2622 = arith.constant 0 : index
      %get3A_2623 = tpu.vector_load %arg7[%get3A_2621, %get3A_2622] {strides = array<i32>} : memref<100x64xf32, #tpu.memory_space<vmem>>, vector<1x16xf32>,
      %get3A_2624 = vector.shape_cast %get3A_2623 : vector<1x16xf32> to vector<16xf32>
      %max3A_2625 = arith.maximumf %max3A_2619, %get3A_2624 : vector<16xf32>
      %get3A_2626 = arith.constant 16 : i32
      %get3A_2627 = arith.index_cast %get3A_2626 : i32 to index
      %get3A_2628 = arith.constant 0 : index
      %get3A_2629 = tpu.vector_load %arg7[%get3A_2627, %get3A_2628] {strides = array<i32>} : memref<100x64xf32, #tpu.memory_space<vmem>>, vector<1x16xf32>,
      %get3A_2630 = vector.shape_cast %get3A_2629 : vector<1x16xf32> to vector<16xf32>
      %max3A_2631 = arith.maximumf %max3A_2625, %get3A_2630 : vector<16xf32>
      %get3A_2632 = arith.constant 17 : i32
      %get3A_2633 = arith.index_cast %get3A_2632 : i32 to index
      %get3A_2634 = arith.constant 0 : index
      %get3A_2635 = tpu.vector_load %arg7[%get3A_2633, %get3A_2634] {strides = array<i32>} : memref<100x64xf32, #tpu.memory_space<vmem>>, vector<1x16xf32>,
      %get3A_2636 = vector.shape_cast %get3A_2635 : vector<1x16xf32> to vector<16xf32>
      %max3A_2637 = arith.maximumf %max3A_2631, %get3A_2636 : vector<16xf32>
      %get3A_2638 = arith.constant 18 : i32
      %get3A_2639 = arith.index_cast %get3A_2638 : i32 to index
      %get3A_2640 = arith.constant 0 : index
      %get3A_2641 = tpu.vector_load %arg7[%get3A_2639, %get3A_2640] {strides = array<i32>} : memref<100x64xf32, #tpu.memory_space<vmem>>, vector<1x16xf32>,
      %get3A_2642 = vector.shape_cast %get3A_2641 : vector<1x16xf32> to vector<16xf32>
      %max3A_2643 = arith.maximumf %max3A_2637, %get3A_2642 : vector<16xf32>
      %get3A_2644 = arith.constant 19 : i32
      %get3A_2645 = arith.index_cast %get3A_2644 : i32 to index
      %get3A_2646 = arith.constant 0 : index
      %get3A_2647 = tpu.vector_load %arg7[%get3A_2645, %get3A_2646] {strides = array<i32>} : memref<100x64xf32, #tpu.memory_space<vmem>>, vector<1x16xf32>,
      %get3A_2648 = vector.shape_cast %get3A_2647 : vector<1x16xf32> to vector<16xf32>
      %max3A_2649 = arith.maximumf %max3A_2643, %get3A_2648 : vector<16xf32>
      %get3A_2650 = arith.constant 20 : i32
      %get3A_2651 = arith.index_cast %get3A_2650 : i32 to index
      %get3A_2652 = arith.constant 0 : index
      %get3A_2653 = tpu.vector_load %arg7[%get3A_2651, %get3A_2652] {strides = array<i32>} : memref<100x64xf32, #tpu.memory_space<vmem>>, vector<1x16xf32>,
      %get3A_2654 = vector.shape_cast %get3A_2653 : vector<1x16xf32> to vector<16xf32>
      %max3A_2655 = arith.maximumf %max3A_2649, %get3A_2654 : vector<16xf32>
      %get3A_2656 = arith.constant 21 : i32
      %get3A_2657 = arith.index_cast %get3A_2656 : i32 to index
      %get3A_2658 = arith.constant 0 : index
      %get3A_2659 = tpu.vector_load %arg7[%get3A_2657, %get3A_2658] {strides = array<i32>} : memref<100x64xf32, #tpu.memory_space<vmem>>, vector<1x16xf32>,
      %get3A_2660 = vector.shape_cast %get3A_2659 : vector<1x16xf32> to vector<16xf32>
      %max3A_2661 = arith.maximumf %max3A_2655, %get3A_2660 : vector<16xf32>
      %get3A_2662 = arith.constant 22 : i32
      %get3A_2663 = arith.index_cast %get3A_2662 : i32 to index
      %get3A_2664 = arith.constant 0 : index
      %get3A_2665 = tpu.vector_load %arg7[%get3A_2663, %get3A_2664] {strides = array<i32>} : memref<100x64xf32, #tpu.memory_space<vmem>>, vector<1x16xf32>,
      %get3A_2666 = vector.shape_cast %get3A_2665 : vector<1x16xf32> to vector<16xf32>
      %max3A_2667 = arith.maximumf %max3A_2661, %get3A_2666 : vector<16xf32>
      %get3A_2668 = arith.constant 23 : i32
      %get3A_2669 = arith.index_cast %get3A_2668 : i32 to index
      %get3A_2670 = arith.constant 0 : index
      %get3A_2671 = tpu.vector_load %arg7[%get3A_2669, %get3A_2670] {strides = array<i32>} : memref<100x64xf32, #tpu.memory_space<vmem>>, vector<1x16xf32>,
      %get3A_2672 = vector.shape_cast %get3A_2671 : vector<1x16xf32> to vector<16xf32>
      %max3A_2673 = arith.maximumf %max3A_2667, %get3A_2672 : vector<16xf32>
      %get3A_2674 = arith.constant 24 : i32
      %get3A_2675 = arith.index_cast %get3A_2674 : i32 to index
      %get3A_2676 = arith.constant 0 : index
      %get3A_2677 = tpu.vector_load %arg7[%get3A_2675, %get3A_2676] {strides = array<i32>} : memref<100x64xf32, #tpu.memory_space<vmem>>, vector<1x16xf32>,
      %get3A_2678 = vector.shape_cast %get3A_2677 : vector<1x16xf32> to vector<16xf32>
      %max3A_2679 = arith.maximumf %max3A_2673, %get3A_2678 : vector<16xf32>
      %get3A_2680 = arith.constant 25 : i32
      %get3A_2681 = arith.index_cast %get3A_2680 : i32 to index
      %get3A_2682 = arith.constant 0 : index
      %get3A_2683 = tpu.vector_load %arg7[%get3A_2681, %get3A_2682] {strides = array<i32>} : memref<100x64xf32, #tpu.memory_space<vmem>>, vector<1x16xf32>,
      %get3A_2684 = vector.shape_cast %get3A_2683 : vector<1x16xf32> to vector<16xf32>
      %max3A_2685 = arith.maximumf %max3A_2679, %get3A_2684 : vector<16xf32>
      %get3A_2686 = arith.constant 26 : i32
      %get3A_2687 = arith.index_cast %get3A_2686 : i32 to index
      %get3A_2688 = arith.constant 0 : index
      %get3A_2689 = tpu.vector_load %arg7[%get3A_2687, %get3A_2688] {strides = array<i32>} : memref<100x64xf32, #tpu.memory_space<vmem>>, vector<1x16xf32>,
      %get3A_2690 = vector.shape_cast %get3A_2689 : vector<1x16xf32> to vector<16xf32>
      %max3A_2691 = arith.maximumf %max3A_2685, %get3A_2690 : vector<16xf32>
      %get3A_2692 = arith.constant 27 : i32
      %get3A_2693 = arith.index_cast %get3A_2692 : i32 to index
      %get3A_2694 = arith.constant 0 : index
      %get3A_2695 = tpu.vector_load %arg7[%get3A_2693, %get3A_2694] {strides = array<i32>} : memref<100x64xf32, #tpu.memory_space<vmem>>, vector<1x16xf32>,
      %get3A_2696 = vector.shape_cast %get3A_2695 : vector<1x16xf32> to vector<16xf32>
      %max3A_2697 = arith.maximumf %max3A_2691, %get3A_2696 : vector<16xf32>
      %get3A_2698 = arith.constant 28 : i32
      %get3A_2699 = arith.index_cast %get3A_2698 : i32 to index
      %get3A_2700 = arith.constant 0 : index
      %get3A_2701 = tpu.vector_load %arg7[%get3A_2699, %get3A_2700] {strides = array<i32>} : memref<100x64xf32, #tpu.memory_space<vmem>>, vector<1x16xf32>,
      %get3A_2702 = vector.shape_cast %get3A_2701 : vector<1x16xf32> to vector<16xf32>
      %max3A_2703 = arith.maximumf %max3A_2697, %get3A_2702 : vector<16xf32>
      %get3A_2704 = arith.constant 29 : i32
      %get3A_2705 = arith.index_cast %get3A_2704 : i32 to index
      %get3A_2706 = arith.constant 0 : index
      %get3A_2707 = tpu.vector_load %arg7[%get3A_2705, %get3A_2706] {strides = array<i32>} : memref<100x64xf32, #tpu.memory_space<vmem>>, vector<1x16xf32>,
      %get3A_2708 = vector.shape_cast %get3A_2707 : vector<1x16xf32> to vector<16xf32>
      %max3A_2709 = arith.maximumf %max3A_2703, %get3A_2708 : vector<16xf32>
      %get3A_2710 = arith.constant 30 : i32
      %get3A_2711 = arith.index_cast %get3A_2710 : i32 to index
      %get3A_2712 = arith.constant 0 : index
      %get3A_2713 = tpu.vector_load %arg7[%get3A_2711, %get3A_2712] {strides = array<i32>} : memref<100x64xf32, #tpu.memory_space<vmem>>, vector<1x16xf32>,
      %get3A_2714 = vector.shape_cast %get3A_2713 : vector<1x16xf32> to vector<16xf32>
      %max3A_2715 = arith.maximumf %max3A_2709, %get3A_2714 : vector<16xf32>
      %get3A_2716 = arith.constant 31 : i32
      %get3A_2717 = arith.index_cast %get3A_2716 : i32 to index
      %get3A_2718 = arith.constant 0 : index
      %get3A_2719 = tpu.vector_load %arg7[%get3A_2717, %get3A_2718] {strides = array<i32>} : memref<100x64xf32, #tpu.memory_space<vmem>>, vector<1x16xf32>,
      %get3A_2720 = vector.shape_cast %get3A_2719 : vector<1x16xf32> to vector<16xf32>
      %max3A_2721 = arith.maximumf %max3A_2715, %get3A_2720 : vector<16xf32>
      %get3A_2722 = arith.constant 32 : i32
      %get3A_2723 = arith.index_cast %get3A_2722 : i32 to index
      %get3A_2724 = arith.constant 0 : index
      %get3A_2725 = tpu.vector_load %arg7[%get3A_2723, %get3A_2724] {strides = array<i32>} : memref<100x64xf32, #tpu.memory_space<vmem>>, vector<1x16xf32>,
      %get3A_2726 = vector.shape_cast %get3A_2725 : vector<1x16xf32> to vector<16xf32>
      %max3A_2727 = arith.maximumf %max3A_2721, %get3A_2726 : vector<16xf32>
      %get3A_2728 = arith.constant 33 : i32
      %get3A_2729 = arith.index_cast %get3A_2728 : i32 to index
      %get3A_2730 = arith.constant 0 : index
      %get3A_2731 = tpu.vector_load %arg7[%get3A_2729, %get3A_2730] {strides = array<i32>} : memref<100x64xf32, #tpu.memory_space<vmem>>, vector<1x16xf32>,
      %get3A_2732 = vector.shape_cast %get3A_2731 : vector<1x16xf32> to vector<16xf32>
      %max3A_2733 = arith.maximumf %max3A_2727, %get3A_2732 : vector<16xf32>
      %get3A_2734 = arith.constant 34 : i32
      %get3A_2735 = arith.index_cast %get3A_2734 : i32 to index
      %get3A_2736 = arith.constant 0 : index
      %get3A_2737 = tpu.vector_load %arg7[%get3A_2735, %get3A_2736] {strides = array<i32>} : memref<100x64xf32, #tpu.memory_space<vmem>>, vector<1x16xf32>,
      %get3A_2738 = vector.shape_cast %get3A_2737 : vector<1x16xf32> to vector<16xf32>
      %max3A_2739 = arith.maximumf %max3A_2733, %get3A_2738 : vector<16xf32>
      %get3A_2740 = arith.constant 35 : i32
      %get3A_2741 = arith.index_cast %get3A_2740 : i32 to index
      %get3A_2742 = arith.constant 0 : index
      %get3A_2743 = tpu.vector_load %arg7[%get3A_2741, %get3A_2742] {strides = array<i32>} : memref<100x64xf32, #tpu.memory_space<vmem>>, vector<1x16xf32>,
      %get3A_2744 = vector.shape_cast %get3A_2743 : vector<1x16xf32> to vector<16xf32>
      %max3A_2745 = arith.maximumf %max3A_2739, %get3A_2744 : vector<16xf32>
      %get3A_2746 = arith.constant 36 : i32
      %get3A_2747 = arith.index_cast %get3A_2746 : i32 to index
      %get3A_2748 = arith.constant 0 : index
      %get3A_2749 = tpu.vector_load %arg7[%get3A_2747, %get3A_2748] {strides = array<i32>} : memref<100x64xf32, #tpu.memory_space<vmem>>, vector<1x16xf32>,
      %get3A_2750 = vector.shape_cast %get3A_2749 : vector<1x16xf32> to vector<16xf32>
      %max3A_2751 = arith.maximumf %max3A_2745, %get3A_2750 : vector<16xf32>
      %get3A_2752 = arith.constant 37 : i32
      %get3A_2753 = arith.index_cast %get3A_2752 : i32 to index
      %get3A_2754 = arith.constant 0 : index
      %get3A_2755 = tpu.vector_load %arg7[%get3A_2753, %get3A_2754] {strides = array<i32>} : memref<100x64xf32, #tpu.memory_space<vmem>>, vector<1x16xf32>,
      %get3A_2756 = vector.shape_cast %get3A_2755 : vector<1x16xf32> to vector<16xf32>
      %max3A_2757 = arith.maximumf %max3A_2751, %get3A_2756 : vector<16xf32>
      %get3A_2758 = arith.constant 38 : i32
      %get3A_2759 = arith.index_cast %get3A_2758 : i32 to index
      %get3A_2760 = arith.constant 0 : index
      %get3A_2761 = tpu.vector_load %arg7[%get3A_2759, %get3A_2760] {strides = array<i32>} : memref<100x64xf32, #tpu.memory_space<vmem>>, vector<1x16xf32>,
      %get3A_2762 = vector.shape_cast %get3A_2761 : vector<1x16xf32> to vector<16xf32>
      %max3A_2763 = arith.maximumf %max3A_2757, %get3A_2762 : vector<16xf32>
      %get3A_2764 = arith.constant 39 : i32
      %get3A_2765 = arith.index_cast %get3A_2764 : i32 to index
      %get3A_2766 = arith.constant 0 : index
      %get3A_2767 = tpu.vector_load %arg7[%get3A_2765, %get3A_2766] {strides = array<i32>} : memref<100x64xf32, #tpu.memory_space<vmem>>, vector<1x16xf32>,
      %get3A_2768 = vector.shape_cast %get3A_2767 : vector<1x16xf32> to vector<16xf32>
      %max3A_2769 = arith.maximumf %max3A_2763, %get3A_2768 : vector<16xf32>
      %get3A_2770 = arith.constant 40 : i32
      %get3A_2771 = arith.index_cast %get3A_2770 : i32 to index
      %get3A_2772 = arith.constant 0 : index
      %get3A_2773 = tpu.vector_load %arg7[%get3A_2771, %get3A_2772] {strides = array<i32>} : memref<100x64xf32, #tpu.memory_space<vmem>>, vector<1x16xf32>,
      %get3A_2774 = vector.shape_cast %get3A_2773 : vector<1x16xf32> to vector<16xf32>
      %max3A_2775 = arith.maximumf %max3A_2769, %get3A_2774 : vector<16xf32>
      %get3A_2776 = arith.constant 41 : i32
      %get3A_2777 = arith.index_cast %get3A_2776 : i32 to index
      %get3A_2778 = arith.constant 0 : index
      %get3A_2779 = tpu.vector_load %arg7[%get3A_2777, %get3A_2778] {strides = array<i32>} : memref<100x64xf32, #tpu.memory_space<vmem>>, vector<1x16xf32>,
      %get3A_2780 = vector.shape_cast %get3A_2779 : vector<1x16xf32> to vector<16xf32>
      %max3A_2781 = arith.maximumf %max3A_2775, %get3A_2780 : vector<16xf32>
      %get3A_2782 = arith.constant 42 : i32
      %get3A_2783 = arith.index_cast %get3A_2782 : i32 to index
      %get3A_2784 = arith.constant 0 : index
      %get3A_2785 = tpu.vector_load %arg7[%get3A_2783, %get3A_2784] {strides = array<i32>} : memref<100x64xf32, #tpu.memory_space<vmem>>, vector<1x16xf32>,
      %get3A_2786 = vector.shape_cast %get3A_2785 : vector<1x16xf32> to vector<16xf32>
      %max3A_2787 = arith.maximumf %max3A_2781, %get3A_2786 : vector<16xf32>
      %get3A_2788 = arith.constant 43 : i32
      %get3A_2789 = arith.index_cast %get3A_2788 : i32 to index
      %get3A_2790 = arith.constant 0 : index
      %get3A_2791 = tpu.vector_load %arg7[%get3A_2789, %get3A_2790] {strides = array<i32>} : memref<100x64xf32, #tpu.memory_space<vmem>>, vector<1x16xf32>,
      %get3A_2792 = vector.shape_cast %get3A_2791 : vector<1x16xf32> to vector<16xf32>
      %max3A_2793 = arith.maximumf %max3A_2787, %get3A_2792 : vector<16xf32>
      %get3A_2794 = arith.constant 44 : i32
      %get3A_2795 = arith.index_cast %get3A_2794 : i32 to index
      %get3A_2796 = arith.constant 0 : index
      %get3A_2797 = tpu.vector_load %arg7[%get3A_2795, %get3A_2796] {strides = array<i32>} : memref<100x64xf32, #tpu.memory_space<vmem>>, vector<1x16xf32>,
      %get3A_2798 = vector.shape_cast %get3A_2797 : vector<1x16xf32> to vector<16xf32>
      %max3A_2799 = arith.maximumf %max3A_2793, %get3A_2798 : vector<16xf32>
      %get3A_2800 = arith.constant 45 : i32
      %get3A_2801 = arith.index_cast %get3A_2800 : i32 to index
      %get3A_2802 = arith.constant 0 : index
      %get3A_2803 = tpu.vector_load %arg7[%get3A_2801, %get3A_2802] {strides = array<i32>} : memref<100x64xf32, #tpu.memory_space<vmem>>, vector<1x16xf32>,
      %get3A_2804 = vector.shape_cast %get3A_2803 : vector<1x16xf32> to vector<16xf32>
      %max3A_2805 = arith.maximumf %max3A_2799, %get3A_2804 : vector<16xf32>
      %get3A_2806 = arith.constant 46 : i32
      %get3A_2807 = arith.index_cast %get3A_2806 : i32 to index
      %get3A_2808 = arith.constant 0 : index
      %get3A_2809 = tpu.vector_load %arg7[%get3A_2807, %get3A_2808] {strides = array<i32>} : memref<100x64xf32, #tpu.memory_space<vmem>>, vector<1x16xf32>,
      %get3A_2810 = vector.shape_cast %get3A_2809 : vector<1x16xf32> to vector<16xf32>
      %max3A_2811 = arith.maximumf %max3A_2805, %get3A_2810 : vector<16xf32>
      %get3A_2812 = arith.constant 47 : i32
      %get3A_2813 = arith.index_cast %get3A_2812 : i32 to index
      %get3A_2814 = arith.constant 0 : index
      %get3A_2815 = tpu.vector_load %arg7[%get3A_2813, %get3A_2814] {strides = array<i32>} : memref<100x64xf32, #tpu.memory_space<vmem>>, vector<1x16xf32>,
      %get3A_2816 = vector.shape_cast %get3A_2815 : vector<1x16xf32> to vector<16xf32>
      %max3A_2817 = arith.maximumf %max3A_2811, %get3A_2816 : vector<16xf32>
      %get3A_2818 = arith.constant 48 : i32
      %get3A_2819 = arith.index_cast %get3A_2818 : i32 to index
      %get3A_2820 = arith.constant 0 : index
      %get3A_2821 = tpu.vector_load %arg7[%get3A_2819, %get3A_2820] {strides = array<i32>} : memref<100x64xf32, #tpu.memory_space<vmem>>, vector<1x16xf32>,
      %get3A_2822 = vector.shape_cast %get3A_2821 : vector<1x16xf32> to vector<16xf32>
      %max3A_2823 = arith.maximumf %max3A_2817, %get3A_2822 : vector<16xf32>
      %get3A_2824 = arith.constant 49 : i32
      %get3A_2825 = arith.index_cast %get3A_2824 : i32 to index
      %get3A_2826 = arith.constant 0 : index
      %get3A_2827 = tpu.vector_load %arg7[%get3A_2825, %get3A_2826] {strides = array<i32>} : memref<100x64xf32, #tpu.memory_space<vmem>>, vector<1x16xf32>,
      %get3A_2828 = vector.shape_cast %get3A_2827 : vector<1x16xf32> to vector<16xf32>
      %max3A_2829 = arith.maximumf %max3A_2823, %get3A_2828 : vector<16xf32>
      %mul3A_2830 = arith.constant 2 : i32
      %mul3A_2831 = arith.muli %add3A_2521, %mul3A_2830 : i32
      %add3A_2832 = arith.constant 0 : i32
      %add3A_2833 = arith.addi %mul3A_2831, %add3A_2832 : i32
      %swap3A_2834 = arith.index_cast %add3A_2833 : i32 to index
      %swap3A_2835 = arith.constant 0 : index
      %swap3A_2836 = tpu.vector_load %arg8[%swap3A_2834, %swap3A_2835] {strides = array<i32>} : memref<512x64xf32, #tpu.memory_space<vmem>>, vector<1x16xf32>,
      %swap3A_2837 = vector.shape_cast %swap3A_2836 : vector<1x16xf32> to vector<16xf32>
      %swap3A_2838 = vector.shape_cast %max3A_2829 : vector<16xf32> to vector<1x16xf32>
      tpu.vector_store %arg8[%swap3A_2834, %swap3A_2835], %swap3A_2838 {strides = array<i32>} : memref<512x64xf32, #tpu.memory_space<vmem>>, vector<1x16xf32>,
      %broadcast_in_dim3A_2839 = arith.constant 0.000000e+00 : f32
      %broadcast_in_dim3A_2840 = vector.broadcast %broadcast_in_dim3A_2839 : f32 to vector<16xf32>
      %get3A_2841 = arith.constant 0 : i32
      %get3A_2842 = arith.index_cast %get3A_2841 : i32 to index
      %get3A_2843 = arith.constant 16 : index
      %get3A_2844 = tpu.vector_load %arg7[%get3A_2842, %get3A_2843] {strides = array<i32>} : memref<100x64xf32, #tpu.memory_space<vmem>>, vector<1x16xf32>,
      %get3A_2845 = vector.shape_cast %get3A_2844 : vector<1x16xf32> to vector<16xf32>
      %max3A_2846 = arith.maximumf %broadcast_in_dim3A_2840, %get3A_2845 : vector<16xf32>
      %get3A_2847 = arith.constant 1 : i32
      %get3A_2848 = arith.index_cast %get3A_2847 : i32 to index
      %get3A_2849 = arith.constant 16 : index
      %get3A_2850 = tpu.vector_load %arg7[%get3A_2848, %get3A_2849] {strides = array<i32>} : memref<100x64xf32, #tpu.memory_space<vmem>>, vector<1x16xf32>,
      %get3A_2851 = vector.shape_cast %get3A_2850 : vector<1x16xf32> to vector<16xf32>
      %max3A_2852 = arith.maximumf %max3A_2846, %get3A_2851 : vector<16xf32>
      %get3A_2853 = arith.constant 2 : i32
      %get3A_2854 = arith.index_cast %get3A_2853 : i32 to index
      %get3A_2855 = arith.constant 16 : index
      %get3A_2856 = tpu.vector_load %arg7[%get3A_2854, %get3A_2855] {strides = array<i32>} : memref<100x64xf32, #tpu.memory_space<vmem>>, vector<1x16xf32>,
      %get3A_2857 = vector.shape_cast %get3A_2856 : vector<1x16xf32> to vector<16xf32>
      %max3A_2858 = arith.maximumf %max3A_2852, %get3A_2857 : vector<16xf32>
      %get3A_2859 = arith.constant 3 : i32
      %get3A_2860 = arith.index_cast %get3A_2859 : i32 to index
      %get3A_2861 = arith.constant 16 : index
      %get3A_2862 = tpu.vector_load %arg7[%get3A_2860, %get3A_2861] {strides = array<i32>} : memref<100x64xf32, #tpu.memory_space<vmem>>, vector<1x16xf32>,
      %get3A_2863 = vector.shape_cast %get3A_2862 : vector<1x16xf32> to vector<16xf32>
      %max3A_2864 = arith.maximumf %max3A_2858, %get3A_2863 : vector<16xf32>
      %get3A_2865 = arith.constant 4 : i32
      %get3A_2866 = arith.index_cast %get3A_2865 : i32 to index
      %get3A_2867 = arith.constant 16 : index
      %get3A_2868 = tpu.vector_load %arg7[%get3A_2866, %get3A_2867] {strides = array<i32>} : memref<100x64xf32, #tpu.memory_space<vmem>>, vector<1x16xf32>,
      %get3A_2869 = vector.shape_cast %get3A_2868 : vector<1x16xf32> to vector<16xf32>
      %max3A_2870 = arith.maximumf %max3A_2864, %get3A_2869 : vector<16xf32>
      %get3A_2871 = arith.constant 5 : i32
      %get3A_2872 = arith.index_cast %get3A_2871 : i32 to index
      %get3A_2873 = arith.constant 16 : index
      %get3A_2874 = tpu.vector_load %arg7[%get3A_2872, %get3A_2873] {strides = array<i32>} : memref<100x64xf32, #tpu.memory_space<vmem>>, vector<1x16xf32>,
      %get3A_2875 = vector.shape_cast %get3A_2874 : vector<1x16xf32> to vector<16xf32>
      %max3A_2876 = arith.maximumf %max3A_2870, %get3A_2875 : vector<16xf32>
      %get3A_2877 = arith.constant 6 : i32
      %get3A_2878 = arith.index_cast %get3A_2877 : i32 to index
      %get3A_2879 = arith.constant 16 : index
      %get3A_2880 = tpu.vector_load %arg7[%get3A_2878, %get3A_2879] {strides = array<i32>} : memref<100x64xf32, #tpu.memory_space<vmem>>, vector<1x16xf32>,
      %get3A_2881 = vector.shape_cast %get3A_2880 : vector<1x16xf32> to vector<16xf32>
      %max3A_2882 = arith.maximumf %max3A_2876, %get3A_2881 : vector<16xf32>
      %get3A_2883 = arith.constant 7 : i32
      %get3A_2884 = arith.index_cast %get3A_2883 : i32 to index
      %get3A_2885 = arith.constant 16 : index
      %get3A_2886 = tpu.vector_load %arg7[%get3A_2884, %get3A_2885] {strides = array<i32>} : memref<100x64xf32, #tpu.memory_space<vmem>>, vector<1x16xf32>,
      %get3A_2887 = vector.shape_cast %get3A_2886 : vector<1x16xf32> to vector<16xf32>
      %max3A_2888 = arith.maximumf %max3A_2882, %get3A_2887 : vector<16xf32>
      %get3A_2889 = arith.constant 8 : i32
      %get3A_2890 = arith.index_cast %get3A_2889 : i32 to index
      %get3A_2891 = arith.constant 16 : index
      %get3A_2892 = tpu.vector_load %arg7[%get3A_2890, %get3A_2891] {strides = array<i32>} : memref<100x64xf32, #tpu.memory_space<vmem>>, vector<1x16xf32>,
      %get3A_2893 = vector.shape_cast %get3A_2892 : vector<1x16xf32> to vector<16xf32>
      %max3A_2894 = arith.maximumf %max3A_2888, %get3A_2893 : vector<16xf32>
      %get3A_2895 = arith.constant 9 : i32
      %get3A_2896 = arith.index_cast %get3A_2895 : i32 to index
      %get3A_2897 = arith.constant 16 : index
      %get3A_2898 = tpu.vector_load %arg7[%get3A_2896, %get3A_2897] {strides = array<i32>} : memref<100x64xf32, #tpu.memory_space<vmem>>, vector<1x16xf32>,
      %get3A_2899 = vector.shape_cast %get3A_2898 : vector<1x16xf32> to vector<16xf32>
      %max3A_2900 = arith.maximumf %max3A_2894, %get3A_2899 : vector<16xf32>
      %get3A_2901 = arith.constant 10 : i32
      %get3A_2902 = arith.index_cast %get3A_2901 : i32 to index
      %get3A_2903 = arith.constant 16 : index
      %get3A_2904 = tpu.vector_load %arg7[%get3A_2902, %get3A_2903] {strides = array<i32>} : memref<100x64xf32, #tpu.memory_space<vmem>>, vector<1x16xf32>,
      %get3A_2905 = vector.shape_cast %get3A_2904 : vector<1x16xf32> to vector<16xf32>
      %max3A_2906 = arith.maximumf %max3A_2900, %get3A_2905 : vector<16xf32>
      %get3A_2907 = arith.constant 11 : i32
      %get3A_2908 = arith.index_cast %get3A_2907 : i32 to index
      %get3A_2909 = arith.constant 16 : index
      %get3A_2910 = tpu.vector_load %arg7[%get3A_2908, %get3A_2909] {strides = array<i32>} : memref<100x64xf32, #tpu.memory_space<vmem>>, vector<1x16xf32>,
      %get3A_2911 = vector.shape_cast %get3A_2910 : vector<1x16xf32> to vector<16xf32>
      %max3A_2912 = arith.maximumf %max3A_2906, %get3A_2911 : vector<16xf32>
      %get3A_2913 = arith.constant 12 : i32
      %get3A_2914 = arith.index_cast %get3A_2913 : i32 to index
      %get3A_2915 = arith.constant 16 : index
      %get3A_2916 = tpu.vector_load %arg7[%get3A_2914, %get3A_2915] {strides = array<i32>} : memref<100x64xf32, #tpu.memory_space<vmem>>, vector<1x16xf32>,
      %get3A_2917 = vector.shape_cast %get3A_2916 : vector<1x16xf32> to vector<16xf32>
      %max3A_2918 = arith.maximumf %max3A_2912, %get3A_2917 : vector<16xf32>
      %get3A_2919 = arith.constant 13 : i32
      %get3A_2920 = arith.index_cast %get3A_2919 : i32 to index
      %get3A_2921 = arith.constant 16 : index
      %get3A_2922 = tpu.vector_load %arg7[%get3A_2920, %get3A_2921] {strides = array<i32>} : memref<100x64xf32, #tpu.memory_space<vmem>>, vector<1x16xf32>,
      %get3A_2923 = vector.shape_cast %get3A_2922 : vector<1x16xf32> to vector<16xf32>
      %max3A_2924 = arith.maximumf %max3A_2918, %get3A_2923 : vector<16xf32>
      %get3A_2925 = arith.constant 14 : i32
      %get3A_2926 = arith.index_cast %get3A_2925 : i32 to index
      %get3A_2927 = arith.constant 16 : index
      %get3A_2928 = tpu.vector_load %arg7[%get3A_2926, %get3A_2927] {strides = array<i32>} : memref<100x64xf32, #tpu.memory_space<vmem>>, vector<1x16xf32>,
      %get3A_2929 = vector.shape_cast %get3A_2928 : vector<1x16xf32> to vector<16xf32>
      %max3A_2930 = arith.maximumf %max3A_2924, %get3A_2929 : vector<16xf32>
      %get3A_2931 = arith.constant 15 : i32
      %get3A_2932 = arith.index_cast %get3A_2931 : i32 to index
      %get3A_2933 = arith.constant 16 : index
      %get3A_2934 = tpu.vector_load %arg7[%get3A_2932, %get3A_2933] {strides = array<i32>} : memref<100x64xf32, #tpu.memory_space<vmem>>, vector<1x16xf32>,
      %get3A_2935 = vector.shape_cast %get3A_2934 : vector<1x16xf32> to vector<16xf32>
      %max3A_2936 = arith.maximumf %max3A_2930, %get3A_2935 : vector<16xf32>
      %get3A_2937 = arith.constant 16 : i32
      %get3A_2938 = arith.index_cast %get3A_2937 : i32 to index
      %get3A_2939 = arith.constant 16 : index
      %get3A_2940 = tpu.vector_load %arg7[%get3A_2938, %get3A_2939] {strides = array<i32>} : memref<100x64xf32, #tpu.memory_space<vmem>>, vector<1x16xf32>,
      %get3A_2941 = vector.shape_cast %get3A_2940 : vector<1x16xf32> to vector<16xf32>
      %max3A_2942 = arith.maximumf %max3A_2936, %get3A_2941 : vector<16xf32>
      %get3A_2943 = arith.constant 17 : i32
      %get3A_2944 = arith.index_cast %get3A_2943 : i32 to index
      %get3A_2945 = arith.constant 16 : index
      %get3A_2946 = tpu.vector_load %arg7[%get3A_2944, %get3A_2945] {strides = array<i32>} : memref<100x64xf32, #tpu.memory_space<vmem>>, vector<1x16xf32>,
      %get3A_2947 = vector.shape_cast %get3A_2946 : vector<1x16xf32> to vector<16xf32>
      %max3A_2948 = arith.maximumf %max3A_2942, %get3A_2947 : vector<16xf32>
      %get3A_2949 = arith.constant 18 : i32
      %get3A_2950 = arith.index_cast %get3A_2949 : i32 to index
      %get3A_2951 = arith.constant 16 : index
      %get3A_2952 = tpu.vector_load %arg7[%get3A_2950, %get3A_2951] {strides = array<i32>} : memref<100x64xf32, #tpu.memory_space<vmem>>, vector<1x16xf32>,
      %get3A_2953 = vector.shape_cast %get3A_2952 : vector<1x16xf32> to vector<16xf32>
      %max3A_2954 = arith.maximumf %max3A_2948, %get3A_2953 : vector<16xf32>
      %get3A_2955 = arith.constant 19 : i32
      %get3A_2956 = arith.index_cast %get3A_2955 : i32 to index
      %get3A_2957 = arith.constant 16 : index
      %get3A_2958 = tpu.vector_load %arg7[%get3A_2956, %get3A_2957] {strides = array<i32>} : memref<100x64xf32, #tpu.memory_space<vmem>>, vector<1x16xf32>,
      %get3A_2959 = vector.shape_cast %get3A_2958 : vector<1x16xf32> to vector<16xf32>
      %max3A_2960 = arith.maximumf %max3A_2954, %get3A_2959 : vector<16xf32>
      %get3A_2961 = arith.constant 20 : i32
      %get3A_2962 = arith.index_cast %get3A_2961 : i32 to index
      %get3A_2963 = arith.constant 16 : index
      %get3A_2964 = tpu.vector_load %arg7[%get3A_2962, %get3A_2963] {strides = array<i32>} : memref<100x64xf32, #tpu.memory_space<vmem>>, vector<1x16xf32>,
      %get3A_2965 = vector.shape_cast %get3A_2964 : vector<1x16xf32> to vector<16xf32>
      %max3A_2966 = arith.maximumf %max3A_2960, %get3A_2965 : vector<16xf32>
      %get3A_2967 = arith.constant 21 : i32
      %get3A_2968 = arith.index_cast %get3A_2967 : i32 to index
      %get3A_2969 = arith.constant 16 : index
      %get3A_2970 = tpu.vector_load %arg7[%get3A_2968, %get3A_2969] {strides = array<i32>} : memref<100x64xf32, #tpu.memory_space<vmem>>, vector<1x16xf32>,
      %get3A_2971 = vector.shape_cast %get3A_2970 : vector<1x16xf32> to vector<16xf32>
      %max3A_2972 = arith.maximumf %max3A_2966, %get3A_2971 : vector<16xf32>
      %get3A_2973 = arith.constant 22 : i32
      %get3A_2974 = arith.index_cast %get3A_2973 : i32 to index
      %get3A_2975 = arith.constant 16 : index
      %get3A_2976 = tpu.vector_load %arg7[%get3A_2974, %get3A_2975] {strides = array<i32>} : memref<100x64xf32, #tpu.memory_space<vmem>>, vector<1x16xf32>,
      %get3A_2977 = vector.shape_cast %get3A_2976 : vector<1x16xf32> to vector<16xf32>
      %max3A_2978 = arith.maximumf %max3A_2972, %get3A_2977 : vector<16xf32>
      %get3A_2979 = arith.constant 23 : i32
      %get3A_2980 = arith.index_cast %get3A_2979 : i32 to index
      %get3A_2981 = arith.constant 16 : index
      %get3A_2982 = tpu.vector_load %arg7[%get3A_2980, %get3A_2981] {strides = array<i32>} : memref<100x64xf32, #tpu.memory_space<vmem>>, vector<1x16xf32>,
      %get3A_2983 = vector.shape_cast %get3A_2982 : vector<1x16xf32> to vector<16xf32>
      %max3A_2984 = arith.maximumf %max3A_2978, %get3A_2983 : vector<16xf32>
      %get3A_2985 = arith.constant 24 : i32
      %get3A_2986 = arith.index_cast %get3A_2985 : i32 to index
      %get3A_2987 = arith.constant 16 : index
      %get3A_2988 = tpu.vector_load %arg7[%get3A_2986, %get3A_2987] {strides = array<i32>} : memref<100x64xf32, #tpu.memory_space<vmem>>, vector<1x16xf32>,
      %get3A_2989 = vector.shape_cast %get3A_2988 : vector<1x16xf32> to vector<16xf32>
      %max3A_2990 = arith.maximumf %max3A_2984, %get3A_2989 : vector<16xf32>
      %get3A_2991 = arith.constant 25 : i32
      %get3A_2992 = arith.index_cast %get3A_2991 : i32 to index
      %get3A_2993 = arith.constant 16 : index
      %get3A_2994 = tpu.vector_load %arg7[%get3A_2992, %get3A_2993] {strides = array<i32>} : memref<100x64xf32, #tpu.memory_space<vmem>>, vector<1x16xf32>,
      %get3A_2995 = vector.shape_cast %get3A_2994 : vector<1x16xf32> to vector<16xf32>
      %max3A_2996 = arith.maximumf %max3A_2990, %get3A_2995 : vector<16xf32>
      %get3A_2997 = arith.constant 26 : i32
      %get3A_2998 = arith.index_cast %get3A_2997 : i32 to index
      %get3A_2999 = arith.constant 16 : index
      %get3A_3000 = tpu.vector_load %arg7[%get3A_2998, %get3A_2999] {strides = array<i32>} : memref<100x64xf32, #tpu.memory_space<vmem>>, vector<1x16xf32>,
      %get3A_3001 = vector.shape_cast %get3A_3000 : vector<1x16xf32> to vector<16xf32>
      %max3A_3002 = arith.maximumf %max3A_2996, %get3A_3001 : vector<16xf32>
      %get3A_3003 = arith.constant 27 : i32
      %get3A_3004 = arith.index_cast %get3A_3003 : i32 to index
      %get3A_3005 = arith.constant 16 : index
      %get3A_3006 = tpu.vector_load %arg7[%get3A_3004, %get3A_3005] {strides = array<i32>} : memref<100x64xf32, #tpu.memory_space<vmem>>, vector<1x16xf32>,
      %get3A_3007 = vector.shape_cast %get3A_3006 : vector<1x16xf32> to vector<16xf32>
      %max3A_3008 = arith.maximumf %max3A_3002, %get3A_3007 : vector<16xf32>
      %get3A_3009 = arith.constant 28 : i32
      %get3A_3010 = arith.index_cast %get3A_3009 : i32 to index
      %get3A_3011 = arith.constant 16 : index
      %get3A_3012 = tpu.vector_load %arg7[%get3A_3010, %get3A_3011] {strides = array<i32>} : memref<100x64xf32, #tpu.memory_space<vmem>>, vector<1x16xf32>,
      %get3A_3013 = vector.shape_cast %get3A_3012 : vector<1x16xf32> to vector<16xf32>
      %max3A_3014 = arith.maximumf %max3A_3008, %get3A_3013 : vector<16xf32>
      %get3A_3015 = arith.constant 29 : i32
      %get3A_3016 = arith.index_cast %get3A_3015 : i32 to index
      %get3A_3017 = arith.constant 16 : index
      %get3A_3018 = tpu.vector_load %arg7[%get3A_3016, %get3A_3017] {strides = array<i32>} : memref<100x64xf32, #tpu.memory_space<vmem>>, vector<1x16xf32>,
      %get3A_3019 = vector.shape_cast %get3A_3018 : vector<1x16xf32> to vector<16xf32>
      %max3A_3020 = arith.maximumf %max3A_3014, %get3A_3019 : vector<16xf32>
      %get3A_3021 = arith.constant 30 : i32
      %get3A_3022 = arith.index_cast %get3A_3021 : i32 to index
      %get3A_3023 = arith.constant 16 : index
      %get3A_3024 = tpu.vector_load %arg7[%get3A_3022, %get3A_3023] {strides = array<i32>} : memref<100x64xf32, #tpu.memory_space<vmem>>, vector<1x16xf32>,
      %get3A_3025 = vector.shape_cast %get3A_3024 : vector<1x16xf32> to vector<16xf32>
      %max3A_3026 = arith.maximumf %max3A_3020, %get3A_3025 : vector<16xf32>
      %get3A_3027 = arith.constant 31 : i32
      %get3A_3028 = arith.index_cast %get3A_3027 : i32 to index
      %get3A_3029 = arith.constant 16 : index
      %get3A_3030 = tpu.vector_load %arg7[%get3A_3028, %get3A_3029] {strides = array<i32>} : memref<100x64xf32, #tpu.memory_space<vmem>>, vector<1x16xf32>,
      %get3A_3031 = vector.shape_cast %get3A_3030 : vector<1x16xf32> to vector<16xf32>
      %max3A_3032 = arith.maximumf %max3A_3026, %get3A_3031 : vector<16xf32>
      %get3A_3033 = arith.constant 32 : i32
      %get3A_3034 = arith.index_cast %get3A_3033 : i32 to index
      %get3A_3035 = arith.constant 16 : index
      %get3A_3036 = tpu.vector_load %arg7[%get3A_3034, %get3A_3035] {strides = array<i32>} : memref<100x64xf32, #tpu.memory_space<vmem>>, vector<1x16xf32>,
      %get3A_3037 = vector.shape_cast %get3A_3036 : vector<1x16xf32> to vector<16xf32>
      %max3A_3038 = arith.maximumf %max3A_3032, %get3A_3037 : vector<16xf32>
      %get3A_3039 = arith.constant 33 : i32
      %get3A_3040 = arith.index_cast %get3A_3039 : i32 to index
      %get3A_3041 = arith.constant 16 : index
      %get3A_3042 = tpu.vector_load %arg7[%get3A_3040, %get3A_3041] {strides = array<i32>} : memref<100x64xf32, #tpu.memory_space<vmem>>, vector<1x16xf32>,
      %get3A_3043 = vector.shape_cast %get3A_3042 : vector<1x16xf32> to vector<16xf32>
      %max3A_3044 = arith.maximumf %max3A_3038, %get3A_3043 : vector<16xf32>
      %get3A_3045 = arith.constant 34 : i32
      %get3A_3046 = arith.index_cast %get3A_3045 : i32 to index
      %get3A_3047 = arith.constant 16 : index
      %get3A_3048 = tpu.vector_load %arg7[%get3A_3046, %get3A_3047] {strides = array<i32>} : memref<100x64xf32, #tpu.memory_space<vmem>>, vector<1x16xf32>,
      %get3A_3049 = vector.shape_cast %get3A_3048 : vector<1x16xf32> to vector<16xf32>
      %max3A_3050 = arith.maximumf %max3A_3044, %get3A_3049 : vector<16xf32>
      %get3A_3051 = arith.constant 35 : i32
      %get3A_3052 = arith.index_cast %get3A_3051 : i32 to index
      %get3A_3053 = arith.constant 16 : index
      %get3A_3054 = tpu.vector_load %arg7[%get3A_3052, %get3A_3053] {strides = array<i32>} : memref<100x64xf32, #tpu.memory_space<vmem>>, vector<1x16xf32>,
      %get3A_3055 = vector.shape_cast %get3A_3054 : vector<1x16xf32> to vector<16xf32>
      %max3A_3056 = arith.maximumf %max3A_3050, %get3A_3055 : vector<16xf32>
      %get3A_3057 = arith.constant 36 : i32
      %get3A_3058 = arith.index_cast %get3A_3057 : i32 to index
      %get3A_3059 = arith.constant 16 : index
      %get3A_3060 = tpu.vector_load %arg7[%get3A_3058, %get3A_3059] {strides = array<i32>} : memref<100x64xf32, #tpu.memory_space<vmem>>, vector<1x16xf32>,
      %get3A_3061 = vector.shape_cast %get3A_3060 : vector<1x16xf32> to vector<16xf32>
      %max3A_3062 = arith.maximumf %max3A_3056, %get3A_3061 : vector<16xf32>
      %get3A_3063 = arith.constant 37 : i32
      %get3A_3064 = arith.index_cast %get3A_3063 : i32 to index
      %get3A_3065 = arith.constant 16 : index
      %get3A_3066 = tpu.vector_load %arg7[%get3A_3064, %get3A_3065] {strides = array<i32>} : memref<100x64xf32, #tpu.memory_space<vmem>>, vector<1x16xf32>,
      %get3A_3067 = vector.shape_cast %get3A_3066 : vector<1x16xf32> to vector<16xf32>
      %max3A_3068 = arith.maximumf %max3A_3062, %get3A_3067 : vector<16xf32>
      %get3A_3069 = arith.constant 38 : i32
      %get3A_3070 = arith.index_cast %get3A_3069 : i32 to index
      %get3A_3071 = arith.constant 16 : index
      %get3A_3072 = tpu.vector_load %arg7[%get3A_3070, %get3A_3071] {strides = array<i32>} : memref<100x64xf32, #tpu.memory_space<vmem>>, vector<1x16xf32>,
      %get3A_3073 = vector.shape_cast %get3A_3072 : vector<1x16xf32> to vector<16xf32>
      %max3A_3074 = arith.maximumf %max3A_3068, %get3A_3073 : vector<16xf32>
      %get3A_3075 = arith.constant 39 : i32
      %get3A_3076 = arith.index_cast %get3A_3075 : i32 to index
      %get3A_3077 = arith.constant 16 : index
      %get3A_3078 = tpu.vector_load %arg7[%get3A_3076, %get3A_3077] {strides = array<i32>} : memref<100x64xf32, #tpu.memory_space<vmem>>, vector<1x16xf32>,
      %get3A_3079 = vector.shape_cast %get3A_3078 : vector<1x16xf32> to vector<16xf32>
      %max3A_3080 = arith.maximumf %max3A_3074, %get3A_3079 : vector<16xf32>
      %get3A_3081 = arith.constant 40 : i32
      %get3A_3082 = arith.index_cast %get3A_3081 : i32 to index
      %get3A_3083 = arith.constant 16 : index
      %get3A_3084 = tpu.vector_load %arg7[%get3A_3082, %get3A_3083] {strides = array<i32>} : memref<100x64xf32, #tpu.memory_space<vmem>>, vector<1x16xf32>,
      %get3A_3085 = vector.shape_cast %get3A_3084 : vector<1x16xf32> to vector<16xf32>
      %max3A_3086 = arith.maximumf %max3A_3080, %get3A_3085 : vector<16xf32>
      %get3A_3087 = arith.constant 41 : i32
      %get3A_3088 = arith.index_cast %get3A_3087 : i32 to index
      %get3A_3089 = arith.constant 16 : index
      %get3A_3090 = tpu.vector_load %arg7[%get3A_3088, %get3A_3089] {strides = array<i32>} : memref<100x64xf32, #tpu.memory_space<vmem>>, vector<1x16xf32>,
      %get3A_3091 = vector.shape_cast %get3A_3090 : vector<1x16xf32> to vector<16xf32>
      %max3A_3092 = arith.maximumf %max3A_3086, %get3A_3091 : vector<16xf32>
      %get3A_3093 = arith.constant 42 : i32
      %get3A_3094 = arith.index_cast %get3A_3093 : i32 to index
      %get3A_3095 = arith.constant 16 : index
      %get3A_3096 = tpu.vector_load %arg7[%get3A_3094, %get3A_3095] {strides = array<i32>} : memref<100x64xf32, #tpu.memory_space<vmem>>, vector<1x16xf32>,
      %get3A_3097 = vector.shape_cast %get3A_3096 : vector<1x16xf32> to vector<16xf32>
      %max3A_3098 = arith.maximumf %max3A_3092, %get3A_3097 : vector<16xf32>
      %get3A_3099 = arith.constant 43 : i32
      %get3A_3100 = arith.index_cast %get3A_3099 : i32 to index
      %get3A_3101 = arith.constant 16 : index
      %get3A_3102 = tpu.vector_load %arg7[%get3A_3100, %get3A_3101] {strides = array<i32>} : memref<100x64xf32, #tpu.memory_space<vmem>>, vector<1x16xf32>,
      %get3A_3103 = vector.shape_cast %get3A_3102 : vector<1x16xf32> to vector<16xf32>
      %max3A_3104 = arith.maximumf %max3A_3098, %get3A_3103 : vector<16xf32>
      %get3A_3105 = arith.constant 44 : i32
      %get3A_3106 = arith.index_cast %get3A_3105 : i32 to index
      %get3A_3107 = arith.constant 16 : index
      %get3A_3108 = tpu.vector_load %arg7[%get3A_3106, %get3A_3107] {strides = array<i32>} : memref<100x64xf32, #tpu.memory_space<vmem>>, vector<1x16xf32>,
      %get3A_3109 = vector.shape_cast %get3A_3108 : vector<1x16xf32> to vector<16xf32>
      %max3A_3110 = arith.maximumf %max3A_3104, %get3A_3109 : vector<16xf32>
      %get3A_3111 = arith.constant 45 : i32
      %get3A_3112 = arith.index_cast %get3A_3111 : i32 to index
      %get3A_3113 = arith.constant 16 : index
      %get3A_3114 = tpu.vector_load %arg7[%get3A_3112, %get3A_3113] {strides = array<i32>} : memref<100x64xf32, #tpu.memory_space<vmem>>, vector<1x16xf32>,
      %get3A_3115 = vector.shape_cast %get3A_3114 : vector<1x16xf32> to vector<16xf32>
      %max3A_3116 = arith.maximumf %max3A_3110, %get3A_3115 : vector<16xf32>
      %get3A_3117 = arith.constant 46 : i32
      %get3A_3118 = arith.index_cast %get3A_3117 : i32 to index
      %get3A_3119 = arith.constant 16 : index
      %get3A_3120 = tpu.vector_load %arg7[%get3A_3118, %get3A_3119] {strides = array<i32>} : memref<100x64xf32, #tpu.memory_space<vmem>>, vector<1x16xf32>,
      %get3A_3121 = vector.shape_cast %get3A_3120 : vector<1x16xf32> to vector<16xf32>
      %max3A_3122 = arith.maximumf %max3A_3116, %get3A_3121 : vector<16xf32>
      %get3A_3123 = arith.constant 47 : i32
      %get3A_3124 = arith.index_cast %get3A_3123 : i32 to index
      %get3A_3125 = arith.constant 16 : index
      %get3A_3126 = tpu.vector_load %arg7[%get3A_3124, %get3A_3125] {strides = array<i32>} : memref<100x64xf32, #tpu.memory_space<vmem>>, vector<1x16xf32>,
      %get3A_3127 = vector.shape_cast %get3A_3126 : vector<1x16xf32> to vector<16xf32>
      %max3A_3128 = arith.maximumf %max3A_3122, %get3A_3127 : vector<16xf32>
      %get3A_3129 = arith.constant 48 : i32
      %get3A_3130 = arith.index_cast %get3A_3129 : i32 to index
      %get3A_3131 = arith.constant 16 : index
      %get3A_3132 = tpu.vector_load %arg7[%get3A_3130, %get3A_3131] {strides = array<i32>} : memref<100x64xf32, #tpu.memory_space<vmem>>, vector<1x16xf32>,
      %get3A_3133 = vector.shape_cast %get3A_3132 : vector<1x16xf32> to vector<16xf32>
      %max3A_3134 = arith.maximumf %max3A_3128, %get3A_3133 : vector<16xf32>
      %get3A_3135 = arith.constant 49 : i32
      %get3A_3136 = arith.index_cast %get3A_3135 : i32 to index
      %get3A_3137 = arith.constant 16 : index
      %get3A_3138 = tpu.vector_load %arg7[%get3A_3136, %get3A_3137] {strides = array<i32>} : memref<100x64xf32, #tpu.memory_space<vmem>>, vector<1x16xf32>,
      %get3A_3139 = vector.shape_cast %get3A_3138 : vector<1x16xf32> to vector<16xf32>
      %max3A_3140 = arith.maximumf %max3A_3134, %get3A_3139 : vector<16xf32>
      %mul3A_3141 = arith.constant 2 : i32
      %mul3A_3142 = arith.muli %add3A_2521, %mul3A_3141 : i32
      %add3A_3143 = arith.constant 0 : i32
      %add3A_3144 = arith.addi %mul3A_3142, %add3A_3143 : i32
      %swap3A_3145 = arith.index_cast %add3A_3144 : i32 to index
      %swap3A_3146 = arith.constant 16 : index
      %swap3A_3147 = tpu.vector_load %arg8[%swap3A_3145, %swap3A_3146] {strides = array<i32>} : memref<512x64xf32, #tpu.memory_space<vmem>>, vector<1x16xf32>,
      %swap3A_3148 = vector.shape_cast %swap3A_3147 : vector<1x16xf32> to vector<16xf32>
      %swap3A_3149 = vector.shape_cast %max3A_3140 : vector<16xf32> to vector<1x16xf32>
      tpu.vector_store %arg8[%swap3A_3145, %swap3A_3146], %swap3A_3149 {strides = array<i32>} : memref<512x64xf32, #tpu.memory_space<vmem>>, vector<1x16xf32>,
      %broadcast_in_dim3A_3150 = arith.constant 0.000000e+00 : f32
      %broadcast_in_dim3A_3151 = vector.broadcast %broadcast_in_dim3A_3150 : f32 to vector<16xf32>
      %get3A_3152 = arith.constant 0 : i32
      %get3A_3153 = arith.index_cast %get3A_3152 : i32 to index
      %get3A_3154 = arith.constant 32 : index
      %get3A_3155 = tpu.vector_load %arg7[%get3A_3153, %get3A_3154] {strides = array<i32>} : memref<100x64xf32, #tpu.memory_space<vmem>>, vector<1x16xf32>,
      %get3A_3156 = vector.shape_cast %get3A_3155 : vector<1x16xf32> to vector<16xf32>
      %max3A_3157 = arith.maximumf %broadcast_in_dim3A_3151, %get3A_3156 : vector<16xf32>
      %get3A_3158 = arith.constant 1 : i32
      %get3A_3159 = arith.index_cast %get3A_3158 : i32 to index
      %get3A_3160 = arith.constant 32 : index
      %get3A_3161 = tpu.vector_load %arg7[%get3A_3159, %get3A_3160] {strides = array<i32>} : memref<100x64xf32, #tpu.memory_space<vmem>>, vector<1x16xf32>,
      %get3A_3162 = vector.shape_cast %get3A_3161 : vector<1x16xf32> to vector<16xf32>
      %max3A_3163 = arith.maximumf %max3A_3157, %get3A_3162 : vector<16xf32>
      %get3A_3164 = arith.constant 2 : i32
      %get3A_3165 = arith.index_cast %get3A_3164 : i32 to index
      %get3A_3166 = arith.constant 32 : index
      %get3A_3167 = tpu.vector_load %arg7[%get3A_3165, %get3A_3166] {strides = array<i32>} : memref<100x64xf32, #tpu.memory_space<vmem>>, vector<1x16xf32>,
      %get3A_3168 = vector.shape_cast %get3A_3167 : vector<1x16xf32> to vector<16xf32>
      %max3A_3169 = arith.maximumf %max3A_3163, %get3A_3168 : vector<16xf32>
      %get3A_3170 = arith.constant 3 : i32
      %get3A_3171 = arith.index_cast %get3A_3170 : i32 to index
      %get3A_3172 = arith.constant 32 : index
      %get3A_3173 = tpu.vector_load %arg7[%get3A_3171, %get3A_3172] {strides = array<i32>} : memref<100x64xf32, #tpu.memory_space<vmem>>, vector<1x16xf32>,
      %get3A_3174 = vector.shape_cast %get3A_3173 : vector<1x16xf32> to vector<16xf32>
      %max3A_3175 = arith.maximumf %max3A_3169, %get3A_3174 : vector<16xf32>
      %get3A_3176 = arith.constant 4 : i32
      %get3A_3177 = arith.index_cast %get3A_3176 : i32 to index
      %get3A_3178 = arith.constant 32 : index
      %get3A_3179 = tpu.vector_load %arg7[%get3A_3177, %get3A_3178] {strides = array<i32>} : memref<100x64xf32, #tpu.memory_space<vmem>>, vector<1x16xf32>,
      %get3A_3180 = vector.shape_cast %get3A_3179 : vector<1x16xf32> to vector<16xf32>
      %max3A_3181 = arith.maximumf %max3A_3175, %get3A_3180 : vector<16xf32>
      %get3A_3182 = arith.constant 5 : i32
      %get3A_3183 = arith.index_cast %get3A_3182 : i32 to index
      %get3A_3184 = arith.constant 32 : index
      %get3A_3185 = tpu.vector_load %arg7[%get3A_3183, %get3A_3184] {strides = array<i32>} : memref<100x64xf32, #tpu.memory_space<vmem>>, vector<1x16xf32>,
      %get3A_3186 = vector.shape_cast %get3A_3185 : vector<1x16xf32> to vector<16xf32>
      %max3A_3187 = arith.maximumf %max3A_3181, %get3A_3186 : vector<16xf32>
      %get3A_3188 = arith.constant 6 : i32
      %get3A_3189 = arith.index_cast %get3A_3188 : i32 to index
      %get3A_3190 = arith.constant 32 : index
      %get3A_3191 = tpu.vector_load %arg7[%get3A_3189, %get3A_3190] {strides = array<i32>} : memref<100x64xf32, #tpu.memory_space<vmem>>, vector<1x16xf32>,
      %get3A_3192 = vector.shape_cast %get3A_3191 : vector<1x16xf32> to vector<16xf32>
      %max3A_3193 = arith.maximumf %max3A_3187, %get3A_3192 : vector<16xf32>
      %get3A_3194 = arith.constant 7 : i32
      %get3A_3195 = arith.index_cast %get3A_3194 : i32 to index
      %get3A_3196 = arith.constant 32 : index
      %get3A_3197 = tpu.vector_load %arg7[%get3A_3195, %get3A_3196] {strides = array<i32>} : memref<100x64xf32, #tpu.memory_space<vmem>>, vector<1x16xf32>,
      %get3A_3198 = vector.shape_cast %get3A_3197 : vector<1x16xf32> to vector<16xf32>
      %max3A_3199 = arith.maximumf %max3A_3193, %get3A_3198 : vector<16xf32>
      %get3A_3200 = arith.constant 8 : i32
      %get3A_3201 = arith.index_cast %get3A_3200 : i32 to index
      %get3A_3202 = arith.constant 32 : index
      %get3A_3203 = tpu.vector_load %arg7[%get3A_3201, %get3A_3202] {strides = array<i32>} : memref<100x64xf32, #tpu.memory_space<vmem>>, vector<1x16xf32>,
      %get3A_3204 = vector.shape_cast %get3A_3203 : vector<1x16xf32> to vector<16xf32>
      %max3A_3205 = arith.maximumf %max3A_3199, %get3A_3204 : vector<16xf32>
      %get3A_3206 = arith.constant 9 : i32
      %get3A_3207 = arith.index_cast %get3A_3206 : i32 to index
      %get3A_3208 = arith.constant 32 : index
      %get3A_3209 = tpu.vector_load %arg7[%get3A_3207, %get3A_3208] {strides = array<i32>} : memref<100x64xf32, #tpu.memory_space<vmem>>, vector<1x16xf32>,
      %get3A_3210 = vector.shape_cast %get3A_3209 : vector<1x16xf32> to vector<16xf32>
      %max3A_3211 = arith.maximumf %max3A_3205, %get3A_3210 : vector<16xf32>
      %get3A_3212 = arith.constant 10 : i32
      %get3A_3213 = arith.index_cast %get3A_3212 : i32 to index
      %get3A_3214 = arith.constant 32 : index
      %get3A_3215 = tpu.vector_load %arg7[%get3A_3213, %get3A_3214] {strides = array<i32>} : memref<100x64xf32, #tpu.memory_space<vmem>>, vector<1x16xf32>,
      %get3A_3216 = vector.shape_cast %get3A_3215 : vector<1x16xf32> to vector<16xf32>
      %max3A_3217 = arith.maximumf %max3A_3211, %get3A_3216 : vector<16xf32>
      %get3A_3218 = arith.constant 11 : i32
      %get3A_3219 = arith.index_cast %get3A_3218 : i32 to index
      %get3A_3220 = arith.constant 32 : index
      %get3A_3221 = tpu.vector_load %arg7[%get3A_3219, %get3A_3220] {strides = array<i32>} : memref<100x64xf32, #tpu.memory_space<vmem>>, vector<1x16xf32>,
      %get3A_3222 = vector.shape_cast %get3A_3221 : vector<1x16xf32> to vector<16xf32>
      %max3A_3223 = arith.maximumf %max3A_3217, %get3A_3222 : vector<16xf32>
      %get3A_3224 = arith.constant 12 : i32
      %get3A_3225 = arith.index_cast %get3A_3224 : i32 to index
      %get3A_3226 = arith.constant 32 : index
      %get3A_3227 = tpu.vector_load %arg7[%get3A_3225, %get3A_3226] {strides = array<i32>} : memref<100x64xf32, #tpu.memory_space<vmem>>, vector<1x16xf32>,
      %get3A_3228 = vector.shape_cast %get3A_3227 : vector<1x16xf32> to vector<16xf32>
      %max3A_3229 = arith.maximumf %max3A_3223, %get3A_3228 : vector<16xf32>
      %get3A_3230 = arith.constant 13 : i32
      %get3A_3231 = arith.index_cast %get3A_3230 : i32 to index
      %get3A_3232 = arith.constant 32 : index
      %get3A_3233 = tpu.vector_load %arg7[%get3A_3231, %get3A_3232] {strides = array<i32>} : memref<100x64xf32, #tpu.memory_space<vmem>>, vector<1x16xf32>,
      %get3A_3234 = vector.shape_cast %get3A_3233 : vector<1x16xf32> to vector<16xf32>
      %max3A_3235 = arith.maximumf %max3A_3229, %get3A_3234 : vector<16xf32>
      %get3A_3236 = arith.constant 14 : i32
      %get3A_3237 = arith.index_cast %get3A_3236 : i32 to index
      %get3A_3238 = arith.constant 32 : index
      %get3A_3239 = tpu.vector_load %arg7[%get3A_3237, %get3A_3238] {strides = array<i32>} : memref<100x64xf32, #tpu.memory_space<vmem>>, vector<1x16xf32>,
      %get3A_3240 = vector.shape_cast %get3A_3239 : vector<1x16xf32> to vector<16xf32>
      %max3A_3241 = arith.maximumf %max3A_3235, %get3A_3240 : vector<16xf32>
      %get3A_3242 = arith.constant 15 : i32
      %get3A_3243 = arith.index_cast %get3A_3242 : i32 to index
      %get3A_3244 = arith.constant 32 : index
      %get3A_3245 = tpu.vector_load %arg7[%get3A_3243, %get3A_3244] {strides = array<i32>} : memref<100x64xf32, #tpu.memory_space<vmem>>, vector<1x16xf32>,
      %get3A_3246 = vector.shape_cast %get3A_3245 : vector<1x16xf32> to vector<16xf32>
      %max3A_3247 = arith.maximumf %max3A_3241, %get3A_3246 : vector<16xf32>
      %get3A_3248 = arith.constant 16 : i32
      %get3A_3249 = arith.index_cast %get3A_3248 : i32 to index
      %get3A_3250 = arith.constant 32 : index
      %get3A_3251 = tpu.vector_load %arg7[%get3A_3249, %get3A_3250] {strides = array<i32>} : memref<100x64xf32, #tpu.memory_space<vmem>>, vector<1x16xf32>,
      %get3A_3252 = vector.shape_cast %get3A_3251 : vector<1x16xf32> to vector<16xf32>
      %max3A_3253 = arith.maximumf %max3A_3247, %get3A_3252 : vector<16xf32>
      %get3A_3254 = arith.constant 17 : i32
      %get3A_3255 = arith.index_cast %get3A_3254 : i32 to index
      %get3A_3256 = arith.constant 32 : index
      %get3A_3257 = tpu.vector_load %arg7[%get3A_3255, %get3A_3256] {strides = array<i32>} : memref<100x64xf32, #tpu.memory_space<vmem>>, vector<1x16xf32>,
      %get3A_3258 = vector.shape_cast %get3A_3257 : vector<1x16xf32> to vector<16xf32>
      %max3A_3259 = arith.maximumf %max3A_3253, %get3A_3258 : vector<16xf32>
      %get3A_3260 = arith.constant 18 : i32
      %get3A_3261 = arith.index_cast %get3A_3260 : i32 to index
      %get3A_3262 = arith.constant 32 : index
      %get3A_3263 = tpu.vector_load %arg7[%get3A_3261, %get3A_3262] {strides = array<i32>} : memref<100x64xf32, #tpu.memory_space<vmem>>, vector<1x16xf32>,
      %get3A_3264 = vector.shape_cast %get3A_3263 : vector<1x16xf32> to vector<16xf32>
      %max3A_3265 = arith.maximumf %max3A_3259, %get3A_3264 : vector<16xf32>
      %get3A_3266 = arith.constant 19 : i32
      %get3A_3267 = arith.index_cast %get3A_3266 : i32 to index
      %get3A_3268 = arith.constant 32 : index
      %get3A_3269 = tpu.vector_load %arg7[%get3A_3267, %get3A_3268] {strides = array<i32>} : memref<100x64xf32, #tpu.memory_space<vmem>>, vector<1x16xf32>,
      %get3A_3270 = vector.shape_cast %get3A_3269 : vector<1x16xf32> to vector<16xf32>
      %max3A_3271 = arith.maximumf %max3A_3265, %get3A_3270 : vector<16xf32>
      %get3A_3272 = arith.constant 20 : i32
      %get3A_3273 = arith.index_cast %get3A_3272 : i32 to index
      %get3A_3274 = arith.constant 32 : index
      %get3A_3275 = tpu.vector_load %arg7[%get3A_3273, %get3A_3274] {strides = array<i32>} : memref<100x64xf32, #tpu.memory_space<vmem>>, vector<1x16xf32>,
      %get3A_3276 = vector.shape_cast %get3A_3275 : vector<1x16xf32> to vector<16xf32>
      %max3A_3277 = arith.maximumf %max3A_3271, %get3A_3276 : vector<16xf32>
      %get3A_3278 = arith.constant 21 : i32
      %get3A_3279 = arith.index_cast %get3A_3278 : i32 to index
      %get3A_3280 = arith.constant 32 : index
      %get3A_3281 = tpu.vector_load %arg7[%get3A_3279, %get3A_3280] {strides = array<i32>} : memref<100x64xf32, #tpu.memory_space<vmem>>, vector<1x16xf32>,
      %get3A_3282 = vector.shape_cast %get3A_3281 : vector<1x16xf32> to vector<16xf32>
      %max3A_3283 = arith.maximumf %max3A_3277, %get3A_3282 : vector<16xf32>
      %get3A_3284 = arith.constant 22 : i32
      %get3A_3285 = arith.index_cast %get3A_3284 : i32 to index
      %get3A_3286 = arith.constant 32 : index
      %get3A_3287 = tpu.vector_load %arg7[%get3A_3285, %get3A_3286] {strides = array<i32>} : memref<100x64xf32, #tpu.memory_space<vmem>>, vector<1x16xf32>,
      %get3A_3288 = vector.shape_cast %get3A_3287 : vector<1x16xf32> to vector<16xf32>
      %max3A_3289 = arith.maximumf %max3A_3283, %get3A_3288 : vector<16xf32>
      %get3A_3290 = arith.constant 23 : i32
      %get3A_3291 = arith.index_cast %get3A_3290 : i32 to index
      %get3A_3292 = arith.constant 32 : index
      %get3A_3293 = tpu.vector_load %arg7[%get3A_3291, %get3A_3292] {strides = array<i32>} : memref<100x64xf32, #tpu.memory_space<vmem>>, vector<1x16xf32>,
      %get3A_3294 = vector.shape_cast %get3A_3293 : vector<1x16xf32> to vector<16xf32>
      %max3A_3295 = arith.maximumf %max3A_3289, %get3A_3294 : vector<16xf32>
      %get3A_3296 = arith.constant 24 : i32
      %get3A_3297 = arith.index_cast %get3A_3296 : i32 to index
      %get3A_3298 = arith.constant 32 : index
      %get3A_3299 = tpu.vector_load %arg7[%get3A_3297, %get3A_3298] {strides = array<i32>} : memref<100x64xf32, #tpu.memory_space<vmem>>, vector<1x16xf32>,
      %get3A_3300 = vector.shape_cast %get3A_3299 : vector<1x16xf32> to vector<16xf32>
      %max3A_3301 = arith.maximumf %max3A_3295, %get3A_3300 : vector<16xf32>
      %get3A_3302 = arith.constant 25 : i32
      %get3A_3303 = arith.index_cast %get3A_3302 : i32 to index
      %get3A_3304 = arith.constant 32 : index
      %get3A_3305 = tpu.vector_load %arg7[%get3A_3303, %get3A_3304] {strides = array<i32>} : memref<100x64xf32, #tpu.memory_space<vmem>>, vector<1x16xf32>,
      %get3A_3306 = vector.shape_cast %get3A_3305 : vector<1x16xf32> to vector<16xf32>
      %max3A_3307 = arith.maximumf %max3A_3301, %get3A_3306 : vector<16xf32>
      %get3A_3308 = arith.constant 26 : i32
      %get3A_3309 = arith.index_cast %get3A_3308 : i32 to index
      %get3A_3310 = arith.constant 32 : index
      %get3A_3311 = tpu.vector_load %arg7[%get3A_3309, %get3A_3310] {strides = array<i32>} : memref<100x64xf32, #tpu.memory_space<vmem>>, vector<1x16xf32>,
      %get3A_3312 = vector.shape_cast %get3A_3311 : vector<1x16xf32> to vector<16xf32>
      %max3A_3313 = arith.maximumf %max3A_3307, %get3A_3312 : vector<16xf32>
      %get3A_3314 = arith.constant 27 : i32
      %get3A_3315 = arith.index_cast %get3A_3314 : i32 to index
      %get3A_3316 = arith.constant 32 : index
      %get3A_3317 = tpu.vector_load %arg7[%get3A_3315, %get3A_3316] {strides = array<i32>} : memref<100x64xf32, #tpu.memory_space<vmem>>, vector<1x16xf32>,
      %get3A_3318 = vector.shape_cast %get3A_3317 : vector<1x16xf32> to vector<16xf32>
      %max3A_3319 = arith.maximumf %max3A_3313, %get3A_3318 : vector<16xf32>
      %get3A_3320 = arith.constant 28 : i32
      %get3A_3321 = arith.index_cast %get3A_3320 : i32 to index
      %get3A_3322 = arith.constant 32 : index
      %get3A_3323 = tpu.vector_load %arg7[%get3A_3321, %get3A_3322] {strides = array<i32>} : memref<100x64xf32, #tpu.memory_space<vmem>>, vector<1x16xf32>,
      %get3A_3324 = vector.shape_cast %get3A_3323 : vector<1x16xf32> to vector<16xf32>
      %max3A_3325 = arith.maximumf %max3A_3319, %get3A_3324 : vector<16xf32>
      %get3A_3326 = arith.constant 29 : i32
      %get3A_3327 = arith.index_cast %get3A_3326 : i32 to index
      %get3A_3328 = arith.constant 32 : index
      %get3A_3329 = tpu.vector_load %arg7[%get3A_3327, %get3A_3328] {strides = array<i32>} : memref<100x64xf32, #tpu.memory_space<vmem>>, vector<1x16xf32>,
      %get3A_3330 = vector.shape_cast %get3A_3329 : vector<1x16xf32> to vector<16xf32>
      %max3A_3331 = arith.maximumf %max3A_3325, %get3A_3330 : vector<16xf32>
      %get3A_3332 = arith.constant 30 : i32
      %get3A_3333 = arith.index_cast %get3A_3332 : i32 to index
      %get3A_3334 = arith.constant 32 : index
      %get3A_3335 = tpu.vector_load %arg7[%get3A_3333, %get3A_3334] {strides = array<i32>} : memref<100x64xf32, #tpu.memory_space<vmem>>, vector<1x16xf32>,
      %get3A_3336 = vector.shape_cast %get3A_3335 : vector<1x16xf32> to vector<16xf32>
      %max3A_3337 = arith.maximumf %max3A_3331, %get3A_3336 : vector<16xf32>
      %get3A_3338 = arith.constant 31 : i32
      %get3A_3339 = arith.index_cast %get3A_3338 : i32 to index
      %get3A_3340 = arith.constant 32 : index
      %get3A_3341 = tpu.vector_load %arg7[%get3A_3339, %get3A_3340] {strides = array<i32>} : memref<100x64xf32, #tpu.memory_space<vmem>>, vector<1x16xf32>,
      %get3A_3342 = vector.shape_cast %get3A_3341 : vector<1x16xf32> to vector<16xf32>
      %max3A_3343 = arith.maximumf %max3A_3337, %get3A_3342 : vector<16xf32>
      %get3A_3344 = arith.constant 32 : i32
      %get3A_3345 = arith.index_cast %get3A_3344 : i32 to index
      %get3A_3346 = arith.constant 32 : index
      %get3A_3347 = tpu.vector_load %arg7[%get3A_3345, %get3A_3346] {strides = array<i32>} : memref<100x64xf32, #tpu.memory_space<vmem>>, vector<1x16xf32>,
      %get3A_3348 = vector.shape_cast %get3A_3347 : vector<1x16xf32> to vector<16xf32>
      %max3A_3349 = arith.maximumf %max3A_3343, %get3A_3348 : vector<16xf32>
      %get3A_3350 = arith.constant 33 : i32
      %get3A_3351 = arith.index_cast %get3A_3350 : i32 to index
      %get3A_3352 = arith.constant 32 : index
      %get3A_3353 = tpu.vector_load %arg7[%get3A_3351, %get3A_3352] {strides = array<i32>} : memref<100x64xf32, #tpu.memory_space<vmem>>, vector<1x16xf32>,
      %get3A_3354 = vector.shape_cast %get3A_3353 : vector<1x16xf32> to vector<16xf32>
      %max3A_3355 = arith.maximumf %max3A_3349, %get3A_3354 : vector<16xf32>
      %get3A_3356 = arith.constant 34 : i32
      %get3A_3357 = arith.index_cast %get3A_3356 : i32 to index
      %get3A_3358 = arith.constant 32 : index
      %get3A_3359 = tpu.vector_load %arg7[%get3A_3357, %get3A_3358] {strides = array<i32>} : memref<100x64xf32, #tpu.memory_space<vmem>>, vector<1x16xf32>,
      %get3A_3360 = vector.shape_cast %get3A_3359 : vector<1x16xf32> to vector<16xf32>
      %max3A_3361 = arith.maximumf %max3A_3355, %get3A_3360 : vector<16xf32>
      %get3A_3362 = arith.constant 35 : i32
      %get3A_3363 = arith.index_cast %get3A_3362 : i32 to index
      %get3A_3364 = arith.constant 32 : index
      %get3A_3365 = tpu.vector_load %arg7[%get3A_3363, %get3A_3364] {strides = array<i32>} : memref<100x64xf32, #tpu.memory_space<vmem>>, vector<1x16xf32>,
      %get3A_3366 = vector.shape_cast %get3A_3365 : vector<1x16xf32> to vector<16xf32>
      %max3A_3367 = arith.maximumf %max3A_3361, %get3A_3366 : vector<16xf32>
      %get3A_3368 = arith.constant 36 : i32
      %get3A_3369 = arith.index_cast %get3A_3368 : i32 to index
      %get3A_3370 = arith.constant 32 : index
      %get3A_3371 = tpu.vector_load %arg7[%get3A_3369, %get3A_3370] {strides = array<i32>} : memref<100x64xf32, #tpu.memory_space<vmem>>, vector<1x16xf32>,
      %get3A_3372 = vector.shape_cast %get3A_3371 : vector<1x16xf32> to vector<16xf32>
      %max3A_3373 = arith.maximumf %max3A_3367, %get3A_3372 : vector<16xf32>
      %get3A_3374 = arith.constant 37 : i32
      %get3A_3375 = arith.index_cast %get3A_3374 : i32 to index
      %get3A_3376 = arith.constant 32 : index
      %get3A_3377 = tpu.vector_load %arg7[%get3A_3375, %get3A_3376] {strides = array<i32>} : memref<100x64xf32, #tpu.memory_space<vmem>>, vector<1x16xf32>,
      %get3A_3378 = vector.shape_cast %get3A_3377 : vector<1x16xf32> to vector<16xf32>
      %max3A_3379 = arith.maximumf %max3A_3373, %get3A_3378 : vector<16xf32>
      %get3A_3380 = arith.constant 38 : i32
      %get3A_3381 = arith.index_cast %get3A_3380 : i32 to index
      %get3A_3382 = arith.constant 32 : index
      %get3A_3383 = tpu.vector_load %arg7[%get3A_3381, %get3A_3382] {strides = array<i32>} : memref<100x64xf32, #tpu.memory_space<vmem>>, vector<1x16xf32>,
      %get3A_3384 = vector.shape_cast %get3A_3383 : vector<1x16xf32> to vector<16xf32>
      %max3A_3385 = arith.maximumf %max3A_3379, %get3A_3384 : vector<16xf32>
      %get3A_3386 = arith.constant 39 : i32
      %get3A_3387 = arith.index_cast %get3A_3386 : i32 to index
      %get3A_3388 = arith.constant 32 : index
      %get3A_3389 = tpu.vector_load %arg7[%get3A_3387, %get3A_3388] {strides = array<i32>} : memref<100x64xf32, #tpu.memory_space<vmem>>, vector<1x16xf32>,
      %get3A_3390 = vector.shape_cast %get3A_3389 : vector<1x16xf32> to vector<16xf32>
      %max3A_3391 = arith.maximumf %max3A_3385, %get3A_3390 : vector<16xf32>
      %get3A_3392 = arith.constant 40 : i32
      %get3A_3393 = arith.index_cast %get3A_3392 : i32 to index
      %get3A_3394 = arith.constant 32 : index
      %get3A_3395 = tpu.vector_load %arg7[%get3A_3393, %get3A_3394] {strides = array<i32>} : memref<100x64xf32, #tpu.memory_space<vmem>>, vector<1x16xf32>,
      %get3A_3396 = vector.shape_cast %get3A_3395 : vector<1x16xf32> to vector<16xf32>
      %max3A_3397 = arith.maximumf %max3A_3391, %get3A_3396 : vector<16xf32>
      %get3A_3398 = arith.constant 41 : i32
      %get3A_3399 = arith.index_cast %get3A_3398 : i32 to index
      %get3A_3400 = arith.constant 32 : index
      %get3A_3401 = tpu.vector_load %arg7[%get3A_3399, %get3A_3400] {strides = array<i32>} : memref<100x64xf32, #tpu.memory_space<vmem>>, vector<1x16xf32>,
      %get3A_3402 = vector.shape_cast %get3A_3401 : vector<1x16xf32> to vector<16xf32>
      %max3A_3403 = arith.maximumf %max3A_3397, %get3A_3402 : vector<16xf32>
      %get3A_3404 = arith.constant 42 : i32
      %get3A_3405 = arith.index_cast %get3A_3404 : i32 to index
      %get3A_3406 = arith.constant 32 : index
      %get3A_3407 = tpu.vector_load %arg7[%get3A_3405, %get3A_3406] {strides = array<i32>} : memref<100x64xf32, #tpu.memory_space<vmem>>, vector<1x16xf32>,
      %get3A_3408 = vector.shape_cast %get3A_3407 : vector<1x16xf32> to vector<16xf32>
      %max3A_3409 = arith.maximumf %max3A_3403, %get3A_3408 : vector<16xf32>
      %get3A_3410 = arith.constant 43 : i32
      %get3A_3411 = arith.index_cast %get3A_3410 : i32 to index
      %get3A_3412 = arith.constant 32 : index
      %get3A_3413 = tpu.vector_load %arg7[%get3A_3411, %get3A_3412] {strides = array<i32>} : memref<100x64xf32, #tpu.memory_space<vmem>>, vector<1x16xf32>,
      %get3A_3414 = vector.shape_cast %get3A_3413 : vector<1x16xf32> to vector<16xf32>
      %max3A_3415 = arith.maximumf %max3A_3409, %get3A_3414 : vector<16xf32>
      %get3A_3416 = arith.constant 44 : i32
      %get3A_3417 = arith.index_cast %get3A_3416 : i32 to index
      %get3A_3418 = arith.constant 32 : index
      %get3A_3419 = tpu.vector_load %arg7[%get3A_3417, %get3A_3418] {strides = array<i32>} : memref<100x64xf32, #tpu.memory_space<vmem>>, vector<1x16xf32>,
      %get3A_3420 = vector.shape_cast %get3A_3419 : vector<1x16xf32> to vector<16xf32>
      %max3A_3421 = arith.maximumf %max3A_3415, %get3A_3420 : vector<16xf32>
      %get3A_3422 = arith.constant 45 : i32
      %get3A_3423 = arith.index_cast %get3A_3422 : i32 to index
      %get3A_3424 = arith.constant 32 : index
      %get3A_3425 = tpu.vector_load %arg7[%get3A_3423, %get3A_3424] {strides = array<i32>} : memref<100x64xf32, #tpu.memory_space<vmem>>, vector<1x16xf32>,
      %get3A_3426 = vector.shape_cast %get3A_3425 : vector<1x16xf32> to vector<16xf32>
      %max3A_3427 = arith.maximumf %max3A_3421, %get3A_3426 : vector<16xf32>
      %get3A_3428 = arith.constant 46 : i32
      %get3A_3429 = arith.index_cast %get3A_3428 : i32 to index
      %get3A_3430 = arith.constant 32 : index
      %get3A_3431 = tpu.vector_load %arg7[%get3A_3429, %get3A_3430] {strides = array<i32>} : memref<100x64xf32, #tpu.memory_space<vmem>>, vector<1x16xf32>,
      %get3A_3432 = vector.shape_cast %get3A_3431 : vector<1x16xf32> to vector<16xf32>
      %max3A_3433 = arith.maximumf %max3A_3427, %get3A_3432 : vector<16xf32>
      %get3A_3434 = arith.constant 47 : i32
      %get3A_3435 = arith.index_cast %get3A_3434 : i32 to index
      %get3A_3436 = arith.constant 32 : index
      %get3A_3437 = tpu.vector_load %arg7[%get3A_3435, %get3A_3436] {strides = array<i32>} : memref<100x64xf32, #tpu.memory_space<vmem>>, vector<1x16xf32>,
      %get3A_3438 = vector.shape_cast %get3A_3437 : vector<1x16xf32> to vector<16xf32>
      %max3A_3439 = arith.maximumf %max3A_3433, %get3A_3438 : vector<16xf32>
      %get3A_3440 = arith.constant 48 : i32
      %get3A_3441 = arith.index_cast %get3A_3440 : i32 to index
      %get3A_3442 = arith.constant 32 : index
      %get3A_3443 = tpu.vector_load %arg7[%get3A_3441, %get3A_3442] {strides = array<i32>} : memref<100x64xf32, #tpu.memory_space<vmem>>, vector<1x16xf32>,
      %get3A_3444 = vector.shape_cast %get3A_3443 : vector<1x16xf32> to vector<16xf32>
      %max3A_3445 = arith.maximumf %max3A_3439, %get3A_3444 : vector<16xf32>
      %get3A_3446 = arith.constant 49 : i32
      %get3A_3447 = arith.index_cast %get3A_3446 : i32 to index
      %get3A_3448 = arith.constant 32 : index
      %get3A_3449 = tpu.vector_load %arg7[%get3A_3447, %get3A_3448] {strides = array<i32>} : memref<100x64xf32, #tpu.memory_space<vmem>>, vector<1x16xf32>,
      %get3A_3450 = vector.shape_cast %get3A_3449 : vector<1x16xf32> to vector<16xf32>
      %max3A_3451 = arith.maximumf %max3A_3445, %get3A_3450 : vector<16xf32>
      %mul3A_3452 = arith.constant 2 : i32
      %mul3A_3453 = arith.muli %add3A_2521, %mul3A_3452 : i32
      %add3A_3454 = arith.constant 0 : i32
      %add3A_3455 = arith.addi %mul3A_3453, %add3A_3454 : i32
      %swap3A_3456 = arith.index_cast %add3A_3455 : i32 to index
      %swap3A_3457 = arith.constant 32 : index
      %swap3A_3458 = tpu.vector_load %arg8[%swap3A_3456, %swap3A_3457] {strides = array<i32>} : memref<512x64xf32, #tpu.memory_space<vmem>>, vector<1x16xf32>,
      %swap3A_3459 = vector.shape_cast %swap3A_3458 : vector<1x16xf32> to vector<16xf32>
      %swap3A_3460 = vector.shape_cast %max3A_3451 : vector<16xf32> to vector<1x16xf32>
      tpu.vector_store %arg8[%swap3A_3456, %swap3A_3457], %swap3A_3460 {strides = array<i32>} : memref<512x64xf32, #tpu.memory_space<vmem>>, vector<1x16xf32>,
      %broadcast_in_dim3A_3461 = arith.constant 0.000000e+00 : f32
      %broadcast_in_dim3A_3462 = vector.broadcast %broadcast_in_dim3A_3461 : f32 to vector<16xf32>
      %get3A_3463 = arith.constant 0 : i32
      %get3A_3464 = arith.index_cast %get3A_3463 : i32 to index
      %get3A_3465 = arith.constant 48 : index
      %get3A_3466 = tpu.vector_load %arg7[%get3A_3464, %get3A_3465] {strides = array<i32>} : memref<100x64xf32, #tpu.memory_space<vmem>>, vector<1x16xf32>,
      %get3A_3467 = vector.shape_cast %get3A_3466 : vector<1x16xf32> to vector<16xf32>
      %max3A_3468 = arith.maximumf %broadcast_in_dim3A_3462, %get3A_3467 : vector<16xf32>
      %get3A_3469 = arith.constant 1 : i32
      %get3A_3470 = arith.index_cast %get3A_3469 : i32 to index
      %get3A_3471 = arith.constant 48 : index
      %get3A_3472 = tpu.vector_load %arg7[%get3A_3470, %get3A_3471] {strides = array<i32>} : memref<100x64xf32, #tpu.memory_space<vmem>>, vector<1x16xf32>,
      %get3A_3473 = vector.shape_cast %get3A_3472 : vector<1x16xf32> to vector<16xf32>
      %max3A_3474 = arith.maximumf %max3A_3468, %get3A_3473 : vector<16xf32>
      %get3A_3475 = arith.constant 2 : i32
      %get3A_3476 = arith.index_cast %get3A_3475 : i32 to index
      %get3A_3477 = arith.constant 48 : index
      %get3A_3478 = tpu.vector_load %arg7[%get3A_3476, %get3A_3477] {strides = array<i32>} : memref<100x64xf32, #tpu.memory_space<vmem>>, vector<1x16xf32>,
      %get3A_3479 = vector.shape_cast %get3A_3478 : vector<1x16xf32> to vector<16xf32>
      %max3A_3480 = arith.maximumf %max3A_3474, %get3A_3479 : vector<16xf32>
      %get3A_3481 = arith.constant 3 : i32
      %get3A_3482 = arith.index_cast %get3A_3481 : i32 to index
      %get3A_3483 = arith.constant 48 : index
      %get3A_3484 = tpu.vector_load %arg7[%get3A_3482, %get3A_3483] {strides = array<i32>} : memref<100x64xf32, #tpu.memory_space<vmem>>, vector<1x16xf32>,
      %get3A_3485 = vector.shape_cast %get3A_3484 : vector<1x16xf32> to vector<16xf32>
      %max3A_3486 = arith.maximumf %max3A_3480, %get3A_3485 : vector<16xf32>
      %get3A_3487 = arith.constant 4 : i32
      %get3A_3488 = arith.index_cast %get3A_3487 : i32 to index
      %get3A_3489 = arith.constant 48 : index
      %get3A_3490 = tpu.vector_load %arg7[%get3A_3488, %get3A_3489] {strides = array<i32>} : memref<100x64xf32, #tpu.memory_space<vmem>>, vector<1x16xf32>,
      %get3A_3491 = vector.shape_cast %get3A_3490 : vector<1x16xf32> to vector<16xf32>
      %max3A_3492 = arith.maximumf %max3A_3486, %get3A_3491 : vector<16xf32>
      %get3A_3493 = arith.constant 5 : i32
      %get3A_3494 = arith.index_cast %get3A_3493 : i32 to index
      %get3A_3495 = arith.constant 48 : index
      %get3A_3496 = tpu.vector_load %arg7[%get3A_3494, %get3A_3495] {strides = array<i32>} : memref<100x64xf32, #tpu.memory_space<vmem>>, vector<1x16xf32>,
      %get3A_3497 = vector.shape_cast %get3A_3496 : vector<1x16xf32> to vector<16xf32>
      %max3A_3498 = arith.maximumf %max3A_3492, %get3A_3497 : vector<16xf32>
      %get3A_3499 = arith.constant 6 : i32
      %get3A_3500 = arith.index_cast %get3A_3499 : i32 to index
      %get3A_3501 = arith.constant 48 : index
      %get3A_3502 = tpu.vector_load %arg7[%get3A_3500, %get3A_3501] {strides = array<i32>} : memref<100x64xf32, #tpu.memory_space<vmem>>, vector<1x16xf32>,
      %get3A_3503 = vector.shape_cast %get3A_3502 : vector<1x16xf32> to vector<16xf32>
      %max3A_3504 = arith.maximumf %max3A_3498, %get3A_3503 : vector<16xf32>
      %get3A_3505 = arith.constant 7 : i32
      %get3A_3506 = arith.index_cast %get3A_3505 : i32 to index
      %get3A_3507 = arith.constant 48 : index
      %get3A_3508 = tpu.vector_load %arg7[%get3A_3506, %get3A_3507] {strides = array<i32>} : memref<100x64xf32, #tpu.memory_space<vmem>>, vector<1x16xf32>,
      %get3A_3509 = vector.shape_cast %get3A_3508 : vector<1x16xf32> to vector<16xf32>
      %max3A_3510 = arith.maximumf %max3A_3504, %get3A_3509 : vector<16xf32>
      %get3A_3511 = arith.constant 8 : i32
      %get3A_3512 = arith.index_cast %get3A_3511 : i32 to index
      %get3A_3513 = arith.constant 48 : index
      %get3A_3514 = tpu.vector_load %arg7[%get3A_3512, %get3A_3513] {strides = array<i32>} : memref<100x64xf32, #tpu.memory_space<vmem>>, vector<1x16xf32>,
      %get3A_3515 = vector.shape_cast %get3A_3514 : vector<1x16xf32> to vector<16xf32>
      %max3A_3516 = arith.maximumf %max3A_3510, %get3A_3515 : vector<16xf32>
      %get3A_3517 = arith.constant 9 : i32
      %get3A_3518 = arith.index_cast %get3A_3517 : i32 to index
      %get3A_3519 = arith.constant 48 : index
      %get3A_3520 = tpu.vector_load %arg7[%get3A_3518, %get3A_3519] {strides = array<i32>} : memref<100x64xf32, #tpu.memory_space<vmem>>, vector<1x16xf32>,
      %get3A_3521 = vector.shape_cast %get3A_3520 : vector<1x16xf32> to vector<16xf32>
      %max3A_3522 = arith.maximumf %max3A_3516, %get3A_3521 : vector<16xf32>
      %get3A_3523 = arith.constant 10 : i32
      %get3A_3524 = arith.index_cast %get3A_3523 : i32 to index
      %get3A_3525 = arith.constant 48 : index
      %get3A_3526 = tpu.vector_load %arg7[%get3A_3524, %get3A_3525] {strides = array<i32>} : memref<100x64xf32, #tpu.memory_space<vmem>>, vector<1x16xf32>,
      %get3A_3527 = vector.shape_cast %get3A_3526 : vector<1x16xf32> to vector<16xf32>
      %max3A_3528 = arith.maximumf %max3A_3522, %get3A_3527 : vector<16xf32>
      %get3A_3529 = arith.constant 11 : i32
      %get3A_3530 = arith.index_cast %get3A_3529 : i32 to index
      %get3A_3531 = arith.constant 48 : index
      %get3A_3532 = tpu.vector_load %arg7[%get3A_3530, %get3A_3531] {strides = array<i32>} : memref<100x64xf32, #tpu.memory_space<vmem>>, vector<1x16xf32>,
      %get3A_3533 = vector.shape_cast %get3A_3532 : vector<1x16xf32> to vector<16xf32>
      %max3A_3534 = arith.maximumf %max3A_3528, %get3A_3533 : vector<16xf32>
      %get3A_3535 = arith.constant 12 : i32
      %get3A_3536 = arith.index_cast %get3A_3535 : i32 to index
      %get3A_3537 = arith.constant 48 : index
      %get3A_3538 = tpu.vector_load %arg7[%get3A_3536, %get3A_3537] {strides = array<i32>} : memref<100x64xf32, #tpu.memory_space<vmem>>, vector<1x16xf32>,
      %get3A_3539 = vector.shape_cast %get3A_3538 : vector<1x16xf32> to vector<16xf32>
      %max3A_3540 = arith.maximumf %max3A_3534, %get3A_3539 : vector<16xf32>
      %get3A_3541 = arith.constant 13 : i32
      %get3A_3542 = arith.index_cast %get3A_3541 : i32 to index
      %get3A_3543 = arith.constant 48 : index
      %get3A_3544 = tpu.vector_load %arg7[%get3A_3542, %get3A_3543] {strides = array<i32>} : memref<100x64xf32, #tpu.memory_space<vmem>>, vector<1x16xf32>,
      %get3A_3545 = vector.shape_cast %get3A_3544 : vector<1x16xf32> to vector<16xf32>
      %max3A_3546 = arith.maximumf %max3A_3540, %get3A_3545 : vector<16xf32>
      %get3A_3547 = arith.constant 14 : i32
      %get3A_3548 = arith.index_cast %get3A_3547 : i32 to index
      %get3A_3549 = arith.constant 48 : index
      %get3A_3550 = tpu.vector_load %arg7[%get3A_3548, %get3A_3549] {strides = array<i32>} : memref<100x64xf32, #tpu.memory_space<vmem>>, vector<1x16xf32>,
      %get3A_3551 = vector.shape_cast %get3A_3550 : vector<1x16xf32> to vector<16xf32>
      %max3A_3552 = arith.maximumf %max3A_3546, %get3A_3551 : vector<16xf32>
      %get3A_3553 = arith.constant 15 : i32
      %get3A_3554 = arith.index_cast %get3A_3553 : i32 to index
      %get3A_3555 = arith.constant 48 : index
      %get3A_3556 = tpu.vector_load %arg7[%get3A_3554, %get3A_3555] {strides = array<i32>} : memref<100x64xf32, #tpu.memory_space<vmem>>, vector<1x16xf32>,
      %get3A_3557 = vector.shape_cast %get3A_3556 : vector<1x16xf32> to vector<16xf32>
      %max3A_3558 = arith.maximumf %max3A_3552, %get3A_3557 : vector<16xf32>
      %get3A_3559 = arith.constant 16 : i32
      %get3A_3560 = arith.index_cast %get3A_3559 : i32 to index
      %get3A_3561 = arith.constant 48 : index
      %get3A_3562 = tpu.vector_load %arg7[%get3A_3560, %get3A_3561] {strides = array<i32>} : memref<100x64xf32, #tpu.memory_space<vmem>>, vector<1x16xf32>,
      %get3A_3563 = vector.shape_cast %get3A_3562 : vector<1x16xf32> to vector<16xf32>
      %max3A_3564 = arith.maximumf %max3A_3558, %get3A_3563 : vector<16xf32>
      %get3A_3565 = arith.constant 17 : i32
      %get3A_3566 = arith.index_cast %get3A_3565 : i32 to index
      %get3A_3567 = arith.constant 48 : index
      %get3A_3568 = tpu.vector_load %arg7[%get3A_3566, %get3A_3567] {strides = array<i32>} : memref<100x64xf32, #tpu.memory_space<vmem>>, vector<1x16xf32>,
      %get3A_3569 = vector.shape_cast %get3A_3568 : vector<1x16xf32> to vector<16xf32>
      %max3A_3570 = arith.maximumf %max3A_3564, %get3A_3569 : vector<16xf32>
      %get3A_3571 = arith.constant 18 : i32
      %get3A_3572 = arith.index_cast %get3A_3571 : i32 to index
      %get3A_3573 = arith.constant 48 : index
      %get3A_3574 = tpu.vector_load %arg7[%get3A_3572, %get3A_3573] {strides = array<i32>} : memref<100x64xf32, #tpu.memory_space<vmem>>, vector<1x16xf32>,
      %get3A_3575 = vector.shape_cast %get3A_3574 : vector<1x16xf32> to vector<16xf32>
      %max3A_3576 = arith.maximumf %max3A_3570, %get3A_3575 : vector<16xf32>
      %get3A_3577 = arith.constant 19 : i32
      %get3A_3578 = arith.index_cast %get3A_3577 : i32 to index
      %get3A_3579 = arith.constant 48 : index
      %get3A_3580 = tpu.vector_load %arg7[%get3A_3578, %get3A_3579] {strides = array<i32>} : memref<100x64xf32, #tpu.memory_space<vmem>>, vector<1x16xf32>,
      %get3A_3581 = vector.shape_cast %get3A_3580 : vector<1x16xf32> to vector<16xf32>
      %max3A_3582 = arith.maximumf %max3A_3576, %get3A_3581 : vector<16xf32>
      %get3A_3583 = arith.constant 20 : i32
      %get3A_3584 = arith.index_cast %get3A_3583 : i32 to index
      %get3A_3585 = arith.constant 48 : index
      %get3A_3586 = tpu.vector_load %arg7[%get3A_3584, %get3A_3585] {strides = array<i32>} : memref<100x64xf32, #tpu.memory_space<vmem>>, vector<1x16xf32>,
      %get3A_3587 = vector.shape_cast %get3A_3586 : vector<1x16xf32> to vector<16xf32>
      %max3A_3588 = arith.maximumf %max3A_3582, %get3A_3587 : vector<16xf32>
      %get3A_3589 = arith.constant 21 : i32
      %get3A_3590 = arith.index_cast %get3A_3589 : i32 to index
      %get3A_3591 = arith.constant 48 : index
      %get3A_3592 = tpu.vector_load %arg7[%get3A_3590, %get3A_3591] {strides = array<i32>} : memref<100x64xf32, #tpu.memory_space<vmem>>, vector<1x16xf32>,
      %get3A_3593 = vector.shape_cast %get3A_3592 : vector<1x16xf32> to vector<16xf32>
      %max3A_3594 = arith.maximumf %max3A_3588, %get3A_3593 : vector<16xf32>
      %get3A_3595 = arith.constant 22 : i32
      %get3A_3596 = arith.index_cast %get3A_3595 : i32 to index
      %get3A_3597 = arith.constant 48 : index
      %get3A_3598 = tpu.vector_load %arg7[%get3A_3596, %get3A_3597] {strides = array<i32>} : memref<100x64xf32, #tpu.memory_space<vmem>>, vector<1x16xf32>,
      %get3A_3599 = vector.shape_cast %get3A_3598 : vector<1x16xf32> to vector<16xf32>
      %max3A_3600 = arith.maximumf %max3A_3594, %get3A_3599 : vector<16xf32>
      %get3A_3601 = arith.constant 23 : i32
      %get3A_3602 = arith.index_cast %get3A_3601 : i32 to index
      %get3A_3603 = arith.constant 48 : index
      %get3A_3604 = tpu.vector_load %arg7[%get3A_3602, %get3A_3603] {strides = array<i32>} : memref<100x64xf32, #tpu.memory_space<vmem>>, vector<1x16xf32>,
      %get3A_3605 = vector.shape_cast %get3A_3604 : vector<1x16xf32> to vector<16xf32>
      %max3A_3606 = arith.maximumf %max3A_3600, %get3A_3605 : vector<16xf32>
      %get3A_3607 = arith.constant 24 : i32
      %get3A_3608 = arith.index_cast %get3A_3607 : i32 to index
      %get3A_3609 = arith.constant 48 : index
      %get3A_3610 = tpu.vector_load %arg7[%get3A_3608, %get3A_3609] {strides = array<i32>} : memref<100x64xf32, #tpu.memory_space<vmem>>, vector<1x16xf32>,
      %get3A_3611 = vector.shape_cast %get3A_3610 : vector<1x16xf32> to vector<16xf32>
      %max3A_3612 = arith.maximumf %max3A_3606, %get3A_3611 : vector<16xf32>
      %get3A_3613 = arith.constant 25 : i32
      %get3A_3614 = arith.index_cast %get3A_3613 : i32 to index
      %get3A_3615 = arith.constant 48 : index
      %get3A_3616 = tpu.vector_load %arg7[%get3A_3614, %get3A_3615] {strides = array<i32>} : memref<100x64xf32, #tpu.memory_space<vmem>>, vector<1x16xf32>,
      %get3A_3617 = vector.shape_cast %get3A_3616 : vector<1x16xf32> to vector<16xf32>
      %max3A_3618 = arith.maximumf %max3A_3612, %get3A_3617 : vector<16xf32>
      %get3A_3619 = arith.constant 26 : i32
      %get3A_3620 = arith.index_cast %get3A_3619 : i32 to index
      %get3A_3621 = arith.constant 48 : index
      %get3A_3622 = tpu.vector_load %arg7[%get3A_3620, %get3A_3621] {strides = array<i32>} : memref<100x64xf32, #tpu.memory_space<vmem>>, vector<1x16xf32>,
      %get3A_3623 = vector.shape_cast %get3A_3622 : vector<1x16xf32> to vector<16xf32>
      %max3A_3624 = arith.maximumf %max3A_3618, %get3A_3623 : vector<16xf32>
      %get3A_3625 = arith.constant 27 : i32
      %get3A_3626 = arith.index_cast %get3A_3625 : i32 to index
      %get3A_3627 = arith.constant 48 : index
      %get3A_3628 = tpu.vector_load %arg7[%get3A_3626, %get3A_3627] {strides = array<i32>} : memref<100x64xf32, #tpu.memory_space<vmem>>, vector<1x16xf32>,
      %get3A_3629 = vector.shape_cast %get3A_3628 : vector<1x16xf32> to vector<16xf32>
      %max3A_3630 = arith.maximumf %max3A_3624, %get3A_3629 : vector<16xf32>
      %get3A_3631 = arith.constant 28 : i32
      %get3A_3632 = arith.index_cast %get3A_3631 : i32 to index
      %get3A_3633 = arith.constant 48 : index
      %get3A_3634 = tpu.vector_load %arg7[%get3A_3632, %get3A_3633] {strides = array<i32>} : memref<100x64xf32, #tpu.memory_space<vmem>>, vector<1x16xf32>,
      %get3A_3635 = vector.shape_cast %get3A_3634 : vector<1x16xf32> to vector<16xf32>
      %max3A_3636 = arith.maximumf %max3A_3630, %get3A_3635 : vector<16xf32>
      %get3A_3637 = arith.constant 29 : i32
      %get3A_3638 = arith.index_cast %get3A_3637 : i32 to index
      %get3A_3639 = arith.constant 48 : index
      %get3A_3640 = tpu.vector_load %arg7[%get3A_3638, %get3A_3639] {strides = array<i32>} : memref<100x64xf32, #tpu.memory_space<vmem>>, vector<1x16xf32>,
      %get3A_3641 = vector.shape_cast %get3A_3640 : vector<1x16xf32> to vector<16xf32>
      %max3A_3642 = arith.maximumf %max3A_3636, %get3A_3641 : vector<16xf32>
      %get3A_3643 = arith.constant 30 : i32
      %get3A_3644 = arith.index_cast %get3A_3643 : i32 to index
      %get3A_3645 = arith.constant 48 : index
      %get3A_3646 = tpu.vector_load %arg7[%get3A_3644, %get3A_3645] {strides = array<i32>} : memref<100x64xf32, #tpu.memory_space<vmem>>, vector<1x16xf32>,
      %get3A_3647 = vector.shape_cast %get3A_3646 : vector<1x16xf32> to vector<16xf32>
      %max3A_3648 = arith.maximumf %max3A_3642, %get3A_3647 : vector<16xf32>
      %get3A_3649 = arith.constant 31 : i32
      %get3A_3650 = arith.index_cast %get3A_3649 : i32 to index
      %get3A_3651 = arith.constant 48 : index
      %get3A_3652 = tpu.vector_load %arg7[%get3A_3650, %get3A_3651] {strides = array<i32>} : memref<100x64xf32, #tpu.memory_space<vmem>>, vector<1x16xf32>,
      %get3A_3653 = vector.shape_cast %get3A_3652 : vector<1x16xf32> to vector<16xf32>
      %max3A_3654 = arith.maximumf %max3A_3648, %get3A_3653 : vector<16xf32>
      %get3A_3655 = arith.constant 32 : i32
      %get3A_3656 = arith.index_cast %get3A_3655 : i32 to index
      %get3A_3657 = arith.constant 48 : index
      %get3A_3658 = tpu.vector_load %arg7[%get3A_3656, %get3A_3657] {strides = array<i32>} : memref<100x64xf32, #tpu.memory_space<vmem>>, vector<1x16xf32>,
      %get3A_3659 = vector.shape_cast %get3A_3658 : vector<1x16xf32> to vector<16xf32>
      %max3A_3660 = arith.maximumf %max3A_3654, %get3A_3659 : vector<16xf32>
      %get3A_3661 = arith.constant 33 : i32
      %get3A_3662 = arith.index_cast %get3A_3661 : i32 to index
      %get3A_3663 = arith.constant 48 : index
      %get3A_3664 = tpu.vector_load %arg7[%get3A_3662, %get3A_3663] {strides = array<i32>} : memref<100x64xf32, #tpu.memory_space<vmem>>, vector<1x16xf32>,
      %get3A_3665 = vector.shape_cast %get3A_3664 : vector<1x16xf32> to vector<16xf32>
      %max3A_3666 = arith.maximumf %max3A_3660, %get3A_3665 : vector<16xf32>
      %get3A_3667 = arith.constant 34 : i32
      %get3A_3668 = arith.index_cast %get3A_3667 : i32 to index
      %get3A_3669 = arith.constant 48 : index
      %get3A_3670 = tpu.vector_load %arg7[%get3A_3668, %get3A_3669] {strides = array<i32>} : memref<100x64xf32, #tpu.memory_space<vmem>>, vector<1x16xf32>,
      %get3A_3671 = vector.shape_cast %get3A_3670 : vector<1x16xf32> to vector<16xf32>
      %max3A_3672 = arith.maximumf %max3A_3666, %get3A_3671 : vector<16xf32>
      %get3A_3673 = arith.constant 35 : i32
      %get3A_3674 = arith.index_cast %get3A_3673 : i32 to index
      %get3A_3675 = arith.constant 48 : index
      %get3A_3676 = tpu.vector_load %arg7[%get3A_3674, %get3A_3675] {strides = array<i32>} : memref<100x64xf32, #tpu.memory_space<vmem>>, vector<1x16xf32>,
      %get3A_3677 = vector.shape_cast %get3A_3676 : vector<1x16xf32> to vector<16xf32>
      %max3A_3678 = arith.maximumf %max3A_3672, %get3A_3677 : vector<16xf32>
      %get3A_3679 = arith.constant 36 : i32
      %get3A_3680 = arith.index_cast %get3A_3679 : i32 to index
      %get3A_3681 = arith.constant 48 : index
      %get3A_3682 = tpu.vector_load %arg7[%get3A_3680, %get3A_3681] {strides = array<i32>} : memref<100x64xf32, #tpu.memory_space<vmem>>, vector<1x16xf32>,
      %get3A_3683 = vector.shape_cast %get3A_3682 : vector<1x16xf32> to vector<16xf32>
      %max3A_3684 = arith.maximumf %max3A_3678, %get3A_3683 : vector<16xf32>
      %get3A_3685 = arith.constant 37 : i32
      %get3A_3686 = arith.index_cast %get3A_3685 : i32 to index
      %get3A_3687 = arith.constant 48 : index
      %get3A_3688 = tpu.vector_load %arg7[%get3A_3686, %get3A_3687] {strides = array<i32>} : memref<100x64xf32, #tpu.memory_space<vmem>>, vector<1x16xf32>,
      %get3A_3689 = vector.shape_cast %get3A_3688 : vector<1x16xf32> to vector<16xf32>
      %max3A_3690 = arith.maximumf %max3A_3684, %get3A_3689 : vector<16xf32>
      %get3A_3691 = arith.constant 38 : i32
      %get3A_3692 = arith.index_cast %get3A_3691 : i32 to index
      %get3A_3693 = arith.constant 48 : index
      %get3A_3694 = tpu.vector_load %arg7[%get3A_3692, %get3A_3693] {strides = array<i32>} : memref<100x64xf32, #tpu.memory_space<vmem>>, vector<1x16xf32>,
      %get3A_3695 = vector.shape_cast %get3A_3694 : vector<1x16xf32> to vector<16xf32>
      %max3A_3696 = arith.maximumf %max3A_3690, %get3A_3695 : vector<16xf32>
      %get3A_3697 = arith.constant 39 : i32
      %get3A_3698 = arith.index_cast %get3A_3697 : i32 to index
      %get3A_3699 = arith.constant 48 : index
      %get3A_3700 = tpu.vector_load %arg7[%get3A_3698, %get3A_3699] {strides = array<i32>} : memref<100x64xf32, #tpu.memory_space<vmem>>, vector<1x16xf32>,
      %get3A_3701 = vector.shape_cast %get3A_3700 : vector<1x16xf32> to vector<16xf32>
      %max3A_3702 = arith.maximumf %max3A_3696, %get3A_3701 : vector<16xf32>
      %get3A_3703 = arith.constant 40 : i32
      %get3A_3704 = arith.index_cast %get3A_3703 : i32 to index
      %get3A_3705 = arith.constant 48 : index
      %get3A_3706 = tpu.vector_load %arg7[%get3A_3704, %get3A_3705] {strides = array<i32>} : memref<100x64xf32, #tpu.memory_space<vmem>>, vector<1x16xf32>,
      %get3A_3707 = vector.shape_cast %get3A_3706 : vector<1x16xf32> to vector<16xf32>
      %max3A_3708 = arith.maximumf %max3A_3702, %get3A_3707 : vector<16xf32>
      %get3A_3709 = arith.constant 41 : i32
      %get3A_3710 = arith.index_cast %get3A_3709 : i32 to index
      %get3A_3711 = arith.constant 48 : index
      %get3A_3712 = tpu.vector_load %arg7[%get3A_3710, %get3A_3711] {strides = array<i32>} : memref<100x64xf32, #tpu.memory_space<vmem>>, vector<1x16xf32>,
      %get3A_3713 = vector.shape_cast %get3A_3712 : vector<1x16xf32> to vector<16xf32>
      %max3A_3714 = arith.maximumf %max3A_3708, %get3A_3713 : vector<16xf32>
      %get3A_3715 = arith.constant 42 : i32
      %get3A_3716 = arith.index_cast %get3A_3715 : i32 to index
      %get3A_3717 = arith.constant 48 : index
      %get3A_3718 = tpu.vector_load %arg7[%get3A_3716, %get3A_3717] {strides = array<i32>} : memref<100x64xf32, #tpu.memory_space<vmem>>, vector<1x16xf32>,
      %get3A_3719 = vector.shape_cast %get3A_3718 : vector<1x16xf32> to vector<16xf32>
      %max3A_3720 = arith.maximumf %max3A_3714, %get3A_3719 : vector<16xf32>
      %get3A_3721 = arith.constant 43 : i32
      %get3A_3722 = arith.index_cast %get3A_3721 : i32 to index
      %get3A_3723 = arith.constant 48 : index
      %get3A_3724 = tpu.vector_load %arg7[%get3A_3722, %get3A_3723] {strides = array<i32>} : memref<100x64xf32, #tpu.memory_space<vmem>>, vector<1x16xf32>,
      %get3A_3725 = vector.shape_cast %get3A_3724 : vector<1x16xf32> to vector<16xf32>
      %max3A_3726 = arith.maximumf %max3A_3720, %get3A_3725 : vector<16xf32>
      %get3A_3727 = arith.constant 44 : i32
      %get3A_3728 = arith.index_cast %get3A_3727 : i32 to index
      %get3A_3729 = arith.constant 48 : index
      %get3A_3730 = tpu.vector_load %arg7[%get3A_3728, %get3A_3729] {strides = array<i32>} : memref<100x64xf32, #tpu.memory_space<vmem>>, vector<1x16xf32>,
      %get3A_3731 = vector.shape_cast %get3A_3730 : vector<1x16xf32> to vector<16xf32>
      %max3A_3732 = arith.maximumf %max3A_3726, %get3A_3731 : vector<16xf32>
      %get3A_3733 = arith.constant 45 : i32
      %get3A_3734 = arith.index_cast %get3A_3733 : i32 to index
      %get3A_3735 = arith.constant 48 : index
      %get3A_3736 = tpu.vector_load %arg7[%get3A_3734, %get3A_3735] {strides = array<i32>} : memref<100x64xf32, #tpu.memory_space<vmem>>, vector<1x16xf32>,
      %get3A_3737 = vector.shape_cast %get3A_3736 : vector<1x16xf32> to vector<16xf32>
      %max3A_3738 = arith.maximumf %max3A_3732, %get3A_3737 : vector<16xf32>
      %get3A_3739 = arith.constant 46 : i32
      %get3A_3740 = arith.index_cast %get3A_3739 : i32 to index
      %get3A_3741 = arith.constant 48 : index
      %get3A_3742 = tpu.vector_load %arg7[%get3A_3740, %get3A_3741] {strides = array<i32>} : memref<100x64xf32, #tpu.memory_space<vmem>>, vector<1x16xf32>,
      %get3A_3743 = vector.shape_cast %get3A_3742 : vector<1x16xf32> to vector<16xf32>
      %max3A_3744 = arith.maximumf %max3A_3738, %get3A_3743 : vector<16xf32>
      %get3A_3745 = arith.constant 47 : i32
      %get3A_3746 = arith.index_cast %get3A_3745 : i32 to index
      %get3A_3747 = arith.constant 48 : index
      %get3A_3748 = tpu.vector_load %arg7[%get3A_3746, %get3A_3747] {strides = array<i32>} : memref<100x64xf32, #tpu.memory_space<vmem>>, vector<1x16xf32>,
      %get3A_3749 = vector.shape_cast %get3A_3748 : vector<1x16xf32> to vector<16xf32>
      %max3A_3750 = arith.maximumf %max3A_3744, %get3A_3749 : vector<16xf32>
      %get3A_3751 = arith.constant 48 : i32
      %get3A_3752 = arith.index_cast %get3A_3751 : i32 to index
      %get3A_3753 = arith.constant 48 : index
      %get3A_3754 = tpu.vector_load %arg7[%get3A_3752, %get3A_3753] {strides = array<i32>} : memref<100x64xf32, #tpu.memory_space<vmem>>, vector<1x16xf32>,
      %get3A_3755 = vector.shape_cast %get3A_3754 : vector<1x16xf32> to vector<16xf32>
      %max3A_3756 = arith.maximumf %max3A_3750, %get3A_3755 : vector<16xf32>
      %get3A_3757 = arith.constant 49 : i32
      %get3A_3758 = arith.index_cast %get3A_3757 : i32 to index
      %get3A_3759 = arith.constant 48 : index
      %get3A_3760 = tpu.vector_load %arg7[%get3A_3758, %get3A_3759] {strides = array<i32>} : memref<100x64xf32, #tpu.memory_space<vmem>>, vector<1x16xf32>,
      %get3A_3761 = vector.shape_cast %get3A_3760 : vector<1x16xf32> to vector<16xf32>
      %max3A_3762 = arith.maximumf %max3A_3756, %get3A_3761 : vector<16xf32>
      %mul3A_3763 = arith.constant 2 : i32
      %mul3A_3764 = arith.muli %add3A_2521, %mul3A_3763 : i32
      %add3A_3765 = arith.constant 0 : i32
      %add3A_3766 = arith.addi %mul3A_3764, %add3A_3765 : i32
      %swap3A_3767 = arith.index_cast %add3A_3766 : i32 to index
      %swap3A_3768 = arith.constant 48 : index
      %swap3A_3769 = tpu.vector_load %arg8[%swap3A_3767, %swap3A_3768] {strides = array<i32>} : memref<512x64xf32, #tpu.memory_space<vmem>>, vector<1x16xf32>,
      %swap3A_3770 = vector.shape_cast %swap3A_3769 : vector<1x16xf32> to vector<16xf32>
      %swap3A_3771 = vector.shape_cast %max3A_3762 : vector<16xf32> to vector<1x16xf32>
      tpu.vector_store %arg8[%swap3A_3767, %swap3A_3768], %swap3A_3771 {strides = array<i32>} : memref<512x64xf32, #tpu.memory_space<vmem>>, vector<1x16xf32>,
      %broadcast_in_dim3A_3772 = arith.constant 0.000000e+00 : f32
      %broadcast_in_dim3A_3773 = vector.broadcast %broadcast_in_dim3A_3772 : f32 to vector<16xf32>
      %get3A_3774 = arith.constant 50 : i32
      %get3A_3775 = arith.index_cast %get3A_3774 : i32 to index
      %get3A_3776 = arith.constant 0 : index
      %get3A_3777 = tpu.vector_load %arg7[%get3A_3775, %get3A_3776] {strides = array<i32>} : memref<100x64xf32, #tpu.memory_space<vmem>>, vector<1x16xf32>,
      %get3A_3778 = vector.shape_cast %get3A_3777 : vector<1x16xf32> to vector<16xf32>
      %max3A_3779 = arith.maximumf %broadcast_in_dim3A_3773, %get3A_3778 : vector<16xf32>
      %get3A_3780 = arith.constant 51 : i32
      %get3A_3781 = arith.index_cast %get3A_3780 : i32 to index
      %get3A_3782 = arith.constant 0 : index
      %get3A_3783 = tpu.vector_load %arg7[%get3A_3781, %get3A_3782] {strides = array<i32>} : memref<100x64xf32, #tpu.memory_space<vmem>>, vector<1x16xf32>,
      %get3A_3784 = vector.shape_cast %get3A_3783 : vector<1x16xf32> to vector<16xf32>
      %max3A_3785 = arith.maximumf %max3A_3779, %get3A_3784 : vector<16xf32>
      %get3A_3786 = arith.constant 52 : i32
      %get3A_3787 = arith.index_cast %get3A_3786 : i32 to index
      %get3A_3788 = arith.constant 0 : index
      %get3A_3789 = tpu.vector_load %arg7[%get3A_3787, %get3A_3788] {strides = array<i32>} : memref<100x64xf32, #tpu.memory_space<vmem>>, vector<1x16xf32>,
      %get3A_3790 = vector.shape_cast %get3A_3789 : vector<1x16xf32> to vector<16xf32>
      %max3A_3791 = arith.maximumf %max3A_3785, %get3A_3790 : vector<16xf32>
      %get3A_3792 = arith.constant 53 : i32
      %get3A_3793 = arith.index_cast %get3A_3792 : i32 to index
      %get3A_3794 = arith.constant 0 : index
      %get3A_3795 = tpu.vector_load %arg7[%get3A_3793, %get3A_3794] {strides = array<i32>} : memref<100x64xf32, #tpu.memory_space<vmem>>, vector<1x16xf32>,
      %get3A_3796 = vector.shape_cast %get3A_3795 : vector<1x16xf32> to vector<16xf32>
      %max3A_3797 = arith.maximumf %max3A_3791, %get3A_3796 : vector<16xf32>
      %get3A_3798 = arith.constant 54 : i32
      %get3A_3799 = arith.index_cast %get3A_3798 : i32 to index
      %get3A_3800 = arith.constant 0 : index
      %get3A_3801 = tpu.vector_load %arg7[%get3A_3799, %get3A_3800] {strides = array<i32>} : memref<100x64xf32, #tpu.memory_space<vmem>>, vector<1x16xf32>,
      %get3A_3802 = vector.shape_cast %get3A_3801 : vector<1x16xf32> to vector<16xf32>
      %max3A_3803 = arith.maximumf %max3A_3797, %get3A_3802 : vector<16xf32>
      %get3A_3804 = arith.constant 55 : i32
      %get3A_3805 = arith.index_cast %get3A_3804 : i32 to index
      %get3A_3806 = arith.constant 0 : index
      %get3A_3807 = tpu.vector_load %arg7[%get3A_3805, %get3A_3806] {strides = array<i32>} : memref<100x64xf32, #tpu.memory_space<vmem>>, vector<1x16xf32>,
      %get3A_3808 = vector.shape_cast %get3A_3807 : vector<1x16xf32> to vector<16xf32>
      %max3A_3809 = arith.maximumf %max3A_3803, %get3A_3808 : vector<16xf32>
      %get3A_3810 = arith.constant 56 : i32
      %get3A_3811 = arith.index_cast %get3A_3810 : i32 to index
      %get3A_3812 = arith.constant 0 : index
      %get3A_3813 = tpu.vector_load %arg7[%get3A_3811, %get3A_3812] {strides = array<i32>} : memref<100x64xf32, #tpu.memory_space<vmem>>, vector<1x16xf32>,
      %get3A_3814 = vector.shape_cast %get3A_3813 : vector<1x16xf32> to vector<16xf32>
      %max3A_3815 = arith.maximumf %max3A_3809, %get3A_3814 : vector<16xf32>
      %get3A_3816 = arith.constant 57 : i32
      %get3A_3817 = arith.index_cast %get3A_3816 : i32 to index
      %get3A_3818 = arith.constant 0 : index
      %get3A_3819 = tpu.vector_load %arg7[%get3A_3817, %get3A_3818] {strides = array<i32>} : memref<100x64xf32, #tpu.memory_space<vmem>>, vector<1x16xf32>,
      %get3A_3820 = vector.shape_cast %get3A_3819 : vector<1x16xf32> to vector<16xf32>
      %max3A_3821 = arith.maximumf %max3A_3815, %get3A_3820 : vector<16xf32>
      %get3A_3822 = arith.constant 58 : i32
      %get3A_3823 = arith.index_cast %get3A_3822 : i32 to index
      %get3A_3824 = arith.constant 0 : index
      %get3A_3825 = tpu.vector_load %arg7[%get3A_3823, %get3A_3824] {strides = array<i32>} : memref<100x64xf32, #tpu.memory_space<vmem>>, vector<1x16xf32>,
      %get3A_3826 = vector.shape_cast %get3A_3825 : vector<1x16xf32> to vector<16xf32>
      %max3A_3827 = arith.maximumf %max3A_3821, %get3A_3826 : vector<16xf32>
      %get3A_3828 = arith.constant 59 : i32
      %get3A_3829 = arith.index_cast %get3A_3828 : i32 to index
      %get3A_3830 = arith.constant 0 : index
      %get3A_3831 = tpu.vector_load %arg7[%get3A_3829, %get3A_3830] {strides = array<i32>} : memref<100x64xf32, #tpu.memory_space<vmem>>, vector<1x16xf32>,
      %get3A_3832 = vector.shape_cast %get3A_3831 : vector<1x16xf32> to vector<16xf32>
      %max3A_3833 = arith.maximumf %max3A_3827, %get3A_3832 : vector<16xf32>
      %get3A_3834 = arith.constant 60 : i32
      %get3A_3835 = arith.index_cast %get3A_3834 : i32 to index
      %get3A_3836 = arith.constant 0 : index
      %get3A_3837 = tpu.vector_load %arg7[%get3A_3835, %get3A_3836] {strides = array<i32>} : memref<100x64xf32, #tpu.memory_space<vmem>>, vector<1x16xf32>,
      %get3A_3838 = vector.shape_cast %get3A_3837 : vector<1x16xf32> to vector<16xf32>
      %max3A_3839 = arith.maximumf %max3A_3833, %get3A_3838 : vector<16xf32>
      %get3A_3840 = arith.constant 61 : i32
      %get3A_3841 = arith.index_cast %get3A_3840 : i32 to index
      %get3A_3842 = arith.constant 0 : index
      %get3A_3843 = tpu.vector_load %arg7[%get3A_3841, %get3A_3842] {strides = array<i32>} : memref<100x64xf32, #tpu.memory_space<vmem>>, vector<1x16xf32>,
      %get3A_3844 = vector.shape_cast %get3A_3843 : vector<1x16xf32> to vector<16xf32>
      %max3A_3845 = arith.maximumf %max3A_3839, %get3A_3844 : vector<16xf32>
      %get3A_3846 = arith.constant 62 : i32
      %get3A_3847 = arith.index_cast %get3A_3846 : i32 to index
      %get3A_3848 = arith.constant 0 : index
      %get3A_3849 = tpu.vector_load %arg7[%get3A_3847, %get3A_3848] {strides = array<i32>} : memref<100x64xf32, #tpu.memory_space<vmem>>, vector<1x16xf32>,
      %get3A_3850 = vector.shape_cast %get3A_3849 : vector<1x16xf32> to vector<16xf32>
      %max3A_3851 = arith.maximumf %max3A_3845, %get3A_3850 : vector<16xf32>
      %get3A_3852 = arith.constant 63 : i32
      %get3A_3853 = arith.index_cast %get3A_3852 : i32 to index
      %get3A_3854 = arith.constant 0 : index
      %get3A_3855 = tpu.vector_load %arg7[%get3A_3853, %get3A_3854] {strides = array<i32>} : memref<100x64xf32, #tpu.memory_space<vmem>>, vector<1x16xf32>,
      %get3A_3856 = vector.shape_cast %get3A_3855 : vector<1x16xf32> to vector<16xf32>
      %max3A_3857 = arith.maximumf %max3A_3851, %get3A_3856 : vector<16xf32>
      %get3A_3858 = arith.constant 64 : i32
      %get3A_3859 = arith.index_cast %get3A_3858 : i32 to index
      %get3A_3860 = arith.constant 0 : index
      %get3A_3861 = tpu.vector_load %arg7[%get3A_3859, %get3A_3860] {strides = array<i32>} : memref<100x64xf32, #tpu.memory_space<vmem>>, vector<1x16xf32>,
      %get3A_3862 = vector.shape_cast %get3A_3861 : vector<1x16xf32> to vector<16xf32>
      %max3A_3863 = arith.maximumf %max3A_3857, %get3A_3862 : vector<16xf32>
      %get3A_3864 = arith.constant 65 : i32
      %get3A_3865 = arith.index_cast %get3A_3864 : i32 to index
      %get3A_3866 = arith.constant 0 : index
      %get3A_3867 = tpu.vector_load %arg7[%get3A_3865, %get3A_3866] {strides = array<i32>} : memref<100x64xf32, #tpu.memory_space<vmem>>, vector<1x16xf32>,
      %get3A_3868 = vector.shape_cast %get3A_3867 : vector<1x16xf32> to vector<16xf32>
      %max3A_3869 = arith.maximumf %max3A_3863, %get3A_3868 : vector<16xf32>
      %get3A_3870 = arith.constant 66 : i32
      %get3A_3871 = arith.index_cast %get3A_3870 : i32 to index
      %get3A_3872 = arith.constant 0 : index
      %get3A_3873 = tpu.vector_load %arg7[%get3A_3871, %get3A_3872] {strides = array<i32>} : memref<100x64xf32, #tpu.memory_space<vmem>>, vector<1x16xf32>,
      %get3A_3874 = vector.shape_cast %get3A_3873 : vector<1x16xf32> to vector<16xf32>
      %max3A_3875 = arith.maximumf %max3A_3869, %get3A_3874 : vector<16xf32>
      %get3A_3876 = arith.constant 67 : i32
      %get3A_3877 = arith.index_cast %get3A_3876 : i32 to index
      %get3A_3878 = arith.constant 0 : index
      %get3A_3879 = tpu.vector_load %arg7[%get3A_3877, %get3A_3878] {strides = array<i32>} : memref<100x64xf32, #tpu.memory_space<vmem>>, vector<1x16xf32>,
      %get3A_3880 = vector.shape_cast %get3A_3879 : vector<1x16xf32> to vector<16xf32>
      %max3A_3881 = arith.maximumf %max3A_3875, %get3A_3880 : vector<16xf32>
      %get3A_3882 = arith.constant 68 : i32
      %get3A_3883 = arith.index_cast %get3A_3882 : i32 to index
      %get3A_3884 = arith.constant 0 : index
      %get3A_3885 = tpu.vector_load %arg7[%get3A_3883, %get3A_3884] {strides = array<i32>} : memref<100x64xf32, #tpu.memory_space<vmem>>, vector<1x16xf32>,
      %get3A_3886 = vector.shape_cast %get3A_3885 : vector<1x16xf32> to vector<16xf32>
      %max3A_3887 = arith.maximumf %max3A_3881, %get3A_3886 : vector<16xf32>
      %get3A_3888 = arith.constant 69 : i32
      %get3A_3889 = arith.index_cast %get3A_3888 : i32 to index
      %get3A_3890 = arith.constant 0 : index
      %get3A_3891 = tpu.vector_load %arg7[%get3A_3889, %get3A_3890] {strides = array<i32>} : memref<100x64xf32, #tpu.memory_space<vmem>>, vector<1x16xf32>,
      %get3A_3892 = vector.shape_cast %get3A_3891 : vector<1x16xf32> to vector<16xf32>
      %max3A_3893 = arith.maximumf %max3A_3887, %get3A_3892 : vector<16xf32>
      %get3A_3894 = arith.constant 70 : i32
      %get3A_3895 = arith.index_cast %get3A_3894 : i32 to index
      %get3A_3896 = arith.constant 0 : index
      %get3A_3897 = tpu.vector_load %arg7[%get3A_3895, %get3A_3896] {strides = array<i32>} : memref<100x64xf32, #tpu.memory_space<vmem>>, vector<1x16xf32>,
      %get3A_3898 = vector.shape_cast %get3A_3897 : vector<1x16xf32> to vector<16xf32>
      %max3A_3899 = arith.maximumf %max3A_3893, %get3A_3898 : vector<16xf32>
      %get3A_3900 = arith.constant 71 : i32
      %get3A_3901 = arith.index_cast %get3A_3900 : i32 to index
      %get3A_3902 = arith.constant 0 : index
      %get3A_3903 = tpu.vector_load %arg7[%get3A_3901, %get3A_3902] {strides = array<i32>} : memref<100x64xf32, #tpu.memory_space<vmem>>, vector<1x16xf32>,
      %get3A_3904 = vector.shape_cast %get3A_3903 : vector<1x16xf32> to vector<16xf32>
      %max3A_3905 = arith.maximumf %max3A_3899, %get3A_3904 : vector<16xf32>
      %get3A_3906 = arith.constant 72 : i32
      %get3A_3907 = arith.index_cast %get3A_3906 : i32 to index
      %get3A_3908 = arith.constant 0 : index
      %get3A_3909 = tpu.vector_load %arg7[%get3A_3907, %get3A_3908] {strides = array<i32>} : memref<100x64xf32, #tpu.memory_space<vmem>>, vector<1x16xf32>,
      %get3A_3910 = vector.shape_cast %get3A_3909 : vector<1x16xf32> to vector<16xf32>
      %max3A_3911 = arith.maximumf %max3A_3905, %get3A_3910 : vector<16xf32>
      %get3A_3912 = arith.constant 73 : i32
      %get3A_3913 = arith.index_cast %get3A_3912 : i32 to index
      %get3A_3914 = arith.constant 0 : index
      %get3A_3915 = tpu.vector_load %arg7[%get3A_3913, %get3A_3914] {strides = array<i32>} : memref<100x64xf32, #tpu.memory_space<vmem>>, vector<1x16xf32>,
      %get3A_3916 = vector.shape_cast %get3A_3915 : vector<1x16xf32> to vector<16xf32>
      %max3A_3917 = arith.maximumf %max3A_3911, %get3A_3916 : vector<16xf32>
      %get3A_3918 = arith.constant 74 : i32
      %get3A_3919 = arith.index_cast %get3A_3918 : i32 to index
      %get3A_3920 = arith.constant 0 : index
      %get3A_3921 = tpu.vector_load %arg7[%get3A_3919, %get3A_3920] {strides = array<i32>} : memref<100x64xf32, #tpu.memory_space<vmem>>, vector<1x16xf32>,
      %get3A_3922 = vector.shape_cast %get3A_3921 : vector<1x16xf32> to vector<16xf32>
      %max3A_3923 = arith.maximumf %max3A_3917, %get3A_3922 : vector<16xf32>
      %get3A_3924 = arith.constant 75 : i32
      %get3A_3925 = arith.index_cast %get3A_3924 : i32 to index
      %get3A_3926 = arith.constant 0 : index
      %get3A_3927 = tpu.vector_load %arg7[%get3A_3925, %get3A_3926] {strides = array<i32>} : memref<100x64xf32, #tpu.memory_space<vmem>>, vector<1x16xf32>,
      %get3A_3928 = vector.shape_cast %get3A_3927 : vector<1x16xf32> to vector<16xf32>
      %max3A_3929 = arith.maximumf %max3A_3923, %get3A_3928 : vector<16xf32>
      %get3A_3930 = arith.constant 76 : i32
      %get3A_3931 = arith.index_cast %get3A_3930 : i32 to index
      %get3A_3932 = arith.constant 0 : index
      %get3A_3933 = tpu.vector_load %arg7[%get3A_3931, %get3A_3932] {strides = array<i32>} : memref<100x64xf32, #tpu.memory_space<vmem>>, vector<1x16xf32>,
      %get3A_3934 = vector.shape_cast %get3A_3933 : vector<1x16xf32> to vector<16xf32>
      %max3A_3935 = arith.maximumf %max3A_3929, %get3A_3934 : vector<16xf32>
      %get3A_3936 = arith.constant 77 : i32
      %get3A_3937 = arith.index_cast %get3A_3936 : i32 to index
      %get3A_3938 = arith.constant 0 : index
      %get3A_3939 = tpu.vector_load %arg7[%get3A_3937, %get3A_3938] {strides = array<i32>} : memref<100x64xf32, #tpu.memory_space<vmem>>, vector<1x16xf32>,
      %get3A_3940 = vector.shape_cast %get3A_3939 : vector<1x16xf32> to vector<16xf32>
      %max3A_3941 = arith.maximumf %max3A_3935, %get3A_3940 : vector<16xf32>
      %get3A_3942 = arith.constant 78 : i32
      %get3A_3943 = arith.index_cast %get3A_3942 : i32 to index
      %get3A_3944 = arith.constant 0 : index
      %get3A_3945 = tpu.vector_load %arg7[%get3A_3943, %get3A_3944] {strides = array<i32>} : memref<100x64xf32, #tpu.memory_space<vmem>>, vector<1x16xf32>,
      %get3A_3946 = vector.shape_cast %get3A_3945 : vector<1x16xf32> to vector<16xf32>
      %max3A_3947 = arith.maximumf %max3A_3941, %get3A_3946 : vector<16xf32>
      %get3A_3948 = arith.constant 79 : i32
      %get3A_3949 = arith.index_cast %get3A_3948 : i32 to index
      %get3A_3950 = arith.constant 0 : index
      %get3A_3951 = tpu.vector_load %arg7[%get3A_3949, %get3A_3950] {strides = array<i32>} : memref<100x64xf32, #tpu.memory_space<vmem>>, vector<1x16xf32>,
      %get3A_3952 = vector.shape_cast %get3A_3951 : vector<1x16xf32> to vector<16xf32>
      %max3A_3953 = arith.maximumf %max3A_3947, %get3A_3952 : vector<16xf32>
      %get3A_3954 = arith.constant 80 : i32
      %get3A_3955 = arith.index_cast %get3A_3954 : i32 to index
      %get3A_3956 = arith.constant 0 : index
      %get3A_3957 = tpu.vector_load %arg7[%get3A_3955, %get3A_3956] {strides = array<i32>} : memref<100x64xf32, #tpu.memory_space<vmem>>, vector<1x16xf32>,
      %get3A_3958 = vector.shape_cast %get3A_3957 : vector<1x16xf32> to vector<16xf32>
      %max3A_3959 = arith.maximumf %max3A_3953, %get3A_3958 : vector<16xf32>
      %get3A_3960 = arith.constant 81 : i32
      %get3A_3961 = arith.index_cast %get3A_3960 : i32 to index
      %get3A_3962 = arith.constant 0 : index
      %get3A_3963 = tpu.vector_load %arg7[%get3A_3961, %get3A_3962] {strides = array<i32>} : memref<100x64xf32, #tpu.memory_space<vmem>>, vector<1x16xf32>,
      %get3A_3964 = vector.shape_cast %get3A_3963 : vector<1x16xf32> to vector<16xf32>
      %max3A_3965 = arith.maximumf %max3A_3959, %get3A_3964 : vector<16xf32>
      %get3A_3966 = arith.constant 82 : i32
      %get3A_3967 = arith.index_cast %get3A_3966 : i32 to index
      %get3A_3968 = arith.constant 0 : index
      %get3A_3969 = tpu.vector_load %arg7[%get3A_3967, %get3A_3968] {strides = array<i32>} : memref<100x64xf32, #tpu.memory_space<vmem>>, vector<1x16xf32>,
      %get3A_3970 = vector.shape_cast %get3A_3969 : vector<1x16xf32> to vector<16xf32>
      %max3A_3971 = arith.maximumf %max3A_3965, %get3A_3970 : vector<16xf32>
      %get3A_3972 = arith.constant 83 : i32
      %get3A_3973 = arith.index_cast %get3A_3972 : i32 to index
      %get3A_3974 = arith.constant 0 : index
      %get3A_3975 = tpu.vector_load %arg7[%get3A_3973, %get3A_3974] {strides = array<i32>} : memref<100x64xf32, #tpu.memory_space<vmem>>, vector<1x16xf32>,
      %get3A_3976 = vector.shape_cast %get3A_3975 : vector<1x16xf32> to vector<16xf32>
      %max3A_3977 = arith.maximumf %max3A_3971, %get3A_3976 : vector<16xf32>
      %get3A_3978 = arith.constant 84 : i32
      %get3A_3979 = arith.index_cast %get3A_3978 : i32 to index
      %get3A_3980 = arith.constant 0 : index
      %get3A_3981 = tpu.vector_load %arg7[%get3A_3979, %get3A_3980] {strides = array<i32>} : memref<100x64xf32, #tpu.memory_space<vmem>>, vector<1x16xf32>,
      %get3A_3982 = vector.shape_cast %get3A_3981 : vector<1x16xf32> to vector<16xf32>
      %max3A_3983 = arith.maximumf %max3A_3977, %get3A_3982 : vector<16xf32>
      %get3A_3984 = arith.constant 85 : i32
      %get3A_3985 = arith.index_cast %get3A_3984 : i32 to index
      %get3A_3986 = arith.constant 0 : index
      %get3A_3987 = tpu.vector_load %arg7[%get3A_3985, %get3A_3986] {strides = array<i32>} : memref<100x64xf32, #tpu.memory_space<vmem>>, vector<1x16xf32>,
      %get3A_3988 = vector.shape_cast %get3A_3987 : vector<1x16xf32> to vector<16xf32>
      %max3A_3989 = arith.maximumf %max3A_3983, %get3A_3988 : vector<16xf32>
      %get3A_3990 = arith.constant 86 : i32
      %get3A_3991 = arith.index_cast %get3A_3990 : i32 to index
      %get3A_3992 = arith.constant 0 : index
      %get3A_3993 = tpu.vector_load %arg7[%get3A_3991, %get3A_3992] {strides = array<i32>} : memref<100x64xf32, #tpu.memory_space<vmem>>, vector<1x16xf32>,
      %get3A_3994 = vector.shape_cast %get3A_3993 : vector<1x16xf32> to vector<16xf32>
      %max3A_3995 = arith.maximumf %max3A_3989, %get3A_3994 : vector<16xf32>
      %get3A_3996 = arith.constant 87 : i32
      %get3A_3997 = arith.index_cast %get3A_3996 : i32 to index
      %get3A_3998 = arith.constant 0 : index
      %get3A_3999 = tpu.vector_load %arg7[%get3A_3997, %get3A_3998] {strides = array<i32>} : memref<100x64xf32, #tpu.memory_space<vmem>>, vector<1x16xf32>,
      %get3A_4000 = vector.shape_cast %get3A_3999 : vector<1x16xf32> to vector<16xf32>
      %max3A_4001 = arith.maximumf %max3A_3995, %get3A_4000 : vector<16xf32>
      %get3A_4002 = arith.constant 88 : i32
      %get3A_4003 = arith.index_cast %get3A_4002 : i32 to index
      %get3A_4004 = arith.constant 0 : index
      %get3A_4005 = tpu.vector_load %arg7[%get3A_4003, %get3A_4004] {strides = array<i32>} : memref<100x64xf32, #tpu.memory_space<vmem>>, vector<1x16xf32>,
      %get3A_4006 = vector.shape_cast %get3A_4005 : vector<1x16xf32> to vector<16xf32>
      %max3A_4007 = arith.maximumf %max3A_4001, %get3A_4006 : vector<16xf32>
      %get3A_4008 = arith.constant 89 : i32
      %get3A_4009 = arith.index_cast %get3A_4008 : i32 to index
      %get3A_4010 = arith.constant 0 : index
      %get3A_4011 = tpu.vector_load %arg7[%get3A_4009, %get3A_4010] {strides = array<i32>} : memref<100x64xf32, #tpu.memory_space<vmem>>, vector<1x16xf32>,
      %get3A_4012 = vector.shape_cast %get3A_4011 : vector<1x16xf32> to vector<16xf32>
      %max3A_4013 = arith.maximumf %max3A_4007, %get3A_4012 : vector<16xf32>
      %get3A_4014 = arith.constant 90 : i32
      %get3A_4015 = arith.index_cast %get3A_4014 : i32 to index
      %get3A_4016 = arith.constant 0 : index
      %get3A_4017 = tpu.vector_load %arg7[%get3A_4015, %get3A_4016] {strides = array<i32>} : memref<100x64xf32, #tpu.memory_space<vmem>>, vector<1x16xf32>,
      %get3A_4018 = vector.shape_cast %get3A_4017 : vector<1x16xf32> to vector<16xf32>
      %max3A_4019 = arith.maximumf %max3A_4013, %get3A_4018 : vector<16xf32>
      %get3A_4020 = arith.constant 91 : i32
      %get3A_4021 = arith.index_cast %get3A_4020 : i32 to index
      %get3A_4022 = arith.constant 0 : index
      %get3A_4023 = tpu.vector_load %arg7[%get3A_4021, %get3A_4022] {strides = array<i32>} : memref<100x64xf32, #tpu.memory_space<vmem>>, vector<1x16xf32>,
      %get3A_4024 = vector.shape_cast %get3A_4023 : vector<1x16xf32> to vector<16xf32>
      %max3A_4025 = arith.maximumf %max3A_4019, %get3A_4024 : vector<16xf32>
      %get3A_4026 = arith.constant 92 : i32
      %get3A_4027 = arith.index_cast %get3A_4026 : i32 to index
      %get3A_4028 = arith.constant 0 : index
      %get3A_4029 = tpu.vector_load %arg7[%get3A_4027, %get3A_4028] {strides = array<i32>} : memref<100x64xf32, #tpu.memory_space<vmem>>, vector<1x16xf32>,
      %get3A_4030 = vector.shape_cast %get3A_4029 : vector<1x16xf32> to vector<16xf32>
      %max3A_4031 = arith.maximumf %max3A_4025, %get3A_4030 : vector<16xf32>
      %get3A_4032 = arith.constant 93 : i32
      %get3A_4033 = arith.index_cast %get3A_4032 : i32 to index
      %get3A_4034 = arith.constant 0 : index
      %get3A_4035 = tpu.vector_load %arg7[%get3A_4033, %get3A_4034] {strides = array<i32>} : memref<100x64xf32, #tpu.memory_space<vmem>>, vector<1x16xf32>,
      %get3A_4036 = vector.shape_cast %get3A_4035 : vector<1x16xf32> to vector<16xf32>
      %max3A_4037 = arith.maximumf %max3A_4031, %get3A_4036 : vector<16xf32>
      %get3A_4038 = arith.constant 94 : i32
      %get3A_4039 = arith.index_cast %get3A_4038 : i32 to index
      %get3A_4040 = arith.constant 0 : index
      %get3A_4041 = tpu.vector_load %arg7[%get3A_4039, %get3A_4040] {strides = array<i32>} : memref<100x64xf32, #tpu.memory_space<vmem>>, vector<1x16xf32>,
      %get3A_4042 = vector.shape_cast %get3A_4041 : vector<1x16xf32> to vector<16xf32>
      %max3A_4043 = arith.maximumf %max3A_4037, %get3A_4042 : vector<16xf32>
      %get3A_4044 = arith.constant 95 : i32
      %get3A_4045 = arith.index_cast %get3A_4044 : i32 to index
      %get3A_4046 = arith.constant 0 : index
      %get3A_4047 = tpu.vector_load %arg7[%get3A_4045, %get3A_4046] {strides = array<i32>} : memref<100x64xf32, #tpu.memory_space<vmem>>, vector<1x16xf32>,
      %get3A_4048 = vector.shape_cast %get3A_4047 : vector<1x16xf32> to vector<16xf32>
      %max3A_4049 = arith.maximumf %max3A_4043, %get3A_4048 : vector<16xf32>
      %get3A_4050 = arith.constant 96 : i32
      %get3A_4051 = arith.index_cast %get3A_4050 : i32 to index
      %get3A_4052 = arith.constant 0 : index
      %get3A_4053 = tpu.vector_load %arg7[%get3A_4051, %get3A_4052] {strides = array<i32>} : memref<100x64xf32, #tpu.memory_space<vmem>>, vector<1x16xf32>,
      %get3A_4054 = vector.shape_cast %get3A_4053 : vector<1x16xf32> to vector<16xf32>
      %max3A_4055 = arith.maximumf %max3A_4049, %get3A_4054 : vector<16xf32>
      %get3A_4056 = arith.constant 97 : i32
      %get3A_4057 = arith.index_cast %get3A_4056 : i32 to index
      %get3A_4058 = arith.constant 0 : index
      %get3A_4059 = tpu.vector_load %arg7[%get3A_4057, %get3A_4058] {strides = array<i32>} : memref<100x64xf32, #tpu.memory_space<vmem>>, vector<1x16xf32>,
      %get3A_4060 = vector.shape_cast %get3A_4059 : vector<1x16xf32> to vector<16xf32>
      %max3A_4061 = arith.maximumf %max3A_4055, %get3A_4060 : vector<16xf32>
      %get3A_4062 = arith.constant 98 : i32
      %get3A_4063 = arith.index_cast %get3A_4062 : i32 to index
      %get3A_4064 = arith.constant 0 : index
      %get3A_4065 = tpu.vector_load %arg7[%get3A_4063, %get3A_4064] {strides = array<i32>} : memref<100x64xf32, #tpu.memory_space<vmem>>, vector<1x16xf32>,
      %get3A_4066 = vector.shape_cast %get3A_4065 : vector<1x16xf32> to vector<16xf32>
      %max3A_4067 = arith.maximumf %max3A_4061, %get3A_4066 : vector<16xf32>
      %get3A_4068 = arith.constant 99 : i32
      %get3A_4069 = arith.index_cast %get3A_4068 : i32 to index
      %get3A_4070 = arith.constant 0 : index
      %get3A_4071 = tpu.vector_load %arg7[%get3A_4069, %get3A_4070] {strides = array<i32>} : memref<100x64xf32, #tpu.memory_space<vmem>>, vector<1x16xf32>,
      %get3A_4072 = vector.shape_cast %get3A_4071 : vector<1x16xf32> to vector<16xf32>
      %max3A_4073 = arith.maximumf %max3A_4067, %get3A_4072 : vector<16xf32>
      %mul3A_4074 = arith.constant 2 : i32
      %mul3A_4075 = arith.muli %add3A_2521, %mul3A_4074 : i32
      %add3A_4076 = arith.constant 1 : i32
      %add3A_4077 = arith.addi %mul3A_4075, %add3A_4076 : i32
      %swap3A_4078 = arith.index_cast %add3A_4077 : i32 to index
      %swap3A_4079 = arith.constant 0 : index
      %swap3A_4080 = tpu.vector_load %arg8[%swap3A_4078, %swap3A_4079] {strides = array<i32>} : memref<512x64xf32, #tpu.memory_space<vmem>>, vector<1x16xf32>,
      %swap3A_4081 = vector.shape_cast %swap3A_4080 : vector<1x16xf32> to vector<16xf32>
      %swap3A_4082 = vector.shape_cast %max3A_4073 : vector<16xf32> to vector<1x16xf32>
      tpu.vector_store %arg8[%swap3A_4078, %swap3A_4079], %swap3A_4082 {strides = array<i32>} : memref<512x64xf32, #tpu.memory_space<vmem>>, vector<1x16xf32>,
      %broadcast_in_dim3A_4083 = arith.constant 0.000000e+00 : f32
      %broadcast_in_dim3A_4084 = vector.broadcast %broadcast_in_dim3A_4083 : f32 to vector<16xf32>
      %get3A_4085 = arith.constant 50 : i32
      %get3A_4086 = arith.index_cast %get3A_4085 : i32 to index
      %get3A_4087 = arith.constant 16 : index
      %get3A_4088 = tpu.vector_load %arg7[%get3A_4086, %get3A_4087] {strides = array<i32>} : memref<100x64xf32, #tpu.memory_space<vmem>>, vector<1x16xf32>,
      %get3A_4089 = vector.shape_cast %get3A_4088 : vector<1x16xf32> to vector<16xf32>
      %max3A_4090 = arith.maximumf %broadcast_in_dim3A_4084, %get3A_4089 : vector<16xf32>
      %get3A_4091 = arith.constant 51 : i32
      %get3A_4092 = arith.index_cast %get3A_4091 : i32 to index
      %get3A_4093 = arith.constant 16 : index
      %get3A_4094 = tpu.vector_load %arg7[%get3A_4092, %get3A_4093] {strides = array<i32>} : memref<100x64xf32, #tpu.memory_space<vmem>>, vector<1x16xf32>,
      %get3A_4095 = vector.shape_cast %get3A_4094 : vector<1x16xf32> to vector<16xf32>
      %max3A_4096 = arith.maximumf %max3A_4090, %get3A_4095 : vector<16xf32>
      %get3A_4097 = arith.constant 52 : i32
      %get3A_4098 = arith.index_cast %get3A_4097 : i32 to index
      %get3A_4099 = arith.constant 16 : index
      %get3A_4100 = tpu.vector_load %arg7[%get3A_4098, %get3A_4099] {strides = array<i32>} : memref<100x64xf32, #tpu.memory_space<vmem>>, vector<1x16xf32>,
      %get3A_4101 = vector.shape_cast %get3A_4100 : vector<1x16xf32> to vector<16xf32>
      %max3A_4102 = arith.maximumf %max3A_4096, %get3A_4101 : vector<16xf32>
      %get3A_4103 = arith.constant 53 : i32
      %get3A_4104 = arith.index_cast %get3A_4103 : i32 to index
      %get3A_4105 = arith.constant 16 : index
      %get3A_4106 = tpu.vector_load %arg7[%get3A_4104, %get3A_4105] {strides = array<i32>} : memref<100x64xf32, #tpu.memory_space<vmem>>, vector<1x16xf32>,
      %get3A_4107 = vector.shape_cast %get3A_4106 : vector<1x16xf32> to vector<16xf32>
      %max3A_4108 = arith.maximumf %max3A_4102, %get3A_4107 : vector<16xf32>
      %get3A_4109 = arith.constant 54 : i32
      %get3A_4110 = arith.index_cast %get3A_4109 : i32 to index
      %get3A_4111 = arith.constant 16 : index
      %get3A_4112 = tpu.vector_load %arg7[%get3A_4110, %get3A_4111] {strides = array<i32>} : memref<100x64xf32, #tpu.memory_space<vmem>>, vector<1x16xf32>,
      %get3A_4113 = vector.shape_cast %get3A_4112 : vector<1x16xf32> to vector<16xf32>
      %max3A_4114 = arith.maximumf %max3A_4108, %get3A_4113 : vector<16xf32>
      %get3A_4115 = arith.constant 55 : i32
      %get3A_4116 = arith.index_cast %get3A_4115 : i32 to index
      %get3A_4117 = arith.constant 16 : index
      %get3A_4118 = tpu.vector_load %arg7[%get3A_4116, %get3A_4117] {strides = array<i32>} : memref<100x64xf32, #tpu.memory_space<vmem>>, vector<1x16xf32>,
      %get3A_4119 = vector.shape_cast %get3A_4118 : vector<1x16xf32> to vector<16xf32>
      %max3A_4120 = arith.maximumf %max3A_4114, %get3A_4119 : vector<16xf32>
      %get3A_4121 = arith.constant 56 : i32
      %get3A_4122 = arith.index_cast %get3A_4121 : i32 to index
      %get3A_4123 = arith.constant 16 : index
      %get3A_4124 = tpu.vector_load %arg7[%get3A_4122, %get3A_4123] {strides = array<i32>} : memref<100x64xf32, #tpu.memory_space<vmem>>, vector<1x16xf32>,
      %get3A_4125 = vector.shape_cast %get3A_4124 : vector<1x16xf32> to vector<16xf32>
      %max3A_4126 = arith.maximumf %max3A_4120, %get3A_4125 : vector<16xf32>
      %get3A_4127 = arith.constant 57 : i32
      %get3A_4128 = arith.index_cast %get3A_4127 : i32 to index
      %get3A_4129 = arith.constant 16 : index
      %get3A_4130 = tpu.vector_load %arg7[%get3A_4128, %get3A_4129] {strides = array<i32>} : memref<100x64xf32, #tpu.memory_space<vmem>>, vector<1x16xf32>,
      %get3A_4131 = vector.shape_cast %get3A_4130 : vector<1x16xf32> to vector<16xf32>
      %max3A_4132 = arith.maximumf %max3A_4126, %get3A_4131 : vector<16xf32>
      %get3A_4133 = arith.constant 58 : i32
      %get3A_4134 = arith.index_cast %get3A_4133 : i32 to index
      %get3A_4135 = arith.constant 16 : index
      %get3A_4136 = tpu.vector_load %arg7[%get3A_4134, %get3A_4135] {strides = array<i32>} : memref<100x64xf32, #tpu.memory_space<vmem>>, vector<1x16xf32>,
      %get3A_4137 = vector.shape_cast %get3A_4136 : vector<1x16xf32> to vector<16xf32>
      %max3A_4138 = arith.maximumf %max3A_4132, %get3A_4137 : vector<16xf32>
      %get3A_4139 = arith.constant 59 : i32
      %get3A_4140 = arith.index_cast %get3A_4139 : i32 to index
      %get3A_4141 = arith.constant 16 : index
      %get3A_4142 = tpu.vector_load %arg7[%get3A_4140, %get3A_4141] {strides = array<i32>} : memref<100x64xf32, #tpu.memory_space<vmem>>, vector<1x16xf32>,
      %get3A_4143 = vector.shape_cast %get3A_4142 : vector<1x16xf32> to vector<16xf32>
      %max3A_4144 = arith.maximumf %max3A_4138, %get3A_4143 : vector<16xf32>
      %get3A_4145 = arith.constant 60 : i32
      %get3A_4146 = arith.index_cast %get3A_4145 : i32 to index
      %get3A_4147 = arith.constant 16 : index
      %get3A_4148 = tpu.vector_load %arg7[%get3A_4146, %get3A_4147] {strides = array<i32>} : memref<100x64xf32, #tpu.memory_space<vmem>>, vector<1x16xf32>,
      %get3A_4149 = vector.shape_cast %get3A_4148 : vector<1x16xf32> to vector<16xf32>
      %max3A_4150 = arith.maximumf %max3A_4144, %get3A_4149 : vector<16xf32>
      %get3A_4151 = arith.constant 61 : i32
      %get3A_4152 = arith.index_cast %get3A_4151 : i32 to index
      %get3A_4153 = arith.constant 16 : index
      %get3A_4154 = tpu.vector_load %arg7[%get3A_4152, %get3A_4153] {strides = array<i32>} : memref<100x64xf32, #tpu.memory_space<vmem>>, vector<1x16xf32>,
      %get3A_4155 = vector.shape_cast %get3A_4154 : vector<1x16xf32> to vector<16xf32>
      %max3A_4156 = arith.maximumf %max3A_4150, %get3A_4155 : vector<16xf32>
      %get3A_4157 = arith.constant 62 : i32
      %get3A_4158 = arith.index_cast %get3A_4157 : i32 to index
      %get3A_4159 = arith.constant 16 : index
      %get3A_4160 = tpu.vector_load %arg7[%get3A_4158, %get3A_4159] {strides = array<i32>} : memref<100x64xf32, #tpu.memory_space<vmem>>, vector<1x16xf32>,
      %get3A_4161 = vector.shape_cast %get3A_4160 : vector<1x16xf32> to vector<16xf32>
      %max3A_4162 = arith.maximumf %max3A_4156, %get3A_4161 : vector<16xf32>
      %get3A_4163 = arith.constant 63 : i32
      %get3A_4164 = arith.index_cast %get3A_4163 : i32 to index
      %get3A_4165 = arith.constant 16 : index
      %get3A_4166 = tpu.vector_load %arg7[%get3A_4164, %get3A_4165] {strides = array<i32>} : memref<100x64xf32, #tpu.memory_space<vmem>>, vector<1x16xf32>,
      %get3A_4167 = vector.shape_cast %get3A_4166 : vector<1x16xf32> to vector<16xf32>
      %max3A_4168 = arith.maximumf %max3A_4162, %get3A_4167 : vector<16xf32>
      %get3A_4169 = arith.constant 64 : i32
      %get3A_4170 = arith.index_cast %get3A_4169 : i32 to index
      %get3A_4171 = arith.constant 16 : index
      %get3A_4172 = tpu.vector_load %arg7[%get3A_4170, %get3A_4171] {strides = array<i32>} : memref<100x64xf32, #tpu.memory_space<vmem>>, vector<1x16xf32>,
      %get3A_4173 = vector.shape_cast %get3A_4172 : vector<1x16xf32> to vector<16xf32>
      %max3A_4174 = arith.maximumf %max3A_4168, %get3A_4173 : vector<16xf32>
      %get3A_4175 = arith.constant 65 : i32
      %get3A_4176 = arith.index_cast %get3A_4175 : i32 to index
      %get3A_4177 = arith.constant 16 : index
      %get3A_4178 = tpu.vector_load %arg7[%get3A_4176, %get3A_4177] {strides = array<i32>} : memref<100x64xf32, #tpu.memory_space<vmem>>, vector<1x16xf32>,
      %get3A_4179 = vector.shape_cast %get3A_4178 : vector<1x16xf32> to vector<16xf32>
      %max3A_4180 = arith.maximumf %max3A_4174, %get3A_4179 : vector<16xf32>
      %get3A_4181 = arith.constant 66 : i32
      %get3A_4182 = arith.index_cast %get3A_4181 : i32 to index
      %get3A_4183 = arith.constant 16 : index
      %get3A_4184 = tpu.vector_load %arg7[%get3A_4182, %get3A_4183] {strides = array<i32>} : memref<100x64xf32, #tpu.memory_space<vmem>>, vector<1x16xf32>,
      %get3A_4185 = vector.shape_cast %get3A_4184 : vector<1x16xf32> to vector<16xf32>
      %max3A_4186 = arith.maximumf %max3A_4180, %get3A_4185 : vector<16xf32>
      %get3A_4187 = arith.constant 67 : i32
      %get3A_4188 = arith.index_cast %get3A_4187 : i32 to index
      %get3A_4189 = arith.constant 16 : index
      %get3A_4190 = tpu.vector_load %arg7[%get3A_4188, %get3A_4189] {strides = array<i32>} : memref<100x64xf32, #tpu.memory_space<vmem>>, vector<1x16xf32>,
      %get3A_4191 = vector.shape_cast %get3A_4190 : vector<1x16xf32> to vector<16xf32>
      %max3A_4192 = arith.maximumf %max3A_4186, %get3A_4191 : vector<16xf32>
      %get3A_4193 = arith.constant 68 : i32
      %get3A_4194 = arith.index_cast %get3A_4193 : i32 to index
      %get3A_4195 = arith.constant 16 : index
      %get3A_4196 = tpu.vector_load %arg7[%get3A_4194, %get3A_4195] {strides = array<i32>} : memref<100x64xf32, #tpu.memory_space<vmem>>, vector<1x16xf32>,
      %get3A_4197 = vector.shape_cast %get3A_4196 : vector<1x16xf32> to vector<16xf32>
      %max3A_4198 = arith.maximumf %max3A_4192, %get3A_4197 : vector<16xf32>
      %get3A_4199 = arith.constant 69 : i32
      %get3A_4200 = arith.index_cast %get3A_4199 : i32 to index
      %get3A_4201 = arith.constant 16 : index
      %get3A_4202 = tpu.vector_load %arg7[%get3A_4200, %get3A_4201] {strides = array<i32>} : memref<100x64xf32, #tpu.memory_space<vmem>>, vector<1x16xf32>,
      %get3A_4203 = vector.shape_cast %get3A_4202 : vector<1x16xf32> to vector<16xf32>
      %max3A_4204 = arith.maximumf %max3A_4198, %get3A_4203 : vector<16xf32>
      %get3A_4205 = arith.constant 70 : i32
      %get3A_4206 = arith.index_cast %get3A_4205 : i32 to index
      %get3A_4207 = arith.constant 16 : index
      %get3A_4208 = tpu.vector_load %arg7[%get3A_4206, %get3A_4207] {strides = array<i32>} : memref<100x64xf32, #tpu.memory_space<vmem>>, vector<1x16xf32>,
      %get3A_4209 = vector.shape_cast %get3A_4208 : vector<1x16xf32> to vector<16xf32>
      %max3A_4210 = arith.maximumf %max3A_4204, %get3A_4209 : vector<16xf32>
      %get3A_4211 = arith.constant 71 : i32
      %get3A_4212 = arith.index_cast %get3A_4211 : i32 to index
      %get3A_4213 = arith.constant 16 : index
      %get3A_4214 = tpu.vector_load %arg7[%get3A_4212, %get3A_4213] {strides = array<i32>} : memref<100x64xf32, #tpu.memory_space<vmem>>, vector<1x16xf32>,
      %get3A_4215 = vector.shape_cast %get3A_4214 : vector<1x16xf32> to vector<16xf32>
      %max3A_4216 = arith.maximumf %max3A_4210, %get3A_4215 : vector<16xf32>
      %get3A_4217 = arith.constant 72 : i32
      %get3A_4218 = arith.index_cast %get3A_4217 : i32 to index
      %get3A_4219 = arith.constant 16 : index
      %get3A_4220 = tpu.vector_load %arg7[%get3A_4218, %get3A_4219] {strides = array<i32>} : memref<100x64xf32, #tpu.memory_space<vmem>>, vector<1x16xf32>,
      %get3A_4221 = vector.shape_cast %get3A_4220 : vector<1x16xf32> to vector<16xf32>
      %max3A_4222 = arith.maximumf %max3A_4216, %get3A_4221 : vector<16xf32>
      %get3A_4223 = arith.constant 73 : i32
      %get3A_4224 = arith.index_cast %get3A_4223 : i32 to index
      %get3A_4225 = arith.constant 16 : index
      %get3A_4226 = tpu.vector_load %arg7[%get3A_4224, %get3A_4225] {strides = array<i32>} : memref<100x64xf32, #tpu.memory_space<vmem>>, vector<1x16xf32>,
      %get3A_4227 = vector.shape_cast %get3A_4226 : vector<1x16xf32> to vector<16xf32>
      %max3A_4228 = arith.maximumf %max3A_4222, %get3A_4227 : vector<16xf32>
      %get3A_4229 = arith.constant 74 : i32
      %get3A_4230 = arith.index_cast %get3A_4229 : i32 to index
      %get3A_4231 = arith.constant 16 : index
      %get3A_4232 = tpu.vector_load %arg7[%get3A_4230, %get3A_4231] {strides = array<i32>} : memref<100x64xf32, #tpu.memory_space<vmem>>, vector<1x16xf32>,
      %get3A_4233 = vector.shape_cast %get3A_4232 : vector<1x16xf32> to vector<16xf32>
      %max3A_4234 = arith.maximumf %max3A_4228, %get3A_4233 : vector<16xf32>
      %get3A_4235 = arith.constant 75 : i32
      %get3A_4236 = arith.index_cast %get3A_4235 : i32 to index
      %get3A_4237 = arith.constant 16 : index
      %get3A_4238 = tpu.vector_load %arg7[%get3A_4236, %get3A_4237] {strides = array<i32>} : memref<100x64xf32, #tpu.memory_space<vmem>>, vector<1x16xf32>,
      %get3A_4239 = vector.shape_cast %get3A_4238 : vector<1x16xf32> to vector<16xf32>
      %max3A_4240 = arith.maximumf %max3A_4234, %get3A_4239 : vector<16xf32>
      %get3A_4241 = arith.constant 76 : i32
      %get3A_4242 = arith.index_cast %get3A_4241 : i32 to index
      %get3A_4243 = arith.constant 16 : index
      %get3A_4244 = tpu.vector_load %arg7[%get3A_4242, %get3A_4243] {strides = array<i32>} : memref<100x64xf32, #tpu.memory_space<vmem>>, vector<1x16xf32>,
      %get3A_4245 = vector.shape_cast %get3A_4244 : vector<1x16xf32> to vector<16xf32>
      %max3A_4246 = arith.maximumf %max3A_4240, %get3A_4245 : vector<16xf32>
      %get3A_4247 = arith.constant 77 : i32
      %get3A_4248 = arith.index_cast %get3A_4247 : i32 to index
      %get3A_4249 = arith.constant 16 : index
      %get3A_4250 = tpu.vector_load %arg7[%get3A_4248, %get3A_4249] {strides = array<i32>} : memref<100x64xf32, #tpu.memory_space<vmem>>, vector<1x16xf32>,
      %get3A_4251 = vector.shape_cast %get3A_4250 : vector<1x16xf32> to vector<16xf32>
      %max3A_4252 = arith.maximumf %max3A_4246, %get3A_4251 : vector<16xf32>
      %get3A_4253 = arith.constant 78 : i32
      %get3A_4254 = arith.index_cast %get3A_4253 : i32 to index
      %get3A_4255 = arith.constant 16 : index
      %get3A_4256 = tpu.vector_load %arg7[%get3A_4254, %get3A_4255] {strides = array<i32>} : memref<100x64xf32, #tpu.memory_space<vmem>>, vector<1x16xf32>,
      %get3A_4257 = vector.shape_cast %get3A_4256 : vector<1x16xf32> to vector<16xf32>
      %max3A_4258 = arith.maximumf %max3A_4252, %get3A_4257 : vector<16xf32>
      %get3A_4259 = arith.constant 79 : i32
      %get3A_4260 = arith.index_cast %get3A_4259 : i32 to index
      %get3A_4261 = arith.constant 16 : index
      %get3A_4262 = tpu.vector_load %arg7[%get3A_4260, %get3A_4261] {strides = array<i32>} : memref<100x64xf32, #tpu.memory_space<vmem>>, vector<1x16xf32>,
      %get3A_4263 = vector.shape_cast %get3A_4262 : vector<1x16xf32> to vector<16xf32>
      %max3A_4264 = arith.maximumf %max3A_4258, %get3A_4263 : vector<16xf32>
      %get3A_4265 = arith.constant 80 : i32
      %get3A_4266 = arith.index_cast %get3A_4265 : i32 to index
      %get3A_4267 = arith.constant 16 : index
      %get3A_4268 = tpu.vector_load %arg7[%get3A_4266, %get3A_4267] {strides = array<i32>} : memref<100x64xf32, #tpu.memory_space<vmem>>, vector<1x16xf32>,
      %get3A_4269 = vector.shape_cast %get3A_4268 : vector<1x16xf32> to vector<16xf32>
      %max3A_4270 = arith.maximumf %max3A_4264, %get3A_4269 : vector<16xf32>
      %get3A_4271 = arith.constant 81 : i32
      %get3A_4272 = arith.index_cast %get3A_4271 : i32 to index
      %get3A_4273 = arith.constant 16 : index
      %get3A_4274 = tpu.vector_load %arg7[%get3A_4272, %get3A_4273] {strides = array<i32>} : memref<100x64xf32, #tpu.memory_space<vmem>>, vector<1x16xf32>,
      %get3A_4275 = vector.shape_cast %get3A_4274 : vector<1x16xf32> to vector<16xf32>
      %max3A_4276 = arith.maximumf %max3A_4270, %get3A_4275 : vector<16xf32>
      %get3A_4277 = arith.constant 82 : i32
      %get3A_4278 = arith.index_cast %get3A_4277 : i32 to index
      %get3A_4279 = arith.constant 16 : index
      %get3A_4280 = tpu.vector_load %arg7[%get3A_4278, %get3A_4279] {strides = array<i32>} : memref<100x64xf32, #tpu.memory_space<vmem>>, vector<1x16xf32>,
      %get3A_4281 = vector.shape_cast %get3A_4280 : vector<1x16xf32> to vector<16xf32>
      %max3A_4282 = arith.maximumf %max3A_4276, %get3A_4281 : vector<16xf32>
      %get3A_4283 = arith.constant 83 : i32
      %get3A_4284 = arith.index_cast %get3A_4283 : i32 to index
      %get3A_4285 = arith.constant 16 : index
      %get3A_4286 = tpu.vector_load %arg7[%get3A_4284, %get3A_4285] {strides = array<i32>} : memref<100x64xf32, #tpu.memory_space<vmem>>, vector<1x16xf32>,
      %get3A_4287 = vector.shape_cast %get3A_4286 : vector<1x16xf32> to vector<16xf32>
      %max3A_4288 = arith.maximumf %max3A_4282, %get3A_4287 : vector<16xf32>
      %get3A_4289 = arith.constant 84 : i32
      %get3A_4290 = arith.index_cast %get3A_4289 : i32 to index
      %get3A_4291 = arith.constant 16 : index
      %get3A_4292 = tpu.vector_load %arg7[%get3A_4290, %get3A_4291] {strides = array<i32>} : memref<100x64xf32, #tpu.memory_space<vmem>>, vector<1x16xf32>,
      %get3A_4293 = vector.shape_cast %get3A_4292 : vector<1x16xf32> to vector<16xf32>
      %max3A_4294 = arith.maximumf %max3A_4288, %get3A_4293 : vector<16xf32>
      %get3A_4295 = arith.constant 85 : i32
      %get3A_4296 = arith.index_cast %get3A_4295 : i32 to index
      %get3A_4297 = arith.constant 16 : index
      %get3A_4298 = tpu.vector_load %arg7[%get3A_4296, %get3A_4297] {strides = array<i32>} : memref<100x64xf32, #tpu.memory_space<vmem>>, vector<1x16xf32>,
      %get3A_4299 = vector.shape_cast %get3A_4298 : vector<1x16xf32> to vector<16xf32>
      %max3A_4300 = arith.maximumf %max3A_4294, %get3A_4299 : vector<16xf32>
      %get3A_4301 = arith.constant 86 : i32
      %get3A_4302 = arith.index_cast %get3A_4301 : i32 to index
      %get3A_4303 = arith.constant 16 : index
      %get3A_4304 = tpu.vector_load %arg7[%get3A_4302, %get3A_4303] {strides = array<i32>} : memref<100x64xf32, #tpu.memory_space<vmem>>, vector<1x16xf32>,
      %get3A_4305 = vector.shape_cast %get3A_4304 : vector<1x16xf32> to vector<16xf32>
      %max3A_4306 = arith.maximumf %max3A_4300, %get3A_4305 : vector<16xf32>
      %get3A_4307 = arith.constant 87 : i32
      %get3A_4308 = arith.index_cast %get3A_4307 : i32 to index
      %get3A_4309 = arith.constant 16 : index
      %get3A_4310 = tpu.vector_load %arg7[%get3A_4308, %get3A_4309] {strides = array<i32>} : memref<100x64xf32, #tpu.memory_space<vmem>>, vector<1x16xf32>,
      %get3A_4311 = vector.shape_cast %get3A_4310 : vector<1x16xf32> to vector<16xf32>
      %max3A_4312 = arith.maximumf %max3A_4306, %get3A_4311 : vector<16xf32>
      %get3A_4313 = arith.constant 88 : i32
      %get3A_4314 = arith.index_cast %get3A_4313 : i32 to index
      %get3A_4315 = arith.constant 16 : index
      %get3A_4316 = tpu.vector_load %arg7[%get3A_4314, %get3A_4315] {strides = array<i32>} : memref<100x64xf32, #tpu.memory_space<vmem>>, vector<1x16xf32>,
      %get3A_4317 = vector.shape_cast %get3A_4316 : vector<1x16xf32> to vector<16xf32>
      %max3A_4318 = arith.maximumf %max3A_4312, %get3A_4317 : vector<16xf32>
      %get3A_4319 = arith.constant 89 : i32
      %get3A_4320 = arith.index_cast %get3A_4319 : i32 to index
      %get3A_4321 = arith.constant 16 : index
      %get3A_4322 = tpu.vector_load %arg7[%get3A_4320, %get3A_4321] {strides = array<i32>} : memref<100x64xf32, #tpu.memory_space<vmem>>, vector<1x16xf32>,
      %get3A_4323 = vector.shape_cast %get3A_4322 : vector<1x16xf32> to vector<16xf32>
      %max3A_4324 = arith.maximumf %max3A_4318, %get3A_4323 : vector<16xf32>
      %get3A_4325 = arith.constant 90 : i32
      %get3A_4326 = arith.index_cast %get3A_4325 : i32 to index
      %get3A_4327 = arith.constant 16 : index
      %get3A_4328 = tpu.vector_load %arg7[%get3A_4326, %get3A_4327] {strides = array<i32>} : memref<100x64xf32, #tpu.memory_space<vmem>>, vector<1x16xf32>,
      %get3A_4329 = vector.shape_cast %get3A_4328 : vector<1x16xf32> to vector<16xf32>
      %max3A_4330 = arith.maximumf %max3A_4324, %get3A_4329 : vector<16xf32>
      %get3A_4331 = arith.constant 91 : i32
      %get3A_4332 = arith.index_cast %get3A_4331 : i32 to index
      %get3A_4333 = arith.constant 16 : index
      %get3A_4334 = tpu.vector_load %arg7[%get3A_4332, %get3A_4333] {strides = array<i32>} : memref<100x64xf32, #tpu.memory_space<vmem>>, vector<1x16xf32>,
      %get3A_4335 = vector.shape_cast %get3A_4334 : vector<1x16xf32> to vector<16xf32>
      %max3A_4336 = arith.maximumf %max3A_4330, %get3A_4335 : vector<16xf32>
      %get3A_4337 = arith.constant 92 : i32
      %get3A_4338 = arith.index_cast %get3A_4337 : i32 to index
      %get3A_4339 = arith.constant 16 : index
      %get3A_4340 = tpu.vector_load %arg7[%get3A_4338, %get3A_4339] {strides = array<i32>} : memref<100x64xf32, #tpu.memory_space<vmem>>, vector<1x16xf32>,
      %get3A_4341 = vector.shape_cast %get3A_4340 : vector<1x16xf32> to vector<16xf32>
      %max3A_4342 = arith.maximumf %max3A_4336, %get3A_4341 : vector<16xf32>
      %get3A_4343 = arith.constant 93 : i32
      %get3A_4344 = arith.index_cast %get3A_4343 : i32 to index
      %get3A_4345 = arith.constant 16 : index
      %get3A_4346 = tpu.vector_load %arg7[%get3A_4344, %get3A_4345] {strides = array<i32>} : memref<100x64xf32, #tpu.memory_space<vmem>>, vector<1x16xf32>,
      %get3A_4347 = vector.shape_cast %get3A_4346 : vector<1x16xf32> to vector<16xf32>
      %max3A_4348 = arith.maximumf %max3A_4342, %get3A_4347 : vector<16xf32>
      %get3A_4349 = arith.constant 94 : i32
      %get3A_4350 = arith.index_cast %get3A_4349 : i32 to index
      %get3A_4351 = arith.constant 16 : index
      %get3A_4352 = tpu.vector_load %arg7[%get3A_4350, %get3A_4351] {strides = array<i32>} : memref<100x64xf32, #tpu.memory_space<vmem>>, vector<1x16xf32>,
      %get3A_4353 = vector.shape_cast %get3A_4352 : vector<1x16xf32> to vector<16xf32>
      %max3A_4354 = arith.maximumf %max3A_4348, %get3A_4353 : vector<16xf32>
      %get3A_4355 = arith.constant 95 : i32
      %get3A_4356 = arith.index_cast %get3A_4355 : i32 to index
      %get3A_4357 = arith.constant 16 : index
      %get3A_4358 = tpu.vector_load %arg7[%get3A_4356, %get3A_4357] {strides = array<i32>} : memref<100x64xf32, #tpu.memory_space<vmem>>, vector<1x16xf32>,
      %get3A_4359 = vector.shape_cast %get3A_4358 : vector<1x16xf32> to vector<16xf32>
      %max3A_4360 = arith.maximumf %max3A_4354, %get3A_4359 : vector<16xf32>
      %get3A_4361 = arith.constant 96 : i32
      %get3A_4362 = arith.index_cast %get3A_4361 : i32 to index
      %get3A_4363 = arith.constant 16 : index
      %get3A_4364 = tpu.vector_load %arg7[%get3A_4362, %get3A_4363] {strides = array<i32>} : memref<100x64xf32, #tpu.memory_space<vmem>>, vector<1x16xf32>,
      %get3A_4365 = vector.shape_cast %get3A_4364 : vector<1x16xf32> to vector<16xf32>
      %max3A_4366 = arith.maximumf %max3A_4360, %get3A_4365 : vector<16xf32>
      %get3A_4367 = arith.constant 97 : i32
      %get3A_4368 = arith.index_cast %get3A_4367 : i32 to index
      %get3A_4369 = arith.constant 16 : index
      %get3A_4370 = tpu.vector_load %arg7[%get3A_4368, %get3A_4369] {strides = array<i32>} : memref<100x64xf32, #tpu.memory_space<vmem>>, vector<1x16xf32>,
      %get3A_4371 = vector.shape_cast %get3A_4370 : vector<1x16xf32> to vector<16xf32>
      %max3A_4372 = arith.maximumf %max3A_4366, %get3A_4371 : vector<16xf32>
      %get3A_4373 = arith.constant 98 : i32
      %get3A_4374 = arith.index_cast %get3A_4373 : i32 to index
      %get3A_4375 = arith.constant 16 : index
      %get3A_4376 = tpu.vector_load %arg7[%get3A_4374, %get3A_4375] {strides = array<i32>} : memref<100x64xf32, #tpu.memory_space<vmem>>, vector<1x16xf32>,
      %get3A_4377 = vector.shape_cast %get3A_4376 : vector<1x16xf32> to vector<16xf32>
      %max3A_4378 = arith.maximumf %max3A_4372, %get3A_4377 : vector<16xf32>
      %get3A_4379 = arith.constant 99 : i32
      %get3A_4380 = arith.index_cast %get3A_4379 : i32 to index
      %get3A_4381 = arith.constant 16 : index
      %get3A_4382 = tpu.vector_load %arg7[%get3A_4380, %get3A_4381] {strides = array<i32>} : memref<100x64xf32, #tpu.memory_space<vmem>>, vector<1x16xf32>,
      %get3A_4383 = vector.shape_cast %get3A_4382 : vector<1x16xf32> to vector<16xf32>
      %max3A_4384 = arith.maximumf %max3A_4378, %get3A_4383 : vector<16xf32>
      %mul3A_4385 = arith.constant 2 : i32
      %mul3A_4386 = arith.muli %add3A_2521, %mul3A_4385 : i32
      %add3A_4387 = arith.constant 1 : i32
      %add3A_4388 = arith.addi %mul3A_4386, %add3A_4387 : i32
      %swap3A_4389 = arith.index_cast %add3A_4388 : i32 to index
      %swap3A_4390 = arith.constant 16 : index
      %swap3A_4391 = tpu.vector_load %arg8[%swap3A_4389, %swap3A_4390] {strides = array<i32>} : memref<512x64xf32, #tpu.memory_space<vmem>>, vector<1x16xf32>,
      %swap3A_4392 = vector.shape_cast %swap3A_4391 : vector<1x16xf32> to vector<16xf32>
      %swap3A_4393 = vector.shape_cast %max3A_4384 : vector<16xf32> to vector<1x16xf32>
      tpu.vector_store %arg8[%swap3A_4389, %swap3A_4390], %swap3A_4393 {strides = array<i32>} : memref<512x64xf32, #tpu.memory_space<vmem>>, vector<1x16xf32>,
      %broadcast_in_dim3A_4394 = arith.constant 0.000000e+00 : f32
      %broadcast_in_dim3A_4395 = vector.broadcast %broadcast_in_dim3A_4394 : f32 to vector<16xf32>
      %get3A_4396 = arith.constant 50 : i32
      %get3A_4397 = arith.index_cast %get3A_4396 : i32 to index
      %get3A_4398 = arith.constant 32 : index
      %get3A_4399 = tpu.vector_load %arg7[%get3A_4397, %get3A_4398] {strides = array<i32>} : memref<100x64xf32, #tpu.memory_space<vmem>>, vector<1x16xf32>,
      %get3A_4400 = vector.shape_cast %get3A_4399 : vector<1x16xf32> to vector<16xf32>
      %max3A_4401 = arith.maximumf %broadcast_in_dim3A_4395, %get3A_4400 : vector<16xf32>
      %get3A_4402 = arith.constant 51 : i32
      %get3A_4403 = arith.index_cast %get3A_4402 : i32 to index
      %get3A_4404 = arith.constant 32 : index
      %get3A_4405 = tpu.vector_load %arg7[%get3A_4403, %get3A_4404] {strides = array<i32>} : memref<100x64xf32, #tpu.memory_space<vmem>>, vector<1x16xf32>,
      %get3A_4406 = vector.shape_cast %get3A_4405 : vector<1x16xf32> to vector<16xf32>
      %max3A_4407 = arith.maximumf %max3A_4401, %get3A_4406 : vector<16xf32>
      %get3A_4408 = arith.constant 52 : i32
      %get3A_4409 = arith.index_cast %get3A_4408 : i32 to index
      %get3A_4410 = arith.constant 32 : index
      %get3A_4411 = tpu.vector_load %arg7[%get3A_4409, %get3A_4410] {strides = array<i32>} : memref<100x64xf32, #tpu.memory_space<vmem>>, vector<1x16xf32>,
      %get3A_4412 = vector.shape_cast %get3A_4411 : vector<1x16xf32> to vector<16xf32>
      %max3A_4413 = arith.maximumf %max3A_4407, %get3A_4412 : vector<16xf32>
      %get3A_4414 = arith.constant 53 : i32
      %get3A_4415 = arith.index_cast %get3A_4414 : i32 to index
      %get3A_4416 = arith.constant 32 : index
      %get3A_4417 = tpu.vector_load %arg7[%get3A_4415, %get3A_4416] {strides = array<i32>} : memref<100x64xf32, #tpu.memory_space<vmem>>, vector<1x16xf32>,
      %get3A_4418 = vector.shape_cast %get3A_4417 : vector<1x16xf32> to vector<16xf32>
      %max3A_4419 = arith.maximumf %max3A_4413, %get3A_4418 : vector<16xf32>
      %get3A_4420 = arith.constant 54 : i32
      %get3A_4421 = arith.index_cast %get3A_4420 : i32 to index
      %get3A_4422 = arith.constant 32 : index
      %get3A_4423 = tpu.vector_load %arg7[%get3A_4421, %get3A_4422] {strides = array<i32>} : memref<100x64xf32, #tpu.memory_space<vmem>>, vector<1x16xf32>,
      %get3A_4424 = vector.shape_cast %get3A_4423 : vector<1x16xf32> to vector<16xf32>
      %max3A_4425 = arith.maximumf %max3A_4419, %get3A_4424 : vector<16xf32>
      %get3A_4426 = arith.constant 55 : i32
      %get3A_4427 = arith.index_cast %get3A_4426 : i32 to index
      %get3A_4428 = arith.constant 32 : index
      %get3A_4429 = tpu.vector_load %arg7[%get3A_4427, %get3A_4428] {strides = array<i32>} : memref<100x64xf32, #tpu.memory_space<vmem>>, vector<1x16xf32>,
      %get3A_4430 = vector.shape_cast %get3A_4429 : vector<1x16xf32> to vector<16xf32>
      %max3A_4431 = arith.maximumf %max3A_4425, %get3A_4430 : vector<16xf32>
      %get3A_4432 = arith.constant 56 : i32
      %get3A_4433 = arith.index_cast %get3A_4432 : i32 to index
      %get3A_4434 = arith.constant 32 : index
      %get3A_4435 = tpu.vector_load %arg7[%get3A_4433, %get3A_4434] {strides = array<i32>} : memref<100x64xf32, #tpu.memory_space<vmem>>, vector<1x16xf32>,
      %get3A_4436 = vector.shape_cast %get3A_4435 : vector<1x16xf32> to vector<16xf32>
      %max3A_4437 = arith.maximumf %max3A_4431, %get3A_4436 : vector<16xf32>
      %get3A_4438 = arith.constant 57 : i32
      %get3A_4439 = arith.index_cast %get3A_4438 : i32 to index
      %get3A_4440 = arith.constant 32 : index
      %get3A_4441 = tpu.vector_load %arg7[%get3A_4439, %get3A_4440] {strides = array<i32>} : memref<100x64xf32, #tpu.memory_space<vmem>>, vector<1x16xf32>,
      %get3A_4442 = vector.shape_cast %get3A_4441 : vector<1x16xf32> to vector<16xf32>
      %max3A_4443 = arith.maximumf %max3A_4437, %get3A_4442 : vector<16xf32>
      %get3A_4444 = arith.constant 58 : i32
      %get3A_4445 = arith.index_cast %get3A_4444 : i32 to index
      %get3A_4446 = arith.constant 32 : index
      %get3A_4447 = tpu.vector_load %arg7[%get3A_4445, %get3A_4446] {strides = array<i32>} : memref<100x64xf32, #tpu.memory_space<vmem>>, vector<1x16xf32>,
      %get3A_4448 = vector.shape_cast %get3A_4447 : vector<1x16xf32> to vector<16xf32>
      %max3A_4449 = arith.maximumf %max3A_4443, %get3A_4448 : vector<16xf32>
      %get3A_4450 = arith.constant 59 : i32
      %get3A_4451 = arith.index_cast %get3A_4450 : i32 to index
      %get3A_4452 = arith.constant 32 : index
      %get3A_4453 = tpu.vector_load %arg7[%get3A_4451, %get3A_4452] {strides = array<i32>} : memref<100x64xf32, #tpu.memory_space<vmem>>, vector<1x16xf32>,
      %get3A_4454 = vector.shape_cast %get3A_4453 : vector<1x16xf32> to vector<16xf32>
      %max3A_4455 = arith.maximumf %max3A_4449, %get3A_4454 : vector<16xf32>
      %get3A_4456 = arith.constant 60 : i32
      %get3A_4457 = arith.index_cast %get3A_4456 : i32 to index
      %get3A_4458 = arith.constant 32 : index
      %get3A_4459 = tpu.vector_load %arg7[%get3A_4457, %get3A_4458] {strides = array<i32>} : memref<100x64xf32, #tpu.memory_space<vmem>>, vector<1x16xf32>,
      %get3A_4460 = vector.shape_cast %get3A_4459 : vector<1x16xf32> to vector<16xf32>
      %max3A_4461 = arith.maximumf %max3A_4455, %get3A_4460 : vector<16xf32>
      %get3A_4462 = arith.constant 61 : i32
      %get3A_4463 = arith.index_cast %get3A_4462 : i32 to index
      %get3A_4464 = arith.constant 32 : index
      %get3A_4465 = tpu.vector_load %arg7[%get3A_4463, %get3A_4464] {strides = array<i32>} : memref<100x64xf32, #tpu.memory_space<vmem>>, vector<1x16xf32>,
      %get3A_4466 = vector.shape_cast %get3A_4465 : vector<1x16xf32> to vector<16xf32>
      %max3A_4467 = arith.maximumf %max3A_4461, %get3A_4466 : vector<16xf32>
      %get3A_4468 = arith.constant 62 : i32
      %get3A_4469 = arith.index_cast %get3A_4468 : i32 to index
      %get3A_4470 = arith.constant 32 : index
      %get3A_4471 = tpu.vector_load %arg7[%get3A_4469, %get3A_4470] {strides = array<i32>} : memref<100x64xf32, #tpu.memory_space<vmem>>, vector<1x16xf32>,
      %get3A_4472 = vector.shape_cast %get3A_4471 : vector<1x16xf32> to vector<16xf32>
      %max3A_4473 = arith.maximumf %max3A_4467, %get3A_4472 : vector<16xf32>
      %get3A_4474 = arith.constant 63 : i32
      %get3A_4475 = arith.index_cast %get3A_4474 : i32 to index
      %get3A_4476 = arith.constant 32 : index
      %get3A_4477 = tpu.vector_load %arg7[%get3A_4475, %get3A_4476] {strides = array<i32>} : memref<100x64xf32, #tpu.memory_space<vmem>>, vector<1x16xf32>,
      %get3A_4478 = vector.shape_cast %get3A_4477 : vector<1x16xf32> to vector<16xf32>
      %max3A_4479 = arith.maximumf %max3A_4473, %get3A_4478 : vector<16xf32>
      %get3A_4480 = arith.constant 64 : i32
      %get3A_4481 = arith.index_cast %get3A_4480 : i32 to index
      %get3A_4482 = arith.constant 32 : index
      %get3A_4483 = tpu.vector_load %arg7[%get3A_4481, %get3A_4482] {strides = array<i32>} : memref<100x64xf32, #tpu.memory_space<vmem>>, vector<1x16xf32>,
      %get3A_4484 = vector.shape_cast %get3A_4483 : vector<1x16xf32> to vector<16xf32>
      %max3A_4485 = arith.maximumf %max3A_4479, %get3A_4484 : vector<16xf32>
      %get3A_4486 = arith.constant 65 : i32
      %get3A_4487 = arith.index_cast %get3A_4486 : i32 to index
      %get3A_4488 = arith.constant 32 : index
      %get3A_4489 = tpu.vector_load %arg7[%get3A_4487, %get3A_4488] {strides = array<i32>} : memref<100x64xf32, #tpu.memory_space<vmem>>, vector<1x16xf32>,
      %get3A_4490 = vector.shape_cast %get3A_4489 : vector<1x16xf32> to vector<16xf32>
      %max3A_4491 = arith.maximumf %max3A_4485, %get3A_4490 : vector<16xf32>
      %get3A_4492 = arith.constant 66 : i32
      %get3A_4493 = arith.index_cast %get3A_4492 : i32 to index
      %get3A_4494 = arith.constant 32 : index
      %get3A_4495 = tpu.vector_load %arg7[%get3A_4493, %get3A_4494] {strides = array<i32>} : memref<100x64xf32, #tpu.memory_space<vmem>>, vector<1x16xf32>,
      %get3A_4496 = vector.shape_cast %get3A_4495 : vector<1x16xf32> to vector<16xf32>
      %max3A_4497 = arith.maximumf %max3A_4491, %get3A_4496 : vector<16xf32>
      %get3A_4498 = arith.constant 67 : i32
      %get3A_4499 = arith.index_cast %get3A_4498 : i32 to index
      %get3A_4500 = arith.constant 32 : index
      %get3A_4501 = tpu.vector_load %arg7[%get3A_4499, %get3A_4500] {strides = array<i32>} : memref<100x64xf32, #tpu.memory_space<vmem>>, vector<1x16xf32>,
      %get3A_4502 = vector.shape_cast %get3A_4501 : vector<1x16xf32> to vector<16xf32>
      %max3A_4503 = arith.maximumf %max3A_4497, %get3A_4502 : vector<16xf32>
      %get3A_4504 = arith.constant 68 : i32
      %get3A_4505 = arith.index_cast %get3A_4504 : i32 to index
      %get3A_4506 = arith.constant 32 : index
      %get3A_4507 = tpu.vector_load %arg7[%get3A_4505, %get3A_4506] {strides = array<i32>} : memref<100x64xf32, #tpu.memory_space<vmem>>, vector<1x16xf32>,
      %get3A_4508 = vector.shape_cast %get3A_4507 : vector<1x16xf32> to vector<16xf32>
      %max3A_4509 = arith.maximumf %max3A_4503, %get3A_4508 : vector<16xf32>
      %get3A_4510 = arith.constant 69 : i32
      %get3A_4511 = arith.index_cast %get3A_4510 : i32 to index
      %get3A_4512 = arith.constant 32 : index
      %get3A_4513 = tpu.vector_load %arg7[%get3A_4511, %get3A_4512] {strides = array<i32>} : memref<100x64xf32, #tpu.memory_space<vmem>>, vector<1x16xf32>,
      %get3A_4514 = vector.shape_cast %get3A_4513 : vector<1x16xf32> to vector<16xf32>
      %max3A_4515 = arith.maximumf %max3A_4509, %get3A_4514 : vector<16xf32>
      %get3A_4516 = arith.constant 70 : i32
      %get3A_4517 = arith.index_cast %get3A_4516 : i32 to index
      %get3A_4518 = arith.constant 32 : index
      %get3A_4519 = tpu.vector_load %arg7[%get3A_4517, %get3A_4518] {strides = array<i32>} : memref<100x64xf32, #tpu.memory_space<vmem>>, vector<1x16xf32>,
      %get3A_4520 = vector.shape_cast %get3A_4519 : vector<1x16xf32> to vector<16xf32>
      %max3A_4521 = arith.maximumf %max3A_4515, %get3A_4520 : vector<16xf32>
      %get3A_4522 = arith.constant 71 : i32
      %get3A_4523 = arith.index_cast %get3A_4522 : i32 to index
      %get3A_4524 = arith.constant 32 : index
      %get3A_4525 = tpu.vector_load %arg7[%get3A_4523, %get3A_4524] {strides = array<i32>} : memref<100x64xf32, #tpu.memory_space<vmem>>, vector<1x16xf32>,
      %get3A_4526 = vector.shape_cast %get3A_4525 : vector<1x16xf32> to vector<16xf32>
      %max3A_4527 = arith.maximumf %max3A_4521, %get3A_4526 : vector<16xf32>
      %get3A_4528 = arith.constant 72 : i32
      %get3A_4529 = arith.index_cast %get3A_4528 : i32 to index
      %get3A_4530 = arith.constant 32 : index
      %get3A_4531 = tpu.vector_load %arg7[%get3A_4529, %get3A_4530] {strides = array<i32>} : memref<100x64xf32, #tpu.memory_space<vmem>>, vector<1x16xf32>,
      %get3A_4532 = vector.shape_cast %get3A_4531 : vector<1x16xf32> to vector<16xf32>
      %max3A_4533 = arith.maximumf %max3A_4527, %get3A_4532 : vector<16xf32>
      %get3A_4534 = arith.constant 73 : i32
      %get3A_4535 = arith.index_cast %get3A_4534 : i32 to index
      %get3A_4536 = arith.constant 32 : index
      %get3A_4537 = tpu.vector_load %arg7[%get3A_4535, %get3A_4536] {strides = array<i32>} : memref<100x64xf32, #tpu.memory_space<vmem>>, vector<1x16xf32>,
      %get3A_4538 = vector.shape_cast %get3A_4537 : vector<1x16xf32> to vector<16xf32>
      %max3A_4539 = arith.maximumf %max3A_4533, %get3A_4538 : vector<16xf32>
      %get3A_4540 = arith.constant 74 : i32
      %get3A_4541 = arith.index_cast %get3A_4540 : i32 to index
      %get3A_4542 = arith.constant 32 : index
      %get3A_4543 = tpu.vector_load %arg7[%get3A_4541, %get3A_4542] {strides = array<i32>} : memref<100x64xf32, #tpu.memory_space<vmem>>, vector<1x16xf32>,
      %get3A_4544 = vector.shape_cast %get3A_4543 : vector<1x16xf32> to vector<16xf32>
      %max3A_4545 = arith.maximumf %max3A_4539, %get3A_4544 : vector<16xf32>
      %get3A_4546 = arith.constant 75 : i32
      %get3A_4547 = arith.index_cast %get3A_4546 : i32 to index
      %get3A_4548 = arith.constant 32 : index
      %get3A_4549 = tpu.vector_load %arg7[%get3A_4547, %get3A_4548] {strides = array<i32>} : memref<100x64xf32, #tpu.memory_space<vmem>>, vector<1x16xf32>,
      %get3A_4550 = vector.shape_cast %get3A_4549 : vector<1x16xf32> to vector<16xf32>
      %max3A_4551 = arith.maximumf %max3A_4545, %get3A_4550 : vector<16xf32>
      %get3A_4552 = arith.constant 76 : i32
      %get3A_4553 = arith.index_cast %get3A_4552 : i32 to index
      %get3A_4554 = arith.constant 32 : index
      %get3A_4555 = tpu.vector_load %arg7[%get3A_4553, %get3A_4554] {strides = array<i32>} : memref<100x64xf32, #tpu.memory_space<vmem>>, vector<1x16xf32>,
      %get3A_4556 = vector.shape_cast %get3A_4555 : vector<1x16xf32> to vector<16xf32>
      %max3A_4557 = arith.maximumf %max3A_4551, %get3A_4556 : vector<16xf32>
      %get3A_4558 = arith.constant 77 : i32
      %get3A_4559 = arith.index_cast %get3A_4558 : i32 to index
      %get3A_4560 = arith.constant 32 : index
      %get3A_4561 = tpu.vector_load %arg7[%get3A_4559, %get3A_4560] {strides = array<i32>} : memref<100x64xf32, #tpu.memory_space<vmem>>, vector<1x16xf32>,
      %get3A_4562 = vector.shape_cast %get3A_4561 : vector<1x16xf32> to vector<16xf32>
      %max3A_4563 = arith.maximumf %max3A_4557, %get3A_4562 : vector<16xf32>
      %get3A_4564 = arith.constant 78 : i32
      %get3A_4565 = arith.index_cast %get3A_4564 : i32 to index
      %get3A_4566 = arith.constant 32 : index
      %get3A_4567 = tpu.vector_load %arg7[%get3A_4565, %get3A_4566] {strides = array<i32>} : memref<100x64xf32, #tpu.memory_space<vmem>>, vector<1x16xf32>,
      %get3A_4568 = vector.shape_cast %get3A_4567 : vector<1x16xf32> to vector<16xf32>
      %max3A_4569 = arith.maximumf %max3A_4563, %get3A_4568 : vector<16xf32>
      %get3A_4570 = arith.constant 79 : i32
      %get3A_4571 = arith.index_cast %get3A_4570 : i32 to index
      %get3A_4572 = arith.constant 32 : index
      %get3A_4573 = tpu.vector_load %arg7[%get3A_4571, %get3A_4572] {strides = array<i32>} : memref<100x64xf32, #tpu.memory_space<vmem>>, vector<1x16xf32>,
      %get3A_4574 = vector.shape_cast %get3A_4573 : vector<1x16xf32> to vector<16xf32>
      %max3A_4575 = arith.maximumf %max3A_4569, %get3A_4574 : vector<16xf32>
      %get3A_4576 = arith.constant 80 : i32
      %get3A_4577 = arith.index_cast %get3A_4576 : i32 to index
      %get3A_4578 = arith.constant 32 : index
      %get3A_4579 = tpu.vector_load %arg7[%get3A_4577, %get3A_4578] {strides = array<i32>} : memref<100x64xf32, #tpu.memory_space<vmem>>, vector<1x16xf32>,
      %get3A_4580 = vector.shape_cast %get3A_4579 : vector<1x16xf32> to vector<16xf32>
      %max3A_4581 = arith.maximumf %max3A_4575, %get3A_4580 : vector<16xf32>
      %get3A_4582 = arith.constant 81 : i32
      %get3A_4583 = arith.index_cast %get3A_4582 : i32 to index
      %get3A_4584 = arith.constant 32 : index
      %get3A_4585 = tpu.vector_load %arg7[%get3A_4583, %get3A_4584] {strides = array<i32>} : memref<100x64xf32, #tpu.memory_space<vmem>>, vector<1x16xf32>,
      %get3A_4586 = vector.shape_cast %get3A_4585 : vector<1x16xf32> to vector<16xf32>
      %max3A_4587 = arith.maximumf %max3A_4581, %get3A_4586 : vector<16xf32>
      %get3A_4588 = arith.constant 82 : i32
      %get3A_4589 = arith.index_cast %get3A_4588 : i32 to index
      %get3A_4590 = arith.constant 32 : index
      %get3A_4591 = tpu.vector_load %arg7[%get3A_4589, %get3A_4590] {strides = array<i32>} : memref<100x64xf32, #tpu.memory_space<vmem>>, vector<1x16xf32>,
      %get3A_4592 = vector.shape_cast %get3A_4591 : vector<1x16xf32> to vector<16xf32>
      %max3A_4593 = arith.maximumf %max3A_4587, %get3A_4592 : vector<16xf32>
      %get3A_4594 = arith.constant 83 : i32
      %get3A_4595 = arith.index_cast %get3A_4594 : i32 to index
      %get3A_4596 = arith.constant 32 : index
      %get3A_4597 = tpu.vector_load %arg7[%get3A_4595, %get3A_4596] {strides = array<i32>} : memref<100x64xf32, #tpu.memory_space<vmem>>, vector<1x16xf32>,
      %get3A_4598 = vector.shape_cast %get3A_4597 : vector<1x16xf32> to vector<16xf32>
      %max3A_4599 = arith.maximumf %max3A_4593, %get3A_4598 : vector<16xf32>
      %get3A_4600 = arith.constant 84 : i32
      %get3A_4601 = arith.index_cast %get3A_4600 : i32 to index
      %get3A_4602 = arith.constant 32 : index
      %get3A_4603 = tpu.vector_load %arg7[%get3A_4601, %get3A_4602] {strides = array<i32>} : memref<100x64xf32, #tpu.memory_space<vmem>>, vector<1x16xf32>,
      %get3A_4604 = vector.shape_cast %get3A_4603 : vector<1x16xf32> to vector<16xf32>
      %max3A_4605 = arith.maximumf %max3A_4599, %get3A_4604 : vector<16xf32>
      %get3A_4606 = arith.constant 85 : i32
      %get3A_4607 = arith.index_cast %get3A_4606 : i32 to index
      %get3A_4608 = arith.constant 32 : index
      %get3A_4609 = tpu.vector_load %arg7[%get3A_4607, %get3A_4608] {strides = array<i32>} : memref<100x64xf32, #tpu.memory_space<vmem>>, vector<1x16xf32>,
      %get3A_4610 = vector.shape_cast %get3A_4609 : vector<1x16xf32> to vector<16xf32>
      %max3A_4611 = arith.maximumf %max3A_4605, %get3A_4610 : vector<16xf32>
      %get3A_4612 = arith.constant 86 : i32
      %get3A_4613 = arith.index_cast %get3A_4612 : i32 to index
      %get3A_4614 = arith.constant 32 : index
      %get3A_4615 = tpu.vector_load %arg7[%get3A_4613, %get3A_4614] {strides = array<i32>} : memref<100x64xf32, #tpu.memory_space<vmem>>, vector<1x16xf32>,
      %get3A_4616 = vector.shape_cast %get3A_4615 : vector<1x16xf32> to vector<16xf32>
      %max3A_4617 = arith.maximumf %max3A_4611, %get3A_4616 : vector<16xf32>
      %get3A_4618 = arith.constant 87 : i32
      %get3A_4619 = arith.index_cast %get3A_4618 : i32 to index
      %get3A_4620 = arith.constant 32 : index
      %get3A_4621 = tpu.vector_load %arg7[%get3A_4619, %get3A_4620] {strides = array<i32>} : memref<100x64xf32, #tpu.memory_space<vmem>>, vector<1x16xf32>,
      %get3A_4622 = vector.shape_cast %get3A_4621 : vector<1x16xf32> to vector<16xf32>
      %max3A_4623 = arith.maximumf %max3A_4617, %get3A_4622 : vector<16xf32>
      %get3A_4624 = arith.constant 88 : i32
      %get3A_4625 = arith.index_cast %get3A_4624 : i32 to index
      %get3A_4626 = arith.constant 32 : index
      %get3A_4627 = tpu.vector_load %arg7[%get3A_4625, %get3A_4626] {strides = array<i32>} : memref<100x64xf32, #tpu.memory_space<vmem>>, vector<1x16xf32>,
      %get3A_4628 = vector.shape_cast %get3A_4627 : vector<1x16xf32> to vector<16xf32>
      %max3A_4629 = arith.maximumf %max3A_4623, %get3A_4628 : vector<16xf32>
      %get3A_4630 = arith.constant 89 : i32
      %get3A_4631 = arith.index_cast %get3A_4630 : i32 to index
      %get3A_4632 = arith.constant 32 : index
      %get3A_4633 = tpu.vector_load %arg7[%get3A_4631, %get3A_4632] {strides = array<i32>} : memref<100x64xf32, #tpu.memory_space<vmem>>, vector<1x16xf32>,
      %get3A_4634 = vector.shape_cast %get3A_4633 : vector<1x16xf32> to vector<16xf32>
      %max3A_4635 = arith.maximumf %max3A_4629, %get3A_4634 : vector<16xf32>
      %get3A_4636 = arith.constant 90 : i32
      %get3A_4637 = arith.index_cast %get3A_4636 : i32 to index
      %get3A_4638 = arith.constant 32 : index
      %get3A_4639 = tpu.vector_load %arg7[%get3A_4637, %get3A_4638] {strides = array<i32>} : memref<100x64xf32, #tpu.memory_space<vmem>>, vector<1x16xf32>,
      %get3A_4640 = vector.shape_cast %get3A_4639 : vector<1x16xf32> to vector<16xf32>
      %max3A_4641 = arith.maximumf %max3A_4635, %get3A_4640 : vector<16xf32>
      %get3A_4642 = arith.constant 91 : i32
      %get3A_4643 = arith.index_cast %get3A_4642 : i32 to index
      %get3A_4644 = arith.constant 32 : index
      %get3A_4645 = tpu.vector_load %arg7[%get3A_4643, %get3A_4644] {strides = array<i32>} : memref<100x64xf32, #tpu.memory_space<vmem>>, vector<1x16xf32>,
      %get3A_4646 = vector.shape_cast %get3A_4645 : vector<1x16xf32> to vector<16xf32>
      %max3A_4647 = arith.maximumf %max3A_4641, %get3A_4646 : vector<16xf32>
      %get3A_4648 = arith.constant 92 : i32
      %get3A_4649 = arith.index_cast %get3A_4648 : i32 to index
      %get3A_4650 = arith.constant 32 : index
      %get3A_4651 = tpu.vector_load %arg7[%get3A_4649, %get3A_4650] {strides = array<i32>} : memref<100x64xf32, #tpu.memory_space<vmem>>, vector<1x16xf32>,
      %get3A_4652 = vector.shape_cast %get3A_4651 : vector<1x16xf32> to vector<16xf32>
      %max3A_4653 = arith.maximumf %max3A_4647, %get3A_4652 : vector<16xf32>
      %get3A_4654 = arith.constant 93 : i32
      %get3A_4655 = arith.index_cast %get3A_4654 : i32 to index
      %get3A_4656 = arith.constant 32 : index
      %get3A_4657 = tpu.vector_load %arg7[%get3A_4655, %get3A_4656] {strides = array<i32>} : memref<100x64xf32, #tpu.memory_space<vmem>>, vector<1x16xf32>,
      %get3A_4658 = vector.shape_cast %get3A_4657 : vector<1x16xf32> to vector<16xf32>
      %max3A_4659 = arith.maximumf %max3A_4653, %get3A_4658 : vector<16xf32>
      %get3A_4660 = arith.constant 94 : i32
      %get3A_4661 = arith.index_cast %get3A_4660 : i32 to index
      %get3A_4662 = arith.constant 32 : index
      %get3A_4663 = tpu.vector_load %arg7[%get3A_4661, %get3A_4662] {strides = array<i32>} : memref<100x64xf32, #tpu.memory_space<vmem>>, vector<1x16xf32>,
      %get3A_4664 = vector.shape_cast %get3A_4663 : vector<1x16xf32> to vector<16xf32>
      %max3A_4665 = arith.maximumf %max3A_4659, %get3A_4664 : vector<16xf32>
      %get3A_4666 = arith.constant 95 : i32
      %get3A_4667 = arith.index_cast %get3A_4666 : i32 to index
      %get3A_4668 = arith.constant 32 : index
      %get3A_4669 = tpu.vector_load %arg7[%get3A_4667, %get3A_4668] {strides = array<i32>} : memref<100x64xf32, #tpu.memory_space<vmem>>, vector<1x16xf32>,
      %get3A_4670 = vector.shape_cast %get3A_4669 : vector<1x16xf32> to vector<16xf32>
      %max3A_4671 = arith.maximumf %max3A_4665, %get3A_4670 : vector<16xf32>
      %get3A_4672 = arith.constant 96 : i32
      %get3A_4673 = arith.index_cast %get3A_4672 : i32 to index
      %get3A_4674 = arith.constant 32 : index
      %get3A_4675 = tpu.vector_load %arg7[%get3A_4673, %get3A_4674] {strides = array<i32>} : memref<100x64xf32, #tpu.memory_space<vmem>>, vector<1x16xf32>,
      %get3A_4676 = vector.shape_cast %get3A_4675 : vector<1x16xf32> to vector<16xf32>
      %max3A_4677 = arith.maximumf %max3A_4671, %get3A_4676 : vector<16xf32>
      %get3A_4678 = arith.constant 97 : i32
      %get3A_4679 = arith.index_cast %get3A_4678 : i32 to index
      %get3A_4680 = arith.constant 32 : index
      %get3A_4681 = tpu.vector_load %arg7[%get3A_4679, %get3A_4680] {strides = array<i32>} : memref<100x64xf32, #tpu.memory_space<vmem>>, vector<1x16xf32>,
      %get3A_4682 = vector.shape_cast %get3A_4681 : vector<1x16xf32> to vector<16xf32>
      %max3A_4683 = arith.maximumf %max3A_4677, %get3A_4682 : vector<16xf32>
      %get3A_4684 = arith.constant 98 : i32
      %get3A_4685 = arith.index_cast %get3A_4684 : i32 to index
      %get3A_4686 = arith.constant 32 : index
      %get3A_4687 = tpu.vector_load %arg7[%get3A_4685, %get3A_4686] {strides = array<i32>} : memref<100x64xf32, #tpu.memory_space<vmem>>, vector<1x16xf32>,
      %get3A_4688 = vector.shape_cast %get3A_4687 : vector<1x16xf32> to vector<16xf32>
      %max3A_4689 = arith.maximumf %max3A_4683, %get3A_4688 : vector<16xf32>
      %get3A_4690 = arith.constant 99 : i32
      %get3A_4691 = arith.index_cast %get3A_4690 : i32 to index
      %get3A_4692 = arith.constant 32 : index
      %get3A_4693 = tpu.vector_load %arg7[%get3A_4691, %get3A_4692] {strides = array<i32>} : memref<100x64xf32, #tpu.memory_space<vmem>>, vector<1x16xf32>,
      %get3A_4694 = vector.shape_cast %get3A_4693 : vector<1x16xf32> to vector<16xf32>
      %max3A_4695 = arith.maximumf %max3A_4689, %get3A_4694 : vector<16xf32>
      %mul3A_4696 = arith.constant 2 : i32
      %mul3A_4697 = arith.muli %add3A_2521, %mul3A_4696 : i32
      %add3A_4698 = arith.constant 1 : i32
      %add3A_4699 = arith.addi %mul3A_4697, %add3A_4698 : i32
      %swap3A_4700 = arith.index_cast %add3A_4699 : i32 to index
      %swap3A_4701 = arith.constant 32 : index
      %swap3A_4702 = tpu.vector_load %arg8[%swap3A_4700, %swap3A_4701] {strides = array<i32>} : memref<512x64xf32, #tpu.memory_space<vmem>>, vector<1x16xf32>,
      %swap3A_4703 = vector.shape_cast %swap3A_4702 : vector<1x16xf32> to vector<16xf32>
      %swap3A_4704 = vector.shape_cast %max3A_4695 : vector<16xf32> to vector<1x16xf32>
      tpu.vector_store %arg8[%swap3A_4700, %swap3A_4701], %swap3A_4704 {strides = array<i32>} : memref<512x64xf32, #tpu.memory_space<vmem>>, vector<1x16xf32>,
      %broadcast_in_dim3A_4705 = arith.constant 0.000000e+00 : f32
      %broadcast_in_dim3A_4706 = vector.broadcast %broadcast_in_dim3A_4705 : f32 to vector<16xf32>
      %get3A_4707 = arith.constant 50 : i32
      %get3A_4708 = arith.index_cast %get3A_4707 : i32 to index
      %get3A_4709 = arith.constant 48 : index
      %get3A_4710 = tpu.vector_load %arg7[%get3A_4708, %get3A_4709] {strides = array<i32>} : memref<100x64xf32, #tpu.memory_space<vmem>>, vector<1x16xf32>,
      %get3A_4711 = vector.shape_cast %get3A_4710 : vector<1x16xf32> to vector<16xf32>
      %max3A_4712 = arith.maximumf %broadcast_in_dim3A_4706, %get3A_4711 : vector<16xf32>
      %get3A_4713 = arith.constant 51 : i32
      %get3A_4714 = arith.index_cast %get3A_4713 : i32 to index
      %get3A_4715 = arith.constant 48 : index
      %get3A_4716 = tpu.vector_load %arg7[%get3A_4714, %get3A_4715] {strides = array<i32>} : memref<100x64xf32, #tpu.memory_space<vmem>>, vector<1x16xf32>,
      %get3A_4717 = vector.shape_cast %get3A_4716 : vector<1x16xf32> to vector<16xf32>
      %max3A_4718 = arith.maximumf %max3A_4712, %get3A_4717 : vector<16xf32>
      %get3A_4719 = arith.constant 52 : i32
      %get3A_4720 = arith.index_cast %get3A_4719 : i32 to index
      %get3A_4721 = arith.constant 48 : index
      %get3A_4722 = tpu.vector_load %arg7[%get3A_4720, %get3A_4721] {strides = array<i32>} : memref<100x64xf32, #tpu.memory_space<vmem>>, vector<1x16xf32>,
      %get3A_4723 = vector.shape_cast %get3A_4722 : vector<1x16xf32> to vector<16xf32>
      %max3A_4724 = arith.maximumf %max3A_4718, %get3A_4723 : vector<16xf32>
      %get3A_4725 = arith.constant 53 : i32
      %get3A_4726 = arith.index_cast %get3A_4725 : i32 to index
      %get3A_4727 = arith.constant 48 : index
      %get3A_4728 = tpu.vector_load %arg7[%get3A_4726, %get3A_4727] {strides = array<i32>} : memref<100x64xf32, #tpu.memory_space<vmem>>, vector<1x16xf32>,
      %get3A_4729 = vector.shape_cast %get3A_4728 : vector<1x16xf32> to vector<16xf32>
      %max3A_4730 = arith.maximumf %max3A_4724, %get3A_4729 : vector<16xf32>
      %get3A_4731 = arith.constant 54 : i32
      %get3A_4732 = arith.index_cast %get3A_4731 : i32 to index
      %get3A_4733 = arith.constant 48 : index
      %get3A_4734 = tpu.vector_load %arg7[%get3A_4732, %get3A_4733] {strides = array<i32>} : memref<100x64xf32, #tpu.memory_space<vmem>>, vector<1x16xf32>,
      %get3A_4735 = vector.shape_cast %get3A_4734 : vector<1x16xf32> to vector<16xf32>
      %max3A_4736 = arith.maximumf %max3A_4730, %get3A_4735 : vector<16xf32>
      %get3A_4737 = arith.constant 55 : i32
      %get3A_4738 = arith.index_cast %get3A_4737 : i32 to index
      %get3A_4739 = arith.constant 48 : index
      %get3A_4740 = tpu.vector_load %arg7[%get3A_4738, %get3A_4739] {strides = array<i32>} : memref<100x64xf32, #tpu.memory_space<vmem>>, vector<1x16xf32>,
      %get3A_4741 = vector.shape_cast %get3A_4740 : vector<1x16xf32> to vector<16xf32>
      %max3A_4742 = arith.maximumf %max3A_4736, %get3A_4741 : vector<16xf32>
      %get3A_4743 = arith.constant 56 : i32
      %get3A_4744 = arith.index_cast %get3A_4743 : i32 to index
      %get3A_4745 = arith.constant 48 : index
      %get3A_4746 = tpu.vector_load %arg7[%get3A_4744, %get3A_4745] {strides = array<i32>} : memref<100x64xf32, #tpu.memory_space<vmem>>, vector<1x16xf32>,
      %get3A_4747 = vector.shape_cast %get3A_4746 : vector<1x16xf32> to vector<16xf32>
      %max3A_4748 = arith.maximumf %max3A_4742, %get3A_4747 : vector<16xf32>
      %get3A_4749 = arith.constant 57 : i32
      %get3A_4750 = arith.index_cast %get3A_4749 : i32 to index
      %get3A_4751 = arith.constant 48 : index
      %get3A_4752 = tpu.vector_load %arg7[%get3A_4750, %get3A_4751] {strides = array<i32>} : memref<100x64xf32, #tpu.memory_space<vmem>>, vector<1x16xf32>,
      %get3A_4753 = vector.shape_cast %get3A_4752 : vector<1x16xf32> to vector<16xf32>
      %max3A_4754 = arith.maximumf %max3A_4748, %get3A_4753 : vector<16xf32>
      %get3A_4755 = arith.constant 58 : i32
      %get3A_4756 = arith.index_cast %get3A_4755 : i32 to index
      %get3A_4757 = arith.constant 48 : index
      %get3A_4758 = tpu.vector_load %arg7[%get3A_4756, %get3A_4757] {strides = array<i32>} : memref<100x64xf32, #tpu.memory_space<vmem>>, vector<1x16xf32>,
      %get3A_4759 = vector.shape_cast %get3A_4758 : vector<1x16xf32> to vector<16xf32>
      %max3A_4760 = arith.maximumf %max3A_4754, %get3A_4759 : vector<16xf32>
      %get3A_4761 = arith.constant 59 : i32
      %get3A_4762 = arith.index_cast %get3A_4761 : i32 to index
      %get3A_4763 = arith.constant 48 : index
      %get3A_4764 = tpu.vector_load %arg7[%get3A_4762, %get3A_4763] {strides = array<i32>} : memref<100x64xf32, #tpu.memory_space<vmem>>, vector<1x16xf32>,
      %get3A_4765 = vector.shape_cast %get3A_4764 : vector<1x16xf32> to vector<16xf32>
      %max3A_4766 = arith.maximumf %max3A_4760, %get3A_4765 : vector<16xf32>
      %get3A_4767 = arith.constant 60 : i32
      %get3A_4768 = arith.index_cast %get3A_4767 : i32 to index
      %get3A_4769 = arith.constant 48 : index
      %get3A_4770 = tpu.vector_load %arg7[%get3A_4768, %get3A_4769] {strides = array<i32>} : memref<100x64xf32, #tpu.memory_space<vmem>>, vector<1x16xf32>,
      %get3A_4771 = vector.shape_cast %get3A_4770 : vector<1x16xf32> to vector<16xf32>
      %max3A_4772 = arith.maximumf %max3A_4766, %get3A_4771 : vector<16xf32>
      %get3A_4773 = arith.constant 61 : i32
      %get3A_4774 = arith.index_cast %get3A_4773 : i32 to index
      %get3A_4775 = arith.constant 48 : index
      %get3A_4776 = tpu.vector_load %arg7[%get3A_4774, %get3A_4775] {strides = array<i32>} : memref<100x64xf32, #tpu.memory_space<vmem>>, vector<1x16xf32>,
      %get3A_4777 = vector.shape_cast %get3A_4776 : vector<1x16xf32> to vector<16xf32>
      %max3A_4778 = arith.maximumf %max3A_4772, %get3A_4777 : vector<16xf32>
      %get3A_4779 = arith.constant 62 : i32
      %get3A_4780 = arith.index_cast %get3A_4779 : i32 to index
      %get3A_4781 = arith.constant 48 : index
      %get3A_4782 = tpu.vector_load %arg7[%get3A_4780, %get3A_4781] {strides = array<i32>} : memref<100x64xf32, #tpu.memory_space<vmem>>, vector<1x16xf32>,
      %get3A_4783 = vector.shape_cast %get3A_4782 : vector<1x16xf32> to vector<16xf32>
      %max3A_4784 = arith.maximumf %max3A_4778, %get3A_4783 : vector<16xf32>
      %get3A_4785 = arith.constant 63 : i32
      %get3A_4786 = arith.index_cast %get3A_4785 : i32 to index
      %get3A_4787 = arith.constant 48 : index
      %get3A_4788 = tpu.vector_load %arg7[%get3A_4786, %get3A_4787] {strides = array<i32>} : memref<100x64xf32, #tpu.memory_space<vmem>>, vector<1x16xf32>,
      %get3A_4789 = vector.shape_cast %get3A_4788 : vector<1x16xf32> to vector<16xf32>
      %max3A_4790 = arith.maximumf %max3A_4784, %get3A_4789 : vector<16xf32>
      %get3A_4791 = arith.constant 64 : i32
      %get3A_4792 = arith.index_cast %get3A_4791 : i32 to index
      %get3A_4793 = arith.constant 48 : index
      %get3A_4794 = tpu.vector_load %arg7[%get3A_4792, %get3A_4793] {strides = array<i32>} : memref<100x64xf32, #tpu.memory_space<vmem>>, vector<1x16xf32>,
      %get3A_4795 = vector.shape_cast %get3A_4794 : vector<1x16xf32> to vector<16xf32>
      %max3A_4796 = arith.maximumf %max3A_4790, %get3A_4795 : vector<16xf32>
      %get3A_4797 = arith.constant 65 : i32
      %get3A_4798 = arith.index_cast %get3A_4797 : i32 to index
      %get3A_4799 = arith.constant 48 : index
      %get3A_4800 = tpu.vector_load %arg7[%get3A_4798, %get3A_4799] {strides = array<i32>} : memref<100x64xf32, #tpu.memory_space<vmem>>, vector<1x16xf32>,
      %get3A_4801 = vector.shape_cast %get3A_4800 : vector<1x16xf32> to vector<16xf32>
      %max3A_4802 = arith.maximumf %max3A_4796, %get3A_4801 : vector<16xf32>
      %get3A_4803 = arith.constant 66 : i32
      %get3A_4804 = arith.index_cast %get3A_4803 : i32 to index
      %get3A_4805 = arith.constant 48 : index
      %get3A_4806 = tpu.vector_load %arg7[%get3A_4804, %get3A_4805] {strides = array<i32>} : memref<100x64xf32, #tpu.memory_space<vmem>>, vector<1x16xf32>,
      %get3A_4807 = vector.shape_cast %get3A_4806 : vector<1x16xf32> to vector<16xf32>
      %max3A_4808 = arith.maximumf %max3A_4802, %get3A_4807 : vector<16xf32>
      %get3A_4809 = arith.constant 67 : i32
      %get3A_4810 = arith.index_cast %get3A_4809 : i32 to index
      %get3A_4811 = arith.constant 48 : index
      %get3A_4812 = tpu.vector_load %arg7[%get3A_4810, %get3A_4811] {strides = array<i32>} : memref<100x64xf32, #tpu.memory_space<vmem>>, vector<1x16xf32>,
      %get3A_4813 = vector.shape_cast %get3A_4812 : vector<1x16xf32> to vector<16xf32>
      %max3A_4814 = arith.maximumf %max3A_4808, %get3A_4813 : vector<16xf32>
      %get3A_4815 = arith.constant 68 : i32
      %get3A_4816 = arith.index_cast %get3A_4815 : i32 to index
      %get3A_4817 = arith.constant 48 : index
      %get3A_4818 = tpu.vector_load %arg7[%get3A_4816, %get3A_4817] {strides = array<i32>} : memref<100x64xf32, #tpu.memory_space<vmem>>, vector<1x16xf32>,
      %get3A_4819 = vector.shape_cast %get3A_4818 : vector<1x16xf32> to vector<16xf32>
      %max3A_4820 = arith.maximumf %max3A_4814, %get3A_4819 : vector<16xf32>
      %get3A_4821 = arith.constant 69 : i32
      %get3A_4822 = arith.index_cast %get3A_4821 : i32 to index
      %get3A_4823 = arith.constant 48 : index
      %get3A_4824 = tpu.vector_load %arg7[%get3A_4822, %get3A_4823] {strides = array<i32>} : memref<100x64xf32, #tpu.memory_space<vmem>>, vector<1x16xf32>,
      %get3A_4825 = vector.shape_cast %get3A_4824 : vector<1x16xf32> to vector<16xf32>
      %max3A_4826 = arith.maximumf %max3A_4820, %get3A_4825 : vector<16xf32>
      %get3A_4827 = arith.constant 70 : i32
      %get3A_4828 = arith.index_cast %get3A_4827 : i32 to index
      %get3A_4829 = arith.constant 48 : index
      %get3A_4830 = tpu.vector_load %arg7[%get3A_4828, %get3A_4829] {strides = array<i32>} : memref<100x64xf32, #tpu.memory_space<vmem>>, vector<1x16xf32>,
      %get3A_4831 = vector.shape_cast %get3A_4830 : vector<1x16xf32> to vector<16xf32>
      %max3A_4832 = arith.maximumf %max3A_4826, %get3A_4831 : vector<16xf32>
      %get3A_4833 = arith.constant 71 : i32
      %get3A_4834 = arith.index_cast %get3A_4833 : i32 to index
      %get3A_4835 = arith.constant 48 : index
      %get3A_4836 = tpu.vector_load %arg7[%get3A_4834, %get3A_4835] {strides = array<i32>} : memref<100x64xf32, #tpu.memory_space<vmem>>, vector<1x16xf32>,
      %get3A_4837 = vector.shape_cast %get3A_4836 : vector<1x16xf32> to vector<16xf32>
      %max3A_4838 = arith.maximumf %max3A_4832, %get3A_4837 : vector<16xf32>
      %get3A_4839 = arith.constant 72 : i32
      %get3A_4840 = arith.index_cast %get3A_4839 : i32 to index
      %get3A_4841 = arith.constant 48 : index
      %get3A_4842 = tpu.vector_load %arg7[%get3A_4840, %get3A_4841] {strides = array<i32>} : memref<100x64xf32, #tpu.memory_space<vmem>>, vector<1x16xf32>,
      %get3A_4843 = vector.shape_cast %get3A_4842 : vector<1x16xf32> to vector<16xf32>
      %max3A_4844 = arith.maximumf %max3A_4838, %get3A_4843 : vector<16xf32>
      %get3A_4845 = arith.constant 73 : i32
      %get3A_4846 = arith.index_cast %get3A_4845 : i32 to index
      %get3A_4847 = arith.constant 48 : index
      %get3A_4848 = tpu.vector_load %arg7[%get3A_4846, %get3A_4847] {strides = array<i32>} : memref<100x64xf32, #tpu.memory_space<vmem>>, vector<1x16xf32>,
      %get3A_4849 = vector.shape_cast %get3A_4848 : vector<1x16xf32> to vector<16xf32>
      %max3A_4850 = arith.maximumf %max3A_4844, %get3A_4849 : vector<16xf32>
      %get3A_4851 = arith.constant 74 : i32
      %get3A_4852 = arith.index_cast %get3A_4851 : i32 to index
      %get3A_4853 = arith.constant 48 : index
      %get3A_4854 = tpu.vector_load %arg7[%get3A_4852, %get3A_4853] {strides = array<i32>} : memref<100x64xf32, #tpu.memory_space<vmem>>, vector<1x16xf32>,
      %get3A_4855 = vector.shape_cast %get3A_4854 : vector<1x16xf32> to vector<16xf32>
      %max3A_4856 = arith.maximumf %max3A_4850, %get3A_4855 : vector<16xf32>
      %get3A_4857 = arith.constant 75 : i32
      %get3A_4858 = arith.index_cast %get3A_4857 : i32 to index
      %get3A_4859 = arith.constant 48 : index
      %get3A_4860 = tpu.vector_load %arg7[%get3A_4858, %get3A_4859] {strides = array<i32>} : memref<100x64xf32, #tpu.memory_space<vmem>>, vector<1x16xf32>,
      %get3A_4861 = vector.shape_cast %get3A_4860 : vector<1x16xf32> to vector<16xf32>
      %max3A_4862 = arith.maximumf %max3A_4856, %get3A_4861 : vector<16xf32>
      %get3A_4863 = arith.constant 76 : i32
      %get3A_4864 = arith.index_cast %get3A_4863 : i32 to index
      %get3A_4865 = arith.constant 48 : index
      %get3A_4866 = tpu.vector_load %arg7[%get3A_4864, %get3A_4865] {strides = array<i32>} : memref<100x64xf32, #tpu.memory_space<vmem>>, vector<1x16xf32>,
      %get3A_4867 = vector.shape_cast %get3A_4866 : vector<1x16xf32> to vector<16xf32>
      %max3A_4868 = arith.maximumf %max3A_4862, %get3A_4867 : vector<16xf32>
      %get3A_4869 = arith.constant 77 : i32
      %get3A_4870 = arith.index_cast %get3A_4869 : i32 to index
      %get3A_4871 = arith.constant 48 : index
      %get3A_4872 = tpu.vector_load %arg7[%get3A_4870, %get3A_4871] {strides = array<i32>} : memref<100x64xf32, #tpu.memory_space<vmem>>, vector<1x16xf32>,
      %get3A_4873 = vector.shape_cast %get3A_4872 : vector<1x16xf32> to vector<16xf32>
      %max3A_4874 = arith.maximumf %max3A_4868, %get3A_4873 : vector<16xf32>
      %get3A_4875 = arith.constant 78 : i32
      %get3A_4876 = arith.index_cast %get3A_4875 : i32 to index
      %get3A_4877 = arith.constant 48 : index
      %get3A_4878 = tpu.vector_load %arg7[%get3A_4876, %get3A_4877] {strides = array<i32>} : memref<100x64xf32, #tpu.memory_space<vmem>>, vector<1x16xf32>,
      %get3A_4879 = vector.shape_cast %get3A_4878 : vector<1x16xf32> to vector<16xf32>
      %max3A_4880 = arith.maximumf %max3A_4874, %get3A_4879 : vector<16xf32>
      %get3A_4881 = arith.constant 79 : i32
      %get3A_4882 = arith.index_cast %get3A_4881 : i32 to index
      %get3A_4883 = arith.constant 48 : index
      %get3A_4884 = tpu.vector_load %arg7[%get3A_4882, %get3A_4883] {strides = array<i32>} : memref<100x64xf32, #tpu.memory_space<vmem>>, vector<1x16xf32>,
      %get3A_4885 = vector.shape_cast %get3A_4884 : vector<1x16xf32> to vector<16xf32>
      %max3A_4886 = arith.maximumf %max3A_4880, %get3A_4885 : vector<16xf32>
      %get3A_4887 = arith.constant 80 : i32
      %get3A_4888 = arith.index_cast %get3A_4887 : i32 to index
      %get3A_4889 = arith.constant 48 : index
      %get3A_4890 = tpu.vector_load %arg7[%get3A_4888, %get3A_4889] {strides = array<i32>} : memref<100x64xf32, #tpu.memory_space<vmem>>, vector<1x16xf32>,
      %get3A_4891 = vector.shape_cast %get3A_4890 : vector<1x16xf32> to vector<16xf32>
      %max3A_4892 = arith.maximumf %max3A_4886, %get3A_4891 : vector<16xf32>
      %get3A_4893 = arith.constant 81 : i32
      %get3A_4894 = arith.index_cast %get3A_4893 : i32 to index
      %get3A_4895 = arith.constant 48 : index
      %get3A_4896 = tpu.vector_load %arg7[%get3A_4894, %get3A_4895] {strides = array<i32>} : memref<100x64xf32, #tpu.memory_space<vmem>>, vector<1x16xf32>,
      %get3A_4897 = vector.shape_cast %get3A_4896 : vector<1x16xf32> to vector<16xf32>
      %max3A_4898 = arith.maximumf %max3A_4892, %get3A_4897 : vector<16xf32>
      %get3A_4899 = arith.constant 82 : i32
      %get3A_4900 = arith.index_cast %get3A_4899 : i32 to index
      %get3A_4901 = arith.constant 48 : index
      %get3A_4902 = tpu.vector_load %arg7[%get3A_4900, %get3A_4901] {strides = array<i32>} : memref<100x64xf32, #tpu.memory_space<vmem>>, vector<1x16xf32>,
      %get3A_4903 = vector.shape_cast %get3A_4902 : vector<1x16xf32> to vector<16xf32>
      %max3A_4904 = arith.maximumf %max3A_4898, %get3A_4903 : vector<16xf32>
      %get3A_4905 = arith.constant 83 : i32
      %get3A_4906 = arith.index_cast %get3A_4905 : i32 to index
      %get3A_4907 = arith.constant 48 : index
      %get3A_4908 = tpu.vector_load %arg7[%get3A_4906, %get3A_4907] {strides = array<i32>} : memref<100x64xf32, #tpu.memory_space<vmem>>, vector<1x16xf32>,
      %get3A_4909 = vector.shape_cast %get3A_4908 : vector<1x16xf32> to vector<16xf32>
      %max3A_4910 = arith.maximumf %max3A_4904, %get3A_4909 : vector<16xf32>
      %get3A_4911 = arith.constant 84 : i32
      %get3A_4912 = arith.index_cast %get3A_4911 : i32 to index
      %get3A_4913 = arith.constant 48 : index
      %get3A_4914 = tpu.vector_load %arg7[%get3A_4912, %get3A_4913] {strides = array<i32>} : memref<100x64xf32, #tpu.memory_space<vmem>>, vector<1x16xf32>,
      %get3A_4915 = vector.shape_cast %get3A_4914 : vector<1x16xf32> to vector<16xf32>
      %max3A_4916 = arith.maximumf %max3A_4910, %get3A_4915 : vector<16xf32>
      %get3A_4917 = arith.constant 85 : i32
      %get3A_4918 = arith.index_cast %get3A_4917 : i32 to index
      %get3A_4919 = arith.constant 48 : index
      %get3A_4920 = tpu.vector_load %arg7[%get3A_4918, %get3A_4919] {strides = array<i32>} : memref<100x64xf32, #tpu.memory_space<vmem>>, vector<1x16xf32>,
      %get3A_4921 = vector.shape_cast %get3A_4920 : vector<1x16xf32> to vector<16xf32>
      %max3A_4922 = arith.maximumf %max3A_4916, %get3A_4921 : vector<16xf32>
      %get3A_4923 = arith.constant 86 : i32
      %get3A_4924 = arith.index_cast %get3A_4923 : i32 to index
      %get3A_4925 = arith.constant 48 : index
      %get3A_4926 = tpu.vector_load %arg7[%get3A_4924, %get3A_4925] {strides = array<i32>} : memref<100x64xf32, #tpu.memory_space<vmem>>, vector<1x16xf32>,
      %get3A_4927 = vector.shape_cast %get3A_4926 : vector<1x16xf32> to vector<16xf32>
      %max3A_4928 = arith.maximumf %max3A_4922, %get3A_4927 : vector<16xf32>
      %get3A_4929 = arith.constant 87 : i32
      %get3A_4930 = arith.index_cast %get3A_4929 : i32 to index
      %get3A_4931 = arith.constant 48 : index
      %get3A_4932 = tpu.vector_load %arg7[%get3A_4930, %get3A_4931] {strides = array<i32>} : memref<100x64xf32, #tpu.memory_space<vmem>>, vector<1x16xf32>,
      %get3A_4933 = vector.shape_cast %get3A_4932 : vector<1x16xf32> to vector<16xf32>
      %max3A_4934 = arith.maximumf %max3A_4928, %get3A_4933 : vector<16xf32>
      %get3A_4935 = arith.constant 88 : i32
      %get3A_4936 = arith.index_cast %get3A_4935 : i32 to index
      %get3A_4937 = arith.constant 48 : index
      %get3A_4938 = tpu.vector_load %arg7[%get3A_4936, %get3A_4937] {strides = array<i32>} : memref<100x64xf32, #tpu.memory_space<vmem>>, vector<1x16xf32>,
      %get3A_4939 = vector.shape_cast %get3A_4938 : vector<1x16xf32> to vector<16xf32>
      %max3A_4940 = arith.maximumf %max3A_4934, %get3A_4939 : vector<16xf32>
      %get3A_4941 = arith.constant 89 : i32
      %get3A_4942 = arith.index_cast %get3A_4941 : i32 to index
      %get3A_4943 = arith.constant 48 : index
      %get3A_4944 = tpu.vector_load %arg7[%get3A_4942, %get3A_4943] {strides = array<i32>} : memref<100x64xf32, #tpu.memory_space<vmem>>, vector<1x16xf32>,
      %get3A_4945 = vector.shape_cast %get3A_4944 : vector<1x16xf32> to vector<16xf32>
      %max3A_4946 = arith.maximumf %max3A_4940, %get3A_4945 : vector<16xf32>
      %get3A_4947 = arith.constant 90 : i32
      %get3A_4948 = arith.index_cast %get3A_4947 : i32 to index
      %get3A_4949 = arith.constant 48 : index
      %get3A_4950 = tpu.vector_load %arg7[%get3A_4948, %get3A_4949] {strides = array<i32>} : memref<100x64xf32, #tpu.memory_space<vmem>>, vector<1x16xf32>,
      %get3A_4951 = vector.shape_cast %get3A_4950 : vector<1x16xf32> to vector<16xf32>
      %max3A_4952 = arith.maximumf %max3A_4946, %get3A_4951 : vector<16xf32>
      %get3A_4953 = arith.constant 91 : i32
      %get3A_4954 = arith.index_cast %get3A_4953 : i32 to index
      %get3A_4955 = arith.constant 48 : index
      %get3A_4956 = tpu.vector_load %arg7[%get3A_4954, %get3A_4955] {strides = array<i32>} : memref<100x64xf32, #tpu.memory_space<vmem>>, vector<1x16xf32>,
      %get3A_4957 = vector.shape_cast %get3A_4956 : vector<1x16xf32> to vector<16xf32>
      %max3A_4958 = arith.maximumf %max3A_4952, %get3A_4957 : vector<16xf32>
      %get3A_4959 = arith.constant 92 : i32
      %get3A_4960 = arith.index_cast %get3A_4959 : i32 to index
      %get3A_4961 = arith.constant 48 : index
      %get3A_4962 = tpu.vector_load %arg7[%get3A_4960, %get3A_4961] {strides = array<i32>} : memref<100x64xf32, #tpu.memory_space<vmem>>, vector<1x16xf32>,
      %get3A_4963 = vector.shape_cast %get3A_4962 : vector<1x16xf32> to vector<16xf32>
      %max3A_4964 = arith.maximumf %max3A_4958, %get3A_4963 : vector<16xf32>
      %get3A_4965 = arith.constant 93 : i32
      %get3A_4966 = arith.index_cast %get3A_4965 : i32 to index
      %get3A_4967 = arith.constant 48 : index
      %get3A_4968 = tpu.vector_load %arg7[%get3A_4966, %get3A_4967] {strides = array<i32>} : memref<100x64xf32, #tpu.memory_space<vmem>>, vector<1x16xf32>,
      %get3A_4969 = vector.shape_cast %get3A_4968 : vector<1x16xf32> to vector<16xf32>
      %max3A_4970 = arith.maximumf %max3A_4964, %get3A_4969 : vector<16xf32>
      %get3A_4971 = arith.constant 94 : i32
      %get3A_4972 = arith.index_cast %get3A_4971 : i32 to index
      %get3A_4973 = arith.constant 48 : index
      %get3A_4974 = tpu.vector_load %arg7[%get3A_4972, %get3A_4973] {strides = array<i32>} : memref<100x64xf32, #tpu.memory_space<vmem>>, vector<1x16xf32>,
      %get3A_4975 = vector.shape_cast %get3A_4974 : vector<1x16xf32> to vector<16xf32>
      %max3A_4976 = arith.maximumf %max3A_4970, %get3A_4975 : vector<16xf32>
      %get3A_4977 = arith.constant 95 : i32
      %get3A_4978 = arith.index_cast %get3A_4977 : i32 to index
      %get3A_4979 = arith.constant 48 : index
      %get3A_4980 = tpu.vector_load %arg7[%get3A_4978, %get3A_4979] {strides = array<i32>} : memref<100x64xf32, #tpu.memory_space<vmem>>, vector<1x16xf32>,
      %get3A_4981 = vector.shape_cast %get3A_4980 : vector<1x16xf32> to vector<16xf32>
      %max3A_4982 = arith.maximumf %max3A_4976, %get3A_4981 : vector<16xf32>
      %get3A_4983 = arith.constant 96 : i32
      %get3A_4984 = arith.index_cast %get3A_4983 : i32 to index
      %get3A_4985 = arith.constant 48 : index
      %get3A_4986 = tpu.vector_load %arg7[%get3A_4984, %get3A_4985] {strides = array<i32>} : memref<100x64xf32, #tpu.memory_space<vmem>>, vector<1x16xf32>,
      %get3A_4987 = vector.shape_cast %get3A_4986 : vector<1x16xf32> to vector<16xf32>
      %max3A_4988 = arith.maximumf %max3A_4982, %get3A_4987 : vector<16xf32>
      %get3A_4989 = arith.constant 97 : i32
      %get3A_4990 = arith.index_cast %get3A_4989 : i32 to index
      %get3A_4991 = arith.constant 48 : index
      %get3A_4992 = tpu.vector_load %arg7[%get3A_4990, %get3A_4991] {strides = array<i32>} : memref<100x64xf32, #tpu.memory_space<vmem>>, vector<1x16xf32>,
      %get3A_4993 = vector.shape_cast %get3A_4992 : vector<1x16xf32> to vector<16xf32>
      %max3A_4994 = arith.maximumf %max3A_4988, %get3A_4993 : vector<16xf32>
      %get3A_4995 = arith.constant 98 : i32
      %get3A_4996 = arith.index_cast %get3A_4995 : i32 to index
      %get3A_4997 = arith.constant 48 : index
      %get3A_4998 = tpu.vector_load %arg7[%get3A_4996, %get3A_4997] {strides = array<i32>} : memref<100x64xf32, #tpu.memory_space<vmem>>, vector<1x16xf32>,
      %get3A_4999 = vector.shape_cast %get3A_4998 : vector<1x16xf32> to vector<16xf32>
      %max3A_5000 = arith.maximumf %max3A_4994, %get3A_4999 : vector<16xf32>
      %get3A_5001 = arith.constant 99 : i32
      %get3A_5002 = arith.index_cast %get3A_5001 : i32 to index
      %get3A_5003 = arith.constant 48 : index
      %get3A_5004 = tpu.vector_load %arg7[%get3A_5002, %get3A_5003] {strides = array<i32>} : memref<100x64xf32, #tpu.memory_space<vmem>>, vector<1x16xf32>,
      %get3A_5005 = vector.shape_cast %get3A_5004 : vector<1x16xf32> to vector<16xf32>
      %max3A_5006 = arith.maximumf %max3A_5000, %get3A_5005 : vector<16xf32>
      %mul3A_5007 = arith.constant 2 : i32
      %mul3A_5008 = arith.muli %add3A_2521, %mul3A_5007 : i32
      %add3A_5009 = arith.constant 1 : i32
      %add3A_5010 = arith.addi %mul3A_5008, %add3A_5009 : i32
      %swap3A_5011 = arith.index_cast %add3A_5010 : i32 to index
      %swap3A_5012 = arith.constant 48 : index
      %swap3A_5013 = tpu.vector_load %arg8[%swap3A_5011, %swap3A_5012] {strides = array<i32>} : memref<512x64xf32, #tpu.memory_space<vmem>>, vector<1x16xf32>,
      %swap3A_5014 = vector.shape_cast %swap3A_5013 : vector<1x16xf32> to vector<16xf32>
      %swap3A_5015 = vector.shape_cast %max3A_5006 : vector<16xf32> to vector<1x16xf32>
      tpu.vector_store %arg8[%swap3A_5011, %swap3A_5012], %swap3A_5015 {strides = array<i32>} : memref<512x64xf32, #tpu.memory_space<vmem>>, vector<1x16xf32>,
      %add3A_5016 = arith.constant 2 : i32
      %add3A_5017 = arith.addi %add3A_2521, %add3A_5016 : i32
      %lt3A_5018 = arith.constant 256 : i32
      %lt3A_5019 = arith.cmpi slt, %add3A_5017, %lt3A_5018 : i32
      %convert_element_type3A_5020 = arith.extui %lt3A_5019 : i1 to i32
      %cond3A_5021 = arith.constant 0 : i32
      %cond3A_5022 = arith.cmpi ne, %convert_element_type3A_5020, %cond3A_5021 : i32
      scf.if %cond3A_5022 {
        %add3A_5023 = arith.constant 2 : i32
        %add3A_5024 = arith.addi %add3A_2521, %add3A_5023 : i32
        %dma_start3A_5025 = arith.constant 0 : i32
        %dma_start3A_5026 = tpu.memref_slice %arg5[%add3A_5024, %dma_start3A_5025] : memref<256x100xi32, #tpu.memory_space<vmem>> -> memref<1x100xi32, #tpu.memory_space<vmem>>
        %dma_start3A_5027 = tpu.memref_squeeze %dma_start3A_5026 : memref<1x100xi32, #tpu.memory_space<vmem>> -> memref<100xi32, #tpu.memory_space<vmem>>
        %dma_start3A_5028 = arith.constant 0 : i32
        %dma_start3A_5029 = arith.constant 0 : i32
        %dma_start3A_5030 = tpu.memref_slice %arg3[%dma_start3A_5028, %dma_start3A_5029] : memref<1007616x64xf32, #tpu.memory_space<hbm>> -> memref<1007616x64xf32, #tpu.memory_space<hbm>>
        tpu.enqueue_indirect_dma source(%dma_start3A_5030 : memref<1007616x64xf32, #tpu.memory_space<hbm>>) target(%arg7 : memref<100x64xf32, #tpu.memory_space<vmem>>) offsets(%dma_start3A_5027 : memref<100xi32, #tpu.memory_space<vmem>>) semaphore(%arg10 : memref<!tpu.dma_semaphore, #tpu.memory_space<semaphore_mem>>)
      } else {
      }
    }
    %scan3A_17 = arith.constant 128 : i32
    %mul3A_18 = arith.constant 512 : i32
    %mul3A_19 = arith.muli %add3A, %mul3A_18 : i32
    "tpu.region"() ({
      %run_scoped3A = tpu.sem_alloc : memref<!tpu.dma_semaphore, #tpu.memory_space<semaphore_mem>>
      %dma_start3A_20 = arith.constant 0 : i32
      %dma_start3A_21 = tpu.memref_slice %arg4[%mul3A_19, %dma_start3A_20] : memref<16384x64xf32, #tpu.memory_space<hbm>> -> memref<512x64xf32, #tpu.memory_space<hbm>>
      %dma_start3A_22 = arith.constant 0 : i32
      %dma_start3A_23 = tpu.memref_slice %arg4[%mul3A_19, %dma_start3A_22] : memref<16384x64xf32, #tpu.memory_space<hbm>> -> memref<512x64xf32, #tpu.memory_space<hbm>>
      tpu.enqueue_dma source(%arg8 : memref<512x64xf32, #tpu.memory_space<vmem>>) target(%dma_start3A_23 : memref<512x64xf32, #tpu.memory_space<hbm>>) target_semaphore(%run_scoped3A : memref<!tpu.dma_semaphore, #tpu.memory_space<semaphore_mem>>)
      %dma_wait3A = arith.constant 0 : i32
      %dma_wait3A_24 = tpu.memref_slice %arg4[%mul3A_19, %dma_wait3A] : memref<16384x64xf32, #tpu.memory_space<hbm>> -> memref<512x64xf32, #tpu.memory_space<hbm>>
      %dma_wait3A_25 = arith.constant 0 : i32
      %dma_wait3A_26 = tpu.memref_slice %arg4[%mul3A_19, %dma_wait3A_25] : memref<16384x64xf32, #tpu.memory_space<hbm>> -> memref<512x64xf32, #tpu.memory_space<hbm>>
      tpu.wait_dma2 semaphore(%run_scoped3A : memref<!tpu.dma_semaphore, #tpu.memory_space<semaphore_mem>>) src(%arg8 : memref<512x64xf32, #tpu.memory_space<vmem>>) dst(%dma_wait3A_26 : memref<512x64xf32, #tpu.memory_space<hbm>>)
      tpu.yield
    }) : () -> ()
    return
  }
}

module attributes {stable_mosaic.version = 14 : i64} {
  func.func @_transpose_body(%arg0: i32, %arg1: memref<64x8192xf32, #tpu.memory_space<vmem>>, %arg2: memref<4096x128xf32, #tpu.memory_space<vmem>>) attributes {dimension_semantics = [#tpu.dimension_semantics<arbitrary>], iteration_bounds = array<i64: 123>, scalar_prefetch = 0 : i64, scratch_operands = 0 : i64, tpu.core_type = #tpu.core_type<tc>, window_params = [{transform_indices = @transform_0, window_bounds = array<i64: 64, 8192>}, {transform_indices = @transform_1, window_bounds = array<i64: 4096, 128>}]} {
    %get3A = arith.constant 0 : index
    %get3A_0 = arith.constant 0 : index
    %get3A_1 = vector.load %arg1[%get3A, %get3A_0] : memref<64x8192xf32, #tpu.memory_space<vmem>>, vector<64x4096xf32>
    %get3A_2 = arith.constant 0 : index
    %get3A_3 = arith.constant 4096 : index
    %get3A_4 = vector.load %arg1[%get3A_2, %get3A_3] : memref<64x8192xf32, #tpu.memory_space<vmem>>, vector<64x4096xf32>
    %concatenate3A = tpu.concatenate %get3A_1, %get3A_4 in 0 : vector<64x4096xf32>, vector<64x4096xf32> -> vector<128x4096xf32>
    %transpose3A = tpu.transpose %concatenate3A, [1, 0] : vector<128x4096xf32> -> vector<4096x128xf32>
    %swap3A = arith.constant 0 : index
    %swap3A_5 = arith.constant 0 : index
    %swap3A_6 = vector.load %arg2[%swap3A, %swap3A_5] : memref<4096x128xf32, #tpu.memory_space<vmem>>, vector<4096x128xf32>
    tpu.vector_store %arg2[%swap3A, %swap3A_5], %transpose3A {strides = array<i32>} : memref<4096x128xf32, #tpu.memory_space<vmem>>, vector<4096x128xf32>,
    return
  }
  func.func @transform_0(%arg0: i32) -> (i32, i32) {
    %c0_i32 = arith.constant 0 : i32
    %c0_i32_0 = arith.constant 0 : i32
    return %c0_i32, %arg0 : i32, i32
  }
  func.func @transform_1(%arg0: i32) -> (i32, i32) {
    %c0_i32 = arith.constant 0 : i32
    %c0_i32_0 = arith.constant 0 : i32
    return %arg0, %c0_i32 : i32, i32
  }
}

</mosaic_0001>

<sc_bundles>
// kernel: kernel.4.cloned.1.call-start
scs
__scs_entry_jumppad:
0x0: {  	(pc) =	sbr.rel $0x88, $3  }
0x1: {  	(tag) =	ssettag $0x0;
	lr =	simm.s32 $0x1  }
0x2: {  	[smem:$0x3F9F] =	sst lr;
	_ =	strace $0xD0000000  }
0x3: {  	_ = 	snop  }
0x4: {  	_ = 	snop  }
0x5: {  	_ = 	snop  }
0x6: {  	_ = 	snop  }
0x7: {  	_ = 	snop  }
__scs_overlays_trampoline_lowered:
0x8: {  	[smem:$0x3FAE] =	sst s0  }
0x9: {  	[smem:$0x3FAF] =	sst s1  }
0xa: {  	[smem:$0x3FB0] =	sst s2  }
0xb: {  	[smem:$0x3FB1] =	sst s3  }
0xc: {  	[smem:$0x3FB2] =	sst s4  }
0xd: {  	[smem:$0x3FB3] =	sst s5  }
0xe: {  	[smem:$0x3FB4] =	sst s6  }
0xf: {  	[smem:$0x3FB5] =	sst s7  }
0x10: {  	[smem:$0x3FB6] =	sst s8  }
0x11: {  	[smem:$0x3FB7] =	sst s9;
	s0 =	simm.s32 @!p0 $0x0  }
0x12: {  	s1 =	sld [smem:$0x3F9D];
	s0 =	simm.s32 @p0 $0x1  }
0x13: {  	[smem:$0x3FB8] =	sst s0;
	s0 =	simm.s32 @!p1 $0x0  }
0x14: {  	s2 =	sld [smem:$0x3F9C];
	s0 =	simm.s32 @p1 $0x1  }
0x15: {  	[smem:$0x3FB9] =	sst s0;
	s0 =	simm.s32 @!p2 $0x0  }
0x16: {  	s3 =	sld [smem:$0x3FDB];
	s0 =	simm.s32 @p2 $0x1  }
0x17: {  	s4 =	simm.s32 $0x1BF5;
	[smem:$0x3FBB] =	sst s0  }
0x18: {  	s0 =	sld [smem:$0x3F9E];
	_ =	swait.ge [sflag:s4], $0x0  }
0x19: {  	s7 =	sld [smem:$0x3F9F]  }
0x1a: {  	s8 =	sadd.s32 $0xFFFFE003, lr  }
0x1b: {  	s9 =	sadd.s32 $0xFFFFFEF7, lr;
	s5 =	simm.s32 $0xFFFFFFFF;
	p2 =	slt.u32 s8, $0xFFFFF086  }
0x1c: {  	p1 =	slt.u32 s9, $0xF7A;
	s5 =	simm.s32 @!p2 $0x0  }
0x1d: {  	s5 =	simm.s32 @p1 $0x1;
	p0 =	seq.s32 s7, s2  }
0x1e: {  	s7 =	smul.u32 @!p0 $0xF7A, s2;
	p2 =	seq.s32 @!p0 s5, $0x0  }
0x1f: {  	s9 =	smul.u32 $0xF7A, s1;
	s8 =	simm.s32 @!p0 $0x1BF5;
	p2 =	por !p2, p0  }
0x20: {  	[sflag:s8] =	ssyncset.s32 @!p0 $0xFFFFF086;
	s6 =	sadd.s32 @!p0 s3, s7;
	s7 =	simm.s32 @!p0 $0x108  }
0x21: {  	s3 =	sadd.s32 s3, s9;
	s6 =	sadd.s32 @!p0 $0x88, s6;
	s7 =	simm.s32 @p2 $0x1082  }
0x22: {  	[simem:s7], [sflag:s8] =	dma.local @!p0 [hbm:s6], $0xF7A  }
0x23: {  	s9 =	sor.u32 $0xD0000000, s2;
	s6 =	simm.s32 $0x108;
	_ =	swait.ge @!p0 [sflag:s8], $0x0  }
0x24: {  	s3 =	sadd.s32 $0x88, s3;
	s6 =	simm.s32 @!p1 $0x1082;
	[sflag:s4] =	ssyncset.s32 $0xFFFFF086  }
0x25: {  	[simem:s6], [sflag:s4] =	dma.local [hbm:s3], $0xF7A  }
0x26: {  	[smem:$0x3F9F] =	sst s1;
	(tag) =	ssettag s2;
	_ =	strace s9  }
0x27: {  	s1 =	sld [smem:$0x3FAF]  }
0x28: {  	s2 =	sld [smem:$0x3FB0]  }
0x29: {  	s4 =	sld [smem:$0x3FB2]  }
0x2a: {  	p0 =	seq.s32 s5, $0x0;
	s5 =	sld [smem:$0x3FB3]  }
0x2b: {  	s6 =	sld [smem:$0x3FB4]  }
0x2c: {  	s7 =	sld [smem:$0x3FB5]  }
0x2d: {  	s3 =	simm.s32 $0x108;
	s8 =	sld [smem:$0x3FB6]  }
0x2e: {  	s3 =	simm.s32 @!p0 $0x1082;
	s9 =	sld [smem:$0x3FB7]  }
0x2f: {  	lr =	sadd.s32 s0, s3;
	s0 =	sld [smem:$0x3FAE]  }
0x30: {  	s3 =	sld [smem:$0x3FB1]  }
0x31: {  	[smem:$0x3FBA] =	sst s10  }
0x32: {  	s10 =	sld [smem:$0x3FB8];
	_ =	sdelay $0x3  }
0x33: {  	p0 =	seq.s32 s10, $0x1;
	s10 =	sld [smem:$0x3FBA];
	_ =	sdelay $0x3  }
0x34: {  	[smem:$0x3FBA] =	sst s10  }
0x35: {  	s10 =	sld [smem:$0x3FB9];
	_ =	sdelay $0x3  }
0x36: {  	p1 =	seq.s32 s10, $0x1;
	s10 =	sld [smem:$0x3FBA];
	_ =	sdelay $0x3  }
0x37: {  	[smem:$0x3FBA] =	sst s10  }
0x38: {  	s10 =	sld [smem:$0x3FBB]  }
0x39: {  	_ = 	snop;
	(pc) =	sbr.ind lr, $3  }
0x3a: {  	_ = 	snop  }
0x3b: {  	_ = 	snop  }
0x3c: {  	p2 =	seq.s32 s10, $0x1;
	s10 =	sld [smem:$0x3FBA]  }
0x3d: {  	_ =	shalt  }
0x3e: {  	_ =	shalt  }
0x3f: {  	_ =	shalt  }
0x40: {  	_ =	shalt  }
0x41: {  	_ =	shalt  }
0x42: {  	_ =	shalt  }
0x43: {  	_ =	shalt  }
0x44: {  	_ =	shalt  }
0x45: {  	_ =	shalt  }
0x46: {  	_ =	shalt  }
0x47: {  	_ =	shalt  }
0x48: {  	_ =	shalt  }
0x49: {  	_ =	shalt  }
0x4a: {  	_ =	shalt  }
0x4b: {  	_ =	shalt  }
0x4c: {  	_ =	shalt  }
0x4d: {  	_ =	shalt  }
0x4e: {  	_ =	shalt  }
0x4f: {  	_ =	shalt  }
0x50: {  	_ =	shalt  }
0x51: {  	_ =	shalt  }
0x52: {  	_ =	shalt  }
0x53: {  	_ =	shalt  }
0x54: {  	_ =	shalt  }
0x55: {  	_ =	shalt  }
0x56: {  	_ =	shalt  }
0x57: {  	_ =	shalt  }
0x58: {  	_ =	shalt  }
0x59: {  	_ =	shalt  }
0x5a: {  	_ =	shalt  }
0x5b: {  	_ =	shalt  }
0x5c: {  	_ =	shalt  }
0x5d: {  	_ =	shalt  }
0x5e: {  	_ =	shalt  }
0x5f: {  	_ =	shalt  }
0x60: {  	_ =	shalt  }
0x61: {  	_ =	shalt  }
0x62: {  	_ =	shalt  }
0x63: {  	_ =	shalt  }
0x64: {  	_ =	shalt  }
0x65: {  	_ =	shalt  }
0x66: {  	_ =	shalt  }
0x67: {  	_ =	shalt  }
0x68: {  	_ =	shalt  }
0x69: {  	_ =	shalt  }
0x6a: {  	_ =	shalt  }
0x6b: {  	_ =	shalt  }
0x6c: {  	_ =	shalt  }
0x6d: {  	_ =	shalt  }
0x6e: {  	_ =	shalt  }
0x6f: {  	_ =	shalt  }
0x70: {  	_ =	shalt  }
0x71: {  	_ =	shalt  }
0x72: {  	_ =	shalt  }
0x73: {  	_ =	shalt  }
0x74: {  	_ =	shalt  }
0x75: {  	_ =	shalt  }
0x76: {  	_ =	shalt  }
0x77: {  	_ =	shalt  }
0x78: {  	_ =	shalt  }
0x79: {  	_ =	shalt  }
0x7a: {  	_ =	shalt  }
0x7b: {  	_ =	shalt  }
0x7c: {  	_ =	shalt  }
0x7d: {  	_ =	shalt  }
0x7e: {  	_ =	shalt  }
0x7f: {  	_ =	shalt  }
0x80: {  	_ =	shalt  }
0x81: {  	_ =	shalt  }
0x82: {  	_ =	shalt  }
0x83: {  	_ =	shalt  }
0x84: {  	_ =	shalt  }
0x85: {  	_ =	shalt  }
0x86: {  	_ =	shalt  }
0x87: {  	_ =	shalt  }
.Lfunc_end0:
.L_simem_size_0:
called_computation_lowered:
.L_overlay_start_0:
0x88: {  	s2 =	sld [smem:$0x3FD9]  }
0x89: {  	s3 =	sld [smem:$0x3FFE];
	_ =	sdelay $0x1  }
0x8a: {  	s1 =	srdreg.scid  }
0x8b: {  	s0 =	sand.u32 $0x1, s1  }
0x8c: {  	s17 =	sshll.u32 s0, $0xA;
	s2 =	sadd.s32 s3, s2  }
0x8d: {  	s2 =	sadd.s32 s2, s17  }
0x8e: {  	[smem:$0x3FC6] =	sst s2  }
0x8f: {  	_ = 	snop  }
0x90: {  	s2 =	sld [smem:$0x3FD0];
	(tm) =	ssettm $0x1  }
0x91: {  	s18 =	sld [smem:$0x3FFB];
	_ =	sdelay $0x3  }
0x92: {  	_ =	strace s18  }
0x93: {  	s3 =	sld [smem:$0x3FFC];
	_ =	sdelay $0x3  }
0x94: {  	_ =	strace s3  }
0x95: {  	s3 =	sld [smem:$0x3FFD];
	_ =	sdelay $0x3  }
0x96: {  	_ =	strace s3  }
0x97: {  	_ =	strace $0x8FFFFFFF  }
0x98: {  	s19 =	sld [smem:$0x3FDB];
	_ =	sdelay $0x1  }
0x99: {  	s4 =	simm.s32 $_scs_section_size  }
0x9a: {  	s5 =	simm.s32 $_size__tile_overlayer_lowered;
	s6 =	simm.s32 $_tile_overlayer_lowered  }
0x9b: {  	s22 =	simm.s32 $0x1BFF;
	s21 =	sshll.u32 s6, $0x1;
	s3 =	sadd.s32 s4, s19  }
0x9c: {  	s7 =	simm.s32 $0x0;
	s20 =	sshll.u32 s5, $0x1;
	s5 =	sadd.s32 s21, s3  }
0x9d: {  	[timem:s7], [sflag:s22] =	dma.local [hbm:s5], s20  }
0x9e: {  	_ =	swait.ge [sflag:s22], s20  }
0x9f: {  	s4 =	ssub.s32 $0x0, s20;
	[sflag:s22] =	ssyncset.done $0x0  }
0xa0: {  	[sflag:s22] =	ssyncadd.s32 s4;
	_ =	sdelay $0x1  }
0xa1: {  	s23 =	simm.s32 $0x1B8B  }
0xa2: {  	_ =	swait.ge [sflag:s23], $0x1  }
0xa3: {  	[sflag:s23] =	ssyncset.done $0x0  }
0xa4: {  	s25 =	simm.s32 $0x1B8E;
	s24 =	sld [smem:$0x3FFE];
	[sflag:s23] =	ssyncadd.s32 $0xFFFFFFFF  }
0xa5: {  	s26 =	simm.s32 $execute0_lowered;
	[smem:$0x3FD2] =	sst s25  }
0xa6: {  	s5 =	sshll.u32 s26, $0x1;
	_ =	strace $0x80000046;
	[dreg:$0x1] =	wrdreg $0xFFFFFFFF  }
0xa7: {  	s28 =	simm.s32 $_size_execute0_lowered;
	s3 =	sadd.s32 s3, s5;
	[dreg:$0x0] =	wrdreg $0x0  }
0xa8: {  	s5 =	sshll.u32 s28, $0x1;
	[dreg:$0x2] =	wrdreg s3  }
0xa9: {  	[dreg:$0x3] =	wrdreg s5  }
0xaa: {  	[dreg:$0x4] =	wrdreg $0xC0  }
0xab: {  	_ =	task [dreg:s7], $0x5FFFF  }
0xac: {  	[dreg:$0x1] =	wrdreg $0xFFFFFFFF  }
0xad: {  	[dreg:$0x0] =	wrdreg $0x60  }
0xae: {  	[dreg:$0x2] =	wrdreg s24  }
0xaf: {  	[dreg:$0x3] =	wrdreg s2  }
0xb0: {  	[dreg:$0x4] =	wrdreg $0x9  }
0xb1: {  	_ =	task.clear_ibuf [dreg:s7], $0x5FFFF;
	_ =	strace $0x90000046  }
0xb2: {  	s29 =	simm.s32 $0x9;
	_ =	strace $0x80000048  }
0xb3: {  	_ =	swait.ge [sflag:s29], $0x1  }
0xb4: {  	[sflag:s29] =	ssyncadd.s32 $0xFFFFFFFF  }
0xb5: {  	_ =	strace $0x90000048  }
0xb6: {  	_ =	sfence  }
0xb7: {  	s30 =	sld [smem:$0x0];
	_ =	sdelay $0x2  }
0xb8: {  	s31 =	sshll.u32 s1, $0xD;
	s1 =	sshrl.u32 s1, $0x2  }
0xb9: {  	s3 =	sand.u32 $0x4000, s31;
	s1 =	sadd.s32 s1, s30  }
0xba: {  	s0 =	sor.u32 s3, s0;
	s1 =	sshll.u32 s1, $0x11  }
0xbb: {  	s0 =	sor.u32 s1, s0  }
0xbc: {  	s0 =	sadd.s32 $0x8F2B, s0  }
0xbd: {  	[sflag:s0] =	ssyncadd.remote.s32 $0x1  }
0xbe: {  	_ =	sfence.sel $0xFFFF  }
0xbf: {  	[dreg:$0x0] =	wrdreg $0xFFFFFFFF;
	(pc) =	sbr.abs _section_cstart, $3  }
0xc0: {  	[dreg:$0x1] =	wrdreg $0xFFFFFFFF  }
0xc1: {  	_ =	task.clear_ibuf [dreg:s7], $0x2FFFF;
	_ =	strace $0x9FFFFFFF  }
0xc2: {  	(tm) =	ssettm $0x7FFFFFFF  }
0xc3: {  	_ =	shalt  }
tec
execute0_lowered:
.L_overlay_start_1:
0x0: {  	(tag) =	ssettag $0x1  }
0x1: {  	s1 =	srdreg.scid;
	s3 =	rddreg [dreg:$0x0]  }
0x2: {  	s0 =	stileid.u32;
	s5 =	rddreg [dreg:$0x1]  }
0x3: {  	s2 =	simm.s32 $0x0;
	s9 =	simm.s32 $0x6800;
	s10 =	simm.s32 $0x68  }
0x4: {  	s11 =	simm.s32 $0x8100;
	s12 =	simm.s32 $0x1;
	s13 =	simm.s32 $0x2  }
0x5: {  	s14 =	simm.s32 $0x9A00;
	s4 =	sand.u32 $0x1, s1;
	s1 =	rddreg [dreg:$0x2]  }
0x6: {  	s15 =	simm.s32 $0x0;
	s31 =	sshll.u32 s0, $0x1;
	[smem:$0x7FF] =	sst s2  }
.Ltmp0:
0x7: {  	s6 =	sor.u32 s4, s31;
	s4 =	ssub.s32 $0x2, s4;
	(pc) =	sbr.rel .LBB2_1-.Ltmp0, $4  }
0x8: {  	s7 =	smul.u32 $0xD00, s6;
	s8 =	sshrl.u32 s4, $0x1;
	s6 =	sshll.u32 s6, $0xC  }
0x9: {  	_ =	strace $0x80000047;
	s8 =	ssub.s32 s4, s8;
	s5 =	sadd.s32 s5, s6  }
0xa: {  	s7 =	sadd.s32 s7, s3;
	s3 =	sadd.s32 $0x1A400, s3;
	s6 =	smax.u32 s8, $0x1  }
0xb: {  	s8 =	simm.s32 $0x64;
	s4 =	sadd.s32 $0x400, s7;
	s7 =	simm.s32 $0x3  }
.LBB2_4:
0xc: {  	s15 =	sadd.s32 $0x1, s15  }
0xd: {  	p0 =	sne.s32 s15, s6  }
.Ltmp1:
0xe: {  	_ = 	snop;
	(pc) =	sbr.rel @!p0 .LBB2_5-.Ltmp1, $4  }
0xf: {  	[hbm4b:s5+s2] =	stream.linear.scatter [tilespmem:s14], [sflag:$0x3], $0x8000, $0x38;
	[tilespmem:$0x11A00] =	vst v63  }
0x10: {  	_ =	swait.ge [sflag:s7], $0x8000  }
0x11: {  	[sflag:s7] =	ssyncset.done $0x0  }
0x12: {  	[sflag:s7] =	ssyncadd.s32 $0xFFFF8000  }
.LBB2_1:
0x13: {  	[tilespmem:s2], [sflag:$0x3] =	stream.linear.gather [hbm4b:s4+s2], $0x6800, $0x38;
	[tilespmem:$0x11A00] =	vst v63  }
0x14: {  	_ =	swait.ge [sflag:s7], $0x6800  }
0x15: {  	[sflag:s7] =	ssyncset.done $0x0  }
0x16: {  	[sflag:s7] =	ssyncadd.s32 $0xFFFF9800  }
0x17: {  	[tilespmem:s9], [sflag:$0x1] =	stream.indirect.gather [hbm4b:s3+s8], $0x40, s2, s8, $0xb8;
	[tilespmem:$0x11A00] =	vst v63  }
0x18: {  	s16 =	simm.s32 $0xFFFE6340;
	s17 =	simm.s32 $0x9A80  }
0x19: {  	[tilespmem:s11], [sflag:$0x2] =	stream.indirect.gather [hbm4b:s3+s8], $0x40, s10, s8, $0xb8;
	[tilespmem:$0x11A00] =	vst v63  }
.LBB2_2:
0x1a: {  	_ =	swait.ge [sflag:s12], $0x1900  }
0x1b: {  	[sflag:s12] =	ssyncset.done $0x0  }
0x1c: {  	[sflag:s12] =	ssyncadd.s32 $0xFFFFE700  }
0x1d: {  	v0 =	vld [tilespmem:$0x6800]  }
0x1e: {  	v1 =	vld [tilespmem:$0x6840]  }
0x1f: {  	v2 =	vld [tilespmem:$0x6880]  }
0x20: {  	v3 =	vld [tilespmem:$0x68C0]  }
0x21: {  	v4 =	vld [tilespmem:$0x6900]  }
0x22: {  	v5 =	vld [tilespmem:$0x6940];
	v0 =	vmax.f32 v0, $0.0e+00  }
0x23: {  	v12 =	vld [tilespmem:$0x6980];
	v0 =	vmax.f32 v0, v1  }
0x24: {  	v13 =	vld [tilespmem:$0x69C0];
	v0 =	vmax.f32 v0, v2  }
0x25: {  	v14 =	vld [tilespmem:$0x6A00];
	v0 =	vmax.f32 v0, v3  }
0x26: {  	v15 =	vld [tilespmem:$0x6A40];
	v0 =	vmax.f32 v0, v4  }
0x27: {  	v16 =	vld [tilespmem:$0x6A80];
	v0 =	vmax.f32 v0, v5  }
0x28: {  	v17 =	vld [tilespmem:$0x6AC0];
	v0 =	vmax.f32 v0, v12  }
0x29: {  	v18 =	vld [tilespmem:$0x6B00];
	v0 =	vmax.f32 v0, v13  }
0x2a: {  	v19 =	vld [tilespmem:$0x6B40];
	v0 =	vmax.f32 v0, v14  }
0x2b: {  	v20 =	vld [tilespmem:$0x6B80];
	v0 =	vmax.f32 v0, v15  }
0x2c: {  	v21 =	vld [tilespmem:$0x6BC0];
	v0 =	vmax.f32 v0, v16  }
0x2d: {  	v22 =	vld [tilespmem:$0x6C00];
	v0 =	vmax.f32 v0, v17  }
0x2e: {  	v23 =	vld [tilespmem:$0x6C40];
	v0 =	vmax.f32 v0, v18  }
0x2f: {  	v24 =	vld [tilespmem:$0x6C80];
	v0 =	vmax.f32 v0, v19  }
0x30: {  	v25 =	vld [tilespmem:$0x6CC0];
	v0 =	vmax.f32 v0, v20  }
0x31: {  	v26 =	vld [tilespmem:$0x6D00];
	v0 =	vmax.f32 v0, v21  }
0x32: {  	v27 =	vld [tilespmem:$0x6D40];
	v0 =	vmax.f32 v0, v22  }
0x33: {  	v28 =	vld [tilespmem:$0x6D80];
	v0 =	vmax.f32 v0, v23  }
0x34: {  	v29 =	vld [tilespmem:$0x6DC0];
	v0 =	vmax.f32 v0, v24  }
0x35: {  	v30 =	vld [tilespmem:$0x6E00];
	v0 =	vmax.f32 v0, v25  }
0x36: {  	v31 =	vld [tilespmem:$0x6E40];
	v0 =	vmax.f32 v0, v26  }
0x37: {  	v32 =	vld [tilespmem:$0x6E80];
	v0 =	vmax.f32 v0, v27  }
0x38: {  	v33 =	vld [tilespmem:$0x6EC0];
	v0 =	vmax.f32 v0, v28  }
0x39: {  	v34 =	vld [tilespmem:$0x6F00];
	v0 =	vmax.f32 v0, v29  }
0x3a: {  	v35 =	vld [tilespmem:$0x6F40];
	v0 =	vmax.f32 v0, v30  }
0x3b: {  	v36 =	vld [tilespmem:$0x6F80];
	v0 =	vmax.f32 v0, v31  }
0x3c: {  	v37 =	vld [tilespmem:$0x6FC0];
	v0 =	vmax.f32 v0, v32  }
0x3d: {  	v38 =	vld [tilespmem:$0x7000];
	v0 =	vmax.f32 v0, v33  }
0x3e: {  	v39 =	vld [tilespmem:$0x7040];
	v0 =	vmax.f32 v0, v34  }
0x3f: {  	v40 =	vld [tilespmem:$0x7080];
	v0 =	vmax.f32 v0, v35  }
0x40: {  	v41 =	vld [tilespmem:$0x70C0];
	v0 =	vmax.f32 v0, v36  }
0x41: {  	v42 =	vld [tilespmem:$0x7100];
	v0 =	vmax.f32 v0, v37  }
0x42: {  	v43 =	vld [tilespmem:$0x7140];
	v0 =	vmax.f32 v0, v38  }
0x43: {  	v44 =	vld [tilespmem:$0x7180];
	v0 =	vmax.f32 v0, v39  }
0x44: {  	v45 =	vld [tilespmem:$0x71C0];
	v0 =	vmax.f32 v0, v40  }
0x45: {  	v46 =	vld [tilespmem:$0x7200];
	v0 =	vmax.f32 v0, v41  }
0x46: {  	v47 =	vld [tilespmem:$0x7240];
	v0 =	vmax.f32 v0, v42  }
0x47: {  	v48 =	vld [tilespmem:$0x7280];
	v0 =	vmax.f32 v0, v43  }
0x48: {  	v49 =	vld [tilespmem:$0x72C0];
	v0 =	vmax.f32 v0, v44  }
0x49: {  	v50 =	vld [tilespmem:$0x7300];
	v0 =	vmax.f32 v0, v45  }
0x4a: {  	v51 =	vld [tilespmem:$0x7340];
	v0 =	vmax.f32 v0, v46  }
0x4b: {  	v52 =	vld [tilespmem:$0x7380];
	v0 =	vmax.f32 v0, v47  }
0x4c: {  	v53 =	vld [tilespmem:$0x73C0];
	v0 =	vmax.f32 v0, v48  }
0x4d: {  	v54 =	vld [tilespmem:$0x7400];
	v0 =	vmax.f32 v0, v49  }
0x4e: {  	v55 =	vld [tilespmem:$0x7440];
	v0 =	vmax.f32 v0, v50  }
0x4f: {  	v0 =	vmax.f32 v0, v51  }
0x50: {  	v0 =	vmax.f32 v0, v52  }
0x51: {  	v0 =	vmax.f32 v0, v53  }
0x52: {  	v0 =	vmax.f32 v0, v54  }
0x53: {  	v0 =	vmax.f32 v0, v55  }
0x54: {  	[tilespmem:s17+$0xFFFFFF80] =	vst v0  }
0x55: {  	v0 =	vld [tilespmem:$0x6810]  }
0x56: {  	v56 =	vld [tilespmem:$0x6850]  }
0x57: {  	v57 =	vld [tilespmem:$0x6890]  }
0x58: {  	v58 =	vld [tilespmem:$0x68D0]  }
0x59: {  	v59 =	vld [tilespmem:$0x6910]  }
0x5a: {  	v60 =	vld [tilespmem:$0x6950];
	v0 =	vmax.f32 v0, $0.0e+00  }
0x5b: {  	v61 =	vld [tilespmem:$0x6990];
	v0 =	vmax.f32 v0, v56  }
0x5c: {  	v62 =	vld [tilespmem:$0x69D0];
	v0 =	vmax.f32 v0, v57  }
0x5d: {  	v63 =	vld [tilespmem:$0x6A10];
	v0 =	vmax.f32 v0, v58  }
0x5e: {  	v8 =	vld [tilespmem:$0x6A50];
	v0 =	vmax.f32 v0, v59  }
0x5f: {  	v9 =	vld [tilespmem:$0x6A90];
	v0 =	vmax.f32 v0, v60  }
0x60: {  	v10 =	vld [tilespmem:$0x6AD0];
	v0 =	vmax.f32 v0, v61  }
0x61: {  	v11 =	vld [tilespmem:$0x6B10];
	v0 =	vmax.f32 v0, v62  }
0x62: {  	v12 =	vld [tilespmem:$0x6B50];
	v0 =	vmax.f32 v0, v63  }
0x63: {  	v13 =	vld [tilespmem:$0x6B90];
	v0 =	vmax.f32 v0, v8  }
0x64: {  	v14 =	vld [tilespmem:$0x6BD0];
	v0 =	vmax.f32 v0, v9  }
0x65: {  	v15 =	vld [tilespmem:$0x6C10];
	v0 =	vmax.f32 v0, v10  }
0x66: {  	v16 =	vld [tilespmem:$0x6C50];
	v0 =	vmax.f32 v0, v11  }
0x67: {  	v17 =	vld [tilespmem:$0x6C90];
	v0 =	vmax.f32 v0, v12  }
0x68: {  	v18 =	vld [tilespmem:$0x6CD0];
	v0 =	vmax.f32 v0, v13  }
0x69: {  	v19 =	vld [tilespmem:$0x6D10];
	v0 =	vmax.f32 v0, v14  }
0x6a: {  	v20 =	vld [tilespmem:$0x6D50];
	v0 =	vmax.f32 v0, v15  }
0x6b: {  	v21 =	vld [tilespmem:$0x6D90];
	v0 =	vmax.f32 v0, v16  }
0x6c: {  	v22 =	vld [tilespmem:$0x6DD0];
	v0 =	vmax.f32 v0, v17  }
0x6d: {  	v23 =	vld [tilespmem:$0x6E10];
	v0 =	vmax.f32 v0, v18  }
0x6e: {  	v24 =	vld [tilespmem:$0x6E50];
	v0 =	vmax.f32 v0, v19  }
0x6f: {  	v25 =	vld [tilespmem:$0x6E90];
	v0 =	vmax.f32 v0, v20  }
0x70: {  	v26 =	vld [tilespmem:$0x6ED0];
	v0 =	vmax.f32 v0, v21  }
0x71: {  	v27 =	vld [tilespmem:$0x6F10];
	v0 =	vmax.f32 v0, v22  }
0x72: {  	v28 =	vld [tilespmem:$0x6F50];
	v0 =	vmax.f32 v0, v23  }
0x73: {  	v29 =	vld [tilespmem:$0x6F90];
	v0 =	vmax.f32 v0, v24  }
0x74: {  	v30 =	vld [tilespmem:$0x6FD0];
	v0 =	vmax.f32 v0, v25  }
0x75: {  	v31 =	vld [tilespmem:$0x7010];
	v0 =	vmax.f32 v0, v26  }
0x76: {  	v32 =	vld [tilespmem:$0x7050];
	v0 =	vmax.f32 v0, v27  }
0x77: {  	v33 =	vld [tilespmem:$0x7090];
	v0 =	vmax.f32 v0, v28  }
0x78: {  	v34 =	vld [tilespmem:$0x70D0];
	v0 =	vmax.f32 v0, v29  }
0x79: {  	v35 =	vld [tilespmem:$0x7110];
	v0 =	vmax.f32 v0, v30  }
0x7a: {  	v36 =	vld [tilespmem:$0x7150];
	v0 =	vmax.f32 v0, v31  }
0x7b: {  	v37 =	vld [tilespmem:$0x7190];
	v0 =	vmax.f32 v0, v32  }
0x7c: {  	v38 =	vld [tilespmem:$0x71D0];
	v0 =	vmax.f32 v0, v33  }
0x7d: {  	v39 =	vld [tilespmem:$0x7210];
	v0 =	vmax.f32 v0, v34  }
0x7e: {  	v40 =	vld [tilespmem:$0x7250];
	v0 =	vmax.f32 v0, v35  }
0x7f: {  	v41 =	vld [tilespmem:$0x7290];
	v0 =	vmax.f32 v0, v36  }
0x80: {  	v42 =	vld [tilespmem:$0x72D0];
	v0 =	vmax.f32 v0, v37  }
0x81: {  	v43 =	vld [tilespmem:$0x7310];
	v0 =	vmax.f32 v0, v38  }
0x82: {  	v44 =	vld [tilespmem:$0x7350];
	v0 =	vmax.f32 v0, v39  }
0x83: {  	v45 =	vld [tilespmem:$0x7390];
	v0 =	vmax.f32 v0, v40  }
0x84: {  	v46 =	vld [tilespmem:$0x73D0];
	v0 =	vmax.f32 v0, v41  }
0x85: {  	v47 =	vld [tilespmem:$0x7410];
	v0 =	vmax.f32 v0, v42  }
0x86: {  	v48 =	vld [tilespmem:$0x7450];
	v0 =	vmax.f32 v0, v43  }
0x87: {  	v0 =	vmax.f32 v0, v44  }
0x88: {  	v0 =	vmax.f32 v0, v45  }
0x89: {  	v0 =	vmax.f32 v0, v46  }
0x8a: {  	v0 =	vmax.f32 v0, v47  }
0x8b: {  	v0 =	vmax.f32 v0, v48  }
0x8c: {  	[tilespmem:s17+$0xFFFFFF90] =	vst v0  }
0x8d: {  	v0 =	vld [tilespmem:$0x6820]  }
0x8e: {  	v49 =	vld [tilespmem:$0x6860]  }
0x8f: {  	v50 =	vld [tilespmem:$0x68A0]  }
0x90: {  	v51 =	vld [tilespmem:$0x68E0]  }
0x91: {  	v52 =	vld [tilespmem:$0x6920]  }
0x92: {  	v53 =	vld [tilespmem:$0x6960];
	v0 =	vmax.f32 v0, $0.0e+00  }
0x93: {  	v54 =	vld [tilespmem:$0x69A0];
	v0 =	vmax.f32 v0, v49  }
0x94: {  	v55 =	vld [tilespmem:$0x69E0];
	v0 =	vmax.f32 v0, v50  }
0x95: {  	v56 =	vld [tilespmem:$0x6A20];
	v0 =	vmax.f32 v0, v51  }
0x96: {  	v57 =	vld [tilespmem:$0x6A60];
	v0 =	vmax.f32 v0, v52  }
0x97: {  	v58 =	vld [tilespmem:$0x6AA0];
	v0 =	vmax.f32 v0, v53  }
0x98: {  	v59 =	vld [tilespmem:$0x6AE0];
	v0 =	vmax.f32 v0, v54  }
0x99: {  	v60 =	vld [tilespmem:$0x6B20];
	v0 =	vmax.f32 v0, v55  }
0x9a: {  	v61 =	vld [tilespmem:$0x6B60];
	v0 =	vmax.f32 v0, v56  }
0x9b: {  	v62 =	vld [tilespmem:$0x6BA0];
	v0 =	vmax.f32 v0, v57  }
0x9c: {  	v63 =	vld [tilespmem:$0x6BE0];
	v0 =	vmax.f32 v0, v58  }
0x9d: {  	v8 =	vld [tilespmem:$0x6C20];
	v0 =	vmax.f32 v0, v59  }
0x9e: {  	v9 =	vld [tilespmem:$0x6C60];
	v0 =	vmax.f32 v0, v60  }
0x9f: {  	v10 =	vld [tilespmem:$0x6CA0];
	v0 =	vmax.f32 v0, v61  }
0xa0: {  	v11 =	vld [tilespmem:$0x6CE0];
	v0 =	vmax.f32 v0, v62  }
0xa1: {  	v12 =	vld [tilespmem:$0x6D20];
	v0 =	vmax.f32 v0, v63  }
0xa2: {  	v13 =	vld [tilespmem:$0x6D60];
	v0 =	vmax.f32 v0, v8  }
0xa3: {  	v14 =	vld [tilespmem:$0x6DA0];
	v0 =	vmax.f32 v0, v9  }
0xa4: {  	v15 =	vld [tilespmem:$0x6DE0];
	v0 =	vmax.f32 v0, v10  }
0xa5: {  	v16 =	vld [tilespmem:$0x6E20];
	v0 =	vmax.f32 v0, v11  }
0xa6: {  	v17 =	vld [tilespmem:$0x6E60];
	v0 =	vmax.f32 v0, v12  }
0xa7: {  	v18 =	vld [tilespmem:$0x6EA0];
	v0 =	vmax.f32 v0, v13  }
0xa8: {  	v19 =	vld [tilespmem:$0x6EE0];
	v0 =	vmax.f32 v0, v14  }
0xa9: {  	v20 =	vld [tilespmem:$0x6F20];
	v0 =	vmax.f32 v0, v15  }
0xaa: {  	v21 =	vld [tilespmem:$0x6F60];
	v0 =	vmax.f32 v0, v16  }
0xab: {  	v22 =	vld [tilespmem:$0x6FA0];
	v0 =	vmax.f32 v0, v17  }
0xac: {  	v23 =	vld [tilespmem:$0x6FE0];
	v0 =	vmax.f32 v0, v18  }
0xad: {  	v24 =	vld [tilespmem:$0x7020];
	v0 =	vmax.f32 v0, v19  }
0xae: {  	v25 =	vld [tilespmem:$0x7060];
	v0 =	vmax.f32 v0, v20  }
0xaf: {  	v26 =	vld [tilespmem:$0x70A0];
	v0 =	vmax.f32 v0, v21  }
0xb0: {  	v27 =	vld [tilespmem:$0x70E0];
	v0 =	vmax.f32 v0, v22  }
0xb1: {  	v28 =	vld [tilespmem:$0x7120];
	v0 =	vmax.f32 v0, v23  }
0xb2: {  	v29 =	vld [tilespmem:$0x7160];
	v0 =	vmax.f32 v0, v24  }
0xb3: {  	v30 =	vld [tilespmem:$0x71A0];
	v0 =	vmax.f32 v0, v25  }
0xb4: {  	v31 =	vld [tilespmem:$0x71E0];
	v0 =	vmax.f32 v0, v26  }
0xb5: {  	v32 =	vld [tilespmem:$0x7220];
	v0 =	vmax.f32 v0, v27  }
0xb6: {  	v33 =	vld [tilespmem:$0x7260];
	v0 =	vmax.f32 v0, v28  }
0xb7: {  	v34 =	vld [tilespmem:$0x72A0];
	v0 =	vmax.f32 v0, v29  }
0xb8: {  	v35 =	vld [tilespmem:$0x72E0];
	v0 =	vmax.f32 v0, v30  }
0xb9: {  	v36 =	vld [tilespmem:$0x7320];
	v0 =	vmax.f32 v0, v31  }
0xba: {  	v37 =	vld [tilespmem:$0x7360];
	v0 =	vmax.f32 v0, v32  }
0xbb: {  	v38 =	vld [tilespmem:$0x73A0];
	v0 =	vmax.f32 v0, v33  }
0xbc: {  	v39 =	vld [tilespmem:$0x73E0];
	v0 =	vmax.f32 v0, v34  }
0xbd: {  	v40 =	vld [tilespmem:$0x7420];
	v0 =	vmax.f32 v0, v35  }
0xbe: {  	v41 =	vld [tilespmem:$0x7460];
	v0 =	vmax.f32 v0, v36  }
0xbf: {  	v0 =	vmax.f32 v0, v37  }
0xc0: {  	v0 =	vmax.f32 v0, v38  }
0xc1: {  	v0 =	vmax.f32 v0, v39  }
0xc2: {  	v0 =	vmax.f32 v0, v40  }
0xc3: {  	v0 =	vmax.f32 v0, v41  }
0xc4: {  	[tilespmem:s17+$0xFFFFFFA0] =	vst v0  }
0xc5: {  	v0 =	vld [tilespmem:$0x6830]  }
0xc6: {  	v42 =	vld [tilespmem:$0x6870]  }
0xc7: {  	v43 =	vld [tilespmem:$0x68B0]  }
0xc8: {  	v44 =	vld [tilespmem:$0x68F0]  }
0xc9: {  	v45 =	vld [tilespmem:$0x6930]  }
0xca: {  	v46 =	vld [tilespmem:$0x6970];
	v0 =	vmax.f32 v0, $0.0e+00  }
0xcb: {  	v47 =	vld [tilespmem:$0x69B0];
	v0 =	vmax.f32 v0, v42  }
0xcc: {  	v48 =	vld [tilespmem:$0x69F0];
	v0 =	vmax.f32 v0, v43  }
0xcd: {  	v49 =	vld [tilespmem:$0x6A30];
	v0 =	vmax.f32 v0, v44  }
0xce: {  	v50 =	vld [tilespmem:$0x6A70];
	v0 =	vmax.f32 v0, v45  }
0xcf: {  	v51 =	vld [tilespmem:$0x6AB0];
	v0 =	vmax.f32 v0, v46  }
0xd0: {  	v52 =	vld [tilespmem:$0x6AF0];
	v0 =	vmax.f32 v0, v47  }
0xd1: {  	v53 =	vld [tilespmem:$0x6B30];
	v0 =	vmax.f32 v0, v48  }
0xd2: {  	v54 =	vld [tilespmem:$0x6B70];
	v0 =	vmax.f32 v0, v49  }
0xd3: {  	v55 =	vld [tilespmem:$0x6BB0];
	v0 =	vmax.f32 v0, v50  }
0xd4: {  	v56 =	vld [tilespmem:$0x6BF0];
	v0 =	vmax.f32 v0, v51  }
0xd5: {  	v57 =	vld [tilespmem:$0x6C30];
	v0 =	vmax.f32 v0, v52  }
0xd6: {  	v58 =	vld [tilespmem:$0x6C70];
	v0 =	vmax.f32 v0, v53  }
0xd7: {  	v59 =	vld [tilespmem:$0x6CB0];
	v0 =	vmax.f32 v0, v54  }
0xd8: {  	v60 =	vld [tilespmem:$0x6CF0];
	v0 =	vmax.f32 v0, v55  }
0xd9: {  	v61 =	vld [tilespmem:$0x6D30];
	v0 =	vmax.f32 v0, v56  }
0xda: {  	v62 =	vld [tilespmem:$0x6D70];
	v0 =	vmax.f32 v0, v57  }
0xdb: {  	v63 =	vld [tilespmem:$0x6DB0];
	v0 =	vmax.f32 v0, v58  }
0xdc: {  	v8 =	vld [tilespmem:$0x6DF0];
	v0 =	vmax.f32 v0, v59  }
0xdd: {  	v9 =	vld [tilespmem:$0x6E30];
	v0 =	vmax.f32 v0, v60  }
0xde: {  	v10 =	vld [tilespmem:$0x6E70];
	v0 =	vmax.f32 v0, v61  }
0xdf: {  	v11 =	vld [tilespmem:$0x6EB0];
	v0 =	vmax.f32 v0, v62  }
0xe0: {  	v12 =	vld [tilespmem:$0x6EF0];
	v0 =	vmax.f32 v0, v63  }
0xe1: {  	v13 =	vld [tilespmem:$0x6F30];
	v0 =	vmax.f32 v0, v8  }
0xe2: {  	v14 =	vld [tilespmem:$0x6F70];
	v0 =	vmax.f32 v0, v9  }
0xe3: {  	v15 =	vld [tilespmem:$0x6FB0];
	v0 =	vmax.f32 v0, v10  }
0xe4: {  	v16 =	vld [tilespmem:$0x6FF0];
	v0 =	vmax.f32 v0, v11  }
0xe5: {  	v17 =	vld [tilespmem:$0x7030];
	v0 =	vmax.f32 v0, v12  }
0xe6: {  	v18 =	vld [tilespmem:$0x7070];
	v0 =	vmax.f32 v0, v13  }
0xe7: {  	v19 =	vld [tilespmem:$0x70B0];
	v0 =	vmax.f32 v0, v14  }
0xe8: {  	v20 =	vld [tilespmem:$0x70F0];
	v0 =	vmax.f32 v0, v15  }
0xe9: {  	v21 =	vld [tilespmem:$0x7130];
	v0 =	vmax.f32 v0, v16  }
0xea: {  	v22 =	vld [tilespmem:$0x7170];
	v0 =	vmax.f32 v0, v17  }
0xeb: {  	v23 =	vld [tilespmem:$0x71B0];
	v0 =	vmax.f32 v0, v18  }
0xec: {  	v24 =	vld [tilespmem:$0x71F0];
	v0 =	vmax.f32 v0, v19  }
0xed: {  	v25 =	vld [tilespmem:$0x7230];
	v0 =	vmax.f32 v0, v20  }
0xee: {  	v26 =	vld [tilespmem:$0x7270];
	v0 =	vmax.f32 v0, v21  }
0xef: {  	v27 =	vld [tilespmem:$0x72B0];
	v0 =	vmax.f32 v0, v22  }
0xf0: {  	v28 =	vld [tilespmem:$0x72F0];
	v0 =	vmax.f32 v0, v23  }
0xf1: {  	v29 =	vld [tilespmem:$0x7330];
	v0 =	vmax.f32 v0, v24  }
0xf2: {  	v30 =	vld [tilespmem:$0x7370];
	v0 =	vmax.f32 v0, v25  }
0xf3: {  	v31 =	vld [tilespmem:$0x73B0];
	v0 =	vmax.f32 v0, v26  }
0xf4: {  	v32 =	vld [tilespmem:$0x73F0];
	v0 =	vmax.f32 v0, v27  }
0xf5: {  	v33 =	vld [tilespmem:$0x7430];
	v0 =	vmax.f32 v0, v28  }
0xf6: {  	v34 =	vld [tilespmem:$0x7470];
	v0 =	vmax.f32 v0, v29  }
0xf7: {  	v0 =	vmax.f32 v0, v30  }
0xf8: {  	v0 =	vmax.f32 v0, v31  }
0xf9: {  	v0 =	vmax.f32 v0, v32  }
0xfa: {  	v0 =	vmax.f32 v0, v33  }
0xfb: {  	v0 =	vmax.f32 v0, v34  }
0xfc: {  	[tilespmem:s17+$0xFFFFFFB0] =	vst v0  }
0xfd: {  	v0 =	vld [tilespmem:$0x7480]  }
0xfe: {  	v35 =	vld [tilespmem:$0x74C0]  }
0xff: {  	v36 =	vld [tilespmem:$0x7500]  }
0x100: {  	v37 =	vld [tilespmem:$0x7540]  }
0x101: {  	v38 =	vld [tilespmem:$0x7580]  }
0x102: {  	v39 =	vld [tilespmem:$0x75C0];
	v0 =	vmax.f32 v0, $0.0e+00  }
0x103: {  	v40 =	vld [tilespmem:$0x7600];
	v0 =	vmax.f32 v0, v35  }
0x104: {  	v41 =	vld [tilespmem:$0x7640];
	v0 =	vmax.f32 v0, v36  }
0x105: {  	v42 =	vld [tilespmem:$0x7680];
	v0 =	vmax.f32 v0, v37  }
0x106: {  	v43 =	vld [tilespmem:$0x76C0];
	v0 =	vmax.f32 v0, v38  }
0x107: {  	v44 =	vld [tilespmem:$0x7700];
	v0 =	vmax.f32 v0, v39  }
0x108: {  	v45 =	vld [tilespmem:$0x7740];
	v0 =	vmax.f32 v0, v40  }
0x109: {  	v46 =	vld [tilespmem:$0x7780];
	v0 =	vmax.f32 v0, v41  }
0x10a: {  	v47 =	vld [tilespmem:$0x77C0];
	v0 =	vmax.f32 v0, v42  }
0x10b: {  	v48 =	vld [tilespmem:$0x7800];
	v0 =	vmax.f32 v0, v43  }
0x10c: {  	v49 =	vld [tilespmem:$0x7840];
	v0 =	vmax.f32 v0, v44  }
0x10d: {  	v50 =	vld [tilespmem:$0x7880];
	v0 =	vmax.f32 v0, v45  }
0x10e: {  	v51 =	vld [tilespmem:$0x78C0];
	v0 =	vmax.f32 v0, v46  }
0x10f: {  	v52 =	vld [tilespmem:$0x7900];
	v0 =	vmax.f32 v0, v47  }
0x110: {  	v53 =	vld [tilespmem:$0x7940];
	v0 =	vmax.f32 v0, v48  }
0x111: {  	v54 =	vld [tilespmem:$0x7980];
	v0 =	vmax.f32 v0, v49  }
0x112: {  	v55 =	vld [tilespmem:$0x79C0];
	v0 =	vmax.f32 v0, v50  }
0x113: {  	v56 =	vld [tilespmem:$0x7A00];
	v0 =	vmax.f32 v0, v51  }
0x114: {  	v57 =	vld [tilespmem:$0x7A40];
	v0 =	vmax.f32 v0, v52  }
0x115: {  	v58 =	vld [tilespmem:$0x7A80];
	v0 =	vmax.f32 v0, v53  }
0x116: {  	v59 =	vld [tilespmem:$0x7AC0];
	v0 =	vmax.f32 v0, v54  }
0x117: {  	v60 =	vld [tilespmem:$0x7B00];
	v0 =	vmax.f32 v0, v55  }
0x118: {  	v61 =	vld [tilespmem:$0x7B40];
	v0 =	vmax.f32 v0, v56  }
0x119: {  	v62 =	vld [tilespmem:$0x7B80];
	v0 =	vmax.f32 v0, v57  }
0x11a: {  	v63 =	vld [tilespmem:$0x7BC0];
	v0 =	vmax.f32 v0, v58  }
0x11b: {  	v8 =	vld [tilespmem:$0x7C00];
	v0 =	vmax.f32 v0, v59  }
0x11c: {  	v9 =	vld [tilespmem:$0x7C40];
	v0 =	vmax.f32 v0, v60  }
0x11d: {  	v10 =	vld [tilespmem:$0x7C80];
	v0 =	vmax.f32 v0, v61  }
0x11e: {  	v11 =	vld [tilespmem:$0x7CC0];
	v0 =	vmax.f32 v0, v62  }
0x11f: {  	v12 =	vld [tilespmem:$0x7D00];
	v0 =	vmax.f32 v0, v63  }
0x120: {  	v13 =	vld [tilespmem:$0x7D40];
	v0 =	vmax.f32 v0, v8  }
0x121: {  	v14 =	vld [tilespmem:$0x7D80];
	v0 =	vmax.f32 v0, v9  }
0x122: {  	v15 =	vld [tilespmem:$0x7DC0];
	v0 =	vmax.f32 v0, v10  }
0x123: {  	v16 =	vld [tilespmem:$0x7E00];
	v0 =	vmax.f32 v0, v11  }
0x124: {  	v17 =	vld [tilespmem:$0x7E40];
	v0 =	vmax.f32 v0, v12  }
0x125: {  	v18 =	vld [tilespmem:$0x7E80];
	v0 =	vmax.f32 v0, v13  }
0x126: {  	v19 =	vld [tilespmem:$0x7EC0];
	v0 =	vmax.f32 v0, v14  }
0x127: {  	v20 =	vld [tilespmem:$0x7F00];
	v0 =	vmax.f32 v0, v15  }
0x128: {  	v21 =	vld [tilespmem:$0x7F40];
	v0 =	vmax.f32 v0, v16  }
0x129: {  	v22 =	vld [tilespmem:$0x7F80];
	v0 =	vmax.f32 v0, v17  }
0x12a: {  	v23 =	vld [tilespmem:$0x7FC0];
	v0 =	vmax.f32 v0, v18  }
0x12b: {  	v24 =	vld [tilespmem:$0x8000];
	v0 =	vmax.f32 v0, v19  }
0x12c: {  	v25 =	vld [tilespmem:$0x8040];
	v0 =	vmax.f32 v0, v20  }
0x12d: {  	v26 =	vld [tilespmem:$0x8080];
	v0 =	vmax.f32 v0, v21  }
0x12e: {  	v27 =	vld [tilespmem:$0x80C0];
	v0 =	vmax.f32 v0, v22  }
0x12f: {  	v0 =	vmax.f32 v0, v23  }
0x130: {  	v0 =	vmax.f32 v0, v24  }
0x131: {  	v0 =	vmax.f32 v0, v25  }
0x132: {  	v0 =	vmax.f32 v0, v26  }
0x133: {  	v0 =	vmax.f32 v0, v27  }
0x134: {  	[tilespmem:s17+$0xFFFFFFC0] =	vst v0  }
0x135: {  	v0 =	vld [tilespmem:$0x7490]  }
0x136: {  	v28 =	vld [tilespmem:$0x74D0]  }
0x137: {  	v29 =	vld [tilespmem:$0x7510]  }
0x138: {  	v30 =	vld [tilespmem:$0x7550]  }
0x139: {  	v31 =	vld [tilespmem:$0x7590]  }
0x13a: {  	v32 =	vld [tilespmem:$0x75D0];
	v0 =	vmax.f32 v0, $0.0e+00  }
0x13b: {  	v33 =	vld [tilespmem:$0x7610];
	v0 =	vmax.f32 v0, v28  }
0x13c: {  	v34 =	vld [tilespmem:$0x7650];
	v0 =	vmax.f32 v0, v29  }
0x13d: {  	v35 =	vld [tilespmem:$0x7690];
	v0 =	vmax.f32 v0, v30  }
0x13e: {  	v36 =	vld [tilespmem:$0x76D0];
	v0 =	vmax.f32 v0, v31  }
0x13f: {  	v37 =	vld [tilespmem:$0x7710];
	v0 =	vmax.f32 v0, v32  }
0x140: {  	v38 =	vld [tilespmem:$0x7750];
	v0 =	vmax.f32 v0, v33  }
0x141: {  	v39 =	vld [tilespmem:$0x7790];
	v0 =	vmax.f32 v0, v34  }
0x142: {  	v40 =	vld [tilespmem:$0x77D0];
	v0 =	vmax.f32 v0, v35  }
0x143: {  	v41 =	vld [tilespmem:$0x7810];
	v0 =	vmax.f32 v0, v36  }
0x144: {  	v42 =	vld [tilespmem:$0x7850];
	v0 =	vmax.f32 v0, v37  }
0x145: {  	v43 =	vld [tilespmem:$0x7890];
	v0 =	vmax.f32 v0, v38  }
0x146: {  	v44 =	vld [tilespmem:$0x78D0];
	v0 =	vmax.f32 v0, v39  }
0x147: {  	v45 =	vld [tilespmem:$0x7910];
	v0 =	vmax.f32 v0, v40  }
0x148: {  	v46 =	vld [tilespmem:$0x7950];
	v0 =	vmax.f32 v0, v41  }
0x149: {  	v47 =	vld [tilespmem:$0x7990];
	v0 =	vmax.f32 v0, v42  }
0x14a: {  	v48 =	vld [tilespmem:$0x79D0];
	v0 =	vmax.f32 v0, v43  }
0x14b: {  	v49 =	vld [tilespmem:$0x7A10];
	v0 =	vmax.f32 v0, v44  }
0x14c: {  	v50 =	vld [tilespmem:$0x7A50];
	v0 =	vmax.f32 v0, v45  }
0x14d: {  	v51 =	vld [tilespmem:$0x7A90];
	v0 =	vmax.f32 v0, v46  }
0x14e: {  	v52 =	vld [tilespmem:$0x7AD0];
	v0 =	vmax.f32 v0, v47  }
0x14f: {  	v53 =	vld [tilespmem:$0x7B10];
	v0 =	vmax.f32 v0, v48  }
0x150: {  	v54 =	vld [tilespmem:$0x7B50];
	v0 =	vmax.f32 v0, v49  }
0x151: {  	v55 =	vld [tilespmem:$0x7B90];
	v0 =	vmax.f32 v0, v50  }
0x152: {  	v56 =	vld [tilespmem:$0x7BD0];
	v0 =	vmax.f32 v0, v51  }
0x153: {  	v57 =	vld [tilespmem:$0x7C10];
	v0 =	vmax.f32 v0, v52  }
0x154: {  	v58 =	vld [tilespmem:$0x7C50];
	v0 =	vmax.f32 v0, v53  }
0x155: {  	v59 =	vld [tilespmem:$0x7C90];
	v0 =	vmax.f32 v0, v54  }
0x156: {  	v60 =	vld [tilespmem:$0x7CD0];
	v0 =	vmax.f32 v0, v55  }
0x157: {  	v61 =	vld [tilespmem:$0x7D10];
	v0 =	vmax.f32 v0, v56  }
0x158: {  	v62 =	vld [tilespmem:$0x7D50];
	v0 =	vmax.f32 v0, v57  }
0x159: {  	v63 =	vld [tilespmem:$0x7D90];
	v0 =	vmax.f32 v0, v58  }
0x15a: {  	v8 =	vld [tilespmem:$0x7DD0];
	v0 =	vmax.f32 v0, v59  }
0x15b: {  	v9 =	vld [tilespmem:$0x7E10];
	v0 =	vmax.f32 v0, v60  }
0x15c: {  	v10 =	vld [tilespmem:$0x7E50];
	v0 =	vmax.f32 v0, v61  }
0x15d: {  	v11 =	vld [tilespmem:$0x7E90];
	v0 =	vmax.f32 v0, v62  }
0x15e: {  	v12 =	vld [tilespmem:$0x7ED0];
	v0 =	vmax.f32 v0, v63  }
0x15f: {  	v13 =	vld [tilespmem:$0x7F10];
	v0 =	vmax.f32 v0, v8  }
0x160: {  	v14 =	vld [tilespmem:$0x7F50];
	v0 =	vmax.f32 v0, v9  }
0x161: {  	v15 =	vld [tilespmem:$0x7F90];
	v0 =	vmax.f32 v0, v10  }
0x162: {  	v16 =	vld [tilespmem:$0x7FD0];
	v0 =	vmax.f32 v0, v11  }
0x163: {  	v17 =	vld [tilespmem:$0x8010];
	v0 =	vmax.f32 v0, v12  }
0x164: {  	v18 =	vld [tilespmem:$0x8050];
	v0 =	vmax.f32 v0, v13  }
0x165: {  	v19 =	vld [tilespmem:$0x8090];
	v0 =	vmax.f32 v0, v14  }
0x166: {  	v20 =	vld [tilespmem:$0x80D0];
	v0 =	vmax.f32 v0, v15  }
0x167: {  	v0 =	vmax.f32 v0, v16  }
0x168: {  	v0 =	vmax.f32 v0, v17  }
0x169: {  	v0 =	vmax.f32 v0, v18  }
0x16a: {  	v0 =	vmax.f32 v0, v19  }
0x16b: {  	v0 =	vmax.f32 v0, v20  }
0x16c: {  	[tilespmem:s17+$0xFFFFFFD0] =	vst v0  }
0x16d: {  	v0 =	vld [tilespmem:$0x74A0]  }
0x16e: {  	v21 =	vld [tilespmem:$0x74E0]  }
0x16f: {  	v22 =	vld [tilespmem:$0x7520]  }
0x170: {  	v23 =	vld [tilespmem:$0x7560]  }
0x171: {  	v24 =	vld [tilespmem:$0x75A0]  }
0x172: {  	v25 =	vld [tilespmem:$0x75E0];
	v0 =	vmax.f32 v0, $0.0e+00  }
0x173: {  	v26 =	vld [tilespmem:$0x7620];
	v0 =	vmax.f32 v0, v21  }
0x174: {  	v27 =	vld [tilespmem:$0x7660];
	v0 =	vmax.f32 v0, v22  }
0x175: {  	v28 =	vld [tilespmem:$0x76A0];
	v0 =	vmax.f32 v0, v23  }
0x176: {  	v29 =	vld [tilespmem:$0x76E0];
	v0 =	vmax.f32 v0, v24  }
0x177: {  	v30 =	vld [tilespmem:$0x7720];
	v0 =	vmax.f32 v0, v25  }
0x178: {  	v31 =	vld [tilespmem:$0x7760];
	v0 =	vmax.f32 v0, v26  }
0x179: {  	v32 =	vld [tilespmem:$0x77A0];
	v0 =	vmax.f32 v0, v27  }
0x17a: {  	v33 =	vld [tilespmem:$0x77E0];
	v0 =	vmax.f32 v0, v28  }
0x17b: {  	v34 =	vld [tilespmem:$0x7820];
	v0 =	vmax.f32 v0, v29  }
0x17c: {  	v35 =	vld [tilespmem:$0x7860];
	v0 =	vmax.f32 v0, v30  }
0x17d: {  	v36 =	vld [tilespmem:$0x78A0];
	v0 =	vmax.f32 v0, v31  }
0x17e: {  	v37 =	vld [tilespmem:$0x78E0];
	v0 =	vmax.f32 v0, v32  }
0x17f: {  	v38 =	vld [tilespmem:$0x7920];
	v0 =	vmax.f32 v0, v33  }
0x180: {  	v39 =	vld [tilespmem:$0x7960];
	v0 =	vmax.f32 v0, v34  }
0x181: {  	v40 =	vld [tilespmem:$0x79A0];
	v0 =	vmax.f32 v0, v35  }
0x182: {  	v41 =	vld [tilespmem:$0x79E0];
	v0 =	vmax.f32 v0, v36  }
0x183: {  	v42 =	vld [tilespmem:$0x7A20];
	v0 =	vmax.f32 v0, v37  }
0x184: {  	v43 =	vld [tilespmem:$0x7A60];
	v0 =	vmax.f32 v0, v38  }
0x185: {  	v44 =	vld [tilespmem:$0x7AA0];
	v0 =	vmax.f32 v0, v39  }
0x186: {  	v45 =	vld [tilespmem:$0x7AE0];
	v0 =	vmax.f32 v0, v40  }
0x187: {  	v46 =	vld [tilespmem:$0x7B20];
	v0 =	vmax.f32 v0, v41  }
0x188: {  	v47 =	vld [tilespmem:$0x7B60];
	v0 =	vmax.f32 v0, v42  }
0x189: {  	v48 =	vld [tilespmem:$0x7BA0];
	v0 =	vmax.f32 v0, v43  }
0x18a: {  	v49 =	vld [tilespmem:$0x7BE0];
	v0 =	vmax.f32 v0, v44  }
0x18b: {  	v50 =	vld [tilespmem:$0x7C20];
	v0 =	vmax.f32 v0, v45  }
0x18c: {  	v51 =	vld [tilespmem:$0x7C60];
	v0 =	vmax.f32 v0, v46  }
0x18d: {  	v52 =	vld [tilespmem:$0x7CA0];
	v0 =	vmax.f32 v0, v47  }
0x18e: {  	v53 =	vld [tilespmem:$0x7CE0];
	v0 =	vmax.f32 v0, v48  }
0x18f: {  	v54 =	vld [tilespmem:$0x7D20];
	v0 =	vmax.f32 v0, v49  }
0x190: {  	v55 =	vld [tilespmem:$0x7D60];
	v0 =	vmax.f32 v0, v50  }
0x191: {  	v56 =	vld [tilespmem:$0x7DA0];
	v0 =	vmax.f32 v0, v51  }
0x192: {  	v57 =	vld [tilespmem:$0x7DE0];
	v0 =	vmax.f32 v0, v52  }
0x193: {  	v58 =	vld [tilespmem:$0x7E20];
	v0 =	vmax.f32 v0, v53  }
0x194: {  	v59 =	vld [tilespmem:$0x7E60];
	v0 =	vmax.f32 v0, v54  }
0x195: {  	v60 =	vld [tilespmem:$0x7EA0];
	v0 =	vmax.f32 v0, v55  }
0x196: {  	v61 =	vld [tilespmem:$0x7EE0];
	v0 =	vmax.f32 v0, v56  }
0x197: {  	v62 =	vld [tilespmem:$0x7F20];
	v0 =	vmax.f32 v0, v57  }
0x198: {  	v63 =	vld [tilespmem:$0x7F60];
	v0 =	vmax.f32 v0, v58  }
0x199: {  	v8 =	vld [tilespmem:$0x7FA0];
	v0 =	vmax.f32 v0, v59  }
0x19a: {  	v9 =	vld [tilespmem:$0x7FE0];
	v0 =	vmax.f32 v0, v60  }
0x19b: {  	v10 =	vld [tilespmem:$0x8020];
	v0 =	vmax.f32 v0, v61  }
0x19c: {  	v11 =	vld [tilespmem:$0x8060];
	v0 =	vmax.f32 v0, v62  }
0x19d: {  	v12 =	vld [tilespmem:$0x80A0];
	v0 =	vmax.f32 v0, v63  }
0x19e: {  	v13 =	vld [tilespmem:$0x80E0];
	v0 =	vmax.f32 v0, v8  }
0x19f: {  	v0 =	vmax.f32 v0, v9  }
0x1a0: {  	v0 =	vmax.f32 v0, v10  }
0x1a1: {  	v0 =	vmax.f32 v0, v11  }
0x1a2: {  	v0 =	vmax.f32 v0, v12  }
0x1a3: {  	v0 =	vmax.f32 v0, v13  }
0x1a4: {  	[tilespmem:s17+$0xFFFFFFE0] =	vst v0  }
0x1a5: {  	v0 =	vld [tilespmem:$0x74B0]  }
0x1a6: {  	v14 =	vld [tilespmem:$0x74F0]  }
0x1a7: {  	v15 =	vld [tilespmem:$0x7530]  }
0x1a8: {  	v16 =	vld [tilespmem:$0x7570]  }
0x1a9: {  	v17 =	vld [tilespmem:$0x75B0]  }
0x1aa: {  	v18 =	vld [tilespmem:$0x75F0];
	v0 =	vmax.f32 v0, $0.0e+00  }
0x1ab: {  	v19 =	vld [tilespmem:$0x7630];
	v0 =	vmax.f32 v0, v14  }
0x1ac: {  	v20 =	vld [tilespmem:$0x7670];
	v0 =	vmax.f32 v0, v15  }
0x1ad: {  	v21 =	vld [tilespmem:$0x76B0];
	v0 =	vmax.f32 v0, v16  }
0x1ae: {  	v22 =	vld [tilespmem:$0x76F0];
	v0 =	vmax.f32 v0, v17  }
0x1af: {  	v23 =	vld [tilespmem:$0x7730];
	v0 =	vmax.f32 v0, v18  }
0x1b0: {  	v24 =	vld [tilespmem:$0x7770];
	v0 =	vmax.f32 v0, v19  }
0x1b1: {  	v25 =	vld [tilespmem:$0x77B0];
	v0 =	vmax.f32 v0, v20  }
0x1b2: {  	v26 =	vld [tilespmem:$0x77F0];
	v0 =	vmax.f32 v0, v21  }
0x1b3: {  	v27 =	vld [tilespmem:$0x7830];
	v0 =	vmax.f32 v0, v22  }
0x1b4: {  	v28 =	vld [tilespmem:$0x7870];
	v0 =	vmax.f32 v0, v23  }
0x1b5: {  	v29 =	vld [tilespmem:$0x78B0];
	v0 =	vmax.f32 v0, v24  }
0x1b6: {  	v30 =	vld [tilespmem:$0x78F0];
	v0 =	vmax.f32 v0, v25  }
0x1b7: {  	v31 =	vld [tilespmem:$0x7930];
	v0 =	vmax.f32 v0, v26  }
0x1b8: {  	v32 =	vld [tilespmem:$0x7970];
	v0 =	vmax.f32 v0, v27  }
0x1b9: {  	v33 =	vld [tilespmem:$0x79B0];
	v0 =	vmax.f32 v0, v28  }
0x1ba: {  	v34 =	vld [tilespmem:$0x79F0];
	v0 =	vmax.f32 v0, v29  }
0x1bb: {  	v35 =	vld [tilespmem:$0x7A30];
	v0 =	vmax.f32 v0, v30  }
0x1bc: {  	v36 =	vld [tilespmem:$0x7A70];
	v0 =	vmax.f32 v0, v31  }
0x1bd: {  	v37 =	vld [tilespmem:$0x7AB0];
	v0 =	vmax.f32 v0, v32  }
0x1be: {  	v38 =	vld [tilespmem:$0x7AF0];
	v0 =	vmax.f32 v0, v33  }
0x1bf: {  	v39 =	vld [tilespmem:$0x7B30];
	v0 =	vmax.f32 v0, v34  }
0x1c0: {  	v40 =	vld [tilespmem:$0x7B70];
	v0 =	vmax.f32 v0, v35  }
0x1c1: {  	v41 =	vld [tilespmem:$0x7BB0];
	v0 =	vmax.f32 v0, v36  }
0x1c2: {  	v42 =	vld [tilespmem:$0x7BF0];
	v0 =	vmax.f32 v0, v37  }
0x1c3: {  	v43 =	vld [tilespmem:$0x7C30];
	v0 =	vmax.f32 v0, v38  }
0x1c4: {  	v44 =	vld [tilespmem:$0x7C70];
	v0 =	vmax.f32 v0, v39  }
0x1c5: {  	v45 =	vld [tilespmem:$0x7CB0];
	v0 =	vmax.f32 v0, v40  }
0x1c6: {  	v46 =	vld [tilespmem:$0x7CF0];
	v0 =	vmax.f32 v0, v41  }
0x1c7: {  	v47 =	vld [tilespmem:$0x7D30];
	v0 =	vmax.f32 v0, v42  }
0x1c8: {  	v48 =	vld [tilespmem:$0x7D70];
	v0 =	vmax.f32 v0, v43  }
0x1c9: {  	v49 =	vld [tilespmem:$0x7DB0];
	v0 =	vmax.f32 v0, v44  }
0x1ca: {  	v50 =	vld [tilespmem:$0x7DF0];
	v0 =	vmax.f32 v0, v45  }
0x1cb: {  	v51 =	vld [tilespmem:$0x7E30];
	v0 =	vmax.f32 v0, v46  }
0x1cc: {  	v52 =	vld [tilespmem:$0x7E70];
	v0 =	vmax.f32 v0, v47  }
0x1cd: {  	v53 =	vld [tilespmem:$0x7EB0];
	v0 =	vmax.f32 v0, v48  }
0x1ce: {  	v54 =	vld [tilespmem:$0x7EF0];
	v0 =	vmax.f32 v0, v49  }
0x1cf: {  	v55 =	vld [tilespmem:$0x7F30];
	v0 =	vmax.f32 v0, v50  }
0x1d0: {  	v56 =	vld [tilespmem:$0x7F70];
	v0 =	vmax.f32 v0, v51  }
0x1d1: {  	v57 =	vld [tilespmem:$0x7FB0];
	v0 =	vmax.f32 v0, v52  }
0x1d2: {  	v58 =	vld [tilespmem:$0x7FF0];
	v0 =	vmax.f32 v0, v53  }
0x1d3: {  	v59 =	vld [tilespmem:$0x8030];
	v0 =	vmax.f32 v0, v54  }
0x1d4: {  	v60 =	vld [tilespmem:$0x8070];
	v0 =	vmax.f32 v0, v55  }
0x1d5: {  	v61 =	vld [tilespmem:$0x80B0];
	v0 =	vmax.f32 v0, v56  }
0x1d6: {  	v62 =	vld [tilespmem:$0x80F0];
	v0 =	vmax.f32 v0, v57  }
0x1d7: {  	v0 =	vmax.f32 v0, v58  }
0x1d8: {  	v0 =	vmax.f32 v0, v59  }
0x1d9: {  	v0 =	vmax.f32 v0, v60  }
0x1da: {  	p0 =	seq.s32 s16, $0x0;
	v0 =	vmax.f32 v0, v61  }
0x1db: {  	s18 =	sshra.s32 @!p0 s16, $0x2;
	v0 =	vmax.f32 v0, v62  }
0x1dc: {  	s19 =	simm.s32 @!p0 $0x64;
	s20 =	simm.s32 @!p0 $0x6800;
	s18 =	sadd.s32 @!p0 $0x6800, s18;
	[tilespmem:s17+$0xFFFFFFF0] =	vst v0  }
0x1dd: {  	[tilespmem:s20], [sflag:$0x1] =	stream.indirect.gather @!p0 [hbm4b:s3+s19], $0x40, s18, s19, $0xb8;
	[tilespmem:$0x11A00] =	vst v63  }
0x1de: {  	_ =	swait.ge [sflag:s13], $0x1900  }
0x1df: {  	[sflag:s13] =	ssyncset.done $0x0  }
0x1e0: {  	[sflag:s13] =	ssyncadd.s32 $0xFFFFE700  }
0x1e1: {  	v63 =	vld [tilespmem:$0x8100]  }
0x1e2: {  	v8 =	vld [tilespmem:$0x8140]  }
0x1e3: {  	v9 =	vld [tilespmem:$0x8180]  }
0x1e4: {  	v10 =	vld [tilespmem:$0x81C0]  }
0x1e5: {  	v11 =	vld [tilespmem:$0x8200]  }
0x1e6: {  	v12 =	vld [tilespmem:$0x8240];
	v0 =	vmax.f32 v63, $0.0e+00  }
0x1e7: {  	v13 =	vld [tilespmem:$0x8280];
	v0 =	vmax.f32 v0, v8  }
0x1e8: {  	v14 =	vld [tilespmem:$0x82C0];
	v0 =	vmax.f32 v0, v9  }
0x1e9: {  	v15 =	vld [tilespmem:$0x8300];
	v0 =	vmax.f32 v0, v10  }
0x1ea: {  	v16 =	vld [tilespmem:$0x8340];
	v0 =	vmax.f32 v0, v11  }
0x1eb: {  	v17 =	vld [tilespmem:$0x8380];
	v0 =	vmax.f32 v0, v12  }
0x1ec: {  	v18 =	vld [tilespmem:$0x83C0];
	v0 =	vmax.f32 v0, v13  }
0x1ed: {  	v19 =	vld [tilespmem:$0x8400];
	v0 =	vmax.f32 v0, v14  }
0x1ee: {  	v20 =	vld [tilespmem:$0x8440];
	v0 =	vmax.f32 v0, v15  }
0x1ef: {  	v21 =	vld [tilespmem:$0x8480];
	v0 =	vmax.f32 v0, v16  }
0x1f0: {  	v22 =	vld [tilespmem:$0x84C0];
	v0 =	vmax.f32 v0, v17  }
0x1f1: {  	v23 =	vld [tilespmem:$0x8500];
	v0 =	vmax.f32 v0, v18  }
0x1f2: {  	v24 =	vld [tilespmem:$0x8540];
	v0 =	vmax.f32 v0, v19  }
0x1f3: {  	v25 =	vld [tilespmem:$0x8580];
	v0 =	vmax.f32 v0, v20  }
0x1f4: {  	v26 =	vld [tilespmem:$0x85C0];
	v0 =	vmax.f32 v0, v21  }
0x1f5: {  	v27 =	vld [tilespmem:$0x8600];
	v0 =	vmax.f32 v0, v22  }
0x1f6: {  	v28 =	vld [tilespmem:$0x8640];
	v0 =	vmax.f32 v0, v23  }
0x1f7: {  	v29 =	vld [tilespmem:$0x8680];
	v0 =	vmax.f32 v0, v24  }
0x1f8: {  	v30 =	vld [tilespmem:$0x86C0];
	v0 =	vmax.f32 v0, v25  }
0x1f9: {  	v31 =	vld [tilespmem:$0x8700];
	v0 =	vmax.f32 v0, v26  }
0x1fa: {  	v32 =	vld [tilespmem:$0x8740];
	v0 =	vmax.f32 v0, v27  }
0x1fb: {  	v33 =	vld [tilespmem:$0x8780];
	v0 =	vmax.f32 v0, v28  }
0x1fc: {  	v34 =	vld [tilespmem:$0x87C0];
	v0 =	vmax.f32 v0, v29  }
0x1fd: {  	v35 =	vld [tilespmem:$0x8800];
	v0 =	vmax.f32 v0, v30  }
0x1fe: {  	v36 =	vld [tilespmem:$0x8840];
	v0 =	vmax.f32 v0, v31  }
0x1ff: {  	v37 =	vld [tilespmem:$0x8880];
	v0 =	vmax.f32 v0, v32  }
0x200: {  	v38 =	vld [tilespmem:$0x88C0];
	v0 =	vmax.f32 v0, v33  }
0x201: {  	v39 =	vld [tilespmem:$0x8900];
	v0 =	vmax.f32 v0, v34  }
0x202: {  	v40 =	vld [tilespmem:$0x8940];
	v0 =	vmax.f32 v0, v35  }
0x203: {  	v41 =	vld [tilespmem:$0x8980];
	v0 =	vmax.f32 v0, v36  }
0x204: {  	v42 =	vld [tilespmem:$0x89C0];
	v0 =	vmax.f32 v0, v37  }
0x205: {  	v43 =	vld [tilespmem:$0x8A00];
	v0 =	vmax.f32 v0, v38  }
0x206: {  	v44 =	vld [tilespmem:$0x8A40];
	v0 =	vmax.f32 v0, v39  }
0x207: {  	v45 =	vld [tilespmem:$0x8A80];
	v0 =	vmax.f32 v0, v40  }
0x208: {  	v46 =	vld [tilespmem:$0x8AC0];
	v0 =	vmax.f32 v0, v41  }
0x209: {  	v47 =	vld [tilespmem:$0x8B00];
	v0 =	vmax.f32 v0, v42  }
0x20a: {  	v48 =	vld [tilespmem:$0x8B40];
	v0 =	vmax.f32 v0, v43  }
0x20b: {  	v49 =	vld [tilespmem:$0x8B80];
	v0 =	vmax.f32 v0, v44  }
0x20c: {  	v50 =	vld [tilespmem:$0x8BC0];
	v0 =	vmax.f32 v0, v45  }
0x20d: {  	v51 =	vld [tilespmem:$0x8C00];
	v0 =	vmax.f32 v0, v46  }
0x20e: {  	v52 =	vld [tilespmem:$0x8C40];
	v0 =	vmax.f32 v0, v47  }
0x20f: {  	v53 =	vld [tilespmem:$0x8C80];
	v0 =	vmax.f32 v0, v48  }
0x210: {  	v54 =	vld [tilespmem:$0x8CC0];
	v0 =	vmax.f32 v0, v49  }
0x211: {  	v55 =	vld [tilespmem:$0x8D00];
	v0 =	vmax.f32 v0, v50  }
0x212: {  	v56 =	vld [tilespmem:$0x8D40];
	v0 =	vmax.f32 v0, v51  }
0x213: {  	v0 =	vmax.f32 v0, v52  }
0x214: {  	v0 =	vmax.f32 v0, v53  }
0x215: {  	v0 =	vmax.f32 v0, v54  }
0x216: {  	v0 =	vmax.f32 v0, v55  }
0x217: {  	v0 =	vmax.f32 v0, v56  }
0x218: {  	[tilespmem:s17+$0x0] =	vst v0  }
0x219: {  	v0 =	vld [tilespmem:$0x8110]  }
0x21a: {  	v57 =	vld [tilespmem:$0x8150]  }
0x21b: {  	v58 =	vld [tilespmem:$0x8190]  }
0x21c: {  	v59 =	vld [tilespmem:$0x81D0]  }
0x21d: {  	v60 =	vld [tilespmem:$0x8210]  }
0x21e: {  	v61 =	vld [tilespmem:$0x8250];
	v0 =	vmax.f32 v0, $0.0e+00  }
0x21f: {  	v62 =	vld [tilespmem:$0x8290];
	v0 =	vmax.f32 v0, v57  }
0x220: {  	v63 =	vld [tilespmem:$0x82D0];
	v0 =	vmax.f32 v0, v58  }
0x221: {  	v8 =	vld [tilespmem:$0x8310];
	v0 =	vmax.f32 v0, v59  }
0x222: {  	v9 =	vld [tilespmem:$0x8350];
	v0 =	vmax.f32 v0, v60  }
0x223: {  	v10 =	vld [tilespmem:$0x8390];
	v0 =	vmax.f32 v0, v61  }
0x224: {  	v11 =	vld [tilespmem:$0x83D0];
	v0 =	vmax.f32 v0, v62  }
0x225: {  	v12 =	vld [tilespmem:$0x8410];
	v0 =	vmax.f32 v0, v63  }
0x226: {  	v13 =	vld [tilespmem:$0x8450];
	v0 =	vmax.f32 v0, v8  }
0x227: {  	v14 =	vld [tilespmem:$0x8490];
	v0 =	vmax.f32 v0, v9  }
0x228: {  	v15 =	vld [tilespmem:$0x84D0];
	v0 =	vmax.f32 v0, v10  }
0x229: {  	v16 =	vld [tilespmem:$0x8510];
	v0 =	vmax.f32 v0, v11  }
0x22a: {  	v17 =	vld [tilespmem:$0x8550];
	v0 =	vmax.f32 v0, v12  }
0x22b: {  	v18 =	vld [tilespmem:$0x8590];
	v0 =	vmax.f32 v0, v13  }
0x22c: {  	v19 =	vld [tilespmem:$0x85D0];
	v0 =	vmax.f32 v0, v14  }
0x22d: {  	v20 =	vld [tilespmem:$0x8610];
	v0 =	vmax.f32 v0, v15  }
0x22e: {  	v21 =	vld [tilespmem:$0x8650];
	v0 =	vmax.f32 v0, v16  }
0x22f: {  	v22 =	vld [tilespmem:$0x8690];
	v0 =	vmax.f32 v0, v17  }
0x230: {  	v23 =	vld [tilespmem:$0x86D0];
	v0 =	vmax.f32 v0, v18  }
0x231: {  	v24 =	vld [tilespmem:$0x8710];
	v0 =	vmax.f32 v0, v19  }
0x232: {  	v25 =	vld [tilespmem:$0x8750];
	v0 =	vmax.f32 v0, v20  }
0x233: {  	v26 =	vld [tilespmem:$0x8790];
	v0 =	vmax.f32 v0, v21  }
0x234: {  	v27 =	vld [tilespmem:$0x87D0];
	v0 =	vmax.f32 v0, v22  }
0x235: {  	v28 =	vld [tilespmem:$0x8810];
	v0 =	vmax.f32 v0, v23  }
0x236: {  	v29 =	vld [tilespmem:$0x8850];
	v0 =	vmax.f32 v0, v24  }
0x237: {  	v30 =	vld [tilespmem:$0x8890];
	v0 =	vmax.f32 v0, v25  }
0x238: {  	v31 =	vld [tilespmem:$0x88D0];
	v0 =	vmax.f32 v0, v26  }
0x239: {  	v32 =	vld [tilespmem:$0x8910];
	v0 =	vmax.f32 v0, v27  }
0x23a: {  	v33 =	vld [tilespmem:$0x8950];
	v0 =	vmax.f32 v0, v28  }
0x23b: {  	v34 =	vld [tilespmem:$0x8990];
	v0 =	vmax.f32 v0, v29  }
0x23c: {  	v35 =	vld [tilespmem:$0x89D0];
	v0 =	vmax.f32 v0, v30  }
0x23d: {  	v36 =	vld [tilespmem:$0x8A10];
	v0 =	vmax.f32 v0, v31  }
0x23e: {  	v37 =	vld [tilespmem:$0x8A50];
	v0 =	vmax.f32 v0, v32  }
0x23f: {  	v38 =	vld [tilespmem:$0x8A90];
	v0 =	vmax.f32 v0, v33  }
0x240: {  	v39 =	vld [tilespmem:$0x8AD0];
	v0 =	vmax.f32 v0, v34  }
0x241: {  	v40 =	vld [tilespmem:$0x8B10];
	v0 =	vmax.f32 v0, v35  }
0x242: {  	v41 =	vld [tilespmem:$0x8B50];
	v0 =	vmax.f32 v0, v36  }
0x243: {  	v42 =	vld [tilespmem:$0x8B90];
	v0 =	vmax.f32 v0, v37  }
0x244: {  	v43 =	vld [tilespmem:$0x8BD0];
	v0 =	vmax.f32 v0, v38  }
0x245: {  	v44 =	vld [tilespmem:$0x8C10];
	v0 =	vmax.f32 v0, v39  }
0x246: {  	v45 =	vld [tilespmem:$0x8C50];
	v0 =	vmax.f32 v0, v40  }
0x247: {  	v46 =	vld [tilespmem:$0x8C90];
	v0 =	vmax.f32 v0, v41  }
0x248: {  	v47 =	vld [tilespmem:$0x8CD0];
	v0 =	vmax.f32 v0, v42  }
0x249: {  	v48 =	vld [tilespmem:$0x8D10];
	v0 =	vmax.f32 v0, v43  }
0x24a: {  	v49 =	vld [tilespmem:$0x8D50];
	v0 =	vmax.f32 v0, v44  }
0x24b: {  	v0 =	vmax.f32 v0, v45  }
0x24c: {  	v0 =	vmax.f32 v0, v46  }
0x24d: {  	v0 =	vmax.f32 v0, v47  }
0x24e: {  	v0 =	vmax.f32 v0, v48  }
0x24f: {  	v0 =	vmax.f32 v0, v49  }
0x250: {  	[tilespmem:s17+$0x10] =	vst v0  }
0x251: {  	v0 =	vld [tilespmem:$0x8120]  }
0x252: {  	v50 =	vld [tilespmem:$0x8160]  }
0x253: {  	v51 =	vld [tilespmem:$0x81A0]  }
0x254: {  	v52 =	vld [tilespmem:$0x81E0]  }
0x255: {  	v53 =	vld [tilespmem:$0x8220]  }
0x256: {  	v54 =	vld [tilespmem:$0x8260];
	v0 =	vmax.f32 v0, $0.0e+00  }
0x257: {  	v55 =	vld [tilespmem:$0x82A0];
	v0 =	vmax.f32 v0, v50  }
0x258: {  	v56 =	vld [tilespmem:$0x82E0];
	v0 =	vmax.f32 v0, v51  }
0x259: {  	v57 =	vld [tilespmem:$0x8320];
	v0 =	vmax.f32 v0, v52  }
0x25a: {  	v58 =	vld [tilespmem:$0x8360];
	v0 =	vmax.f32 v0, v53  }
0x25b: {  	v59 =	vld [tilespmem:$0x83A0];
	v0 =	vmax.f32 v0, v54  }
0x25c: {  	v60 =	vld [tilespmem:$0x83E0];
	v0 =	vmax.f32 v0, v55  }
0x25d: {  	v61 =	vld [tilespmem:$0x8420];
	v0 =	vmax.f32 v0, v56  }
0x25e: {  	v62 =	vld [tilespmem:$0x8460];
	v0 =	vmax.f32 v0, v57  }
0x25f: {  	v63 =	vld [tilespmem:$0x84A0];
	v0 =	vmax.f32 v0, v58  }
0x260: {  	v8 =	vld [tilespmem:$0x84E0];
	v0 =	vmax.f32 v0, v59  }
0x261: {  	v9 =	vld [tilespmem:$0x8520];
	v0 =	vmax.f32 v0, v60  }
0x262: {  	v10 =	vld [tilespmem:$0x8560];
	v0 =	vmax.f32 v0, v61  }
0x263: {  	v11 =	vld [tilespmem:$0x85A0];
	v0 =	vmax.f32 v0, v62  }
0x264: {  	v12 =	vld [tilespmem:$0x85E0];
	v0 =	vmax.f32 v0, v63  }
0x265: {  	v13 =	vld [tilespmem:$0x8620];
	v0 =	vmax.f32 v0, v8  }
0x266: {  	v14 =	vld [tilespmem:$0x8660];
	v0 =	vmax.f32 v0, v9  }
0x267: {  	v15 =	vld [tilespmem:$0x86A0];
	v0 =	vmax.f32 v0, v10  }
0x268: {  	v16 =	vld [tilespmem:$0x86E0];
	v0 =	vmax.f32 v0, v11  }
0x269: {  	v17 =	vld [tilespmem:$0x8720];
	v0 =	vmax.f32 v0, v12  }
0x26a: {  	v18 =	vld [tilespmem:$0x8760];
	v0 =	vmax.f32 v0, v13  }
0x26b: {  	v19 =	vld [tilespmem:$0x87A0];
	v0 =	vmax.f32 v0, v14  }
0x26c: {  	v20 =	vld [tilespmem:$0x87E0];
	v0 =	vmax.f32 v0, v15  }
0x26d: {  	v21 =	vld [tilespmem:$0x8820];
	v0 =	vmax.f32 v0, v16  }
0x26e: {  	v22 =	vld [tilespmem:$0x8860];
	v0 =	vmax.f32 v0, v17  }
0x26f: {  	v23 =	vld [tilespmem:$0x88A0];
	v0 =	vmax.f32 v0, v18  }
0x270: {  	v24 =	vld [tilespmem:$0x88E0];
	v0 =	vmax.f32 v0, v19  }
0x271: {  	v25 =	vld [tilespmem:$0x8920];
	v0 =	vmax.f32 v0, v20  }
0x272: {  	v26 =	vld [tilespmem:$0x8960];
	v0 =	vmax.f32 v0, v21  }
0x273: {  	v27 =	vld [tilespmem:$0x89A0];
	v0 =	vmax.f32 v0, v22  }
0x274: {  	v28 =	vld [tilespmem:$0x89E0];
	v0 =	vmax.f32 v0, v23  }
0x275: {  	v29 =	vld [tilespmem:$0x8A20];
	v0 =	vmax.f32 v0, v24  }
0x276: {  	v30 =	vld [tilespmem:$0x8A60];
	v0 =	vmax.f32 v0, v25  }
0x277: {  	v31 =	vld [tilespmem:$0x8AA0];
	v0 =	vmax.f32 v0, v26  }
0x278: {  	v32 =	vld [tilespmem:$0x8AE0];
	v0 =	vmax.f32 v0, v27  }
0x279: {  	v33 =	vld [tilespmem:$0x8B20];
	v0 =	vmax.f32 v0, v28  }
0x27a: {  	v34 =	vld [tilespmem:$0x8B60];
	v0 =	vmax.f32 v0, v29  }
0x27b: {  	v35 =	vld [tilespmem:$0x8BA0];
	v0 =	vmax.f32 v0, v30  }
0x27c: {  	v36 =	vld [tilespmem:$0x8BE0];
	v0 =	vmax.f32 v0, v31  }
0x27d: {  	v37 =	vld [tilespmem:$0x8C20];
	v0 =	vmax.f32 v0, v32  }
0x27e: {  	v38 =	vld [tilespmem:$0x8C60];
	v0 =	vmax.f32 v0, v33  }
0x27f: {  	v39 =	vld [tilespmem:$0x8CA0];
	v0 =	vmax.f32 v0, v34  }
0x280: {  	v40 =	vld [tilespmem:$0x8CE0];
	v0 =	vmax.f32 v0, v35  }
0x281: {  	v41 =	vld [tilespmem:$0x8D20];
	v0 =	vmax.f32 v0, v36  }
0x282: {  	v42 =	vld [tilespmem:$0x8D60];
	v0 =	vmax.f32 v0, v37  }
0x283: {  	v0 =	vmax.f32 v0, v38  }
0x284: {  	v0 =	vmax.f32 v0, v39  }
0x285: {  	v0 =	vmax.f32 v0, v40  }
0x286: {  	v0 =	vmax.f32 v0, v41  }
0x287: {  	v0 =	vmax.f32 v0, v42  }
0x288: {  	[tilespmem:s17+$0x20] =	vst v0  }
0x289: {  	v0 =	vld [tilespmem:$0x8130]  }
0x28a: {  	v43 =	vld [tilespmem:$0x8170]  }
0x28b: {  	v44 =	vld [tilespmem:$0x81B0]  }
0x28c: {  	v45 =	vld [tilespmem:$0x81F0]  }
0x28d: {  	v46 =	vld [tilespmem:$0x8230]  }
0x28e: {  	v47 =	vld [tilespmem:$0x8270];
	v0 =	vmax.f32 v0, $0.0e+00  }
0x28f: {  	v48 =	vld [tilespmem:$0x82B0];
	v0 =	vmax.f32 v0, v43  }
0x290: {  	v49 =	vld [tilespmem:$0x82F0];
	v0 =	vmax.f32 v0, v44  }
0x291: {  	v50 =	vld [tilespmem:$0x8330];
	v0 =	vmax.f32 v0, v45  }
0x292: {  	v51 =	vld [tilespmem:$0x8370];
	v0 =	vmax.f32 v0, v46  }
0x293: {  	v52 =	vld [tilespmem:$0x83B0];
	v0 =	vmax.f32 v0, v47  }
0x294: {  	v53 =	vld [tilespmem:$0x83F0];
	v0 =	vmax.f32 v0, v48  }
0x295: {  	v54 =	vld [tilespmem:$0x8430];
	v0 =	vmax.f32 v0, v49  }
0x296: {  	v55 =	vld [tilespmem:$0x8470];
	v0 =	vmax.f32 v0, v50  }
0x297: {  	v56 =	vld [tilespmem:$0x84B0];
	v0 =	vmax.f32 v0, v51  }
0x298: {  	v57 =	vld [tilespmem:$0x84F0];
	v0 =	vmax.f32 v0, v52  }
0x299: {  	v58 =	vld [tilespmem:$0x8530];
	v0 =	vmax.f32 v0, v53  }
0x29a: {  	v59 =	vld [tilespmem:$0x8570];
	v0 =	vmax.f32 v0, v54  }
0x29b: {  	v60 =	vld [tilespmem:$0x85B0];
	v0 =	vmax.f32 v0, v55  }
0x29c: {  	v61 =	vld [tilespmem:$0x85F0];
	v0 =	vmax.f32 v0, v56  }
0x29d: {  	v62 =	vld [tilespmem:$0x8630];
	v0 =	vmax.f32 v0, v57  }
0x29e: {  	v63 =	vld [tilespmem:$0x8670];
	v0 =	vmax.f32 v0, v58  }
0x29f: {  	v8 =	vld [tilespmem:$0x86B0];
	v0 =	vmax.f32 v0, v59  }
0x2a0: {  	v9 =	vld [tilespmem:$0x86F0];
	v0 =	vmax.f32 v0, v60  }
0x2a1: {  	v10 =	vld [tilespmem:$0x8730];
	v0 =	vmax.f32 v0, v61  }
0x2a2: {  	v11 =	vld [tilespmem:$0x8770];
	v0 =	vmax.f32 v0, v62  }
0x2a3: {  	v12 =	vld [tilespmem:$0x87B0];
	v0 =	vmax.f32 v0, v63  }
0x2a4: {  	v13 =	vld [tilespmem:$0x87F0];
	v0 =	vmax.f32 v0, v8  }
0x2a5: {  	v14 =	vld [tilespmem:$0x8830];
	v0 =	vmax.f32 v0, v9  }
0x2a6: {  	v15 =	vld [tilespmem:$0x8870];
	v0 =	vmax.f32 v0, v10  }
0x2a7: {  	v16 =	vld [tilespmem:$0x88B0];
	v0 =	vmax.f32 v0, v11  }
0x2a8: {  	v17 =	vld [tilespmem:$0x88F0];
	v0 =	vmax.f32 v0, v12  }
0x2a9: {  	v18 =	vld [tilespmem:$0x8930];
	v0 =	vmax.f32 v0, v13  }
0x2aa: {  	v19 =	vld [tilespmem:$0x8970];
	v0 =	vmax.f32 v0, v14  }
0x2ab: {  	v20 =	vld [tilespmem:$0x89B0];
	v0 =	vmax.f32 v0, v15  }
0x2ac: {  	v21 =	vld [tilespmem:$0x89F0];
	v0 =	vmax.f32 v0, v16  }
0x2ad: {  	v22 =	vld [tilespmem:$0x8A30];
	v0 =	vmax.f32 v0, v17  }
0x2ae: {  	v23 =	vld [tilespmem:$0x8A70];
	v0 =	vmax.f32 v0, v18  }
0x2af: {  	v24 =	vld [tilespmem:$0x8AB0];
	v0 =	vmax.f32 v0, v19  }
0x2b0: {  	v25 =	vld [tilespmem:$0x8AF0];
	v0 =	vmax.f32 v0, v20  }
0x2b1: {  	v26 =	vld [tilespmem:$0x8B30];
	v0 =	vmax.f32 v0, v21  }
0x2b2: {  	v27 =	vld [tilespmem:$0x8B70];
	v0 =	vmax.f32 v0, v22  }
0x2b3: {  	v28 =	vld [tilespmem:$0x8BB0];
	v0 =	vmax.f32 v0, v23  }
0x2b4: {  	v29 =	vld [tilespmem:$0x8BF0];
	v0 =	vmax.f32 v0, v24  }
0x2b5: {  	v30 =	vld [tilespmem:$0x8C30];
	v0 =	vmax.f32 v0, v25  }
0x2b6: {  	v31 =	vld [tilespmem:$0x8C70];
	v0 =	vmax.f32 v0, v26  }
0x2b7: {  	v32 =	vld [tilespmem:$0x8CB0];
	v0 =	vmax.f32 v0, v27  }
0x2b8: {  	v33 =	vld [tilespmem:$0x8CF0];
	v0 =	vmax.f32 v0, v28  }
0x2b9: {  	v34 =	vld [tilespmem:$0x8D30];
	v0 =	vmax.f32 v0, v29  }
0x2ba: {  	v35 =	vld [tilespmem:$0x8D70];
	v0 =	vmax.f32 v0, v30  }
0x2bb: {  	v0 =	vmax.f32 v0, v31  }
0x2bc: {  	v0 =	vmax.f32 v0, v32  }
0x2bd: {  	v0 =	vmax.f32 v0, v33  }
0x2be: {  	v0 =	vmax.f32 v0, v34  }
0x2bf: {  	v0 =	vmax.f32 v0, v35  }
0x2c0: {  	[tilespmem:s17+$0x30] =	vst v0  }
0x2c1: {  	v0 =	vld [tilespmem:$0x8D80]  }
0x2c2: {  	v36 =	vld [tilespmem:$0x8DC0]  }
0x2c3: {  	v37 =	vld [tilespmem:$0x8E00]  }
0x2c4: {  	v38 =	vld [tilespmem:$0x8E40]  }
0x2c5: {  	v39 =	vld [tilespmem:$0x8E80]  }
0x2c6: {  	v40 =	vld [tilespmem:$0x8EC0];
	v0 =	vmax.f32 v0, $0.0e+00  }
0x2c7: {  	v41 =	vld [tilespmem:$0x8F00];
	v0 =	vmax.f32 v0, v36  }
0x2c8: {  	v42 =	vld [tilespmem:$0x8F40];
	v0 =	vmax.f32 v0, v37  }
0x2c9: {  	v43 =	vld [tilespmem:$0x8F80];
	v0 =	vmax.f32 v0, v38  }
0x2ca: {  	v44 =	vld [tilespmem:$0x8FC0];
	v0 =	vmax.f32 v0, v39  }
0x2cb: {  	v45 =	vld [tilespmem:$0x9000];
	v0 =	vmax.f32 v0, v40  }
0x2cc: {  	v46 =	vld [tilespmem:$0x9040];
	v0 =	vmax.f32 v0, v41  }
0x2cd: {  	v47 =	vld [tilespmem:$0x9080];
	v0 =	vmax.f32 v0, v42  }
0x2ce: {  	v48 =	vld [tilespmem:$0x90C0];
	v0 =	vmax.f32 v0, v43  }
0x2cf: {  	v49 =	vld [tilespmem:$0x9100];
	v0 =	vmax.f32 v0, v44  }
0x2d0: {  	v50 =	vld [tilespmem:$0x9140];
	v0 =	vmax.f32 v0, v45  }
0x2d1: {  	v51 =	vld [tilespmem:$0x9180];
	v0 =	vmax.f32 v0, v46  }
0x2d2: {  	v52 =	vld [tilespmem:$0x91C0];
	v0 =	vmax.f32 v0, v47  }
0x2d3: {  	v53 =	vld [tilespmem:$0x9200];
	v0 =	vmax.f32 v0, v48  }
0x2d4: {  	v54 =	vld [tilespmem:$0x9240];
	v0 =	vmax.f32 v0, v49  }
0x2d5: {  	v55 =	vld [tilespmem:$0x9280];
	v0 =	vmax.f32 v0, v50  }
0x2d6: {  	v56 =	vld [tilespmem:$0x92C0];
	v0 =	vmax.f32 v0, v51  }
0x2d7: {  	v57 =	vld [tilespmem:$0x9300];
	v0 =	vmax.f32 v0, v52  }
0x2d8: {  	v58 =	vld [tilespmem:$0x9340];
	v0 =	vmax.f32 v0, v53  }
0x2d9: {  	v59 =	vld [tilespmem:$0x9380];
	v0 =	vmax.f32 v0, v54  }
0x2da: {  	v60 =	vld [tilespmem:$0x93C0];
	v0 =	vmax.f32 v0, v55  }
0x2db: {  	v61 =	vld [tilespmem:$0x9400];
	v0 =	vmax.f32 v0, v56  }
0x2dc: {  	v62 =	vld [tilespmem:$0x9440];
	v0 =	vmax.f32 v0, v57  }
0x2dd: {  	v63 =	vld [tilespmem:$0x9480];
	v0 =	vmax.f32 v0, v58  }
0x2de: {  	v8 =	vld [tilespmem:$0x94C0];
	v0 =	vmax.f32 v0, v59  }
0x2df: {  	v9 =	vld [tilespmem:$0x9500];
	v0 =	vmax.f32 v0, v60  }
0x2e0: {  	v10 =	vld [tilespmem:$0x9540];
	v0 =	vmax.f32 v0, v61  }
0x2e1: {  	v11 =	vld [tilespmem:$0x9580];
	v0 =	vmax.f32 v0, v62  }
0x2e2: {  	v12 =	vld [tilespmem:$0x95C0];
	v0 =	vmax.f32 v0, v63  }
0x2e3: {  	v13 =	vld [tilespmem:$0x9600];
	v0 =	vmax.f32 v0, v8  }
0x2e4: {  	v14 =	vld [tilespmem:$0x9640];
	v0 =	vmax.f32 v0, v9  }
0x2e5: {  	v15 =	vld [tilespmem:$0x9680];
	v0 =	vmax.f32 v0, v10  }
0x2e6: {  	v16 =	vld [tilespmem:$0x96C0];
	v0 =	vmax.f32 v0, v11  }
0x2e7: {  	v17 =	vld [tilespmem:$0x9700];
	v0 =	vmax.f32 v0, v12  }
0x2e8: {  	v18 =	vld [tilespmem:$0x9740];
	v0 =	vmax.f32 v0, v13  }
0x2e9: {  	v19 =	vld [tilespmem:$0x9780];
	v0 =	vmax.f32 v0, v14  }
0x2ea: {  	v20 =	vld [tilespmem:$0x97C0];
	v0 =	vmax.f32 v0, v15  }
0x2eb: {  	v21 =	vld [tilespmem:$0x9800];
	v0 =	vmax.f32 v0, v16  }
0x2ec: {  	v22 =	vld [tilespmem:$0x9840];
	v0 =	vmax.f32 v0, v17  }
0x2ed: {  	v23 =	vld [tilespmem:$0x9880];
	v0 =	vmax.f32 v0, v18  }
0x2ee: {  	v24 =	vld [tilespmem:$0x98C0];
	v0 =	vmax.f32 v0, v19  }
0x2ef: {  	v25 =	vld [tilespmem:$0x9900];
	v0 =	vmax.f32 v0, v20  }
0x2f0: {  	v26 =	vld [tilespmem:$0x9940];
	v0 =	vmax.f32 v0, v21  }
0x2f1: {  	v27 =	vld [tilespmem:$0x9980];
	v0 =	vmax.f32 v0, v22  }
0x2f2: {  	v28 =	vld [tilespmem:$0x99C0];
	v0 =	vmax.f32 v0, v23  }
0x2f3: {  	v0 =	vmax.f32 v0, v24  }
0x2f4: {  	v0 =	vmax.f32 v0, v25  }
0x2f5: {  	v0 =	vmax.f32 v0, v26  }
0x2f6: {  	v0 =	vmax.f32 v0, v27  }
0x2f7: {  	v0 =	vmax.f32 v0, v28  }
0x2f8: {  	[tilespmem:s17+$0x40] =	vst v0  }
0x2f9: {  	v0 =	vld [tilespmem:$0x8D90]  }
0x2fa: {  	v29 =	vld [tilespmem:$0x8DD0]  }
0x2fb: {  	v30 =	vld [tilespmem:$0x8E10]  }
0x2fc: {  	v31 =	vld [tilespmem:$0x8E50]  }
0x2fd: {  	v32 =	vld [tilespmem:$0x8E90]  }
0x2fe: {  	v33 =	vld [tilespmem:$0x8ED0];
	v0 =	vmax.f32 v0, $0.0e+00  }
0x2ff: {  	v34 =	vld [tilespmem:$0x8F10];
	v0 =	vmax.f32 v0, v29  }
0x300: {  	v35 =	vld [tilespmem:$0x8F50];
	v0 =	vmax.f32 v0, v30  }
0x301: {  	v36 =	vld [tilespmem:$0x8F90];
	v0 =	vmax.f32 v0, v31  }
0x302: {  	v37 =	vld [tilespmem:$0x8FD0];
	v0 =	vmax.f32 v0, v32  }
0x303: {  	v38 =	vld [tilespmem:$0x9010];
	v0 =	vmax.f32 v0, v33  }
0x304: {  	v39 =	vld [tilespmem:$0x9050];
	v0 =	vmax.f32 v0, v34  }
0x305: {  	v40 =	vld [tilespmem:$0x9090];
	v0 =	vmax.f32 v0, v35  }
0x306: {  	v41 =	vld [tilespmem:$0x90D0];
	v0 =	vmax.f32 v0, v36  }
0x307: {  	v42 =	vld [tilespmem:$0x9110];
	v0 =	vmax.f32 v0, v37  }
0x308: {  	v43 =	vld [tilespmem:$0x9150];
	v0 =	vmax.f32 v0, v38  }
0x309: {  	v44 =	vld [tilespmem:$0x9190];
	v0 =	vmax.f32 v0, v39  }
0x30a: {  	v45 =	vld [tilespmem:$0x91D0];
	v0 =	vmax.f32 v0, v40  }
0x30b: {  	v46 =	vld [tilespmem:$0x9210];
	v0 =	vmax.f32 v0, v41  }
0x30c: {  	v47 =	vld [tilespmem:$0x9250];
	v0 =	vmax.f32 v0, v42  }
0x30d: {  	v48 =	vld [tilespmem:$0x9290];
	v0 =	vmax.f32 v0, v43  }
0x30e: {  	v49 =	vld [tilespmem:$0x92D0];
	v0 =	vmax.f32 v0, v44  }
0x30f: {  	v50 =	vld [tilespmem:$0x9310];
	v0 =	vmax.f32 v0, v45  }
0x310: {  	v51 =	vld [tilespmem:$0x9350];
	v0 =	vmax.f32 v0, v46  }
0x311: {  	v52 =	vld [tilespmem:$0x9390];
	v0 =	vmax.f32 v0, v47  }
0x312: {  	v53 =	vld [tilespmem:$0x93D0];
	v0 =	vmax.f32 v0, v48  }
0x313: {  	v54 =	vld [tilespmem:$0x9410];
	v0 =	vmax.f32 v0, v49  }
0x314: {  	v55 =	vld [tilespmem:$0x9450];
	v0 =	vmax.f32 v0, v50  }
0x315: {  	v56 =	vld [tilespmem:$0x9490];
	v0 =	vmax.f32 v0, v51  }
0x316: {  	v57 =	vld [tilespmem:$0x94D0];
	v0 =	vmax.f32 v0, v52  }
0x317: {  	v58 =	vld [tilespmem:$0x9510];
	v0 =	vmax.f32 v0, v53  }
0x318: {  	v59 =	vld [tilespmem:$0x9550];
	v0 =	vmax.f32 v0, v54  }
0x319: {  	v60 =	vld [tilespmem:$0x9590];
	v0 =	vmax.f32 v0, v55  }
0x31a: {  	v61 =	vld [tilespmem:$0x95D0];
	v0 =	vmax.f32 v0, v56  }
0x31b: {  	v62 =	vld [tilespmem:$0x9610];
	v0 =	vmax.f32 v0, v57  }
0x31c: {  	v63 =	vld [tilespmem:$0x9650];
	v0 =	vmax.f32 v0, v58  }
0x31d: {  	v8 =	vld [tilespmem:$0x9690];
	v0 =	vmax.f32 v0, v59  }
0x31e: {  	v9 =	vld [tilespmem:$0x96D0];
	v0 =	vmax.f32 v0, v60  }
0x31f: {  	v10 =	vld [tilespmem:$0x9710];
	v0 =	vmax.f32 v0, v61  }
0x320: {  	v11 =	vld [tilespmem:$0x9750];
	v0 =	vmax.f32 v0, v62  }
0x321: {  	v12 =	vld [tilespmem:$0x9790];
	v0 =	vmax.f32 v0, v63  }
0x322: {  	v13 =	vld [tilespmem:$0x97D0];
	v0 =	vmax.f32 v0, v8  }
0x323: {  	v14 =	vld [tilespmem:$0x9810];
	v0 =	vmax.f32 v0, v9  }
0x324: {  	v15 =	vld [tilespmem:$0x9850];
	v0 =	vmax.f32 v0, v10  }
0x325: {  	v16 =	vld [tilespmem:$0x9890];
	v0 =	vmax.f32 v0, v11  }
0x326: {  	v17 =	vld [tilespmem:$0x98D0];
	v0 =	vmax.f32 v0, v12  }
0x327: {  	v18 =	vld [tilespmem:$0x9910];
	v0 =	vmax.f32 v0, v13  }
0x328: {  	v19 =	vld [tilespmem:$0x9950];
	v0 =	vmax.f32 v0, v14  }
0x329: {  	v20 =	vld [tilespmem:$0x9990];
	v0 =	vmax.f32 v0, v15  }
0x32a: {  	v21 =	vld [tilespmem:$0x99D0];
	v0 =	vmax.f32 v0, v16  }
0x32b: {  	v0 =	vmax.f32 v0, v17  }
0x32c: {  	v0 =	vmax.f32 v0, v18  }
0x32d: {  	v0 =	vmax.f32 v0, v19  }
0x32e: {  	v0 =	vmax.f32 v0, v20  }
0x32f: {  	v0 =	vmax.f32 v0, v21  }
0x330: {  	[tilespmem:s17+$0x50] =	vst v0  }
0x331: {  	v0 =	vld [tilespmem:$0x8DA0]  }
0x332: {  	v22 =	vld [tilespmem:$0x8DE0]  }
0x333: {  	v23 =	vld [tilespmem:$0x8E20]  }
0x334: {  	v24 =	vld [tilespmem:$0x8E60]  }
0x335: {  	v25 =	vld [tilespmem:$0x8EA0]  }
0x336: {  	v26 =	vld [tilespmem:$0x8EE0];
	v0 =	vmax.f32 v0, $0.0e+00  }
0x337: {  	v27 =	vld [tilespmem:$0x8F20];
	v0 =	vmax.f32 v0, v22  }
0x338: {  	v28 =	vld [tilespmem:$0x8F60];
	v0 =	vmax.f32 v0, v23  }
0x339: {  	v29 =	vld [tilespmem:$0x8FA0];
	v0 =	vmax.f32 v0, v24  }
0x33a: {  	v30 =	vld [tilespmem:$0x8FE0];
	v0 =	vmax.f32 v0, v25  }
0x33b: {  	v31 =	vld [tilespmem:$0x9020];
	v0 =	vmax.f32 v0, v26  }
0x33c: {  	v32 =	vld [tilespmem:$0x9060];
	v0 =	vmax.f32 v0, v27  }
0x33d: {  	v33 =	vld [tilespmem:$0x90A0];
	v0 =	vmax.f32 v0, v28  }
0x33e: {  	v34 =	vld [tilespmem:$0x90E0];
	v0 =	vmax.f32 v0, v29  }
0x33f: {  	v35 =	vld [tilespmem:$0x9120];
	v0 =	vmax.f32 v0, v30  }
0x340: {  	v36 =	vld [tilespmem:$0x9160];
	v0 =	vmax.f32 v0, v31  }
0x341: {  	v37 =	vld [tilespmem:$0x91A0];
	v0 =	vmax.f32 v0, v32  }
0x342: {  	v38 =	vld [tilespmem:$0x91E0];
	v0 =	vmax.f32 v0, v33  }
0x343: {  	v39 =	vld [tilespmem:$0x9220];
	v0 =	vmax.f32 v0, v34  }
0x344: {  	v40 =	vld [tilespmem:$0x9260];
	v0 =	vmax.f32 v0, v35  }
0x345: {  	v41 =	vld [tilespmem:$0x92A0];
	v0 =	vmax.f32 v0, v36  }
0x346: {  	v42 =	vld [tilespmem:$0x92E0];
	v0 =	vmax.f32 v0, v37  }
0x347: {  	v43 =	vld [tilespmem:$0x9320];
	v0 =	vmax.f32 v0, v38  }
0x348: {  	v44 =	vld [tilespmem:$0x9360];
	v0 =	vmax.f32 v0, v39  }
0x349: {  	v45 =	vld [tilespmem:$0x93A0];
	v0 =	vmax.f32 v0, v40  }
0x34a: {  	v46 =	vld [tilespmem:$0x93E0];
	v0 =	vmax.f32 v0, v41  }
0x34b: {  	v47 =	vld [tilespmem:$0x9420];
	v0 =	vmax.f32 v0, v42  }
0x34c: {  	v48 =	vld [tilespmem:$0x9460];
	v0 =	vmax.f32 v0, v43  }
0x34d: {  	v49 =	vld [tilespmem:$0x94A0];
	v0 =	vmax.f32 v0, v44  }
0x34e: {  	v50 =	vld [tilespmem:$0x94E0];
	v0 =	vmax.f32 v0, v45  }
0x34f: {  	v51 =	vld [tilespmem:$0x9520];
	v0 =	vmax.f32 v0, v46  }
0x350: {  	v52 =	vld [tilespmem:$0x9560];
	v0 =	vmax.f32 v0, v47  }
0x351: {  	v53 =	vld [tilespmem:$0x95A0];
	v0 =	vmax.f32 v0, v48  }
0x352: {  	v54 =	vld [tilespmem:$0x95E0];
	v0 =	vmax.f32 v0, v49  }
0x353: {  	v55 =	vld [tilespmem:$0x9620];
	v0 =	vmax.f32 v0, v50  }
0x354: {  	v56 =	vld [tilespmem:$0x9660];
	v0 =	vmax.f32 v0, v51  }
0x355: {  	v57 =	vld [tilespmem:$0x96A0];
	v0 =	vmax.f32 v0, v52  }
0x356: {  	v58 =	vld [tilespmem:$0x96E0];
	v0 =	vmax.f32 v0, v53  }
0x357: {  	v59 =	vld [tilespmem:$0x9720];
	v0 =	vmax.f32 v0, v54  }
0x358: {  	v60 =	vld [tilespmem:$0x9760];
	v0 =	vmax.f32 v0, v55  }
0x359: {  	v61 =	vld [tilespmem:$0x97A0];
	v0 =	vmax.f32 v0, v56  }
0x35a: {  	v62 =	vld [tilespmem:$0x97E0];
	v0 =	vmax.f32 v0, v57  }
0x35b: {  	v63 =	vld [tilespmem:$0x9820];
	v0 =	vmax.f32 v0, v58  }
0x35c: {  	v8 =	vld [tilespmem:$0x9860];
	v0 =	vmax.f32 v0, v59  }
0x35d: {  	v9 =	vld [tilespmem:$0x98A0];
	v0 =	vmax.f32 v0, v60  }
0x35e: {  	v10 =	vld [tilespmem:$0x98E0];
	v0 =	vmax.f32 v0, v61  }
0x35f: {  	v11 =	vld [tilespmem:$0x9920];
	v0 =	vmax.f32 v0, v62  }
0x360: {  	v12 =	vld [tilespmem:$0x9960];
	v0 =	vmax.f32 v0, v63  }
0x361: {  	v13 =	vld [tilespmem:$0x99A0];
	v0 =	vmax.f32 v0, v8  }
0x362: {  	v14 =	vld [tilespmem:$0x99E0];
	v0 =	vmax.f32 v0, v9  }
0x363: {  	v0 =	vmax.f32 v0, v10  }
0x364: {  	v0 =	vmax.f32 v0, v11  }
0x365: {  	v0 =	vmax.f32 v0, v12  }
0x366: {  	v0 =	vmax.f32 v0, v13  }
0x367: {  	v0 =	vmax.f32 v0, v14  }
0x368: {  	[tilespmem:s17+$0x60] =	vst v0  }
0x369: {  	v0 =	vld [tilespmem:$0x8DB0]  }
0x36a: {  	v15 =	vld [tilespmem:$0x8DF0]  }
0x36b: {  	v16 =	vld [tilespmem:$0x8E30]  }
0x36c: {  	v17 =	vld [tilespmem:$0x8E70]  }
0x36d: {  	v18 =	vld [tilespmem:$0x8EB0]  }
0x36e: {  	v19 =	vld [tilespmem:$0x8EF0];
	v0 =	vmax.f32 v0, $0.0e+00  }
0x36f: {  	v20 =	vld [tilespmem:$0x8F30];
	v0 =	vmax.f32 v0, v15  }
0x370: {  	v21 =	vld [tilespmem:$0x8F70];
	v0 =	vmax.f32 v0, v16  }
0x371: {  	v22 =	vld [tilespmem:$0x8FB0];
	v0 =	vmax.f32 v0, v17  }
0x372: {  	v23 =	vld [tilespmem:$0x8FF0];
	v0 =	vmax.f32 v0, v18  }
0x373: {  	v24 =	vld [tilespmem:$0x9030];
	v0 =	vmax.f32 v0, v19  }
0x374: {  	v25 =	vld [tilespmem:$0x9070];
	v0 =	vmax.f32 v0, v20  }
0x375: {  	v26 =	vld [tilespmem:$0x90B0];
	v0 =	vmax.f32 v0, v21  }
0x376: {  	v27 =	vld [tilespmem:$0x90F0];
	v0 =	vmax.f32 v0, v22  }
0x377: {  	v28 =	vld [tilespmem:$0x9130];
	v0 =	vmax.f32 v0, v23  }
0x378: {  	v29 =	vld [tilespmem:$0x9170];
	v0 =	vmax.f32 v0, v24  }
0x379: {  	v30 =	vld [tilespmem:$0x91B0];
	v0 =	vmax.f32 v0, v25  }
0x37a: {  	v31 =	vld [tilespmem:$0x91F0];
	v0 =	vmax.f32 v0, v26  }
0x37b: {  	v32 =	vld [tilespmem:$0x9230];
	v0 =	vmax.f32 v0, v27  }
0x37c: {  	v33 =	vld [tilespmem:$0x9270];
	v0 =	vmax.f32 v0, v28  }
0x37d: {  	v34 =	vld [tilespmem:$0x92B0];
	v0 =	vmax.f32 v0, v29  }
0x37e: {  	v35 =	vld [tilespmem:$0x92F0];
	v0 =	vmax.f32 v0, v30  }
0x37f: {  	v36 =	vld [tilespmem:$0x9330];
	v0 =	vmax.f32 v0, v31  }
0x380: {  	v37 =	vld [tilespmem:$0x9370];
	v0 =	vmax.f32 v0, v32  }
0x381: {  	v38 =	vld [tilespmem:$0x93B0];
	v0 =	vmax.f32 v0, v33  }
0x382: {  	v39 =	vld [tilespmem:$0x93F0];
	v0 =	vmax.f32 v0, v34  }
0x383: {  	v40 =	vld [tilespmem:$0x9430];
	v0 =	vmax.f32 v0, v35  }
0x384: {  	v41 =	vld [tilespmem:$0x9470];
	v0 =	vmax.f32 v0, v36  }
0x385: {  	v42 =	vld [tilespmem:$0x94B0];
	v0 =	vmax.f32 v0, v37  }
0x386: {  	v43 =	vld [tilespmem:$0x94F0];
	v0 =	vmax.f32 v0, v38  }
0x387: {  	v44 =	vld [tilespmem:$0x9530];
	v0 =	vmax.f32 v0, v39  }
0x388: {  	v45 =	vld [tilespmem:$0x9570];
	v0 =	vmax.f32 v0, v40  }
0x389: {  	v46 =	vld [tilespmem:$0x95B0];
	v0 =	vmax.f32 v0, v41  }
0x38a: {  	v47 =	vld [tilespmem:$0x95F0];
	v0 =	vmax.f32 v0, v42  }
0x38b: {  	v48 =	vld [tilespmem:$0x9630];
	v0 =	vmax.f32 v0, v43  }
0x38c: {  	v49 =	vld [tilespmem:$0x9670];
	v0 =	vmax.f32 v0, v44  }
0x38d: {  	v50 =	vld [tilespmem:$0x96B0];
	v0 =	vmax.f32 v0, v45  }
0x38e: {  	v51 =	vld [tilespmem:$0x96F0];
	v0 =	vmax.f32 v0, v46  }
0x38f: {  	v52 =	vld [tilespmem:$0x9730];
	v0 =	vmax.f32 v0, v47  }
0x390: {  	v53 =	vld [tilespmem:$0x9770];
	v0 =	vmax.f32 v0, v48  }
0x391: {  	v54 =	vld [tilespmem:$0x97B0];
	v0 =	vmax.f32 v0, v49  }
0x392: {  	v55 =	vld [tilespmem:$0x97F0];
	v0 =	vmax.f32 v0, v50  }
0x393: {  	v56 =	vld [tilespmem:$0x9830];
	v0 =	vmax.f32 v0, v51  }
0x394: {  	v57 =	vld [tilespmem:$0x9870];
	v0 =	vmax.f32 v0, v52  }
0x395: {  	v58 =	vld [tilespmem:$0x98B0];
	v0 =	vmax.f32 v0, v53  }
0x396: {  	v59 =	vld [tilespmem:$0x98F0];
	v0 =	vmax.f32 v0, v54  }
0x397: {  	v60 =	vld [tilespmem:$0x9930];
	v0 =	vmax.f32 v0, v55  }
0x398: {  	v61 =	vld [tilespmem:$0x9970];
	v0 =	vmax.f32 v0, v56  }
0x399: {  	v62 =	vld [tilespmem:$0x99B0];
	v0 =	vmax.f32 v0, v57  }
0x39a: {  	v63 =	vld [tilespmem:$0x99F0];
	v0 =	vmax.f32 v0, v58  }
0x39b: {  	v0 =	vmax.f32 v0, v59  }
.Ltmp2:
0x39c: {  	v0 =	vmax.f32 v0, v60;
	(pc) =	sbr.rel @p0 .LBB2_4-.Ltmp2, $4  }
0x39d: {  	v0 =	vmax.f32 v0, v61  }
0x39e: {  	v0 =	vmax.f32 v0, v62  }
0x39f: {  	v0 =	vmax.f32 v0, v63  }
0x3a0: {  	[tilespmem:s17+$0x70] =	vst v0  }
.Ltmp3:
0x3a1: {  	(pc) =	sbr.rel .LBB2_2-.Ltmp3, $4  }
0x3a2: {  	_ = 	snop  }
0x3a3: {  	s18 =	sshra.s32 s16, $0x2  }
0x3a4: {  	s16 =	sadd.s32 $0x340, s16;
	s17 =	sadd.s32 $0x100, s17;
	s18 =	sadd.s32 $0x6868, s18  }
0x3a5: {  	[tilespmem:s11], [sflag:$0x2] =	stream.indirect.gather [hbm4b:s3+s8], $0x40, s18, s8, $0xb8;
	[tilespmem:$0x11A00] =	vst v63  }
.LBB2_5:
0x3a6: {  	_ =	sfence.sel $0x180000  }
0x3a7: {  	[bflag:$0x0] =	sbarrier.arrive $0xFFFF  }
0x3a8: {  	p0 =	sne.s32 s0, $0x0;
	_ =	strace $0x90000047  }
0x3a9: {  	s0 =	sadd.s32 @!p0 $0x100000, s1;
	[bflag:$0x2] =	sbarrier.arrive $0xFFFF  }
0x3aa: {  	[sflag:s0] =	ssyncadd.tile.s32 @!p0 $0x1;
	_ =	shalt  }
.Lfunc_end2:
_tile_overlayer_lowered:
.L_overlay_start_2:
0x3ab: {  	(tag) =	ssettag $0x2  }
0x3ac: {  	s0 =	rddreg [dreg:$0x0];
	s2 =	stileid.u32  }
0x3ad: {  	s1 =	rddreg [dreg:$0x1];
	p0 =	sne.s32 s2, $0x0  }
0x3ae: {  	s3 =	rddreg [dreg:$0x2];
	[bflag:$0x3] =	sbarrier.arrive $0xFFFF;
	s2 =	simm.s32 @!p0 $0x1C03  }
0x3af: {  	[timem:s3], [sflag:s2] =	dma.local @!p0 [hbm:s0], s1  }
0x3b0: {  	s0 =	simm.s32 @!p0 $0x3  }
0x3b1: {  	_ =	swait.ge @!p0 [sflag:s0], s1  }
0x3b2: {  	s1 =	ssub.s32 @!p0 $0x0, s1;
	[sflag:s0] =	ssyncset.done @!p0 $0x0  }
0x3b3: {  	[sflag:s0] =	ssyncadd.s32 @!p0 s1  }
0x3b4: {  	[bflag:$0x3] =	sbarrier.arrive $0xFFFF  }
0x3b5: {  	_ =	shalt  }

</sc_bundles>
